<compile_context>
chip_gen: v7x
topology: tpu7x:2x2x1
jax: 0.10.2.dev20260603
libtpu: 0.0.44.dev20260713+nightly
codegen_flags: <defaults>
</compile_context>

<pallas_src>
import jax
import jax.numpy as jnp
from jax import lax
from jax.experimental import pallas as pl
from jax.experimental.pallas import tpu as pltpu
from jax.experimental.pallas import tpu_sc as plsc

NVOCAB = 1000000
NEMBED = 64
NTOKEN = 200
BATCH = 4096

_NUM_WORKERS = 32
_LANES = BATCH // _NUM_WORKERS
_T2ROWS = NVOCAB // 2
_NTB = NVOCAB // 128
_TB_PER_W = _NTB // _NUM_WORKERS
_TB_REM = _NTB % _NUM_WORKERS
_TAIL = NVOCAB - _NTB * 128


def _transpose_kernel(tabT_hbm, tail_hbm, out_hbm, src, dst, tail_v,
                      gsem, osem):
    nc = 2
    wid = lax.axis_index("s") * nc + lax.axis_index("c")

    iota16 = lax.iota(jnp.int32, 16)
    cvecs = [iota16 + (g * 16) for g in range(4)]

    def gdesc(tb, k):
        return pltpu.make_async_copy(
            tabT_hbm.at[:, pl.ds(tb * 128, 128)], src[k], gsem)

    def odesc(tb, k):
        return pltpu.make_async_copy(
            dst[k], out_hbm.at[pl.ds(tb * 64, 64)], osem)

    def transpose(k):
        zero16 = iota16 * 0
        for h in range(2):

            def r_body(r, c):
                col = zero16 + (2 * r + h)
                vals = [plsc.load_gather(src[k], [cvecs[g], col])
                        for g in range(4)]
                for g in range(4):
                    dst[k][r, pl.ds(h * NEMBED + g * 16, 16)] = vals[g]
                return c

            lax.fori_loop(0, NEMBED, r_body, 0, unroll=4)

    n_iters = _TB_PER_W + 1

    def tb_of(i):
        return wid + i * _NUM_WORKERS

    def start(i, k):
        tb = tb_of(i)

        @pl.when(tb < _NTB)
        def _():
            gdesc(tb, k).start()

    def finish(i, k):
        tb = tb_of(i)

        @pl.when(tb < _NTB)
        def _():
            gdesc(tb, k).wait()

            @pl.when(i >= 2)
            def _():
                odesc(tb_of(i - 2), k).wait()

            transpose(k)
            odesc(tb, k).start()

    start(0, 0)
    start(1, 1)

    def body2(i2, c):
        for par in range(2):
            i = i2 * 2 + par
            finish(i, par)
            start(i + 2, par)
        return c

    n_pairs = (n_iters + 1) // 2
    lax.fori_loop(0, n_pairs, body2, 0, unroll=False)

    for i in (2 * n_pairs - 4, 2 * n_pairs - 3, 2 * n_pairs - 2):
        tb = tb_of(i)

        @pl.when((tb < _NTB) & (tb + 2 * _NUM_WORKERS >= _NTB))
        def _():
            odesc(tb, i % 2).wait()

    @pl.when(wid == _NTB % _NUM_WORKERS)
    def _():
        pltpu.sync_copy(tail_hbm, tail_v)

        def r_body(r, c):
            for h in range(2):
                col = 2 * r + h
                for g in range(4):
                    dst[0][r, pl.ds(h * NEMBED + g * 16, 16)] = (
                        tail_v[col, pl.ds(g * 16, 16)])
            return c

        lax.fori_loop(0, _TAIL // 2, r_body, 0, unroll=False)
        pltpu.sync_copy(dst[0].at[pl.ds(0, _TAIL // 2)],
                        out_hbm.at[pl.ds(_NTB * 64, _TAIL // 2)])


def _gather_kernel(tokT_hbm, tab2_hbm, posT_hbm, out_hbm,
                   idx_all, posT_v, gidx, emb, outb, gsem, osem):
    nc = 2
    wid = lax.axis_index("s") * nc + lax.axis_index("c")
    b0 = wid * _LANES

    pltpu.sync_copy(tokT_hbm.at[:, pl.ds(b0, _LANES)], idx_all)
    pltpu.sync_copy(posT_hbm, posT_v)

    iota16 = lax.iota(jnp.int32, 16)
    bvecs = [iota16 + (g * 16) for g in range(_LANES // 16)]

    def compute_gidx(t, k):
        for g in range(_LANES // 16):
            tok = idx_all[t, pl.ds(g * 16, 16)]
            gidx[k][pl.ds(g * 16, 16)] = lax.shift_right_logical(tok, 1)

    def gdesc(k):
        return pltpu.make_async_copy(tab2_hbm.at[gidx[k]], emb[k], gsem)

    def odesc(t, ko):
        return pltpu.make_async_copy(
            outb[ko], out_hbm.at[t, :, pl.ds(b0, _LANES)], osem)

    def transpose_add(t, k, ko):
        for gp in range(_LANES // 64):
            gs = [gp * 4 + j for j in range(4)]
            pvs = tuple((idx_all[t, pl.ds(g * 16, 16)] & 1) * NEMBED
                        for g in gs)

            def c_body(c, pv):
                vals = [plsc.load_gather(emb[k], [bvecs[g], pv[j] + c])
                        for j, g in enumerate(gs)]
                for j, g in enumerate(gs):
                    outb[ko][c, pl.ds(g * 16, 16)] = vals[j]
                return pv

            lax.fori_loop(0, NEMBED, c_body, pvs, unroll=4)

        zero16 = iota16 * 0
        t_splat = zero16 + t

        def p_body(c, carry):
            ps = plsc.load_gather(posT_v, [zero16 + c, t_splat])
            for g in range(_LANES // 16):
                plsc.addupdate(outb[ko].at[c, pl.ds(g * 16, 16)], ps)
            return carry

        lax.fori_loop(0, NEMBED, p_body, 0, unroll=8)

    for t in range(3):
        compute_gidx(t, t)
        gdesc(t).start()

    def loop_body(t3, c):
        for par in range(3):
            t = t3 * 3 + par
            k = par

            @pl.when(t < NTOKEN)
            def _():
                gdesc(k).wait()

                @pl.when(t >= 3)
                def _():
                    odesc(t - 3, k).wait()

                transpose_add(t, k, k)
                odesc(t, k).start()

                @pl.when(t + 3 < NTOKEN)
                def _():
                    compute_gidx(t + 3, k)
                    gdesc(k).start()
        return c

    lax.fori_loop(0, (NTOKEN + 2) // 3, loop_body, 0, unroll=False)

    for tt in (NTOKEN - 3, NTOKEN - 2, NTOKEN - 1):
        odesc(tt, tt % 3).wait()


@jax.jit
def kernel(tokens, token_table, pos_embed):
    mesh = plsc.VectorSubcoreMesh(core_axis_name="c", subcore_axis_name="s")
    params = pltpu.CompilerParams(
        use_tc_tiling_on_sc=True, needs_layout_passes=False)

    tab2 = pl.kernel(
        _transpose_kernel,
        out_type=jax.ShapeDtypeStruct((_T2ROWS, 128), jnp.float32),
        mesh=mesh,
        scratch_types=[
            [pltpu.VMEM((NEMBED, 128), jnp.float32) for _ in range(2)],
            [pltpu.VMEM((NEMBED, 128), jnp.float32) for _ in range(2)],
            pltpu.VMEM((_TAIL, NEMBED), jnp.float32),
            pltpu.SemaphoreType.DMA,
            pltpu.SemaphoreType.DMA,
        ],
        compiler_params=params,
    )(token_table.T, token_table[_NTB * 128:, :])

    tokT = tokens.astype(jnp.int32).T
    out_phys = pl.kernel(
        _gather_kernel,
        out_type=jax.ShapeDtypeStruct((NTOKEN, NEMBED, BATCH), jnp.float32),
        mesh=mesh,
        scratch_types=[
            pltpu.VMEM((NTOKEN, _LANES), jnp.int32),
            pltpu.VMEM((NEMBED, NTOKEN), jnp.float32),
            [pltpu.VMEM((_LANES,), jnp.int32) for _ in range(3)],
            [pltpu.VMEM((_LANES, 128), jnp.float32) for _ in range(3)],
            [pltpu.VMEM((NEMBED, _LANES), jnp.float32) for _ in range(3)],
            pltpu.SemaphoreType.DMA,
            pltpu.SemaphoreType.DMA,
        ],
        compiler_params=params,
    )(tokT, tab2, pos_embed.T)
    return out_phys.transpose(2, 0, 1)

# --- scband reference (transcript-rebuilt; emitter-appended) ---
"""Pipeline reference for scband-clipembedding-3728031613770 (READ-ONLY COPY).

The authoritative reference and input builder live on the scoring server;
editing this copy changes nothing except your own understanding.
"""

import jax, jax.numpy as jnp
import numpy as np

NVOCAB = 1000000
NEMBED = 64
NTOKEN = 200
BATCH = 4096

def setup_inputs(seed: int = 0) -> dict:
    key = jax.random.key(seed)
    k1, k2, k3 = jax.random.split(key, 3)
    tokens = jax.random.randint(k1, (BATCH, NTOKEN), 0, NVOCAB, dtype=jnp.int64 if jax.config.jax_enable_x64 else jnp.int32)
    token_table = jax.random.normal(k2, (NVOCAB, NEMBED), dtype=jnp.float32) * 0.02
    # original torch module initializes positionalEmbedding to zeros; use small random to be non-degenerate? keep faithful: zeros
    pos_embed = jnp.zeros((NTOKEN, NEMBED), dtype=jnp.float32)
    return {"tokens": tokens, "token_table": token_table, "pos_embed": pos_embed}

def reference(tokens, token_table, pos_embed):
    # x = tokenEmbedding(tokens)
    x = jnp.take(token_table, tokens, axis=0)  # [B, nToken, nEmbed]
    # x += positionalEmbedding (broadcast over batch)
    x = x + pos_embed[None, :, :]
    return x

if __name__ == "__main__":
    import jax
    _d = setup_inputs()
    print(jax.jit(kernel)(*tuple(_d.values())))

</pallas_src>

<mosaic_0001>
#map = affine_map<(d0, d1) -> (0, 0)>
module attributes {stable_mosaic.version = 14 : i64} {
  func.func @_transpose_kernel(%arg0: i32, %arg1: i32, %arg2: memref<64x1000000xf32, #tpu.memory_space<hbm>>, %arg3: memref<64x64xf32, #tpu.memory_space<hbm>>, %arg4: memref<500000x128xf32, #tpu.memory_space<hbm>>, %arg5: memref<64x128xf32, #tpu.memory_space<vmem>>, %arg6: memref<64x128xf32, #tpu.memory_space<vmem>>, %arg7: memref<64x128xf32, #tpu.memory_space<vmem>>, %arg8: memref<64x128xf32, #tpu.memory_space<vmem>>, %arg9: memref<64x64xf32, #tpu.memory_space<vmem>>, %arg10: memref<!tpu.dma_semaphore, #tpu.memory_space<semaphore_mem>>, %arg11: memref<!tpu.dma_semaphore, #tpu.memory_space<semaphore_mem>>) attributes {dimension_semantics = [#tpu.dimension_semantics<core_parallel>, #tpu.dimension_semantics<subcore_parallel>], iteration_bounds = array<i64: 2, 16>, scalar_prefetch = 0 : i64, scratch_operands = 7 : i64, tpu.core_type = #tpu.core_type<sc_vector_subcore>, window_params = [{transform_indices = #map}, {transform_indices = #map}, {transform_indices = #map}]} {
    %mul3A = arith.constant 2 : i32
    %mul3A_0 = arith.muli %arg1, %mul3A : i32
    %add3A = arith.addi %mul3A_0, %arg0 : i32
    %iota3A = tpu.iota {dimensions = array<i32: 0>} : vector<16xi32>
    %add3A_1 = arith.constant 0 : i32
    %add3A_2 = vector.broadcast %add3A_1 : i32 to vector<16xi32>
    %add3A_3 = arith.addi %iota3A, %add3A_2 : vector<16xi32>
    %add3A_4 = arith.constant 16 : i32
    %add3A_5 = vector.broadcast %add3A_4 : i32 to vector<16xi32>
    %add3A_6 = arith.addi %iota3A, %add3A_5 : vector<16xi32>
    %add3A_7 = arith.constant 32 : i32
    %add3A_8 = vector.broadcast %add3A_7 : i32 to vector<16xi32>
    %add3A_9 = arith.addi %iota3A, %add3A_8 : vector<16xi32>
    %add3A_10 = arith.constant 48 : i32
    %add3A_11 = vector.broadcast %add3A_10 : i32 to vector<16xi32>
    %add3A_12 = arith.addi %iota3A, %add3A_11 : vector<16xi32>
    %add3A_13 = arith.constant 0 : i32
    %add3A_14 = arith.addi %add3A, %add3A_13 : i32
    %lt3A = arith.constant 7812 : i32
    %lt3A_15 = arith.cmpi slt, %add3A_14, %lt3A : i32
    %convert_element_type3A = arith.extui %lt3A_15 : i1 to i32
    %cond3A = arith.constant 0 : i32
    %cond3A_16 = arith.cmpi ne, %convert_element_type3A, %cond3A : i32
    scf.if %cond3A_16 {
      %mul3A_67 = arith.constant 128 : i32
      %mul3A_68 = arith.muli %add3A_14, %mul3A_67 : i32
      %dma_start3A = arith.constant 0 : i32
      %dma_start3A_69 = tpu.memref_slice %arg2[%dma_start3A, %mul3A_68] : memref<64x1000000xf32, #tpu.memory_space<hbm>> -> memref<64x128xf32, #tpu.memory_space<hbm>>
      %dma_start3A_70 = arith.constant 0 : i32
      %dma_start3A_71 = tpu.memref_slice %arg2[%dma_start3A_70, %mul3A_68] : memref<64x1000000xf32, #tpu.memory_space<hbm>> -> memref<64x128xf32, #tpu.memory_space<hbm>>
      tpu.enqueue_dma source(%dma_start3A_71 : memref<64x128xf32, #tpu.memory_space<hbm>>) target(%arg5 : memref<64x128xf32, #tpu.memory_space<vmem>>) target_semaphore(%arg10 : memref<!tpu.dma_semaphore, #tpu.memory_space<semaphore_mem>>)
    } else {
    }
    %add3A_17 = arith.constant 32 : i32
    %add3A_18 = arith.addi %add3A, %add3A_17 : i32
    %lt3A_19 = arith.constant 7812 : i32
    %lt3A_20 = arith.cmpi slt, %add3A_18, %lt3A_19 : i32
    %convert_element_type3A_21 = arith.extui %lt3A_20 : i1 to i32
    %cond3A_22 = arith.constant 0 : i32
    %cond3A_23 = arith.cmpi ne, %convert_element_type3A_21, %cond3A_22 : i32
    scf.if %cond3A_23 {
      %mul3A_67 = arith.constant 128 : i32
      %mul3A_68 = arith.muli %add3A_18, %mul3A_67 : i32
      %dma_start3A = arith.constant 0 : i32
      %dma_start3A_69 = tpu.memref_slice %arg2[%dma_start3A, %mul3A_68] : memref<64x1000000xf32, #tpu.memory_space<hbm>> -> memref<64x128xf32, #tpu.memory_space<hbm>>
      %dma_start3A_70 = arith.constant 0 : i32
      %dma_start3A_71 = tpu.memref_slice %arg2[%dma_start3A_70, %mul3A_68] : memref<64x1000000xf32, #tpu.memory_space<hbm>> -> memref<64x128xf32, #tpu.memory_space<hbm>>
      tpu.enqueue_dma source(%dma_start3A_71 : memref<64x128xf32, #tpu.memory_space<hbm>>) target(%arg6 : memref<64x128xf32, #tpu.memory_space<vmem>>) target_semaphore(%arg10 : memref<!tpu.dma_semaphore, #tpu.memory_space<semaphore_mem>>)
    } else {
    }
    %scan3A = arith.constant 0 : i32
    %scan3A_24 = arith.constant 0 : i32
    %scan3A_25 = arith.constant 123 : i32
    %scan3A_26 = arith.addi %scan3A_24, %scan3A_25 : i32
    %scan3A_27 = arith.constant 1 : i32
    scf.for %scan3A_67 = %scan3A_24 to %scan3A_26 step %scan3A_27  : i32 {
      %mul3A_68 = arith.constant 2 : i32
      %mul3A_69 = arith.muli %scan3A_67, %mul3A_68 : i32
      %add3A_70 = arith.constant 0 : i32
      %add3A_71 = arith.addi %mul3A_69, %add3A_70 : i32
      %mul3A_72 = arith.constant 32 : i32
      %mul3A_73 = arith.muli %add3A_71, %mul3A_72 : i32
      %add3A_74 = arith.addi %add3A, %mul3A_73 : i32
      %lt3A_75 = arith.constant 7812 : i32
      %lt3A_76 = arith.cmpi slt, %add3A_74, %lt3A_75 : i32
      %convert_element_type3A_77 = arith.extui %lt3A_76 : i1 to i32
      %cond3A_78 = arith.constant 0 : i32
      %cond3A_79 = arith.cmpi ne, %convert_element_type3A_77, %cond3A_78 : i32
      scf.if %cond3A_79 {
        %mul3A_112 = arith.constant 128 : i32
        %mul3A_113 = arith.muli %add3A_74, %mul3A_112 : i32
        %dma_wait3A = arith.constant 0 : i32
        %dma_wait3A_114 = tpu.memref_slice %arg2[%dma_wait3A, %mul3A_113] : memref<64x1000000xf32, #tpu.memory_space<hbm>> -> memref<64x128xf32, #tpu.memory_space<hbm>>
        %dma_wait3A_115 = arith.constant 0 : i32
        %dma_wait3A_116 = tpu.memref_slice %arg2[%dma_wait3A_115, %mul3A_113] : memref<64x1000000xf32, #tpu.memory_space<hbm>> -> memref<64x128xf32, #tpu.memory_space<hbm>>
        tpu.wait_dma2 semaphore(%arg10 : memref<!tpu.dma_semaphore, #tpu.memory_space<semaphore_mem>>) src(%dma_wait3A_116 : memref<64x128xf32, #tpu.memory_space<hbm>>) dst(%arg5 : memref<64x128xf32, #tpu.memory_space<vmem>>)
        %ge3A_117 = arith.constant 2 : i32
        %ge3A_118 = arith.cmpi sge, %add3A_71, %ge3A_117 : i32
        %convert_element_type3A_119 = arith.extui %ge3A_118 : i1 to i32
        %cond3A_120 = arith.constant 0 : i32
        %cond3A_121 = arith.cmpi ne, %convert_element_type3A_119, %cond3A_120 : i32
        scf.if %cond3A_121 {
          %sub3A = arith.constant 2 : i32
          %sub3A_142 = arith.subi %add3A_71, %sub3A : i32
          %mul3A_143 = arith.constant 32 : i32
          %mul3A_144 = arith.muli %sub3A_142, %mul3A_143 : i32
          %add3A_145 = arith.addi %add3A, %mul3A_144 : i32
          %mul3A_146 = arith.constant 64 : i32
          %mul3A_147 = arith.muli %add3A_145, %mul3A_146 : i32
          %dma_wait3A_148 = arith.constant 0 : i32
          %dma_wait3A_149 = tpu.memref_slice %arg4[%mul3A_147, %dma_wait3A_148] : memref<500000x128xf32, #tpu.memory_space<hbm>> -> memref<64x128xf32, #tpu.memory_space<hbm>>
          %dma_wait3A_150 = arith.constant 0 : i32
          %dma_wait3A_151 = tpu.memref_slice %arg4[%mul3A_147, %dma_wait3A_150] : memref<500000x128xf32, #tpu.memory_space<hbm>> -> memref<64x128xf32, #tpu.memory_space<hbm>>
          tpu.wait_dma2 semaphore(%arg11 : memref<!tpu.dma_semaphore, #tpu.memory_space<semaphore_mem>>) src(%arg7 : memref<64x128xf32, #tpu.memory_space<vmem>>) dst(%dma_wait3A_151 : memref<64x128xf32, #tpu.memory_space<hbm>>)
        } else {
        }
        %mul3A_122 = arith.constant 0 : i32
        %mul3A_123 = vector.broadcast %mul3A_122 : i32 to vector<16xi32>
        %mul3A_124 = arith.muli %iota3A, %mul3A_123 : vector<16xi32>
        %scan3A_125 = arith.constant 0 : i32
        %scan3A_126 = arith.constant 0 : i32
        %scan3A_127 = arith.constant 64 : i32
        %scan3A_128 = arith.addi %scan3A_126, %scan3A_127 : i32
        %scan3A_129 = arith.constant 4 : i32
        scf.for %scan3A_142 = %scan3A_126 to %scan3A_128 step %scan3A_129  : i32 {
          %mul3A_143 = arith.constant 2 : i32
          %mul3A_144 = arith.muli %mul3A_143, %scan3A_142 : i32
          %add3A_145 = arith.constant 0 : i32
          %add3A_146 = arith.addi %mul3A_144, %add3A_145 : i32
          %add3A_147 = vector.broadcast %add3A_146 : i32 to vector<16xi32>
          %add3A_148 = arith.addi %mul3A_124, %add3A_147 : vector<16xi32>
          %gather3A = tpu.vector_load_idx %arg5[%add3A_3, %add3A_148] : memref<64x128xf32, #tpu.memory_space<vmem>>[vector<16xi32>, vector<16xi32>], vector<16xf32>,
          %gather3A_149 = tpu.vector_load_idx %arg5[%add3A_6, %add3A_148] : memref<64x128xf32, #tpu.memory_space<vmem>>[vector<16xi32>, vector<16xi32>], vector<16xf32>,
          %gather3A_150 = tpu.vector_load_idx %arg5[%add3A_9, %add3A_148] : memref<64x128xf32, #tpu.memory_space<vmem>>[vector<16xi32>, vector<16xi32>], vector<16xf32>,
          %gather3A_151 = tpu.vector_load_idx %arg5[%add3A_12, %add3A_148] : memref<64x128xf32, #tpu.memory_space<vmem>>[vector<16xi32>, vector<16xi32>], vector<16xf32>,
          %swap3A = arith.index_cast %scan3A_142 : i32 to index
          %swap3A_152 = arith.constant 0 : index
          %swap3A_153 = tpu.vector_load %arg7[%swap3A, %swap3A_152] {strides = array<i32>} : memref<64x128xf32, #tpu.memory_space<vmem>>, vector<16xf32>,
          tpu.vector_store %arg7[%swap3A, %swap3A_152], %gather3A {strides = array<i32>} : memref<64x128xf32, #tpu.memory_space<vmem>>, vector<16xf32>,
          %swap3A_154 = arith.index_cast %scan3A_142 : i32 to index
          %swap3A_155 = arith.constant 16 : index
          %swap3A_156 = tpu.vector_load %arg7[%swap3A_154, %swap3A_155] {strides = array<i32>} : memref<64x128xf32, #tpu.memory_space<vmem>>, vector<16xf32>,
          tpu.vector_store %arg7[%swap3A_154, %swap3A_155], %gather3A_149 {strides = array<i32>} : memref<64x128xf32, #tpu.memory_space<vmem>>, vector<16xf32>,
          %swap3A_157 = arith.index_cast %scan3A_142 : i32 to index
          %swap3A_158 = arith.constant 32 : index
          %swap3A_159 = tpu.vector_load %arg7[%swap3A_157, %swap3A_158] {strides = array<i32>} : memref<64x128xf32, #tpu.memory_space<vmem>>, vector<16xf32>,
          tpu.vector_store %arg7[%swap3A_157, %swap3A_158], %gather3A_150 {strides = array<i32>} : memref<64x128xf32, #tpu.memory_space<vmem>>, vector<16xf32>,
          %swap3A_160 = arith.index_cast %scan3A_142 : i32 to index
          %swap3A_161 = arith.constant 48 : index
          %swap3A_162 = tpu.vector_load %arg7[%swap3A_160, %swap3A_161] {strides = array<i32>} : memref<64x128xf32, #tpu.memory_space<vmem>>, vector<16xf32>,
          tpu.vector_store %arg7[%swap3A_160, %swap3A_161], %gather3A_151 {strides = array<i32>} : memref<64x128xf32, #tpu.memory_space<vmem>>, vector<16xf32>,
          %scan3A_163 = arith.constant 1 : i32
          %scan3A_164 = arith.addi %scan3A_142, %scan3A_163 : i32
          %mul3A_165 = arith.constant 2 : i32
          %mul3A_166 = arith.muli %mul3A_165, %scan3A_164 : i32
          %add3A_167 = arith.constant 0 : i32
          %add3A_168 = arith.addi %mul3A_166, %add3A_167 : i32
          %add3A_169 = vector.broadcast %add3A_168 : i32 to vector<16xi32>
          %add3A_170 = arith.addi %mul3A_124, %add3A_169 : vector<16xi32>
          %gather3A_171 = tpu.vector_load_idx %arg5[%add3A_3, %add3A_170] : memref<64x128xf32, #tpu.memory_space<vmem>>[vector<16xi32>, vector<16xi32>], vector<16xf32>,
          %gather3A_172 = tpu.vector_load_idx %arg5[%add3A_6, %add3A_170] : memref<64x128xf32, #tpu.memory_space<vmem>>[vector<16xi32>, vector<16xi32>], vector<16xf32>,
          %gather3A_173 = tpu.vector_load_idx %arg5[%add3A_9, %add3A_170] : memref<64x128xf32, #tpu.memory_space<vmem>>[vector<16xi32>, vector<16xi32>], vector<16xf32>,
          %gather3A_174 = tpu.vector_load_idx %arg5[%add3A_12, %add3A_170] : memref<64x128xf32, #tpu.memory_space<vmem>>[vector<16xi32>, vector<16xi32>], vector<16xf32>,
          %swap3A_175 = arith.index_cast %scan3A_164 : i32 to index
          %swap3A_176 = arith.constant 0 : index
          %swap3A_177 = tpu.vector_load %arg7[%swap3A_175, %swap3A_176] {strides = array<i32>} : memref<64x128xf32, #tpu.memory_space<vmem>>, vector<16xf32>,
          tpu.vector_store %arg7[%swap3A_175, %swap3A_176], %gather3A_171 {strides = array<i32>} : memref<64x128xf32, #tpu.memory_space<vmem>>, vector<16xf32>,
          %swap3A_178 = arith.index_cast %scan3A_164 : i32 to index
          %swap3A_179 = arith.constant 16 : index
          %swap3A_180 = tpu.vector_load %arg7[%swap3A_178, %swap3A_179] {strides = array<i32>} : memref<64x128xf32, #tpu.memory_space<vmem>>, vector<16xf32>,
          tpu.vector_store %arg7[%swap3A_178, %swap3A_179], %gather3A_172 {strides = array<i32>} : memref<64x128xf32, #tpu.memory_space<vmem>>, vector<16xf32>,
          %swap3A_181 = arith.index_cast %scan3A_164 : i32 to index
          %swap3A_182 = arith.constant 32 : index
          %swap3A_183 = tpu.vector_load %arg7[%swap3A_181, %swap3A_182] {strides = array<i32>} : memref<64x128xf32, #tpu.memory_space<vmem>>, vector<16xf32>,
          tpu.vector_store %arg7[%swap3A_181, %swap3A_182], %gather3A_173 {strides = array<i32>} : memref<64x128xf32, #tpu.memory_space<vmem>>, vector<16xf32>,
          %swap3A_184 = arith.index_cast %scan3A_164 : i32 to index
          %swap3A_185 = arith.constant 48 : index
          %swap3A_186 = tpu.vector_load %arg7[%swap3A_184, %swap3A_185] {strides = array<i32>} : memref<64x128xf32, #tpu.memory_space<vmem>>, vector<16xf32>,
          tpu.vector_store %arg7[%swap3A_184, %swap3A_185], %gather3A_174 {strides = array<i32>} : memref<64x128xf32, #tpu.memory_space<vmem>>, vector<16xf32>,
          %scan3A_187 = arith.constant 2 : i32
          %scan3A_188 = arith.addi %scan3A_142, %scan3A_187 : i32
          %mul3A_189 = arith.constant 2 : i32
          %mul3A_190 = arith.muli %mul3A_189, %scan3A_188 : i32
          %add3A_191 = arith.constant 0 : i32
          %add3A_192 = arith.addi %mul3A_190, %add3A_191 : i32
          %add3A_193 = vector.broadcast %add3A_192 : i32 to vector<16xi32>
          %add3A_194 = arith.addi %mul3A_124, %add3A_193 : vector<16xi32>
          %gather3A_195 = tpu.vector_load_idx %arg5[%add3A_3, %add3A_194] : memref<64x128xf32, #tpu.memory_space<vmem>>[vector<16xi32>, vector<16xi32>], vector<16xf32>,
          %gather3A_196 = tpu.vector_load_idx %arg5[%add3A_6, %add3A_194] : memref<64x128xf32, #tpu.memory_space<vmem>>[vector<16xi32>, vector<16xi32>], vector<16xf32>,
          %gather3A_197 = tpu.vector_load_idx %arg5[%add3A_9, %add3A_194] : memref<64x128xf32, #tpu.memory_space<vmem>>[vector<16xi32>, vector<16xi32>], vector<16xf32>,
          %gather3A_198 = tpu.vector_load_idx %arg5[%add3A_12, %add3A_194] : memref<64x128xf32, #tpu.memory_space<vmem>>[vector<16xi32>, vector<16xi32>], vector<16xf32>,
          %swap3A_199 = arith.index_cast %scan3A_188 : i32 to index
          %swap3A_200 = arith.constant 0 : index
          %swap3A_201 = tpu.vector_load %arg7[%swap3A_199, %swap3A_200] {strides = array<i32>} : memref<64x128xf32, #tpu.memory_space<vmem>>, vector<16xf32>,
          tpu.vector_store %arg7[%swap3A_199, %swap3A_200], %gather3A_195 {strides = array<i32>} : memref<64x128xf32, #tpu.memory_space<vmem>>, vector<16xf32>,
          %swap3A_202 = arith.index_cast %scan3A_188 : i32 to index
          %swap3A_203 = arith.constant 16 : index
          %swap3A_204 = tpu.vector_load %arg7[%swap3A_202, %swap3A_203] {strides = array<i32>} : memref<64x128xf32, #tpu.memory_space<vmem>>, vector<16xf32>,
          tpu.vector_store %arg7[%swap3A_202, %swap3A_203], %gather3A_196 {strides = array<i32>} : memref<64x128xf32, #tpu.memory_space<vmem>>, vector<16xf32>,
          %swap3A_205 = arith.index_cast %scan3A_188 : i32 to index
          %swap3A_206 = arith.constant 32 : index
          %swap3A_207 = tpu.vector_load %arg7[%swap3A_205, %swap3A_206] {strides = array<i32>} : memref<64x128xf32, #tpu.memory_space<vmem>>, vector<16xf32>,
          tpu.vector_store %arg7[%swap3A_205, %swap3A_206], %gather3A_197 {strides = array<i32>} : memref<64x128xf32, #tpu.memory_space<vmem>>, vector<16xf32>,
          %swap3A_208 = arith.index_cast %scan3A_188 : i32 to index
          %swap3A_209 = arith.constant 48 : index
          %swap3A_210 = tpu.vector_load %arg7[%swap3A_208, %swap3A_209] {strides = array<i32>} : memref<64x128xf32, #tpu.memory_space<vmem>>, vector<16xf32>,
          tpu.vector_store %arg7[%swap3A_208, %swap3A_209], %gather3A_198 {strides = array<i32>} : memref<64x128xf32, #tpu.memory_space<vmem>>, vector<16xf32>,
          %scan3A_211 = arith.constant 3 : i32
          %scan3A_212 = arith.addi %scan3A_142, %scan3A_211 : i32
          %mul3A_213 = arith.constant 2 : i32
          %mul3A_214 = arith.muli %mul3A_213, %scan3A_212 : i32
          %add3A_215 = arith.constant 0 : i32
          %add3A_216 = arith.addi %mul3A_214, %add3A_215 : i32
          %add3A_217 = vector.broadcast %add3A_216 : i32 to vector<16xi32>
          %add3A_218 = arith.addi %mul3A_124, %add3A_217 : vector<16xi32>
          %gather3A_219 = tpu.vector_load_idx %arg5[%add3A_3, %add3A_218] : memref<64x128xf32, #tpu.memory_space<vmem>>[vector<16xi32>, vector<16xi32>], vector<16xf32>,
          %gather3A_220 = tpu.vector_load_idx %arg5[%add3A_6, %add3A_218] : memref<64x128xf32, #tpu.memory_space<vmem>>[vector<16xi32>, vector<16xi32>], vector<16xf32>,
          %gather3A_221 = tpu.vector_load_idx %arg5[%add3A_9, %add3A_218] : memref<64x128xf32, #tpu.memory_space<vmem>>[vector<16xi32>, vector<16xi32>], vector<16xf32>,
          %gather3A_222 = tpu.vector_load_idx %arg5[%add3A_12, %add3A_218] : memref<64x128xf32, #tpu.memory_space<vmem>>[vector<16xi32>, vector<16xi32>], vector<16xf32>,
          %swap3A_223 = arith.index_cast %scan3A_212 : i32 to index
          %swap3A_224 = arith.constant 0 : index
          %swap3A_225 = tpu.vector_load %arg7[%swap3A_223, %swap3A_224] {strides = array<i32>} : memref<64x128xf32, #tpu.memory_space<vmem>>, vector<16xf32>,
          tpu.vector_store %arg7[%swap3A_223, %swap3A_224], %gather3A_219 {strides = array<i32>} : memref<64x128xf32, #tpu.memory_space<vmem>>, vector<16xf32>,
          %swap3A_226 = arith.index_cast %scan3A_212 : i32 to index
          %swap3A_227 = arith.constant 16 : index
          %swap3A_228 = tpu.vector_load %arg7[%swap3A_226, %swap3A_227] {strides = array<i32>} : memref<64x128xf32, #tpu.memory_space<vmem>>, vector<16xf32>,
          tpu.vector_store %arg7[%swap3A_226, %swap3A_227], %gather3A_220 {strides = array<i32>} : memref<64x128xf32, #tpu.memory_space<vmem>>, vector<16xf32>,
          %swap3A_229 = arith.index_cast %scan3A_212 : i32 to index
          %swap3A_230 = arith.constant 32 : index
          %swap3A_231 = tpu.vector_load %arg7[%swap3A_229, %swap3A_230] {strides = array<i32>} : memref<64x128xf32, #tpu.memory_space<vmem>>, vector<16xf32>,
          tpu.vector_store %arg7[%swap3A_229, %swap3A_230], %gather3A_221 {strides = array<i32>} : memref<64x128xf32, #tpu.memory_space<vmem>>, vector<16xf32>,
          %swap3A_232 = arith.index_cast %scan3A_212 : i32 to index
          %swap3A_233 = arith.constant 48 : index
          %swap3A_234 = tpu.vector_load %arg7[%swap3A_232, %swap3A_233] {strides = array<i32>} : memref<64x128xf32, #tpu.memory_space<vmem>>, vector<16xf32>,
          tpu.vector_store %arg7[%swap3A_232, %swap3A_233], %gather3A_222 {strides = array<i32>} : memref<64x128xf32, #tpu.memory_space<vmem>>, vector<16xf32>,
        }
        %scan3A_130 = arith.constant 64 : i32
        %scan3A_131 = arith.constant 0 : i32
        %scan3A_132 = arith.constant 0 : i32
        %scan3A_133 = arith.constant 64 : i32
        %scan3A_134 = arith.addi %scan3A_132, %scan3A_133 : i32
        %scan3A_135 = arith.constant 4 : i32
        scf.for %scan3A_142 = %scan3A_132 to %scan3A_134 step %scan3A_135  : i32 {
          %mul3A_143 = arith.constant 2 : i32
          %mul3A_144 = arith.muli %mul3A_143, %scan3A_142 : i32
          %add3A_145 = arith.constant 1 : i32
          %add3A_146 = arith.addi %mul3A_144, %add3A_145 : i32
          %add3A_147 = vector.broadcast %add3A_146 : i32 to vector<16xi32>
          %add3A_148 = arith.addi %mul3A_124, %add3A_147 : vector<16xi32>
          %gather3A = tpu.vector_load_idx %arg5[%add3A_3, %add3A_148] : memref<64x128xf32, #tpu.memory_space<vmem>>[vector<16xi32>, vector<16xi32>], vector<16xf32>,
          %gather3A_149 = tpu.vector_load_idx %arg5[%add3A_6, %add3A_148] : memref<64x128xf32, #tpu.memory_space<vmem>>[vector<16xi32>, vector<16xi32>], vector<16xf32>,
          %gather3A_150 = tpu.vector_load_idx %arg5[%add3A_9, %add3A_148] : memref<64x128xf32, #tpu.memory_space<vmem>>[vector<16xi32>, vector<16xi32>], vector<16xf32>,
          %gather3A_151 = tpu.vector_load_idx %arg5[%add3A_12, %add3A_148] : memref<64x128xf32, #tpu.memory_space<vmem>>[vector<16xi32>, vector<16xi32>], vector<16xf32>,
          %swap3A = arith.index_cast %scan3A_142 : i32 to index
          %swap3A_152 = arith.constant 64 : index
          %swap3A_153 = tpu.vector_load %arg7[%swap3A, %swap3A_152] {strides = array<i32>} : memref<64x128xf32, #tpu.memory_space<vmem>>, vector<16xf32>,
          tpu.vector_store %arg7[%swap3A, %swap3A_152], %gather3A {strides = array<i32>} : memref<64x128xf32, #tpu.memory_space<vmem>>, vector<16xf32>,
          %swap3A_154 = arith.index_cast %scan3A_142 : i32 to index
          %swap3A_155 = arith.constant 80 : index
          %swap3A_156 = tpu.vector_load %arg7[%swap3A_154, %swap3A_155] {strides = array<i32>} : memref<64x128xf32, #tpu.memory_space<vmem>>, vector<16xf32>,
          tpu.vector_store %arg7[%swap3A_154, %swap3A_155], %gather3A_149 {strides = array<i32>} : memref<64x128xf32, #tpu.memory_space<vmem>>, vector<16xf32>,
          %swap3A_157 = arith.index_cast %scan3A_142 : i32 to index
          %swap3A_158 = arith.constant 96 : index
          %swap3A_159 = tpu.vector_load %arg7[%swap3A_157, %swap3A_158] {strides = array<i32>} : memref<64x128xf32, #tpu.memory_space<vmem>>, vector<16xf32>,
          tpu.vector_store %arg7[%swap3A_157, %swap3A_158], %gather3A_150 {strides = array<i32>} : memref<64x128xf32, #tpu.memory_space<vmem>>, vector<16xf32>,
          %swap3A_160 = arith.index_cast %scan3A_142 : i32 to index
          %swap3A_161 = arith.constant 112 : index
          %swap3A_162 = tpu.vector_load %arg7[%swap3A_160, %swap3A_161] {strides = array<i32>} : memref<64x128xf32, #tpu.memory_space<vmem>>, vector<16xf32>,
          tpu.vector_store %arg7[%swap3A_160, %swap3A_161], %gather3A_151 {strides = array<i32>} : memref<64x128xf32, #tpu.memory_space<vmem>>, vector<16xf32>,
          %scan3A_163 = arith.constant 1 : i32
          %scan3A_164 = arith.addi %scan3A_142, %scan3A_163 : i32
          %mul3A_165 = arith.constant 2 : i32
          %mul3A_166 = arith.muli %mul3A_165, %scan3A_164 : i32
          %add3A_167 = arith.constant 1 : i32
          %add3A_168 = arith.addi %mul3A_166, %add3A_167 : i32
          %add3A_169 = vector.broadcast %add3A_168 : i32 to vector<16xi32>
          %add3A_170 = arith.addi %mul3A_124, %add3A_169 : vector<16xi32>
          %gather3A_171 = tpu.vector_load_idx %arg5[%add3A_3, %add3A_170] : memref<64x128xf32, #tpu.memory_space<vmem>>[vector<16xi32>, vector<16xi32>], vector<16xf32>,
          %gather3A_172 = tpu.vector_load_idx %arg5[%add3A_6, %add3A_170] : memref<64x128xf32, #tpu.memory_space<vmem>>[vector<16xi32>, vector<16xi32>], vector<16xf32>,
          %gather3A_173 = tpu.vector_load_idx %arg5[%add3A_9, %add3A_170] : memref<64x128xf32, #tpu.memory_space<vmem>>[vector<16xi32>, vector<16xi32>], vector<16xf32>,
          %gather3A_174 = tpu.vector_load_idx %arg5[%add3A_12, %add3A_170] : memref<64x128xf32, #tpu.memory_space<vmem>>[vector<16xi32>, vector<16xi32>], vector<16xf32>,
          %swap3A_175 = arith.index_cast %scan3A_164 : i32 to index
          %swap3A_176 = arith.constant 64 : index
          %swap3A_177 = tpu.vector_load %arg7[%swap3A_175, %swap3A_176] {strides = array<i32>} : memref<64x128xf32, #tpu.memory_space<vmem>>, vector<16xf32>,
          tpu.vector_store %arg7[%swap3A_175, %swap3A_176], %gather3A_171 {strides = array<i32>} : memref<64x128xf32, #tpu.memory_space<vmem>>, vector<16xf32>,
          %swap3A_178 = arith.index_cast %scan3A_164 : i32 to index
          %swap3A_179 = arith.constant 80 : index
          %swap3A_180 = tpu.vector_load %arg7[%swap3A_178, %swap3A_179] {strides = array<i32>} : memref<64x128xf32, #tpu.memory_space<vmem>>, vector<16xf32>,
          tpu.vector_store %arg7[%swap3A_178, %swap3A_179], %gather3A_172 {strides = array<i32>} : memref<64x128xf32, #tpu.memory_space<vmem>>, vector<16xf32>,
          %swap3A_181 = arith.index_cast %scan3A_164 : i32 to index
          %swap3A_182 = arith.constant 96 : index
          %swap3A_183 = tpu.vector_load %arg7[%swap3A_181, %swap3A_182] {strides = array<i32>} : memref<64x128xf32, #tpu.memory_space<vmem>>, vector<16xf32>,
          tpu.vector_store %arg7[%swap3A_181, %swap3A_182], %gather3A_173 {strides = array<i32>} : memref<64x128xf32, #tpu.memory_space<vmem>>, vector<16xf32>,
          %swap3A_184 = arith.index_cast %scan3A_164 : i32 to index
          %swap3A_185 = arith.constant 112 : index
          %swap3A_186 = tpu.vector_load %arg7[%swap3A_184, %swap3A_185] {strides = array<i32>} : memref<64x128xf32, #tpu.memory_space<vmem>>, vector<16xf32>,
          tpu.vector_store %arg7[%swap3A_184, %swap3A_185], %gather3A_174 {strides = array<i32>} : memref<64x128xf32, #tpu.memory_space<vmem>>, vector<16xf32>,
          %scan3A_187 = arith.constant 2 : i32
          %scan3A_188 = arith.addi %scan3A_142, %scan3A_187 : i32
          %mul3A_189 = arith.constant 2 : i32
          %mul3A_190 = arith.muli %mul3A_189, %scan3A_188 : i32
          %add3A_191 = arith.constant 1 : i32
          %add3A_192 = arith.addi %mul3A_190, %add3A_191 : i32
          %add3A_193 = vector.broadcast %add3A_192 : i32 to vector<16xi32>
          %add3A_194 = arith.addi %mul3A_124, %add3A_193 : vector<16xi32>
          %gather3A_195 = tpu.vector_load_idx %arg5[%add3A_3, %add3A_194] : memref<64x128xf32, #tpu.memory_space<vmem>>[vector<16xi32>, vector<16xi32>], vector<16xf32>,
          %gather3A_196 = tpu.vector_load_idx %arg5[%add3A_6, %add3A_194] : memref<64x128xf32, #tpu.memory_space<vmem>>[vector<16xi32>, vector<16xi32>], vector<16xf32>,
          %gather3A_197 = tpu.vector_load_idx %arg5[%add3A_9, %add3A_194] : memref<64x128xf32, #tpu.memory_space<vmem>>[vector<16xi32>, vector<16xi32>], vector<16xf32>,
          %gather3A_198 = tpu.vector_load_idx %arg5[%add3A_12, %add3A_194] : memref<64x128xf32, #tpu.memory_space<vmem>>[vector<16xi32>, vector<16xi32>], vector<16xf32>,
          %swap3A_199 = arith.index_cast %scan3A_188 : i32 to index
          %swap3A_200 = arith.constant 64 : index
          %swap3A_201 = tpu.vector_load %arg7[%swap3A_199, %swap3A_200] {strides = array<i32>} : memref<64x128xf32, #tpu.memory_space<vmem>>, vector<16xf32>,
          tpu.vector_store %arg7[%swap3A_199, %swap3A_200], %gather3A_195 {strides = array<i32>} : memref<64x128xf32, #tpu.memory_space<vmem>>, vector<16xf32>,
          %swap3A_202 = arith.index_cast %scan3A_188 : i32 to index
          %swap3A_203 = arith.constant 80 : index
          %swap3A_204 = tpu.vector_load %arg7[%swap3A_202, %swap3A_203] {strides = array<i32>} : memref<64x128xf32, #tpu.memory_space<vmem>>, vector<16xf32>,
          tpu.vector_store %arg7[%swap3A_202, %swap3A_203], %gather3A_196 {strides = array<i32>} : memref<64x128xf32, #tpu.memory_space<vmem>>, vector<16xf32>,
          %swap3A_205 = arith.index_cast %scan3A_188 : i32 to index
          %swap3A_206 = arith.constant 96 : index
          %swap3A_207 = tpu.vector_load %arg7[%swap3A_205, %swap3A_206] {strides = array<i32>} : memref<64x128xf32, #tpu.memory_space<vmem>>, vector<16xf32>,
          tpu.vector_store %arg7[%swap3A_205, %swap3A_206], %gather3A_197 {strides = array<i32>} : memref<64x128xf32, #tpu.memory_space<vmem>>, vector<16xf32>,
          %swap3A_208 = arith.index_cast %scan3A_188 : i32 to index
          %swap3A_209 = arith.constant 112 : index
          %swap3A_210 = tpu.vector_load %arg7[%swap3A_208, %swap3A_209] {strides = array<i32>} : memref<64x128xf32, #tpu.memory_space<vmem>>, vector<16xf32>,
          tpu.vector_store %arg7[%swap3A_208, %swap3A_209], %gather3A_198 {strides = array<i32>} : memref<64x128xf32, #tpu.memory_space<vmem>>, vector<16xf32>,
          %scan3A_211 = arith.constant 3 : i32
          %scan3A_212 = arith.addi %scan3A_142, %scan3A_211 : i32
          %mul3A_213 = arith.constant 2 : i32
          %mul3A_214 = arith.muli %mul3A_213, %scan3A_212 : i32
          %add3A_215 = arith.constant 1 : i32
          %add3A_216 = arith.addi %mul3A_214, %add3A_215 : i32
          %add3A_217 = vector.broadcast %add3A_216 : i32 to vector<16xi32>
          %add3A_218 = arith.addi %mul3A_124, %add3A_217 : vector<16xi32>
          %gather3A_219 = tpu.vector_load_idx %arg5[%add3A_3, %add3A_218] : memref<64x128xf32, #tpu.memory_space<vmem>>[vector<16xi32>, vector<16xi32>], vector<16xf32>,
          %gather3A_220 = tpu.vector_load_idx %arg5[%add3A_6, %add3A_218] : memref<64x128xf32, #tpu.memory_space<vmem>>[vector<16xi32>, vector<16xi32>], vector<16xf32>,
          %gather3A_221 = tpu.vector_load_idx %arg5[%add3A_9, %add3A_218] : memref<64x128xf32, #tpu.memory_space<vmem>>[vector<16xi32>, vector<16xi32>], vector<16xf32>,
          %gather3A_222 = tpu.vector_load_idx %arg5[%add3A_12, %add3A_218] : memref<64x128xf32, #tpu.memory_space<vmem>>[vector<16xi32>, vector<16xi32>], vector<16xf32>,
          %swap3A_223 = arith.index_cast %scan3A_212 : i32 to index
          %swap3A_224 = arith.constant 64 : index
          %swap3A_225 = tpu.vector_load %arg7[%swap3A_223, %swap3A_224] {strides = array<i32>} : memref<64x128xf32, #tpu.memory_space<vmem>>, vector<16xf32>,
          tpu.vector_store %arg7[%swap3A_223, %swap3A_224], %gather3A_219 {strides = array<i32>} : memref<64x128xf32, #tpu.memory_space<vmem>>, vector<16xf32>,
          %swap3A_226 = arith.index_cast %scan3A_212 : i32 to index
          %swap3A_227 = arith.constant 80 : index
          %swap3A_228 = tpu.vector_load %arg7[%swap3A_226, %swap3A_227] {strides = array<i32>} : memref<64x128xf32, #tpu.memory_space<vmem>>, vector<16xf32>,
          tpu.vector_store %arg7[%swap3A_226, %swap3A_227], %gather3A_220 {strides = array<i32>} : memref<64x128xf32, #tpu.memory_space<vmem>>, vector<16xf32>,
          %swap3A_229 = arith.index_cast %scan3A_212 : i32 to index
          %swap3A_230 = arith.constant 96 : index
          %swap3A_231 = tpu.vector_load %arg7[%swap3A_229, %swap3A_230] {strides = array<i32>} : memref<64x128xf32, #tpu.memory_space<vmem>>, vector<16xf32>,
          tpu.vector_store %arg7[%swap3A_229, %swap3A_230], %gather3A_221 {strides = array<i32>} : memref<64x128xf32, #tpu.memory_space<vmem>>, vector<16xf32>,
          %swap3A_232 = arith.index_cast %scan3A_212 : i32 to index
          %swap3A_233 = arith.constant 112 : index
          %swap3A_234 = tpu.vector_load %arg7[%swap3A_232, %swap3A_233] {strides = array<i32>} : memref<64x128xf32, #tpu.memory_space<vmem>>, vector<16xf32>,
          tpu.vector_store %arg7[%swap3A_232, %swap3A_233], %gather3A_222 {strides = array<i32>} : memref<64x128xf32, #tpu.memory_space<vmem>>, vector<16xf32>,
        }
        %scan3A_136 = arith.constant 64 : i32
        %mul3A_137 = arith.constant 64 : i32
        %mul3A_138 = arith.muli %add3A_74, %mul3A_137 : i32
        %dma_start3A = arith.constant 0 : i32
        %dma_start3A_139 = tpu.memref_slice %arg4[%mul3A_138, %dma_start3A] : memref<500000x128xf32, #tpu.memory_space<hbm>> -> memref<64x128xf32, #tpu.memory_space<hbm>>
        %dma_start3A_140 = arith.constant 0 : i32
        %dma_start3A_141 = tpu.memref_slice %arg4[%mul3A_138, %dma_start3A_140] : memref<500000x128xf32, #tpu.memory_space<hbm>> -> memref<64x128xf32, #tpu.memory_space<hbm>>
        tpu.enqueue_dma source(%arg7 : memref<64x128xf32, #tpu.memory_space<vmem>>) target(%dma_start3A_141 : memref<64x128xf32, #tpu.memory_space<hbm>>) target_semaphore(%arg11 : memref<!tpu.dma_semaphore, #tpu.memory_space<semaphore_mem>>)
      } else {
      }
      %add3A_80 = arith.constant 2 : i32
      %add3A_81 = arith.addi %add3A_71, %add3A_80 : i32
      %mul3A_82 = arith.constant 32 : i32
      %mul3A_83 = arith.muli %add3A_81, %mul3A_82 : i32
      %add3A_84 = arith.addi %add3A, %mul3A_83 : i32
      %lt3A_85 = arith.constant 7812 : i32
      %lt3A_86 = arith.cmpi slt, %add3A_84, %lt3A_85 : i32
      %convert_element_type3A_87 = arith.extui %lt3A_86 : i1 to i32
      %cond3A_88 = arith.constant 0 : i32
      %cond3A_89 = arith.cmpi ne, %convert_element_type3A_87, %cond3A_88 : i32
      scf.if %cond3A_89 {
        %mul3A_112 = arith.constant 128 : i32
        %mul3A_113 = arith.muli %add3A_84, %mul3A_112 : i32
        %dma_start3A = arith.constant 0 : i32
        %dma_start3A_114 = tpu.memref_slice %arg2[%dma_start3A, %mul3A_113] : memref<64x1000000xf32, #tpu.memory_space<hbm>> -> memref<64x128xf32, #tpu.memory_space<hbm>>
        %dma_start3A_115 = arith.constant 0 : i32
        %dma_start3A_116 = tpu.memref_slice %arg2[%dma_start3A_115, %mul3A_113] : memref<64x1000000xf32, #tpu.memory_space<hbm>> -> memref<64x128xf32, #tpu.memory_space<hbm>>
        tpu.enqueue_dma source(%dma_start3A_116 : memref<64x128xf32, #tpu.memory_space<hbm>>) target(%arg5 : memref<64x128xf32, #tpu.memory_space<vmem>>) target_semaphore(%arg10 : memref<!tpu.dma_semaphore, #tpu.memory_space<semaphore_mem>>)
      } else {
      }
      %mul3A_90 = arith.constant 2 : i32
      %mul3A_91 = arith.muli %scan3A_67, %mul3A_90 : i32
      %add3A_92 = arith.constant 1 : i32
      %add3A_93 = arith.addi %mul3A_91, %add3A_92 : i32
      %mul3A_94 = arith.constant 32 : i32
      %mul3A_95 = arith.muli %add3A_93, %mul3A_94 : i32
      %add3A_96 = arith.addi %add3A, %mul3A_95 : i32
      %lt3A_97 = arith.constant 7812 : i32
      %lt3A_98 = arith.cmpi slt, %add3A_96, %lt3A_97 : i32
      %convert_element_type3A_99 = arith.extui %lt3A_98 : i1 to i32
      %cond3A_100 = arith.constant 0 : i32
      %cond3A_101 = arith.cmpi ne, %convert_element_type3A_99, %cond3A_100 : i32
      scf.if %cond3A_101 {
        %mul3A_112 = arith.constant 128 : i32
        %mul3A_113 = arith.muli %add3A_96, %mul3A_112 : i32
        %dma_wait3A = arith.constant 0 : i32
        %dma_wait3A_114 = tpu.memref_slice %arg2[%dma_wait3A, %mul3A_113] : memref<64x1000000xf32, #tpu.memory_space<hbm>> -> memref<64x128xf32, #tpu.memory_space<hbm>>
        %dma_wait3A_115 = arith.constant 0 : i32
        %dma_wait3A_116 = tpu.memref_slice %arg2[%dma_wait3A_115, %mul3A_113] : memref<64x1000000xf32, #tpu.memory_space<hbm>> -> memref<64x128xf32, #tpu.memory_space<hbm>>
        tpu.wait_dma2 semaphore(%arg10 : memref<!tpu.dma_semaphore, #tpu.memory_space<semaphore_mem>>) src(%dma_wait3A_116 : memref<64x128xf32, #tpu.memory_space<hbm>>) dst(%arg6 : memref<64x128xf32, #tpu.memory_space<vmem>>)
        %ge3A_117 = arith.constant 2 : i32
        %ge3A_118 = arith.cmpi sge, %add3A_93, %ge3A_117 : i32
        %convert_element_type3A_119 = arith.extui %ge3A_118 : i1 to i32
        %cond3A_120 = arith.constant 0 : i32
        %cond3A_121 = arith.cmpi ne, %convert_element_type3A_119, %cond3A_120 : i32
        scf.if %cond3A_121 {
          %sub3A = arith.constant 2 : i32
          %sub3A_142 = arith.subi %add3A_93, %sub3A : i32
          %mul3A_143 = arith.constant 32 : i32
          %mul3A_144 = arith.muli %sub3A_142, %mul3A_143 : i32
          %add3A_145 = arith.addi %add3A, %mul3A_144 : i32
          %mul3A_146 = arith.constant 64 : i32
          %mul3A_147 = arith.muli %add3A_145, %mul3A_146 : i32
          %dma_wait3A_148 = arith.constant 0 : i32
          %dma_wait3A_149 = tpu.memref_slice %arg4[%mul3A_147, %dma_wait3A_148] : memref<500000x128xf32, #tpu.memory_space<hbm>> -> memref<64x128xf32, #tpu.memory_space<hbm>>
          %dma_wait3A_150 = arith.constant 0 : i32
          %dma_wait3A_151 = tpu.memref_slice %arg4[%mul3A_147, %dma_wait3A_150] : memref<500000x128xf32, #tpu.memory_space<hbm>> -> memref<64x128xf32, #tpu.memory_space<hbm>>
          tpu.wait_dma2 semaphore(%arg11 : memref<!tpu.dma_semaphore, #tpu.memory_space<semaphore_mem>>) src(%arg8 : memref<64x128xf32, #tpu.memory_space<vmem>>) dst(%dma_wait3A_151 : memref<64x128xf32, #tpu.memory_space<hbm>>)
        } else {
        }
        %mul3A_122 = arith.constant 0 : i32
        %mul3A_123 = vector.broadcast %mul3A_122 : i32 to vector<16xi32>
        %mul3A_124 = arith.muli %iota3A, %mul3A_123 : vector<16xi32>
        %scan3A_125 = arith.constant 0 : i32
        %scan3A_126 = arith.constant 0 : i32
        %scan3A_127 = arith.constant 64 : i32
        %scan3A_128 = arith.addi %scan3A_126, %scan3A_127 : i32
        %scan3A_129 = arith.constant 4 : i32
        scf.for %scan3A_142 = %scan3A_126 to %scan3A_128 step %scan3A_129  : i32 {
          %mul3A_143 = arith.constant 2 : i32
          %mul3A_144 = arith.muli %mul3A_143, %scan3A_142 : i32
          %add3A_145 = arith.constant 0 : i32
          %add3A_146 = arith.addi %mul3A_144, %add3A_145 : i32
          %add3A_147 = vector.broadcast %add3A_146 : i32 to vector<16xi32>
          %add3A_148 = arith.addi %mul3A_124, %add3A_147 : vector<16xi32>
          %gather3A = tpu.vector_load_idx %arg6[%add3A_3, %add3A_148] : memref<64x128xf32, #tpu.memory_space<vmem>>[vector<16xi32>, vector<16xi32>], vector<16xf32>,
          %gather3A_149 = tpu.vector_load_idx %arg6[%add3A_6, %add3A_148] : memref<64x128xf32, #tpu.memory_space<vmem>>[vector<16xi32>, vector<16xi32>], vector<16xf32>,
          %gather3A_150 = tpu.vector_load_idx %arg6[%add3A_9, %add3A_148] : memref<64x128xf32, #tpu.memory_space<vmem>>[vector<16xi32>, vector<16xi32>], vector<16xf32>,
          %gather3A_151 = tpu.vector_load_idx %arg6[%add3A_12, %add3A_148] : memref<64x128xf32, #tpu.memory_space<vmem>>[vector<16xi32>, vector<16xi32>], vector<16xf32>,
          %swap3A = arith.index_cast %scan3A_142 : i32 to index
          %swap3A_152 = arith.constant 0 : index
          %swap3A_153 = tpu.vector_load %arg8[%swap3A, %swap3A_152] {strides = array<i32>} : memref<64x128xf32, #tpu.memory_space<vmem>>, vector<16xf32>,
          tpu.vector_store %arg8[%swap3A, %swap3A_152], %gather3A {strides = array<i32>} : memref<64x128xf32, #tpu.memory_space<vmem>>, vector<16xf32>,
          %swap3A_154 = arith.index_cast %scan3A_142 : i32 to index
          %swap3A_155 = arith.constant 16 : index
          %swap3A_156 = tpu.vector_load %arg8[%swap3A_154, %swap3A_155] {strides = array<i32>} : memref<64x128xf32, #tpu.memory_space<vmem>>, vector<16xf32>,
          tpu.vector_store %arg8[%swap3A_154, %swap3A_155], %gather3A_149 {strides = array<i32>} : memref<64x128xf32, #tpu.memory_space<vmem>>, vector<16xf32>,
          %swap3A_157 = arith.index_cast %scan3A_142 : i32 to index
          %swap3A_158 = arith.constant 32 : index
          %swap3A_159 = tpu.vector_load %arg8[%swap3A_157, %swap3A_158] {strides = array<i32>} : memref<64x128xf32, #tpu.memory_space<vmem>>, vector<16xf32>,
          tpu.vector_store %arg8[%swap3A_157, %swap3A_158], %gather3A_150 {strides = array<i32>} : memref<64x128xf32, #tpu.memory_space<vmem>>, vector<16xf32>,
          %swap3A_160 = arith.index_cast %scan3A_142 : i32 to index
          %swap3A_161 = arith.constant 48 : index
          %swap3A_162 = tpu.vector_load %arg8[%swap3A_160, %swap3A_161] {strides = array<i32>} : memref<64x128xf32, #tpu.memory_space<vmem>>, vector<16xf32>,
          tpu.vector_store %arg8[%swap3A_160, %swap3A_161], %gather3A_151 {strides = array<i32>} : memref<64x128xf32, #tpu.memory_space<vmem>>, vector<16xf32>,
          %scan3A_163 = arith.constant 1 : i32
          %scan3A_164 = arith.addi %scan3A_142, %scan3A_163 : i32
          %mul3A_165 = arith.constant 2 : i32
          %mul3A_166 = arith.muli %mul3A_165, %scan3A_164 : i32
          %add3A_167 = arith.constant 0 : i32
          %add3A_168 = arith.addi %mul3A_166, %add3A_167 : i32
          %add3A_169 = vector.broadcast %add3A_168 : i32 to vector<16xi32>
          %add3A_170 = arith.addi %mul3A_124, %add3A_169 : vector<16xi32>
          %gather3A_171 = tpu.vector_load_idx %arg6[%add3A_3, %add3A_170] : memref<64x128xf32, #tpu.memory_space<vmem>>[vector<16xi32>, vector<16xi32>], vector<16xf32>,
          %gather3A_172 = tpu.vector_load_idx %arg6[%add3A_6, %add3A_170] : memref<64x128xf32, #tpu.memory_space<vmem>>[vector<16xi32>, vector<16xi32>], vector<16xf32>,
          %gather3A_173 = tpu.vector_load_idx %arg6[%add3A_9, %add3A_170] : memref<64x128xf32, #tpu.memory_space<vmem>>[vector<16xi32>, vector<16xi32>], vector<16xf32>,
          %gather3A_174 = tpu.vector_load_idx %arg6[%add3A_12, %add3A_170] : memref<64x128xf32, #tpu.memory_space<vmem>>[vector<16xi32>, vector<16xi32>], vector<16xf32>,
          %swap3A_175 = arith.index_cast %scan3A_164 : i32 to index
          %swap3A_176 = arith.constant 0 : index
          %swap3A_177 = tpu.vector_load %arg8[%swap3A_175, %swap3A_176] {strides = array<i32>} : memref<64x128xf32, #tpu.memory_space<vmem>>, vector<16xf32>,
          tpu.vector_store %arg8[%swap3A_175, %swap3A_176], %gather3A_171 {strides = array<i32>} : memref<64x128xf32, #tpu.memory_space<vmem>>, vector<16xf32>,
          %swap3A_178 = arith.index_cast %scan3A_164 : i32 to index
          %swap3A_179 = arith.constant 16 : index
          %swap3A_180 = tpu.vector_load %arg8[%swap3A_178, %swap3A_179] {strides = array<i32>} : memref<64x128xf32, #tpu.memory_space<vmem>>, vector<16xf32>,
          tpu.vector_store %arg8[%swap3A_178, %swap3A_179], %gather3A_172 {strides = array<i32>} : memref<64x128xf32, #tpu.memory_space<vmem>>, vector<16xf32>,
          %swap3A_181 = arith.index_cast %scan3A_164 : i32 to index
          %swap3A_182 = arith.constant 32 : index
          %swap3A_183 = tpu.vector_load %arg8[%swap3A_181, %swap3A_182] {strides = array<i32>} : memref<64x128xf32, #tpu.memory_space<vmem>>, vector<16xf32>,
          tpu.vector_store %arg8[%swap3A_181, %swap3A_182], %gather3A_173 {strides = array<i32>} : memref<64x128xf32, #tpu.memory_space<vmem>>, vector<16xf32>,
          %swap3A_184 = arith.index_cast %scan3A_164 : i32 to index
          %swap3A_185 = arith.constant 48 : index
          %swap3A_186 = tpu.vector_load %arg8[%swap3A_184, %swap3A_185] {strides = array<i32>} : memref<64x128xf32, #tpu.memory_space<vmem>>, vector<16xf32>,
          tpu.vector_store %arg8[%swap3A_184, %swap3A_185], %gather3A_174 {strides = array<i32>} : memref<64x128xf32, #tpu.memory_space<vmem>>, vector<16xf32>,
          %scan3A_187 = arith.constant 2 : i32
          %scan3A_188 = arith.addi %scan3A_142, %scan3A_187 : i32
          %mul3A_189 = arith.constant 2 : i32
          %mul3A_190 = arith.muli %mul3A_189, %scan3A_188 : i32
          %add3A_191 = arith.constant 0 : i32
          %add3A_192 = arith.addi %mul3A_190, %add3A_191 : i32
          %add3A_193 = vector.broadcast %add3A_192 : i32 to vector<16xi32>
          %add3A_194 = arith.addi %mul3A_124, %add3A_193 : vector<16xi32>
          %gather3A_195 = tpu.vector_load_idx %arg6[%add3A_3, %add3A_194] : memref<64x128xf32, #tpu.memory_space<vmem>>[vector<16xi32>, vector<16xi32>], vector<16xf32>,
          %gather3A_196 = tpu.vector_load_idx %arg6[%add3A_6, %add3A_194] : memref<64x128xf32, #tpu.memory_space<vmem>>[vector<16xi32>, vector<16xi32>], vector<16xf32>,
          %gather3A_197 = tpu.vector_load_idx %arg6[%add3A_9, %add3A_194] : memref<64x128xf32, #tpu.memory_space<vmem>>[vector<16xi32>, vector<16xi32>], vector<16xf32>,
          %gather3A_198 = tpu.vector_load_idx %arg6[%add3A_12, %add3A_194] : memref<64x128xf32, #tpu.memory_space<vmem>>[vector<16xi32>, vector<16xi32>], vector<16xf32>,
          %swap3A_199 = arith.index_cast %scan3A_188 : i32 to index
          %swap3A_200 = arith.constant 0 : index
          %swap3A_201 = tpu.vector_load %arg8[%swap3A_199, %swap3A_200] {strides = array<i32>} : memref<64x128xf32, #tpu.memory_space<vmem>>, vector<16xf32>,
          tpu.vector_store %arg8[%swap3A_199, %swap3A_200], %gather3A_195 {strides = array<i32>} : memref<64x128xf32, #tpu.memory_space<vmem>>, vector<16xf32>,
          %swap3A_202 = arith.index_cast %scan3A_188 : i32 to index
          %swap3A_203 = arith.constant 16 : index
          %swap3A_204 = tpu.vector_load %arg8[%swap3A_202, %swap3A_203] {strides = array<i32>} : memref<64x128xf32, #tpu.memory_space<vmem>>, vector<16xf32>,
          tpu.vector_store %arg8[%swap3A_202, %swap3A_203], %gather3A_196 {strides = array<i32>} : memref<64x128xf32, #tpu.memory_space<vmem>>, vector<16xf32>,
          %swap3A_205 = arith.index_cast %scan3A_188 : i32 to index
          %swap3A_206 = arith.constant 32 : index
          %swap3A_207 = tpu.vector_load %arg8[%swap3A_205, %swap3A_206] {strides = array<i32>} : memref<64x128xf32, #tpu.memory_space<vmem>>, vector<16xf32>,
          tpu.vector_store %arg8[%swap3A_205, %swap3A_206], %gather3A_197 {strides = array<i32>} : memref<64x128xf32, #tpu.memory_space<vmem>>, vector<16xf32>,
          %swap3A_208 = arith.index_cast %scan3A_188 : i32 to index
          %swap3A_209 = arith.constant 48 : index
          %swap3A_210 = tpu.vector_load %arg8[%swap3A_208, %swap3A_209] {strides = array<i32>} : memref<64x128xf32, #tpu.memory_space<vmem>>, vector<16xf32>,
          tpu.vector_store %arg8[%swap3A_208, %swap3A_209], %gather3A_198 {strides = array<i32>} : memref<64x128xf32, #tpu.memory_space<vmem>>, vector<16xf32>,
          %scan3A_211 = arith.constant 3 : i32
          %scan3A_212 = arith.addi %scan3A_142, %scan3A_211 : i32
          %mul3A_213 = arith.constant 2 : i32
          %mul3A_214 = arith.muli %mul3A_213, %scan3A_212 : i32
          %add3A_215 = arith.constant 0 : i32
          %add3A_216 = arith.addi %mul3A_214, %add3A_215 : i32
          %add3A_217 = vector.broadcast %add3A_216 : i32 to vector<16xi32>
          %add3A_218 = arith.addi %mul3A_124, %add3A_217 : vector<16xi32>
          %gather3A_219 = tpu.vector_load_idx %arg6[%add3A_3, %add3A_218] : memref<64x128xf32, #tpu.memory_space<vmem>>[vector<16xi32>, vector<16xi32>], vector<16xf32>,
          %gather3A_220 = tpu.vector_load_idx %arg6[%add3A_6, %add3A_218] : memref<64x128xf32, #tpu.memory_space<vmem>>[vector<16xi32>, vector<16xi32>], vector<16xf32>,
          %gather3A_221 = tpu.vector_load_idx %arg6[%add3A_9, %add3A_218] : memref<64x128xf32, #tpu.memory_space<vmem>>[vector<16xi32>, vector<16xi32>], vector<16xf32>,
          %gather3A_222 = tpu.vector_load_idx %arg6[%add3A_12, %add3A_218] : memref<64x128xf32, #tpu.memory_space<vmem>>[vector<16xi32>, vector<16xi32>], vector<16xf32>,
          %swap3A_223 = arith.index_cast %scan3A_212 : i32 to index
          %swap3A_224 = arith.constant 0 : index
          %swap3A_225 = tpu.vector_load %arg8[%swap3A_223, %swap3A_224] {strides = array<i32>} : memref<64x128xf32, #tpu.memory_space<vmem>>, vector<16xf32>,
          tpu.vector_store %arg8[%swap3A_223, %swap3A_224], %gather3A_219 {strides = array<i32>} : memref<64x128xf32, #tpu.memory_space<vmem>>, vector<16xf32>,
          %swap3A_226 = arith.index_cast %scan3A_212 : i32 to index
          %swap3A_227 = arith.constant 16 : index
          %swap3A_228 = tpu.vector_load %arg8[%swap3A_226, %swap3A_227] {strides = array<i32>} : memref<64x128xf32, #tpu.memory_space<vmem>>, vector<16xf32>,
          tpu.vector_store %arg8[%swap3A_226, %swap3A_227], %gather3A_220 {strides = array<i32>} : memref<64x128xf32, #tpu.memory_space<vmem>>, vector<16xf32>,
          %swap3A_229 = arith.index_cast %scan3A_212 : i32 to index
          %swap3A_230 = arith.constant 32 : index
          %swap3A_231 = tpu.vector_load %arg8[%swap3A_229, %swap3A_230] {strides = array<i32>} : memref<64x128xf32, #tpu.memory_space<vmem>>, vector<16xf32>,
          tpu.vector_store %arg8[%swap3A_229, %swap3A_230], %gather3A_221 {strides = array<i32>} : memref<64x128xf32, #tpu.memory_space<vmem>>, vector<16xf32>,
          %swap3A_232 = arith.index_cast %scan3A_212 : i32 to index
          %swap3A_233 = arith.constant 48 : index
          %swap3A_234 = tpu.vector_load %arg8[%swap3A_232, %swap3A_233] {strides = array<i32>} : memref<64x128xf32, #tpu.memory_space<vmem>>, vector<16xf32>,
          tpu.vector_store %arg8[%swap3A_232, %swap3A_233], %gather3A_222 {strides = array<i32>} : memref<64x128xf32, #tpu.memory_space<vmem>>, vector<16xf32>,
        }
        %scan3A_130 = arith.constant 64 : i32
        %scan3A_131 = arith.constant 0 : i32
        %scan3A_132 = arith.constant 0 : i32
        %scan3A_133 = arith.constant 64 : i32
        %scan3A_134 = arith.addi %scan3A_132, %scan3A_133 : i32
        %scan3A_135 = arith.constant 4 : i32
        scf.for %scan3A_142 = %scan3A_132 to %scan3A_134 step %scan3A_135  : i32 {
          %mul3A_143 = arith.constant 2 : i32
          %mul3A_144 = arith.muli %mul3A_143, %scan3A_142 : i32
          %add3A_145 = arith.constant 1 : i32
          %add3A_146 = arith.addi %mul3A_144, %add3A_145 : i32
          %add3A_147 = vector.broadcast %add3A_146 : i32 to vector<16xi32>
          %add3A_148 = arith.addi %mul3A_124, %add3A_147 : vector<16xi32>
          %gather3A = tpu.vector_load_idx %arg6[%add3A_3, %add3A_148] : memref<64x128xf32, #tpu.memory_space<vmem>>[vector<16xi32>, vector<16xi32>], vector<16xf32>,
          %gather3A_149 = tpu.vector_load_idx %arg6[%add3A_6, %add3A_148] : memref<64x128xf32, #tpu.memory_space<vmem>>[vector<16xi32>, vector<16xi32>], vector<16xf32>,
          %gather3A_150 = tpu.vector_load_idx %arg6[%add3A_9, %add3A_148] : memref<64x128xf32, #tpu.memory_space<vmem>>[vector<16xi32>, vector<16xi32>], vector<16xf32>,
          %gather3A_151 = tpu.vector_load_idx %arg6[%add3A_12, %add3A_148] : memref<64x128xf32, #tpu.memory_space<vmem>>[vector<16xi32>, vector<16xi32>], vector<16xf32>,
          %swap3A = arith.index_cast %scan3A_142 : i32 to index
          %swap3A_152 = arith.constant 64 : index
          %swap3A_153 = tpu.vector_load %arg8[%swap3A, %swap3A_152] {strides = array<i32>} : memref<64x128xf32, #tpu.memory_space<vmem>>, vector<16xf32>,
          tpu.vector_store %arg8[%swap3A, %swap3A_152], %gather3A {strides = array<i32>} : memref<64x128xf32, #tpu.memory_space<vmem>>, vector<16xf32>,
          %swap3A_154 = arith.index_cast %scan3A_142 : i32 to index
          %swap3A_155 = arith.constant 80 : index
          %swap3A_156 = tpu.vector_load %arg8[%swap3A_154, %swap3A_155] {strides = array<i32>} : memref<64x128xf32, #tpu.memory_space<vmem>>, vector<16xf32>,
          tpu.vector_store %arg8[%swap3A_154, %swap3A_155], %gather3A_149 {strides = array<i32>} : memref<64x128xf32, #tpu.memory_space<vmem>>, vector<16xf32>,
          %swap3A_157 = arith.index_cast %scan3A_142 : i32 to index
          %swap3A_158 = arith.constant 96 : index
          %swap3A_159 = tpu.vector_load %arg8[%swap3A_157, %swap3A_158] {strides = array<i32>} : memref<64x128xf32, #tpu.memory_space<vmem>>, vector<16xf32>,
          tpu.vector_store %arg8[%swap3A_157, %swap3A_158], %gather3A_150 {strides = array<i32>} : memref<64x128xf32, #tpu.memory_space<vmem>>, vector<16xf32>,
          %swap3A_160 = arith.index_cast %scan3A_142 : i32 to index
          %swap3A_161 = arith.constant 112 : index
          %swap3A_162 = tpu.vector_load %arg8[%swap3A_160, %swap3A_161] {strides = array<i32>} : memref<64x128xf32, #tpu.memory_space<vmem>>, vector<16xf32>,
          tpu.vector_store %arg8[%swap3A_160, %swap3A_161], %gather3A_151 {strides = array<i32>} : memref<64x128xf32, #tpu.memory_space<vmem>>, vector<16xf32>,
          %scan3A_163 = arith.constant 1 : i32
          %scan3A_164 = arith.addi %scan3A_142, %scan3A_163 : i32
          %mul3A_165 = arith.constant 2 : i32
          %mul3A_166 = arith.muli %mul3A_165, %scan3A_164 : i32
          %add3A_167 = arith.constant 1 : i32
          %add3A_168 = arith.addi %mul3A_166, %add3A_167 : i32
          %add3A_169 = vector.broadcast %add3A_168 : i32 to vector<16xi32>
          %add3A_170 = arith.addi %mul3A_124, %add3A_169 : vector<16xi32>
          %gather3A_171 = tpu.vector_load_idx %arg6[%add3A_3, %add3A_170] : memref<64x128xf32, #tpu.memory_space<vmem>>[vector<16xi32>, vector<16xi32>], vector<16xf32>,
          %gather3A_172 = tpu.vector_load_idx %arg6[%add3A_6, %add3A_170] : memref<64x128xf32, #tpu.memory_space<vmem>>[vector<16xi32>, vector<16xi32>], vector<16xf32>,
          %gather3A_173 = tpu.vector_load_idx %arg6[%add3A_9, %add3A_170] : memref<64x128xf32, #tpu.memory_space<vmem>>[vector<16xi32>, vector<16xi32>], vector<16xf32>,
          %gather3A_174 = tpu.vector_load_idx %arg6[%add3A_12, %add3A_170] : memref<64x128xf32, #tpu.memory_space<vmem>>[vector<16xi32>, vector<16xi32>], vector<16xf32>,
          %swap3A_175 = arith.index_cast %scan3A_164 : i32 to index
          %swap3A_176 = arith.constant 64 : index
          %swap3A_177 = tpu.vector_load %arg8[%swap3A_175, %swap3A_176] {strides = array<i32>} : memref<64x128xf32, #tpu.memory_space<vmem>>, vector<16xf32>,
          tpu.vector_store %arg8[%swap3A_175, %swap3A_176], %gather3A_171 {strides = array<i32>} : memref<64x128xf32, #tpu.memory_space<vmem>>, vector<16xf32>,
          %swap3A_178 = arith.index_cast %scan3A_164 : i32 to index
          %swap3A_179 = arith.constant 80 : index
          %swap3A_180 = tpu.vector_load %arg8[%swap3A_178, %swap3A_179] {strides = array<i32>} : memref<64x128xf32, #tpu.memory_space<vmem>>, vector<16xf32>,
          tpu.vector_store %arg8[%swap3A_178, %swap3A_179], %gather3A_172 {strides = array<i32>} : memref<64x128xf32, #tpu.memory_space<vmem>>, vector<16xf32>,
          %swap3A_181 = arith.index_cast %scan3A_164 : i32 to index
          %swap3A_182 = arith.constant 96 : index
          %swap3A_183 = tpu.vector_load %arg8[%swap3A_181, %swap3A_182] {strides = array<i32>} : memref<64x128xf32, #tpu.memory_space<vmem>>, vector<16xf32>,
          tpu.vector_store %arg8[%swap3A_181, %swap3A_182], %gather3A_173 {strides = array<i32>} : memref<64x128xf32, #tpu.memory_space<vmem>>, vector<16xf32>,
          %swap3A_184 = arith.index_cast %scan3A_164 : i32 to index
          %swap3A_185 = arith.constant 112 : index
          %swap3A_186 = tpu.vector_load %arg8[%swap3A_184, %swap3A_185] {strides = array<i32>} : memref<64x128xf32, #tpu.memory_space<vmem>>, vector<16xf32>,
          tpu.vector_store %arg8[%swap3A_184, %swap3A_185], %gather3A_174 {strides = array<i32>} : memref<64x128xf32, #tpu.memory_space<vmem>>, vector<16xf32>,
          %scan3A_187 = arith.constant 2 : i32
          %scan3A_188 = arith.addi %scan3A_142, %scan3A_187 : i32
          %mul3A_189 = arith.constant 2 : i32
          %mul3A_190 = arith.muli %mul3A_189, %scan3A_188 : i32
          %add3A_191 = arith.constant 1 : i32
          %add3A_192 = arith.addi %mul3A_190, %add3A_191 : i32
          %add3A_193 = vector.broadcast %add3A_192 : i32 to vector<16xi32>
          %add3A_194 = arith.addi %mul3A_124, %add3A_193 : vector<16xi32>
          %gather3A_195 = tpu.vector_load_idx %arg6[%add3A_3, %add3A_194] : memref<64x128xf32, #tpu.memory_space<vmem>>[vector<16xi32>, vector<16xi32>], vector<16xf32>,
          %gather3A_196 = tpu.vector_load_idx %arg6[%add3A_6, %add3A_194] : memref<64x128xf32, #tpu.memory_space<vmem>>[vector<16xi32>, vector<16xi32>], vector<16xf32>,
          %gather3A_197 = tpu.vector_load_idx %arg6[%add3A_9, %add3A_194] : memref<64x128xf32, #tpu.memory_space<vmem>>[vector<16xi32>, vector<16xi32>], vector<16xf32>,
          %gather3A_198 = tpu.vector_load_idx %arg6[%add3A_12, %add3A_194] : memref<64x128xf32, #tpu.memory_space<vmem>>[vector<16xi32>, vector<16xi32>], vector<16xf32>,
          %swap3A_199 = arith.index_cast %scan3A_188 : i32 to index
          %swap3A_200 = arith.constant 64 : index
          %swap3A_201 = tpu.vector_load %arg8[%swap3A_199, %swap3A_200] {strides = array<i32>} : memref<64x128xf32, #tpu.memory_space<vmem>>, vector<16xf32>,
          tpu.vector_store %arg8[%swap3A_199, %swap3A_200], %gather3A_195 {strides = array<i32>} : memref<64x128xf32, #tpu.memory_space<vmem>>, vector<16xf32>,
          %swap3A_202 = arith.index_cast %scan3A_188 : i32 to index
          %swap3A_203 = arith.constant 80 : index
          %swap3A_204 = tpu.vector_load %arg8[%swap3A_202, %swap3A_203] {strides = array<i32>} : memref<64x128xf32, #tpu.memory_space<vmem>>, vector<16xf32>,
          tpu.vector_store %arg8[%swap3A_202, %swap3A_203], %gather3A_196 {strides = array<i32>} : memref<64x128xf32, #tpu.memory_space<vmem>>, vector<16xf32>,
          %swap3A_205 = arith.index_cast %scan3A_188 : i32 to index
          %swap3A_206 = arith.constant 96 : index
          %swap3A_207 = tpu.vector_load %arg8[%swap3A_205, %swap3A_206] {strides = array<i32>} : memref<64x128xf32, #tpu.memory_space<vmem>>, vector<16xf32>,
          tpu.vector_store %arg8[%swap3A_205, %swap3A_206], %gather3A_197 {strides = array<i32>} : memref<64x128xf32, #tpu.memory_space<vmem>>, vector<16xf32>,
          %swap3A_208 = arith.index_cast %scan3A_188 : i32 to index
          %swap3A_209 = arith.constant 112 : index
          %swap3A_210 = tpu.vector_load %arg8[%swap3A_208, %swap3A_209] {strides = array<i32>} : memref<64x128xf32, #tpu.memory_space<vmem>>, vector<16xf32>,
          tpu.vector_store %arg8[%swap3A_208, %swap3A_209], %gather3A_198 {strides = array<i32>} : memref<64x128xf32, #tpu.memory_space<vmem>>, vector<16xf32>,
          %scan3A_211 = arith.constant 3 : i32
          %scan3A_212 = arith.addi %scan3A_142, %scan3A_211 : i32
          %mul3A_213 = arith.constant 2 : i32
          %mul3A_214 = arith.muli %mul3A_213, %scan3A_212 : i32
          %add3A_215 = arith.constant 1 : i32
          %add3A_216 = arith.addi %mul3A_214, %add3A_215 : i32
          %add3A_217 = vector.broadcast %add3A_216 : i32 to vector<16xi32>
          %add3A_218 = arith.addi %mul3A_124, %add3A_217 : vector<16xi32>
          %gather3A_219 = tpu.vector_load_idx %arg6[%add3A_3, %add3A_218] : memref<64x128xf32, #tpu.memory_space<vmem>>[vector<16xi32>, vector<16xi32>], vector<16xf32>,
          %gather3A_220 = tpu.vector_load_idx %arg6[%add3A_6, %add3A_218] : memref<64x128xf32, #tpu.memory_space<vmem>>[vector<16xi32>, vector<16xi32>], vector<16xf32>,
          %gather3A_221 = tpu.vector_load_idx %arg6[%add3A_9, %add3A_218] : memref<64x128xf32, #tpu.memory_space<vmem>>[vector<16xi32>, vector<16xi32>], vector<16xf32>,
          %gather3A_222 = tpu.vector_load_idx %arg6[%add3A_12, %add3A_218] : memref<64x128xf32, #tpu.memory_space<vmem>>[vector<16xi32>, vector<16xi32>], vector<16xf32>,
          %swap3A_223 = arith.index_cast %scan3A_212 : i32 to index
          %swap3A_224 = arith.constant 64 : index
          %swap3A_225 = tpu.vector_load %arg8[%swap3A_223, %swap3A_224] {strides = array<i32>} : memref<64x128xf32, #tpu.memory_space<vmem>>, vector<16xf32>,
          tpu.vector_store %arg8[%swap3A_223, %swap3A_224], %gather3A_219 {strides = array<i32>} : memref<64x128xf32, #tpu.memory_space<vmem>>, vector<16xf32>,
          %swap3A_226 = arith.index_cast %scan3A_212 : i32 to index
          %swap3A_227 = arith.constant 80 : index
          %swap3A_228 = tpu.vector_load %arg8[%swap3A_226, %swap3A_227] {strides = array<i32>} : memref<64x128xf32, #tpu.memory_space<vmem>>, vector<16xf32>,
          tpu.vector_store %arg8[%swap3A_226, %swap3A_227], %gather3A_220 {strides = array<i32>} : memref<64x128xf32, #tpu.memory_space<vmem>>, vector<16xf32>,
          %swap3A_229 = arith.index_cast %scan3A_212 : i32 to index
          %swap3A_230 = arith.constant 96 : index
          %swap3A_231 = tpu.vector_load %arg8[%swap3A_229, %swap3A_230] {strides = array<i32>} : memref<64x128xf32, #tpu.memory_space<vmem>>, vector<16xf32>,
          tpu.vector_store %arg8[%swap3A_229, %swap3A_230], %gather3A_221 {strides = array<i32>} : memref<64x128xf32, #tpu.memory_space<vmem>>, vector<16xf32>,
          %swap3A_232 = arith.index_cast %scan3A_212 : i32 to index
          %swap3A_233 = arith.constant 112 : index
          %swap3A_234 = tpu.vector_load %arg8[%swap3A_232, %swap3A_233] {strides = array<i32>} : memref<64x128xf32, #tpu.memory_space<vmem>>, vector<16xf32>,
          tpu.vector_store %arg8[%swap3A_232, %swap3A_233], %gather3A_222 {strides = array<i32>} : memref<64x128xf32, #tpu.memory_space<vmem>>, vector<16xf32>,
        }
        %scan3A_136 = arith.constant 64 : i32
        %mul3A_137 = arith.constant 64 : i32
        %mul3A_138 = arith.muli %add3A_96, %mul3A_137 : i32
        %dma_start3A = arith.constant 0 : i32
        %dma_start3A_139 = tpu.memref_slice %arg4[%mul3A_138, %dma_start3A] : memref<500000x128xf32, #tpu.memory_space<hbm>> -> memref<64x128xf32, #tpu.memory_space<hbm>>
        %dma_start3A_140 = arith.constant 0 : i32
        %dma_start3A_141 = tpu.memref_slice %arg4[%mul3A_138, %dma_start3A_140] : memref<500000x128xf32, #tpu.memory_space<hbm>> -> memref<64x128xf32, #tpu.memory_space<hbm>>
        tpu.enqueue_dma source(%arg8 : memref<64x128xf32, #tpu.memory_space<vmem>>) target(%dma_start3A_141 : memref<64x128xf32, #tpu.memory_space<hbm>>) target_semaphore(%arg11 : memref<!tpu.dma_semaphore, #tpu.memory_space<semaphore_mem>>)
      } else {
      }
      %add3A_102 = arith.constant 2 : i32
      %add3A_103 = arith.addi %add3A_93, %add3A_102 : i32
      %mul3A_104 = arith.constant 32 : i32
      %mul3A_105 = arith.muli %add3A_103, %mul3A_104 : i32
      %add3A_106 = arith.addi %add3A, %mul3A_105 : i32
      %lt3A_107 = arith.constant 7812 : i32
      %lt3A_108 = arith.cmpi slt, %add3A_106, %lt3A_107 : i32
      %convert_element_type3A_109 = arith.extui %lt3A_108 : i1 to i32
      %cond3A_110 = arith.constant 0 : i32
      %cond3A_111 = arith.cmpi ne, %convert_element_type3A_109, %cond3A_110 : i32
      scf.if %cond3A_111 {
        %mul3A_112 = arith.constant 128 : i32
        %mul3A_113 = arith.muli %add3A_106, %mul3A_112 : i32
        %dma_start3A = arith.constant 0 : i32
        %dma_start3A_114 = tpu.memref_slice %arg2[%dma_start3A, %mul3A_113] : memref<64x1000000xf32, #tpu.memory_space<hbm>> -> memref<64x128xf32, #tpu.memory_space<hbm>>
        %dma_start3A_115 = arith.constant 0 : i32
        %dma_start3A_116 = tpu.memref_slice %arg2[%dma_start3A_115, %mul3A_113] : memref<64x1000000xf32, #tpu.memory_space<hbm>> -> memref<64x128xf32, #tpu.memory_space<hbm>>
        tpu.enqueue_dma source(%dma_start3A_116 : memref<64x128xf32, #tpu.memory_space<hbm>>) target(%arg6 : memref<64x128xf32, #tpu.memory_space<vmem>>) target_semaphore(%arg10 : memref<!tpu.dma_semaphore, #tpu.memory_space<semaphore_mem>>)
      } else {
      }
    }
    %scan3A_28 = arith.constant 123 : i32
    %add3A_29 = arith.constant 7744 : i32
    %add3A_30 = arith.addi %add3A, %add3A_29 : i32
    %lt3A_31 = arith.constant 7812 : i32
    %lt3A_32 = arith.cmpi slt, %add3A_30, %lt3A_31 : i32
    %add3A_33 = arith.constant 64 : i32
    %add3A_34 = arith.addi %add3A_30, %add3A_33 : i32
    %ge3A = arith.constant 7812 : i32
    %ge3A_35 = arith.cmpi sge, %add3A_34, %ge3A : i32
    %and3A = arith.andi %lt3A_32, %ge3A_35 : i1
    %convert_element_type3A_36 = arith.extui %and3A : i1 to i32
    %cond3A_37 = arith.constant 0 : i32
    %cond3A_38 = arith.cmpi ne, %convert_element_type3A_36, %cond3A_37 : i32
    scf.if %cond3A_38 {
      %mul3A_67 = arith.constant 64 : i32
      %mul3A_68 = arith.muli %add3A_30, %mul3A_67 : i32
      %dma_wait3A = arith.constant 0 : i32
      %dma_wait3A_69 = tpu.memref_slice %arg4[%mul3A_68, %dma_wait3A] : memref<500000x128xf32, #tpu.memory_space<hbm>> -> memref<64x128xf32, #tpu.memory_space<hbm>>
      %dma_wait3A_70 = arith.constant 0 : i32
      %dma_wait3A_71 = tpu.memref_slice %arg4[%mul3A_68, %dma_wait3A_70] : memref<500000x128xf32, #tpu.memory_space<hbm>> -> memref<64x128xf32, #tpu.memory_space<hbm>>
      tpu.wait_dma2 semaphore(%arg11 : memref<!tpu.dma_semaphore, #tpu.memory_space<semaphore_mem>>) src(%arg7 : memref<64x128xf32, #tpu.memory_space<vmem>>) dst(%dma_wait3A_71 : memref<64x128xf32, #tpu.memory_space<hbm>>)
    } else {
    }
    %add3A_39 = arith.constant 7776 : i32
    %add3A_40 = arith.addi %add3A, %add3A_39 : i32
    %lt3A_41 = arith.constant 7812 : i32
    %lt3A_42 = arith.cmpi slt, %add3A_40, %lt3A_41 : i32
    %add3A_43 = arith.constant 64 : i32
    %add3A_44 = arith.addi %add3A_40, %add3A_43 : i32
    %ge3A_45 = arith.constant 7812 : i32
    %ge3A_46 = arith.cmpi sge, %add3A_44, %ge3A_45 : i32
    %and3A_47 = arith.andi %lt3A_42, %ge3A_46 : i1
    %convert_element_type3A_48 = arith.extui %and3A_47 : i1 to i32
    %cond3A_49 = arith.constant 0 : i32
    %cond3A_50 = arith.cmpi ne, %convert_element_type3A_48, %cond3A_49 : i32
    scf.if %cond3A_50 {
      %mul3A_67 = arith.constant 64 : i32
      %mul3A_68 = arith.muli %add3A_40, %mul3A_67 : i32
      %dma_wait3A = arith.constant 0 : i32
      %dma_wait3A_69 = tpu.memref_slice %arg4[%mul3A_68, %dma_wait3A] : memref<500000x128xf32, #tpu.memory_space<hbm>> -> memref<64x128xf32, #tpu.memory_space<hbm>>
      %dma_wait3A_70 = arith.constant 0 : i32
      %dma_wait3A_71 = tpu.memref_slice %arg4[%mul3A_68, %dma_wait3A_70] : memref<500000x128xf32, #tpu.memory_space<hbm>> -> memref<64x128xf32, #tpu.memory_space<hbm>>
      tpu.wait_dma2 semaphore(%arg11 : memref<!tpu.dma_semaphore, #tpu.memory_space<semaphore_mem>>) src(%arg8 : memref<64x128xf32, #tpu.memory_space<vmem>>) dst(%dma_wait3A_71 : memref<64x128xf32, #tpu.memory_space<hbm>>)
    } else {
    }
    %add3A_51 = arith.constant 7808 : i32
    %add3A_52 = arith.addi %add3A, %add3A_51 : i32
    %lt3A_53 = arith.constant 7812 : i32
    %lt3A_54 = arith.cmpi slt, %add3A_52, %lt3A_53 : i32
    %add3A_55 = arith.constant 64 : i32
    %add3A_56 = arith.addi %add3A_52, %add3A_55 : i32
    %ge3A_57 = arith.constant 7812 : i32
    %ge3A_58 = arith.cmpi sge, %add3A_56, %ge3A_57 : i32
    %and3A_59 = arith.andi %lt3A_54, %ge3A_58 : i1
    %convert_element_type3A_60 = arith.extui %and3A_59 : i1 to i32
    %cond3A_61 = arith.constant 0 : i32
    %cond3A_62 = arith.cmpi ne, %convert_element_type3A_60, %cond3A_61 : i32
    scf.if %cond3A_62 {
      %mul3A_67 = arith.constant 64 : i32
      %mul3A_68 = arith.muli %add3A_52, %mul3A_67 : i32
      %dma_wait3A = arith.constant 0 : i32
      %dma_wait3A_69 = tpu.memref_slice %arg4[%mul3A_68, %dma_wait3A] : memref<500000x128xf32, #tpu.memory_space<hbm>> -> memref<64x128xf32, #tpu.memory_space<hbm>>
      %dma_wait3A_70 = arith.constant 0 : i32
      %dma_wait3A_71 = tpu.memref_slice %arg4[%mul3A_68, %dma_wait3A_70] : memref<500000x128xf32, #tpu.memory_space<hbm>> -> memref<64x128xf32, #tpu.memory_space<hbm>>
      tpu.wait_dma2 semaphore(%arg11 : memref<!tpu.dma_semaphore, #tpu.memory_space<semaphore_mem>>) src(%arg7 : memref<64x128xf32, #tpu.memory_space<vmem>>) dst(%dma_wait3A_71 : memref<64x128xf32, #tpu.memory_space<hbm>>)
    } else {
    }
    %eq3A = arith.constant 4 : i32
    %eq3A_63 = arith.cmpi eq, %add3A, %eq3A : i32
    %convert_element_type3A_64 = arith.extui %eq3A_63 : i1 to i32
    %cond3A_65 = arith.constant 0 : i32
    %cond3A_66 = arith.cmpi ne, %convert_element_type3A_64, %cond3A_65 : i32
    scf.if %cond3A_66 {
      "tpu.region"() ({
        %run_scoped3A = tpu.sem_alloc : memref<!tpu.dma_semaphore, #tpu.memory_space<semaphore_mem>>
        tpu.enqueue_dma source(%arg3 : memref<64x64xf32, #tpu.memory_space<hbm>>) target(%arg9 : memref<64x64xf32, #tpu.memory_space<vmem>>) target_semaphore(%run_scoped3A : memref<!tpu.dma_semaphore, #tpu.memory_space<semaphore_mem>>)
        tpu.wait_dma2 semaphore(%run_scoped3A : memref<!tpu.dma_semaphore, #tpu.memory_space<semaphore_mem>>) src(%arg3 : memref<64x64xf32, #tpu.memory_space<hbm>>) dst(%arg9 : memref<64x64xf32, #tpu.memory_space<vmem>>)
        tpu.yield
      }) : () -> ()
      %scan3A_67 = arith.constant 0 : i32
      %scan3A_68 = arith.constant 0 : i32
      %scan3A_69 = arith.constant 32 : i32
      %scan3A_70 = arith.addi %scan3A_68, %scan3A_69 : i32
      %scan3A_71 = arith.constant 1 : i32
      scf.for %scan3A_73 = %scan3A_68 to %scan3A_70 step %scan3A_71  : i32 {
        %mul3A_74 = arith.constant 2 : i32
        %mul3A_75 = arith.muli %mul3A_74, %scan3A_73 : i32
        %add3A_76 = arith.constant 0 : i32
        %add3A_77 = arith.addi %mul3A_75, %add3A_76 : i32
        %get3A = arith.index_cast %add3A_77 : i32 to index
        %get3A_78 = arith.constant 0 : index
        %get3A_79 = tpu.vector_load %arg9[%get3A, %get3A_78] {strides = array<i32>} : memref<64x64xf32, #tpu.memory_space<vmem>>, vector<16xf32>,
        %swap3A = arith.index_cast %scan3A_73 : i32 to index
        %swap3A_80 = arith.constant 0 : index
        %swap3A_81 = tpu.vector_load %arg7[%swap3A, %swap3A_80] {strides = array<i32>} : memref<64x128xf32, #tpu.memory_space<vmem>>, vector<16xf32>,
        tpu.vector_store %arg7[%swap3A, %swap3A_80], %get3A_79 {strides = array<i32>} : memref<64x128xf32, #tpu.memory_space<vmem>>, vector<16xf32>,
        %get3A_82 = arith.index_cast %add3A_77 : i32 to index
        %get3A_83 = arith.constant 16 : index
        %get3A_84 = tpu.vector_load %arg9[%get3A_82, %get3A_83] {strides = array<i32>} : memref<64x64xf32, #tpu.memory_space<vmem>>, vector<16xf32>,
        %swap3A_85 = arith.index_cast %scan3A_73 : i32 to index
        %swap3A_86 = arith.constant 16 : index
        %swap3A_87 = tpu.vector_load %arg7[%swap3A_85, %swap3A_86] {strides = array<i32>} : memref<64x128xf32, #tpu.memory_space<vmem>>, vector<16xf32>,
        tpu.vector_store %arg7[%swap3A_85, %swap3A_86], %get3A_84 {strides = array<i32>} : memref<64x128xf32, #tpu.memory_space<vmem>>, vector<16xf32>,
        %get3A_88 = arith.index_cast %add3A_77 : i32 to index
        %get3A_89 = arith.constant 32 : index
        %get3A_90 = tpu.vector_load %arg9[%get3A_88, %get3A_89] {strides = array<i32>} : memref<64x64xf32, #tpu.memory_space<vmem>>, vector<16xf32>,
        %swap3A_91 = arith.index_cast %scan3A_73 : i32 to index
        %swap3A_92 = arith.constant 32 : index
        %swap3A_93 = tpu.vector_load %arg7[%swap3A_91, %swap3A_92] {strides = array<i32>} : memref<64x128xf32, #tpu.memory_space<vmem>>, vector<16xf32>,
        tpu.vector_store %arg7[%swap3A_91, %swap3A_92], %get3A_90 {strides = array<i32>} : memref<64x128xf32, #tpu.memory_space<vmem>>, vector<16xf32>,
        %get3A_94 = arith.index_cast %add3A_77 : i32 to index
        %get3A_95 = arith.constant 48 : index
        %get3A_96 = tpu.vector_load %arg9[%get3A_94, %get3A_95] {strides = array<i32>} : memref<64x64xf32, #tpu.memory_space<vmem>>, vector<16xf32>,
        %swap3A_97 = arith.index_cast %scan3A_73 : i32 to index
        %swap3A_98 = arith.constant 48 : index
        %swap3A_99 = tpu.vector_load %arg7[%swap3A_97, %swap3A_98] {strides = array<i32>} : memref<64x128xf32, #tpu.memory_space<vmem>>, vector<16xf32>,
        tpu.vector_store %arg7[%swap3A_97, %swap3A_98], %get3A_96 {strides = array<i32>} : memref<64x128xf32, #tpu.memory_space<vmem>>, vector<16xf32>,
        %mul3A_100 = arith.constant 2 : i32
        %mul3A_101 = arith.muli %mul3A_100, %scan3A_73 : i32
        %add3A_102 = arith.constant 1 : i32
        %add3A_103 = arith.addi %mul3A_101, %add3A_102 : i32
        %get3A_104 = arith.index_cast %add3A_103 : i32 to index
        %get3A_105 = arith.constant 0 : index
        %get3A_106 = tpu.vector_load %arg9[%get3A_104, %get3A_105] {strides = array<i32>} : memref<64x64xf32, #tpu.memory_space<vmem>>, vector<16xf32>,
        %swap3A_107 = arith.index_cast %scan3A_73 : i32 to index
        %swap3A_108 = arith.constant 64 : index
        %swap3A_109 = tpu.vector_load %arg7[%swap3A_107, %swap3A_108] {strides = array<i32>} : memref<64x128xf32, #tpu.memory_space<vmem>>, vector<16xf32>,
        tpu.vector_store %arg7[%swap3A_107, %swap3A_108], %get3A_106 {strides = array<i32>} : memref<64x128xf32, #tpu.memory_space<vmem>>, vector<16xf32>,
        %get3A_110 = arith.index_cast %add3A_103 : i32 to index
        %get3A_111 = arith.constant 16 : index
        %get3A_112 = tpu.vector_load %arg9[%get3A_110, %get3A_111] {strides = array<i32>} : memref<64x64xf32, #tpu.memory_space<vmem>>, vector<16xf32>,
        %swap3A_113 = arith.index_cast %scan3A_73 : i32 to index
        %swap3A_114 = arith.constant 80 : index
        %swap3A_115 = tpu.vector_load %arg7[%swap3A_113, %swap3A_114] {strides = array<i32>} : memref<64x128xf32, #tpu.memory_space<vmem>>, vector<16xf32>,
        tpu.vector_store %arg7[%swap3A_113, %swap3A_114], %get3A_112 {strides = array<i32>} : memref<64x128xf32, #tpu.memory_space<vmem>>, vector<16xf32>,
        %get3A_116 = arith.index_cast %add3A_103 : i32 to index
        %get3A_117 = arith.constant 32 : index
        %get3A_118 = tpu.vector_load %arg9[%get3A_116, %get3A_117] {strides = array<i32>} : memref<64x64xf32, #tpu.memory_space<vmem>>, vector<16xf32>,
        %swap3A_119 = arith.index_cast %scan3A_73 : i32 to index
        %swap3A_120 = arith.constant 96 : index
        %swap3A_121 = tpu.vector_load %arg7[%swap3A_119, %swap3A_120] {strides = array<i32>} : memref<64x128xf32, #tpu.memory_space<vmem>>, vector<16xf32>,
        tpu.vector_store %arg7[%swap3A_119, %swap3A_120], %get3A_118 {strides = array<i32>} : memref<64x128xf32, #tpu.memory_space<vmem>>, vector<16xf32>,
        %get3A_122 = arith.index_cast %add3A_103 : i32 to index
        %get3A_123 = arith.constant 48 : index
        %get3A_124 = tpu.vector_load %arg9[%get3A_122, %get3A_123] {strides = array<i32>} : memref<64x64xf32, #tpu.memory_space<vmem>>, vector<16xf32>,
        %swap3A_125 = arith.index_cast %scan3A_73 : i32 to index
        %swap3A_126 = arith.constant 112 : index
        %swap3A_127 = tpu.vector_load %arg7[%swap3A_125, %swap3A_126] {strides = array<i32>} : memref<64x128xf32, #tpu.memory_space<vmem>>, vector<16xf32>,
        tpu.vector_store %arg7[%swap3A_125, %swap3A_126], %get3A_124 {strides = array<i32>} : memref<64x128xf32, #tpu.memory_space<vmem>>, vector<16xf32>,
      }
      %scan3A_72 = arith.constant 32 : i32
      "tpu.region"() ({
        %run_scoped3A = tpu.sem_alloc : memref<!tpu.dma_semaphore, #tpu.memory_space<semaphore_mem>>
        %dma_start3A = arith.constant 0 : i32
        %dma_start3A_73 = arith.constant 0 : i32
        %dma_start3A_74 = tpu.memref_slice %arg7[%dma_start3A, %dma_start3A_73] : memref<64x128xf32, #tpu.memory_space<vmem>> -> memref<32x128xf32, #tpu.memory_space<vmem>>
        %dma_start3A_75 = arith.constant 499968 : i32
        %dma_start3A_76 = arith.constant 0 : i32
        %dma_start3A_77 = tpu.memref_slice %arg4[%dma_start3A_75, %dma_start3A_76] : memref<500000x128xf32, #tpu.memory_space<hbm>> -> memref<32x128xf32, #tpu.memory_space<hbm>>
        %dma_start3A_78 = arith.constant 499968 : i32
        %dma_start3A_79 = arith.constant 0 : i32
        %dma_start3A_80 = tpu.memref_slice %arg4[%dma_start3A_78, %dma_start3A_79] : memref<500000x128xf32, #tpu.memory_space<hbm>> -> memref<32x128xf32, #tpu.memory_space<hbm>>
        %dma_start3A_81 = arith.constant 0 : i32
        %dma_start3A_82 = arith.constant 0 : i32
        %dma_start3A_83 = tpu.memref_slice %arg7[%dma_start3A_81, %dma_start3A_82] : memref<64x128xf32, #tpu.memory_space<vmem>> -> memref<32x128xf32, #tpu.memory_space<vmem>>
        tpu.enqueue_dma source(%dma_start3A_83 : memref<32x128xf32, #tpu.memory_space<vmem>>) target(%dma_start3A_80 : memref<32x128xf32, #tpu.memory_space<hbm>>) target_semaphore(%run_scoped3A : memref<!tpu.dma_semaphore, #tpu.memory_space<semaphore_mem>>)
        %dma_wait3A = arith.constant 0 : i32
        %dma_wait3A_84 = arith.constant 0 : i32
        %dma_wait3A_85 = tpu.memref_slice %arg7[%dma_wait3A, %dma_wait3A_84] : memref<64x128xf32, #tpu.memory_space<vmem>> -> memref<32x128xf32, #tpu.memory_space<vmem>>
        %dma_wait3A_86 = arith.constant 499968 : i32
        %dma_wait3A_87 = arith.constant 0 : i32
        %dma_wait3A_88 = tpu.memref_slice %arg4[%dma_wait3A_86, %dma_wait3A_87] : memref<500000x128xf32, #tpu.memory_space<hbm>> -> memref<32x128xf32, #tpu.memory_space<hbm>>
        %dma_wait3A_89 = arith.constant 499968 : i32
        %dma_wait3A_90 = arith.constant 0 : i32
        %dma_wait3A_91 = tpu.memref_slice %arg4[%dma_wait3A_89, %dma_wait3A_90] : memref<500000x128xf32, #tpu.memory_space<hbm>> -> memref<32x128xf32, #tpu.memory_space<hbm>>
        %dma_wait3A_92 = arith.constant 0 : i32
        %dma_wait3A_93 = arith.constant 0 : i32
        %dma_wait3A_94 = tpu.memref_slice %arg7[%dma_wait3A_92, %dma_wait3A_93] : memref<64x128xf32, #tpu.memory_space<vmem>> -> memref<32x128xf32, #tpu.memory_space<vmem>>
        tpu.wait_dma2 semaphore(%run_scoped3A : memref<!tpu.dma_semaphore, #tpu.memory_space<semaphore_mem>>) src(%dma_wait3A_94 : memref<32x128xf32, #tpu.memory_space<vmem>>) dst(%dma_wait3A_91 : memref<32x128xf32, #tpu.memory_space<hbm>>)
        tpu.yield
      }) : () -> ()
    } else {
    }
    return
  }
}

#map = affine_map<(d0, d1) -> (0, 0)>
#map1 = affine_map<(d0, d1) -> (0, 0, 0)>
module attributes {stable_mosaic.version = 14 : i64} {
  func.func @_gather_kernel(%arg0: i32, %arg1: i32, %arg2: memref<200x4096xi32, #tpu.memory_space<hbm>>, %arg3: memref<500000x128xf32, #tpu.memory_space<hbm>>, %arg4: memref<64x200xf32, #tpu.memory_space<hbm>>, %arg5: memref<200x64x4096xf32, #tpu.memory_space<hbm>>, %arg6: memref<200x128xi32, #tpu.memory_space<vmem>>, %arg7: memref<64x200xf32, #tpu.memory_space<vmem>>, %arg8: memref<128xi32, #tpu.memory_space<vmem>>, %arg9: memref<128xi32, #tpu.memory_space<vmem>>, %arg10: memref<128xi32, #tpu.memory_space<vmem>>, %arg11: memref<128x128xf32, #tpu.memory_space<vmem>>, %arg12: memref<128x128xf32, #tpu.memory_space<vmem>>, %arg13: memref<128x128xf32, #tpu.memory_space<vmem>>, %arg14: memref<64x128xf32, #tpu.memory_space<vmem>>, %arg15: memref<64x128xf32, #tpu.memory_space<vmem>>, %arg16: memref<64x128xf32, #tpu.memory_space<vmem>>, %arg17: memref<!tpu.dma_semaphore, #tpu.memory_space<semaphore_mem>>, %arg18: memref<!tpu.dma_semaphore, #tpu.memory_space<semaphore_mem>>) attributes {dimension_semantics = [#tpu.dimension_semantics<core_parallel>, #tpu.dimension_semantics<subcore_parallel>], iteration_bounds = array<i64: 2, 16>, scalar_prefetch = 0 : i64, scratch_operands = 13 : i64, tpu.core_type = #tpu.core_type<sc_vector_subcore>, window_params = [{transform_indices = #map}, {transform_indices = #map}, {transform_indices = #map}, {transform_indices = #map1}]} {
    %mul3A = arith.constant 2 : i32
    %mul3A_0 = arith.muli %arg1, %mul3A : i32
    %add3A = arith.addi %mul3A_0, %arg0 : i32
    %mul3A_1 = arith.constant 128 : i32
    %mul3A_2 = arith.muli %add3A, %mul3A_1 : i32
    "tpu.region"() ({
      %run_scoped3A = tpu.sem_alloc : memref<!tpu.dma_semaphore, #tpu.memory_space<semaphore_mem>>
      %dma_start3A_273 = arith.constant 0 : i32
      %dma_start3A_274 = tpu.memref_slice %arg2[%dma_start3A_273, %mul3A_2] : memref<200x4096xi32, #tpu.memory_space<hbm>> -> memref<200x128xi32, #tpu.memory_space<hbm>>
      %dma_start3A_275 = arith.constant 0 : i32
      %dma_start3A_276 = tpu.memref_slice %arg2[%dma_start3A_275, %mul3A_2] : memref<200x4096xi32, #tpu.memory_space<hbm>> -> memref<200x128xi32, #tpu.memory_space<hbm>>
      tpu.enqueue_dma source(%dma_start3A_276 : memref<200x128xi32, #tpu.memory_space<hbm>>) target(%arg6 : memref<200x128xi32, #tpu.memory_space<vmem>>) target_semaphore(%run_scoped3A : memref<!tpu.dma_semaphore, #tpu.memory_space<semaphore_mem>>)
      %dma_wait3A_277 = arith.constant 0 : i32
      %dma_wait3A_278 = tpu.memref_slice %arg2[%dma_wait3A_277, %mul3A_2] : memref<200x4096xi32, #tpu.memory_space<hbm>> -> memref<200x128xi32, #tpu.memory_space<hbm>>
      %dma_wait3A_279 = arith.constant 0 : i32
      %dma_wait3A_280 = tpu.memref_slice %arg2[%dma_wait3A_279, %mul3A_2] : memref<200x4096xi32, #tpu.memory_space<hbm>> -> memref<200x128xi32, #tpu.memory_space<hbm>>
      tpu.wait_dma2 semaphore(%run_scoped3A : memref<!tpu.dma_semaphore, #tpu.memory_space<semaphore_mem>>) src(%dma_wait3A_280 : memref<200x128xi32, #tpu.memory_space<hbm>>) dst(%arg6 : memref<200x128xi32, #tpu.memory_space<vmem>>)
      tpu.yield
    }) : () -> ()
    "tpu.region"() ({
      %run_scoped3A = tpu.sem_alloc : memref<!tpu.dma_semaphore, #tpu.memory_space<semaphore_mem>>
      tpu.enqueue_dma source(%arg4 : memref<64x200xf32, #tpu.memory_space<hbm>>) target(%arg7 : memref<64x200xf32, #tpu.memory_space<vmem>>) target_semaphore(%run_scoped3A : memref<!tpu.dma_semaphore, #tpu.memory_space<semaphore_mem>>)
      tpu.wait_dma2 semaphore(%run_scoped3A : memref<!tpu.dma_semaphore, #tpu.memory_space<semaphore_mem>>) src(%arg4 : memref<64x200xf32, #tpu.memory_space<hbm>>) dst(%arg7 : memref<64x200xf32, #tpu.memory_space<vmem>>)
      tpu.yield
    }) : () -> ()
    %iota3A = tpu.iota {dimensions = array<i32: 0>} : vector<16xi32>
    %add3A_3 = arith.constant 0 : i32
    %add3A_4 = vector.broadcast %add3A_3 : i32 to vector<16xi32>
    %add3A_5 = arith.addi %iota3A, %add3A_4 : vector<16xi32>
    %add3A_6 = arith.constant 16 : i32
    %add3A_7 = vector.broadcast %add3A_6 : i32 to vector<16xi32>
    %add3A_8 = arith.addi %iota3A, %add3A_7 : vector<16xi32>
    %add3A_9 = arith.constant 32 : i32
    %add3A_10 = vector.broadcast %add3A_9 : i32 to vector<16xi32>
    %add3A_11 = arith.addi %iota3A, %add3A_10 : vector<16xi32>
    %add3A_12 = arith.constant 48 : i32
    %add3A_13 = vector.broadcast %add3A_12 : i32 to vector<16xi32>
    %add3A_14 = arith.addi %iota3A, %add3A_13 : vector<16xi32>
    %add3A_15 = arith.constant 64 : i32
    %add3A_16 = vector.broadcast %add3A_15 : i32 to vector<16xi32>
    %add3A_17 = arith.addi %iota3A, %add3A_16 : vector<16xi32>
    %add3A_18 = arith.constant 80 : i32
    %add3A_19 = vector.broadcast %add3A_18 : i32 to vector<16xi32>
    %add3A_20 = arith.addi %iota3A, %add3A_19 : vector<16xi32>
    %add3A_21 = arith.constant 96 : i32
    %add3A_22 = vector.broadcast %add3A_21 : i32 to vector<16xi32>
    %add3A_23 = arith.addi %iota3A, %add3A_22 : vector<16xi32>
    %add3A_24 = arith.constant 112 : i32
    %add3A_25 = vector.broadcast %add3A_24 : i32 to vector<16xi32>
    %add3A_26 = arith.addi %iota3A, %add3A_25 : vector<16xi32>
    %get3A = arith.constant 0 : i32
    %get3A_27 = arith.index_cast %get3A : i32 to index
    %get3A_28 = arith.constant 0 : index
    %get3A_29 = tpu.vector_load %arg6[%get3A_27, %get3A_28] {strides = array<i32>} : memref<200x128xi32, #tpu.memory_space<vmem>>, vector<16xi32>,
    %shift_right_logical3A = arith.constant 1 : i32
    %shift_right_logical3A_30 = vector.broadcast %shift_right_logical3A : i32 to vector<16xi32>
    %shift_right_logical3A_31 = arith.shrui %get3A_29, %shift_right_logical3A_30 : vector<16xi32>
    %swap3A = arith.constant 0 : index
    %swap3A_32 = tpu.vector_load %arg8[%swap3A] {strides = array<i32>} : memref<128xi32, #tpu.memory_space<vmem>>, vector<16xi32>,
    tpu.vector_store %arg8[%swap3A], %shift_right_logical3A_31 {strides = array<i32>} : memref<128xi32, #tpu.memory_space<vmem>>, vector<16xi32>,
    %get3A_33 = arith.constant 0 : i32
    %get3A_34 = arith.index_cast %get3A_33 : i32 to index
    %get3A_35 = arith.constant 16 : index
    %get3A_36 = tpu.vector_load %arg6[%get3A_34, %get3A_35] {strides = array<i32>} : memref<200x128xi32, #tpu.memory_space<vmem>>, vector<16xi32>,
    %shift_right_logical3A_37 = arith.constant 1 : i32
    %shift_right_logical3A_38 = vector.broadcast %shift_right_logical3A_37 : i32 to vector<16xi32>
    %shift_right_logical3A_39 = arith.shrui %get3A_36, %shift_right_logical3A_38 : vector<16xi32>
    %swap3A_40 = arith.constant 16 : index
    %swap3A_41 = tpu.vector_load %arg8[%swap3A_40] {strides = array<i32>} : memref<128xi32, #tpu.memory_space<vmem>>, vector<16xi32>,
    tpu.vector_store %arg8[%swap3A_40], %shift_right_logical3A_39 {strides = array<i32>} : memref<128xi32, #tpu.memory_space<vmem>>, vector<16xi32>,
    %get3A_42 = arith.constant 0 : i32
    %get3A_43 = arith.index_cast %get3A_42 : i32 to index
    %get3A_44 = arith.constant 32 : index
    %get3A_45 = tpu.vector_load %arg6[%get3A_43, %get3A_44] {strides = array<i32>} : memref<200x128xi32, #tpu.memory_space<vmem>>, vector<16xi32>,
    %shift_right_logical3A_46 = arith.constant 1 : i32
    %shift_right_logical3A_47 = vector.broadcast %shift_right_logical3A_46 : i32 to vector<16xi32>
    %shift_right_logical3A_48 = arith.shrui %get3A_45, %shift_right_logical3A_47 : vector<16xi32>
    %swap3A_49 = arith.constant 32 : index
    %swap3A_50 = tpu.vector_load %arg8[%swap3A_49] {strides = array<i32>} : memref<128xi32, #tpu.memory_space<vmem>>, vector<16xi32>,
    tpu.vector_store %arg8[%swap3A_49], %shift_right_logical3A_48 {strides = array<i32>} : memref<128xi32, #tpu.memory_space<vmem>>, vector<16xi32>,
    %get3A_51 = arith.constant 0 : i32
    %get3A_52 = arith.index_cast %get3A_51 : i32 to index
    %get3A_53 = arith.constant 48 : index
    %get3A_54 = tpu.vector_load %arg6[%get3A_52, %get3A_53] {strides = array<i32>} : memref<200x128xi32, #tpu.memory_space<vmem>>, vector<16xi32>,
    %shift_right_logical3A_55 = arith.constant 1 : i32
    %shift_right_logical3A_56 = vector.broadcast %shift_right_logical3A_55 : i32 to vector<16xi32>
    %shift_right_logical3A_57 = arith.shrui %get3A_54, %shift_right_logical3A_56 : vector<16xi32>
    %swap3A_58 = arith.constant 48 : index
    %swap3A_59 = tpu.vector_load %arg8[%swap3A_58] {strides = array<i32>} : memref<128xi32, #tpu.memory_space<vmem>>, vector<16xi32>,
    tpu.vector_store %arg8[%swap3A_58], %shift_right_logical3A_57 {strides = array<i32>} : memref<128xi32, #tpu.memory_space<vmem>>, vector<16xi32>,
    %get3A_60 = arith.constant 0 : i32
    %get3A_61 = arith.index_cast %get3A_60 : i32 to index
    %get3A_62 = arith.constant 64 : index
    %get3A_63 = tpu.vector_load %arg6[%get3A_61, %get3A_62] {strides = array<i32>} : memref<200x128xi32, #tpu.memory_space<vmem>>, vector<16xi32>,
    %shift_right_logical3A_64 = arith.constant 1 : i32
    %shift_right_logical3A_65 = vector.broadcast %shift_right_logical3A_64 : i32 to vector<16xi32>
    %shift_right_logical3A_66 = arith.shrui %get3A_63, %shift_right_logical3A_65 : vector<16xi32>
    %swap3A_67 = arith.constant 64 : index
    %swap3A_68 = tpu.vector_load %arg8[%swap3A_67] {strides = array<i32>} : memref<128xi32, #tpu.memory_space<vmem>>, vector<16xi32>,
    tpu.vector_store %arg8[%swap3A_67], %shift_right_logical3A_66 {strides = array<i32>} : memref<128xi32, #tpu.memory_space<vmem>>, vector<16xi32>,
    %get3A_69 = arith.constant 0 : i32
    %get3A_70 = arith.index_cast %get3A_69 : i32 to index
    %get3A_71 = arith.constant 80 : index
    %get3A_72 = tpu.vector_load %arg6[%get3A_70, %get3A_71] {strides = array<i32>} : memref<200x128xi32, #tpu.memory_space<vmem>>, vector<16xi32>,
    %shift_right_logical3A_73 = arith.constant 1 : i32
    %shift_right_logical3A_74 = vector.broadcast %shift_right_logical3A_73 : i32 to vector<16xi32>
    %shift_right_logical3A_75 = arith.shrui %get3A_72, %shift_right_logical3A_74 : vector<16xi32>
    %swap3A_76 = arith.constant 80 : index
    %swap3A_77 = tpu.vector_load %arg8[%swap3A_76] {strides = array<i32>} : memref<128xi32, #tpu.memory_space<vmem>>, vector<16xi32>,
    tpu.vector_store %arg8[%swap3A_76], %shift_right_logical3A_75 {strides = array<i32>} : memref<128xi32, #tpu.memory_space<vmem>>, vector<16xi32>,
    %get3A_78 = arith.constant 0 : i32
    %get3A_79 = arith.index_cast %get3A_78 : i32 to index
    %get3A_80 = arith.constant 96 : index
    %get3A_81 = tpu.vector_load %arg6[%get3A_79, %get3A_80] {strides = array<i32>} : memref<200x128xi32, #tpu.memory_space<vmem>>, vector<16xi32>,
    %shift_right_logical3A_82 = arith.constant 1 : i32
    %shift_right_logical3A_83 = vector.broadcast %shift_right_logical3A_82 : i32 to vector<16xi32>
    %shift_right_logical3A_84 = arith.shrui %get3A_81, %shift_right_logical3A_83 : vector<16xi32>
    %swap3A_85 = arith.constant 96 : index
    %swap3A_86 = tpu.vector_load %arg8[%swap3A_85] {strides = array<i32>} : memref<128xi32, #tpu.memory_space<vmem>>, vector<16xi32>,
    tpu.vector_store %arg8[%swap3A_85], %shift_right_logical3A_84 {strides = array<i32>} : memref<128xi32, #tpu.memory_space<vmem>>, vector<16xi32>,
    %get3A_87 = arith.constant 0 : i32
    %get3A_88 = arith.index_cast %get3A_87 : i32 to index
    %get3A_89 = arith.constant 112 : index
    %get3A_90 = tpu.vector_load %arg6[%get3A_88, %get3A_89] {strides = array<i32>} : memref<200x128xi32, #tpu.memory_space<vmem>>, vector<16xi32>,
    %shift_right_logical3A_91 = arith.constant 1 : i32
    %shift_right_logical3A_92 = vector.broadcast %shift_right_logical3A_91 : i32 to vector<16xi32>
    %shift_right_logical3A_93 = arith.shrui %get3A_90, %shift_right_logical3A_92 : vector<16xi32>
    %swap3A_94 = arith.constant 112 : index
    %swap3A_95 = tpu.vector_load %arg8[%swap3A_94] {strides = array<i32>} : memref<128xi32, #tpu.memory_space<vmem>>, vector<16xi32>,
    tpu.vector_store %arg8[%swap3A_94], %shift_right_logical3A_93 {strides = array<i32>} : memref<128xi32, #tpu.memory_space<vmem>>, vector<16xi32>,
    %dma_start3A = arith.constant 0 : i32
    %dma_start3A_96 = arith.constant 0 : i32
    %dma_start3A_97 = tpu.memref_slice %arg3[%dma_start3A, %dma_start3A_96] : memref<500000x128xf32, #tpu.memory_space<hbm>> -> memref<500000x128xf32, #tpu.memory_space<hbm>>
    tpu.enqueue_indirect_dma source(%dma_start3A_97 : memref<500000x128xf32, #tpu.memory_space<hbm>>) target(%arg11 : memref<128x128xf32, #tpu.memory_space<vmem>>) offsets(%arg8 : memref<128xi32, #tpu.memory_space<vmem>>) semaphore(%arg17 : memref<!tpu.dma_semaphore, #tpu.memory_space<semaphore_mem>>)
    %get3A_98 = arith.constant 1 : i32
    %get3A_99 = arith.index_cast %get3A_98 : i32 to index
    %get3A_100 = arith.constant 0 : index
    %get3A_101 = tpu.vector_load %arg6[%get3A_99, %get3A_100] {strides = array<i32>} : memref<200x128xi32, #tpu.memory_space<vmem>>, vector<16xi32>,
    %shift_right_logical3A_102 = arith.constant 1 : i32
    %shift_right_logical3A_103 = vector.broadcast %shift_right_logical3A_102 : i32 to vector<16xi32>
    %shift_right_logical3A_104 = arith.shrui %get3A_101, %shift_right_logical3A_103 : vector<16xi32>
    %swap3A_105 = arith.constant 0 : index
    %swap3A_106 = tpu.vector_load %arg9[%swap3A_105] {strides = array<i32>} : memref<128xi32, #tpu.memory_space<vmem>>, vector<16xi32>,
    tpu.vector_store %arg9[%swap3A_105], %shift_right_logical3A_104 {strides = array<i32>} : memref<128xi32, #tpu.memory_space<vmem>>, vector<16xi32>,
    %get3A_107 = arith.constant 1 : i32
    %get3A_108 = arith.index_cast %get3A_107 : i32 to index
    %get3A_109 = arith.constant 16 : index
    %get3A_110 = tpu.vector_load %arg6[%get3A_108, %get3A_109] {strides = array<i32>} : memref<200x128xi32, #tpu.memory_space<vmem>>, vector<16xi32>,
    %shift_right_logical3A_111 = arith.constant 1 : i32
    %shift_right_logical3A_112 = vector.broadcast %shift_right_logical3A_111 : i32 to vector<16xi32>
    %shift_right_logical3A_113 = arith.shrui %get3A_110, %shift_right_logical3A_112 : vector<16xi32>
    %swap3A_114 = arith.constant 16 : index
    %swap3A_115 = tpu.vector_load %arg9[%swap3A_114] {strides = array<i32>} : memref<128xi32, #tpu.memory_space<vmem>>, vector<16xi32>,
    tpu.vector_store %arg9[%swap3A_114], %shift_right_logical3A_113 {strides = array<i32>} : memref<128xi32, #tpu.memory_space<vmem>>, vector<16xi32>,
    %get3A_116 = arith.constant 1 : i32
    %get3A_117 = arith.index_cast %get3A_116 : i32 to index
    %get3A_118 = arith.constant 32 : index
    %get3A_119 = tpu.vector_load %arg6[%get3A_117, %get3A_118] {strides = array<i32>} : memref<200x128xi32, #tpu.memory_space<vmem>>, vector<16xi32>,
    %shift_right_logical3A_120 = arith.constant 1 : i32
    %shift_right_logical3A_121 = vector.broadcast %shift_right_logical3A_120 : i32 to vector<16xi32>
    %shift_right_logical3A_122 = arith.shrui %get3A_119, %shift_right_logical3A_121 : vector<16xi32>
    %swap3A_123 = arith.constant 32 : index
    %swap3A_124 = tpu.vector_load %arg9[%swap3A_123] {strides = array<i32>} : memref<128xi32, #tpu.memory_space<vmem>>, vector<16xi32>,
    tpu.vector_store %arg9[%swap3A_123], %shift_right_logical3A_122 {strides = array<i32>} : memref<128xi32, #tpu.memory_space<vmem>>, vector<16xi32>,
    %get3A_125 = arith.constant 1 : i32
    %get3A_126 = arith.index_cast %get3A_125 : i32 to index
    %get3A_127 = arith.constant 48 : index
    %get3A_128 = tpu.vector_load %arg6[%get3A_126, %get3A_127] {strides = array<i32>} : memref<200x128xi32, #tpu.memory_space<vmem>>, vector<16xi32>,
    %shift_right_logical3A_129 = arith.constant 1 : i32
    %shift_right_logical3A_130 = vector.broadcast %shift_right_logical3A_129 : i32 to vector<16xi32>
    %shift_right_logical3A_131 = arith.shrui %get3A_128, %shift_right_logical3A_130 : vector<16xi32>
    %swap3A_132 = arith.constant 48 : index
    %swap3A_133 = tpu.vector_load %arg9[%swap3A_132] {strides = array<i32>} : memref<128xi32, #tpu.memory_space<vmem>>, vector<16xi32>,
    tpu.vector_store %arg9[%swap3A_132], %shift_right_logical3A_131 {strides = array<i32>} : memref<128xi32, #tpu.memory_space<vmem>>, vector<16xi32>,
    %get3A_134 = arith.constant 1 : i32
    %get3A_135 = arith.index_cast %get3A_134 : i32 to index
    %get3A_136 = arith.constant 64 : index
    %get3A_137 = tpu.vector_load %arg6[%get3A_135, %get3A_136] {strides = array<i32>} : memref<200x128xi32, #tpu.memory_space<vmem>>, vector<16xi32>,
    %shift_right_logical3A_138 = arith.constant 1 : i32
    %shift_right_logical3A_139 = vector.broadcast %shift_right_logical3A_138 : i32 to vector<16xi32>
    %shift_right_logical3A_140 = arith.shrui %get3A_137, %shift_right_logical3A_139 : vector<16xi32>
    %swap3A_141 = arith.constant 64 : index
    %swap3A_142 = tpu.vector_load %arg9[%swap3A_141] {strides = array<i32>} : memref<128xi32, #tpu.memory_space<vmem>>, vector<16xi32>,
    tpu.vector_store %arg9[%swap3A_141], %shift_right_logical3A_140 {strides = array<i32>} : memref<128xi32, #tpu.memory_space<vmem>>, vector<16xi32>,
    %get3A_143 = arith.constant 1 : i32
    %get3A_144 = arith.index_cast %get3A_143 : i32 to index
    %get3A_145 = arith.constant 80 : index
    %get3A_146 = tpu.vector_load %arg6[%get3A_144, %get3A_145] {strides = array<i32>} : memref<200x128xi32, #tpu.memory_space<vmem>>, vector<16xi32>,
    %shift_right_logical3A_147 = arith.constant 1 : i32
    %shift_right_logical3A_148 = vector.broadcast %shift_right_logical3A_147 : i32 to vector<16xi32>
    %shift_right_logical3A_149 = arith.shrui %get3A_146, %shift_right_logical3A_148 : vector<16xi32>
    %swap3A_150 = arith.constant 80 : index
    %swap3A_151 = tpu.vector_load %arg9[%swap3A_150] {strides = array<i32>} : memref<128xi32, #tpu.memory_space<vmem>>, vector<16xi32>,
    tpu.vector_store %arg9[%swap3A_150], %shift_right_logical3A_149 {strides = array<i32>} : memref<128xi32, #tpu.memory_space<vmem>>, vector<16xi32>,
    %get3A_152 = arith.constant 1 : i32
    %get3A_153 = arith.index_cast %get3A_152 : i32 to index
    %get3A_154 = arith.constant 96 : index
    %get3A_155 = tpu.vector_load %arg6[%get3A_153, %get3A_154] {strides = array<i32>} : memref<200x128xi32, #tpu.memory_space<vmem>>, vector<16xi32>,
    %shift_right_logical3A_156 = arith.constant 1 : i32
    %shift_right_logical3A_157 = vector.broadcast %shift_right_logical3A_156 : i32 to vector<16xi32>
    %shift_right_logical3A_158 = arith.shrui %get3A_155, %shift_right_logical3A_157 : vector<16xi32>
    %swap3A_159 = arith.constant 96 : index
    %swap3A_160 = tpu.vector_load %arg9[%swap3A_159] {strides = array<i32>} : memref<128xi32, #tpu.memory_space<vmem>>, vector<16xi32>,
    tpu.vector_store %arg9[%swap3A_159], %shift_right_logical3A_158 {strides = array<i32>} : memref<128xi32, #tpu.memory_space<vmem>>, vector<16xi32>,
    %get3A_161 = arith.constant 1 : i32
    %get3A_162 = arith.index_cast %get3A_161 : i32 to index
    %get3A_163 = arith.constant 112 : index
    %get3A_164 = tpu.vector_load %arg6[%get3A_162, %get3A_163] {strides = array<i32>} : memref<200x128xi32, #tpu.memory_space<vmem>>, vector<16xi32>,
    %shift_right_logical3A_165 = arith.constant 1 : i32
    %shift_right_logical3A_166 = vector.broadcast %shift_right_logical3A_165 : i32 to vector<16xi32>
    %shift_right_logical3A_167 = arith.shrui %get3A_164, %shift_right_logical3A_166 : vector<16xi32>
    %swap3A_168 = arith.constant 112 : index
    %swap3A_169 = tpu.vector_load %arg9[%swap3A_168] {strides = array<i32>} : memref<128xi32, #tpu.memory_space<vmem>>, vector<16xi32>,
    tpu.vector_store %arg9[%swap3A_168], %shift_right_logical3A_167 {strides = array<i32>} : memref<128xi32, #tpu.memory_space<vmem>>, vector<16xi32>,
    %dma_start3A_170 = arith.constant 0 : i32
    %dma_start3A_171 = arith.constant 0 : i32
    %dma_start3A_172 = tpu.memref_slice %arg3[%dma_start3A_170, %dma_start3A_171] : memref<500000x128xf32, #tpu.memory_space<hbm>> -> memref<500000x128xf32, #tpu.memory_space<hbm>>
    tpu.enqueue_indirect_dma source(%dma_start3A_172 : memref<500000x128xf32, #tpu.memory_space<hbm>>) target(%arg12 : memref<128x128xf32, #tpu.memory_space<vmem>>) offsets(%arg9 : memref<128xi32, #tpu.memory_space<vmem>>) semaphore(%arg17 : memref<!tpu.dma_semaphore, #tpu.memory_space<semaphore_mem>>)
    %get3A_173 = arith.constant 2 : i32
    %get3A_174 = arith.index_cast %get3A_173 : i32 to index
    %get3A_175 = arith.constant 0 : index
    %get3A_176 = tpu.vector_load %arg6[%get3A_174, %get3A_175] {strides = array<i32>} : memref<200x128xi32, #tpu.memory_space<vmem>>, vector<16xi32>,
    %shift_right_logical3A_177 = arith.constant 1 : i32
    %shift_right_logical3A_178 = vector.broadcast %shift_right_logical3A_177 : i32 to vector<16xi32>
    %shift_right_logical3A_179 = arith.shrui %get3A_176, %shift_right_logical3A_178 : vector<16xi32>
    %swap3A_180 = arith.constant 0 : index
    %swap3A_181 = tpu.vector_load %arg10[%swap3A_180] {strides = array<i32>} : memref<128xi32, #tpu.memory_space<vmem>>, vector<16xi32>,
    tpu.vector_store %arg10[%swap3A_180], %shift_right_logical3A_179 {strides = array<i32>} : memref<128xi32, #tpu.memory_space<vmem>>, vector<16xi32>,
    %get3A_182 = arith.constant 2 : i32
    %get3A_183 = arith.index_cast %get3A_182 : i32 to index
    %get3A_184 = arith.constant 16 : index
    %get3A_185 = tpu.vector_load %arg6[%get3A_183, %get3A_184] {strides = array<i32>} : memref<200x128xi32, #tpu.memory_space<vmem>>, vector<16xi32>,
    %shift_right_logical3A_186 = arith.constant 1 : i32
    %shift_right_logical3A_187 = vector.broadcast %shift_right_logical3A_186 : i32 to vector<16xi32>
    %shift_right_logical3A_188 = arith.shrui %get3A_185, %shift_right_logical3A_187 : vector<16xi32>
    %swap3A_189 = arith.constant 16 : index
    %swap3A_190 = tpu.vector_load %arg10[%swap3A_189] {strides = array<i32>} : memref<128xi32, #tpu.memory_space<vmem>>, vector<16xi32>,
    tpu.vector_store %arg10[%swap3A_189], %shift_right_logical3A_188 {strides = array<i32>} : memref<128xi32, #tpu.memory_space<vmem>>, vector<16xi32>,
    %get3A_191 = arith.constant 2 : i32
    %get3A_192 = arith.index_cast %get3A_191 : i32 to index
    %get3A_193 = arith.constant 32 : index
    %get3A_194 = tpu.vector_load %arg6[%get3A_192, %get3A_193] {strides = array<i32>} : memref<200x128xi32, #tpu.memory_space<vmem>>, vector<16xi32>,
    %shift_right_logical3A_195 = arith.constant 1 : i32
    %shift_right_logical3A_196 = vector.broadcast %shift_right_logical3A_195 : i32 to vector<16xi32>
    %shift_right_logical3A_197 = arith.shrui %get3A_194, %shift_right_logical3A_196 : vector<16xi32>
    %swap3A_198 = arith.constant 32 : index
    %swap3A_199 = tpu.vector_load %arg10[%swap3A_198] {strides = array<i32>} : memref<128xi32, #tpu.memory_space<vmem>>, vector<16xi32>,
    tpu.vector_store %arg10[%swap3A_198], %shift_right_logical3A_197 {strides = array<i32>} : memref<128xi32, #tpu.memory_space<vmem>>, vector<16xi32>,
    %get3A_200 = arith.constant 2 : i32
    %get3A_201 = arith.index_cast %get3A_200 : i32 to index
    %get3A_202 = arith.constant 48 : index
    %get3A_203 = tpu.vector_load %arg6[%get3A_201, %get3A_202] {strides = array<i32>} : memref<200x128xi32, #tpu.memory_space<vmem>>, vector<16xi32>,
    %shift_right_logical3A_204 = arith.constant 1 : i32
    %shift_right_logical3A_205 = vector.broadcast %shift_right_logical3A_204 : i32 to vector<16xi32>
    %shift_right_logical3A_206 = arith.shrui %get3A_203, %shift_right_logical3A_205 : vector<16xi32>
    %swap3A_207 = arith.constant 48 : index
    %swap3A_208 = tpu.vector_load %arg10[%swap3A_207] {strides = array<i32>} : memref<128xi32, #tpu.memory_space<vmem>>, vector<16xi32>,
    tpu.vector_store %arg10[%swap3A_207], %shift_right_logical3A_206 {strides = array<i32>} : memref<128xi32, #tpu.memory_space<vmem>>, vector<16xi32>,
    %get3A_209 = arith.constant 2 : i32
    %get3A_210 = arith.index_cast %get3A_209 : i32 to index
    %get3A_211 = arith.constant 64 : index
    %get3A_212 = tpu.vector_load %arg6[%get3A_210, %get3A_211] {strides = array<i32>} : memref<200x128xi32, #tpu.memory_space<vmem>>, vector<16xi32>,
    %shift_right_logical3A_213 = arith.constant 1 : i32
    %shift_right_logical3A_214 = vector.broadcast %shift_right_logical3A_213 : i32 to vector<16xi32>
    %shift_right_logical3A_215 = arith.shrui %get3A_212, %shift_right_logical3A_214 : vector<16xi32>
    %swap3A_216 = arith.constant 64 : index
    %swap3A_217 = tpu.vector_load %arg10[%swap3A_216] {strides = array<i32>} : memref<128xi32, #tpu.memory_space<vmem>>, vector<16xi32>,
    tpu.vector_store %arg10[%swap3A_216], %shift_right_logical3A_215 {strides = array<i32>} : memref<128xi32, #tpu.memory_space<vmem>>, vector<16xi32>,
    %get3A_218 = arith.constant 2 : i32
    %get3A_219 = arith.index_cast %get3A_218 : i32 to index
    %get3A_220 = arith.constant 80 : index
    %get3A_221 = tpu.vector_load %arg6[%get3A_219, %get3A_220] {strides = array<i32>} : memref<200x128xi32, #tpu.memory_space<vmem>>, vector<16xi32>,
    %shift_right_logical3A_222 = arith.constant 1 : i32
    %shift_right_logical3A_223 = vector.broadcast %shift_right_logical3A_222 : i32 to vector<16xi32>
    %shift_right_logical3A_224 = arith.shrui %get3A_221, %shift_right_logical3A_223 : vector<16xi32>
    %swap3A_225 = arith.constant 80 : index
    %swap3A_226 = tpu.vector_load %arg10[%swap3A_225] {strides = array<i32>} : memref<128xi32, #tpu.memory_space<vmem>>, vector<16xi32>,
    tpu.vector_store %arg10[%swap3A_225], %shift_right_logical3A_224 {strides = array<i32>} : memref<128xi32, #tpu.memory_space<vmem>>, vector<16xi32>,
    %get3A_227 = arith.constant 2 : i32
    %get3A_228 = arith.index_cast %get3A_227 : i32 to index
    %get3A_229 = arith.constant 96 : index
    %get3A_230 = tpu.vector_load %arg6[%get3A_228, %get3A_229] {strides = array<i32>} : memref<200x128xi32, #tpu.memory_space<vmem>>, vector<16xi32>,
    %shift_right_logical3A_231 = arith.constant 1 : i32
    %shift_right_logical3A_232 = vector.broadcast %shift_right_logical3A_231 : i32 to vector<16xi32>
    %shift_right_logical3A_233 = arith.shrui %get3A_230, %shift_right_logical3A_232 : vector<16xi32>
    %swap3A_234 = arith.constant 96 : index
    %swap3A_235 = tpu.vector_load %arg10[%swap3A_234] {strides = array<i32>} : memref<128xi32, #tpu.memory_space<vmem>>, vector<16xi32>,
    tpu.vector_store %arg10[%swap3A_234], %shift_right_logical3A_233 {strides = array<i32>} : memref<128xi32, #tpu.memory_space<vmem>>, vector<16xi32>,
    %get3A_236 = arith.constant 2 : i32
    %get3A_237 = arith.index_cast %get3A_236 : i32 to index
    %get3A_238 = arith.constant 112 : index
    %get3A_239 = tpu.vector_load %arg6[%get3A_237, %get3A_238] {strides = array<i32>} : memref<200x128xi32, #tpu.memory_space<vmem>>, vector<16xi32>,
    %shift_right_logical3A_240 = arith.constant 1 : i32
    %shift_right_logical3A_241 = vector.broadcast %shift_right_logical3A_240 : i32 to vector<16xi32>
    %shift_right_logical3A_242 = arith.shrui %get3A_239, %shift_right_logical3A_241 : vector<16xi32>
    %swap3A_243 = arith.constant 112 : index
    %swap3A_244 = tpu.vector_load %arg10[%swap3A_243] {strides = array<i32>} : memref<128xi32, #tpu.memory_space<vmem>>, vector<16xi32>,
    tpu.vector_store %arg10[%swap3A_243], %shift_right_logical3A_242 {strides = array<i32>} : memref<128xi32, #tpu.memory_space<vmem>>, vector<16xi32>,
    %dma_start3A_245 = arith.constant 0 : i32
    %dma_start3A_246 = arith.constant 0 : i32
    %dma_start3A_247 = tpu.memref_slice %arg3[%dma_start3A_245, %dma_start3A_246] : memref<500000x128xf32, #tpu.memory_space<hbm>> -> memref<500000x128xf32, #tpu.memory_space<hbm>>
    tpu.enqueue_indirect_dma source(%dma_start3A_247 : memref<500000x128xf32, #tpu.memory_space<hbm>>) target(%arg13 : memref<128x128xf32, #tpu.memory_space<vmem>>) offsets(%arg10 : memref<128xi32, #tpu.memory_space<vmem>>) semaphore(%arg17 : memref<!tpu.dma_semaphore, #tpu.memory_space<semaphore_mem>>)
    %scan3A = arith.constant 0 : i32
    %scan3A_248 = arith.constant 0 : i32
    %scan3A_249 = arith.constant 67 : i32
    %scan3A_250 = arith.addi %scan3A_248, %scan3A_249 : i32
    %scan3A_251 = arith.constant 1 : i32
    scf.for %scan3A_273 = %scan3A_248 to %scan3A_250 step %scan3A_251  : i32 {
      %mul3A_274 = arith.constant 3 : i32
      %mul3A_275 = arith.muli %scan3A_273, %mul3A_274 : i32
      %add3A_276 = arith.constant 0 : i32
      %add3A_277 = arith.addi %mul3A_275, %add3A_276 : i32
      %lt3A = arith.constant 200 : i32
      %lt3A_278 = arith.cmpi slt, %add3A_277, %lt3A : i32
      %convert_element_type3A = arith.extui %lt3A_278 : i1 to i32
      %cond3A = arith.constant 0 : i32
      %cond3A_279 = arith.cmpi ne, %convert_element_type3A, %cond3A : i32
      scf.if %cond3A_279 {
        %dma_wait3A_298 = arith.constant 0 : i32
        %dma_wait3A_299 = arith.constant 0 : i32
        %dma_wait3A_300 = tpu.memref_slice %arg3[%dma_wait3A_298, %dma_wait3A_299] : memref<500000x128xf32, #tpu.memory_space<hbm>> -> memref<500000x128xf32, #tpu.memory_space<hbm>>
        tpu.wait_indirect_dma semaphore(%arg17 : memref<!tpu.dma_semaphore, #tpu.memory_space<semaphore_mem>>) src(%dma_wait3A_300 : memref<500000x128xf32, #tpu.memory_space<hbm>>) dst(%arg11 : memref<128x128xf32, #tpu.memory_space<vmem>>)
        %ge3A = arith.constant 3 : i32
        %ge3A_301 = arith.cmpi sge, %add3A_277, %ge3A : i32
        %convert_element_type3A_302 = arith.extui %ge3A_301 : i1 to i32
        %cond3A_303 = arith.constant 0 : i32
        %cond3A_304 = arith.cmpi ne, %convert_element_type3A_302, %cond3A_303 : i32
        scf.if %cond3A_304 {
          %sub3A = arith.constant 3 : i32
          %sub3A_410 = arith.subi %add3A_277, %sub3A : i32
          %dma_wait3A_411 = arith.constant 0 : i32
          %dma_wait3A_412 = tpu.memref_slice %arg5[%sub3A_410, %dma_wait3A_411, %mul3A_2] : memref<200x64x4096xf32, #tpu.memory_space<hbm>> -> memref<1x64x128xf32, #tpu.memory_space<hbm>>
          %dma_wait3A_413 = tpu.memref_squeeze %dma_wait3A_412 : memref<1x64x128xf32, #tpu.memory_space<hbm>> -> memref<64x128xf32, #tpu.memory_space<hbm>>
          %dma_wait3A_414 = arith.constant 0 : i32
          %dma_wait3A_415 = tpu.memref_slice %arg5[%sub3A_410, %dma_wait3A_414, %mul3A_2] : memref<200x64x4096xf32, #tpu.memory_space<hbm>> -> memref<1x64x128xf32, #tpu.memory_space<hbm>>
          %dma_wait3A_416 = tpu.memref_squeeze %dma_wait3A_415 : memref<1x64x128xf32, #tpu.memory_space<hbm>> -> memref<64x128xf32, #tpu.memory_space<hbm>>
          tpu.wait_dma2 semaphore(%arg18 : memref<!tpu.dma_semaphore, #tpu.memory_space<semaphore_mem>>) src(%arg14 : memref<64x128xf32, #tpu.memory_space<vmem>>) dst(%dma_wait3A_416 : memref<64x128xf32, #tpu.memory_space<hbm>>)
        } else {
        }
        %get3A_305 = arith.index_cast %add3A_277 : i32 to index
        %get3A_306 = arith.constant 0 : index
        %get3A_307 = tpu.vector_load %arg6[%get3A_305, %get3A_306] {strides = array<i32>} : memref<200x128xi32, #tpu.memory_space<vmem>>, vector<16xi32>,
        %and3A = arith.constant 1 : i32
        %and3A_308 = vector.broadcast %and3A : i32 to vector<16xi32>
        %and3A_309 = arith.andi %get3A_307, %and3A_308 : vector<16xi32>
        %mul3A_310 = arith.constant 64 : i32
        %mul3A_311 = vector.broadcast %mul3A_310 : i32 to vector<16xi32>
        %mul3A_312 = arith.muli %and3A_309, %mul3A_311 : vector<16xi32>
        %get3A_313 = arith.index_cast %add3A_277 : i32 to index
        %get3A_314 = arith.constant 16 : index
        %get3A_315 = tpu.vector_load %arg6[%get3A_313, %get3A_314] {strides = array<i32>} : memref<200x128xi32, #tpu.memory_space<vmem>>, vector<16xi32>,
        %and3A_316 = arith.constant 1 : i32
        %and3A_317 = vector.broadcast %and3A_316 : i32 to vector<16xi32>
        %and3A_318 = arith.andi %get3A_315, %and3A_317 : vector<16xi32>
        %mul3A_319 = arith.constant 64 : i32
        %mul3A_320 = vector.broadcast %mul3A_319 : i32 to vector<16xi32>
        %mul3A_321 = arith.muli %and3A_318, %mul3A_320 : vector<16xi32>
        %get3A_322 = arith.index_cast %add3A_277 : i32 to index
        %get3A_323 = arith.constant 32 : index
        %get3A_324 = tpu.vector_load %arg6[%get3A_322, %get3A_323] {strides = array<i32>} : memref<200x128xi32, #tpu.memory_space<vmem>>, vector<16xi32>,
        %and3A_325 = arith.constant 1 : i32
        %and3A_326 = vector.broadcast %and3A_325 : i32 to vector<16xi32>
        %and3A_327 = arith.andi %get3A_324, %and3A_326 : vector<16xi32>
        %mul3A_328 = arith.constant 64 : i32
        %mul3A_329 = vector.broadcast %mul3A_328 : i32 to vector<16xi32>
        %mul3A_330 = arith.muli %and3A_327, %mul3A_329 : vector<16xi32>
        %get3A_331 = arith.index_cast %add3A_277 : i32 to index
        %get3A_332 = arith.constant 48 : index
        %get3A_333 = tpu.vector_load %arg6[%get3A_331, %get3A_332] {strides = array<i32>} : memref<200x128xi32, #tpu.memory_space<vmem>>, vector<16xi32>,
        %and3A_334 = arith.constant 1 : i32
        %and3A_335 = vector.broadcast %and3A_334 : i32 to vector<16xi32>
        %and3A_336 = arith.andi %get3A_333, %and3A_335 : vector<16xi32>
        %mul3A_337 = arith.constant 64 : i32
        %mul3A_338 = vector.broadcast %mul3A_337 : i32 to vector<16xi32>
        %mul3A_339 = arith.muli %and3A_336, %mul3A_338 : vector<16xi32>
        %scan3A_340 = arith.constant 0 : i32
        %scan3A_341 = arith.constant 64 : i32
        %scan3A_342 = arith.addi %scan3A_340, %scan3A_341 : i32
        %scan3A_343 = arith.constant 4 : i32
        scf.for %scan3A_410 = %scan3A_340 to %scan3A_342 step %scan3A_343  : i32 {
          %add3A_411 = vector.broadcast %scan3A_410 : i32 to vector<16xi32>
          %add3A_412 = arith.addi %mul3A_312, %add3A_411 : vector<16xi32>
          %gather3A = tpu.vector_load_idx %arg11[%add3A_5, %add3A_412] : memref<128x128xf32, #tpu.memory_space<vmem>>[vector<16xi32>, vector<16xi32>], vector<16xf32>,
          %add3A_413 = vector.broadcast %scan3A_410 : i32 to vector<16xi32>
          %add3A_414 = arith.addi %mul3A_321, %add3A_413 : vector<16xi32>
          %gather3A_415 = tpu.vector_load_idx %arg11[%add3A_8, %add3A_414] : memref<128x128xf32, #tpu.memory_space<vmem>>[vector<16xi32>, vector<16xi32>], vector<16xf32>,
          %add3A_416 = vector.broadcast %scan3A_410 : i32 to vector<16xi32>
          %add3A_417 = arith.addi %mul3A_330, %add3A_416 : vector<16xi32>
          %gather3A_418 = tpu.vector_load_idx %arg11[%add3A_11, %add3A_417] : memref<128x128xf32, #tpu.memory_space<vmem>>[vector<16xi32>, vector<16xi32>], vector<16xf32>,
          %add3A_419 = vector.broadcast %scan3A_410 : i32 to vector<16xi32>
          %add3A_420 = arith.addi %mul3A_339, %add3A_419 : vector<16xi32>
          %gather3A_421 = tpu.vector_load_idx %arg11[%add3A_14, %add3A_420] : memref<128x128xf32, #tpu.memory_space<vmem>>[vector<16xi32>, vector<16xi32>], vector<16xf32>,
          %swap3A_422 = arith.index_cast %scan3A_410 : i32 to index
          %swap3A_423 = arith.constant 0 : index
          %swap3A_424 = tpu.vector_load %arg14[%swap3A_422, %swap3A_423] {strides = array<i32>} : memref<64x128xf32, #tpu.memory_space<vmem>>, vector<16xf32>,
          tpu.vector_store %arg14[%swap3A_422, %swap3A_423], %gather3A {strides = array<i32>} : memref<64x128xf32, #tpu.memory_space<vmem>>, vector<16xf32>,
          %swap3A_425 = arith.index_cast %scan3A_410 : i32 to index
          %swap3A_426 = arith.constant 16 : index
          %swap3A_427 = tpu.vector_load %arg14[%swap3A_425, %swap3A_426] {strides = array<i32>} : memref<64x128xf32, #tpu.memory_space<vmem>>, vector<16xf32>,
          tpu.vector_store %arg14[%swap3A_425, %swap3A_426], %gather3A_415 {strides = array<i32>} : memref<64x128xf32, #tpu.memory_space<vmem>>, vector<16xf32>,
          %swap3A_428 = arith.index_cast %scan3A_410 : i32 to index
          %swap3A_429 = arith.constant 32 : index
          %swap3A_430 = tpu.vector_load %arg14[%swap3A_428, %swap3A_429] {strides = array<i32>} : memref<64x128xf32, #tpu.memory_space<vmem>>, vector<16xf32>,
          tpu.vector_store %arg14[%swap3A_428, %swap3A_429], %gather3A_418 {strides = array<i32>} : memref<64x128xf32, #tpu.memory_space<vmem>>, vector<16xf32>,
          %swap3A_431 = arith.index_cast %scan3A_410 : i32 to index
          %swap3A_432 = arith.constant 48 : index
          %swap3A_433 = tpu.vector_load %arg14[%swap3A_431, %swap3A_432] {strides = array<i32>} : memref<64x128xf32, #tpu.memory_space<vmem>>, vector<16xf32>,
          tpu.vector_store %arg14[%swap3A_431, %swap3A_432], %gather3A_421 {strides = array<i32>} : memref<64x128xf32, #tpu.memory_space<vmem>>, vector<16xf32>,
          %scan3A_434 = arith.constant 1 : i32
          %scan3A_435 = arith.addi %scan3A_410, %scan3A_434 : i32
          %add3A_436 = vector.broadcast %scan3A_435 : i32 to vector<16xi32>
          %add3A_437 = arith.addi %mul3A_312, %add3A_436 : vector<16xi32>
          %gather3A_438 = tpu.vector_load_idx %arg11[%add3A_5, %add3A_437] : memref<128x128xf32, #tpu.memory_space<vmem>>[vector<16xi32>, vector<16xi32>], vector<16xf32>,
          %add3A_439 = vector.broadcast %scan3A_435 : i32 to vector<16xi32>
          %add3A_440 = arith.addi %mul3A_321, %add3A_439 : vector<16xi32>
          %gather3A_441 = tpu.vector_load_idx %arg11[%add3A_8, %add3A_440] : memref<128x128xf32, #tpu.memory_space<vmem>>[vector<16xi32>, vector<16xi32>], vector<16xf32>,
          %add3A_442 = vector.broadcast %scan3A_435 : i32 to vector<16xi32>
          %add3A_443 = arith.addi %mul3A_330, %add3A_442 : vector<16xi32>
          %gather3A_444 = tpu.vector_load_idx %arg11[%add3A_11, %add3A_443] : memref<128x128xf32, #tpu.memory_space<vmem>>[vector<16xi32>, vector<16xi32>], vector<16xf32>,
          %add3A_445 = vector.broadcast %scan3A_435 : i32 to vector<16xi32>
          %add3A_446 = arith.addi %mul3A_339, %add3A_445 : vector<16xi32>
          %gather3A_447 = tpu.vector_load_idx %arg11[%add3A_14, %add3A_446] : memref<128x128xf32, #tpu.memory_space<vmem>>[vector<16xi32>, vector<16xi32>], vector<16xf32>,
          %swap3A_448 = arith.index_cast %scan3A_435 : i32 to index
          %swap3A_449 = arith.constant 0 : index
          %swap3A_450 = tpu.vector_load %arg14[%swap3A_448, %swap3A_449] {strides = array<i32>} : memref<64x128xf32, #tpu.memory_space<vmem>>, vector<16xf32>,
          tpu.vector_store %arg14[%swap3A_448, %swap3A_449], %gather3A_438 {strides = array<i32>} : memref<64x128xf32, #tpu.memory_space<vmem>>, vector<16xf32>,
          %swap3A_451 = arith.index_cast %scan3A_435 : i32 to index
          %swap3A_452 = arith.constant 16 : index
          %swap3A_453 = tpu.vector_load %arg14[%swap3A_451, %swap3A_452] {strides = array<i32>} : memref<64x128xf32, #tpu.memory_space<vmem>>, vector<16xf32>,
          tpu.vector_store %arg14[%swap3A_451, %swap3A_452], %gather3A_441 {strides = array<i32>} : memref<64x128xf32, #tpu.memory_space<vmem>>, vector<16xf32>,
          %swap3A_454 = arith.index_cast %scan3A_435 : i32 to index
          %swap3A_455 = arith.constant 32 : index
          %swap3A_456 = tpu.vector_load %arg14[%swap3A_454, %swap3A_455] {strides = array<i32>} : memref<64x128xf32, #tpu.memory_space<vmem>>, vector<16xf32>,
          tpu.vector_store %arg14[%swap3A_454, %swap3A_455], %gather3A_444 {strides = array<i32>} : memref<64x128xf32, #tpu.memory_space<vmem>>, vector<16xf32>,
          %swap3A_457 = arith.index_cast %scan3A_435 : i32 to index
          %swap3A_458 = arith.constant 48 : index
          %swap3A_459 = tpu.vector_load %arg14[%swap3A_457, %swap3A_458] {strides = array<i32>} : memref<64x128xf32, #tpu.memory_space<vmem>>, vector<16xf32>,
          tpu.vector_store %arg14[%swap3A_457, %swap3A_458], %gather3A_447 {strides = array<i32>} : memref<64x128xf32, #tpu.memory_space<vmem>>, vector<16xf32>,
          %scan3A_460 = arith.constant 2 : i32
          %scan3A_461 = arith.addi %scan3A_410, %scan3A_460 : i32
          %add3A_462 = vector.broadcast %scan3A_461 : i32 to vector<16xi32>
          %add3A_463 = arith.addi %mul3A_312, %add3A_462 : vector<16xi32>
          %gather3A_464 = tpu.vector_load_idx %arg11[%add3A_5, %add3A_463] : memref<128x128xf32, #tpu.memory_space<vmem>>[vector<16xi32>, vector<16xi32>], vector<16xf32>,
          %add3A_465 = vector.broadcast %scan3A_461 : i32 to vector<16xi32>
          %add3A_466 = arith.addi %mul3A_321, %add3A_465 : vector<16xi32>
          %gather3A_467 = tpu.vector_load_idx %arg11[%add3A_8, %add3A_466] : memref<128x128xf32, #tpu.memory_space<vmem>>[vector<16xi32>, vector<16xi32>], vector<16xf32>,
          %add3A_468 = vector.broadcast %scan3A_461 : i32 to vector<16xi32>
          %add3A_469 = arith.addi %mul3A_330, %add3A_468 : vector<16xi32>
          %gather3A_470 = tpu.vector_load_idx %arg11[%add3A_11, %add3A_469] : memref<128x128xf32, #tpu.memory_space<vmem>>[vector<16xi32>, vector<16xi32>], vector<16xf32>,
          %add3A_471 = vector.broadcast %scan3A_461 : i32 to vector<16xi32>
          %add3A_472 = arith.addi %mul3A_339, %add3A_471 : vector<16xi32>
          %gather3A_473 = tpu.vector_load_idx %arg11[%add3A_14, %add3A_472] : memref<128x128xf32, #tpu.memory_space<vmem>>[vector<16xi32>, vector<16xi32>], vector<16xf32>,
          %swap3A_474 = arith.index_cast %scan3A_461 : i32 to index
          %swap3A_475 = arith.constant 0 : index
          %swap3A_476 = tpu.vector_load %arg14[%swap3A_474, %swap3A_475] {strides = array<i32>} : memref<64x128xf32, #tpu.memory_space<vmem>>, vector<16xf32>,
          tpu.vector_store %arg14[%swap3A_474, %swap3A_475], %gather3A_464 {strides = array<i32>} : memref<64x128xf32, #tpu.memory_space<vmem>>, vector<16xf32>,
          %swap3A_477 = arith.index_cast %scan3A_461 : i32 to index
          %swap3A_478 = arith.constant 16 : index
          %swap3A_479 = tpu.vector_load %arg14[%swap3A_477, %swap3A_478] {strides = array<i32>} : memref<64x128xf32, #tpu.memory_space<vmem>>, vector<16xf32>,
          tpu.vector_store %arg14[%swap3A_477, %swap3A_478], %gather3A_467 {strides = array<i32>} : memref<64x128xf32, #tpu.memory_space<vmem>>, vector<16xf32>,
          %swap3A_480 = arith.index_cast %scan3A_461 : i32 to index
          %swap3A_481 = arith.constant 32 : index
          %swap3A_482 = tpu.vector_load %arg14[%swap3A_480, %swap3A_481] {strides = array<i32>} : memref<64x128xf32, #tpu.memory_space<vmem>>, vector<16xf32>,
          tpu.vector_store %arg14[%swap3A_480, %swap3A_481], %gather3A_470 {strides = array<i32>} : memref<64x128xf32, #tpu.memory_space<vmem>>, vector<16xf32>,
          %swap3A_483 = arith.index_cast %scan3A_461 : i32 to index
          %swap3A_484 = arith.constant 48 : index
          %swap3A_485 = tpu.vector_load %arg14[%swap3A_483, %swap3A_484] {strides = array<i32>} : memref<64x128xf32, #tpu.memory_space<vmem>>, vector<16xf32>,
          tpu.vector_store %arg14[%swap3A_483, %swap3A_484], %gather3A_473 {strides = array<i32>} : memref<64x128xf32, #tpu.memory_space<vmem>>, vector<16xf32>,
          %scan3A_486 = arith.constant 3 : i32
          %scan3A_487 = arith.addi %scan3A_410, %scan3A_486 : i32
          %add3A_488 = vector.broadcast %scan3A_487 : i32 to vector<16xi32>
          %add3A_489 = arith.addi %mul3A_312, %add3A_488 : vector<16xi32>
          %gather3A_490 = tpu.vector_load_idx %arg11[%add3A_5, %add3A_489] : memref<128x128xf32, #tpu.memory_space<vmem>>[vector<16xi32>, vector<16xi32>], vector<16xf32>,
          %add3A_491 = vector.broadcast %scan3A_487 : i32 to vector<16xi32>
          %add3A_492 = arith.addi %mul3A_321, %add3A_491 : vector<16xi32>
          %gather3A_493 = tpu.vector_load_idx %arg11[%add3A_8, %add3A_492] : memref<128x128xf32, #tpu.memory_space<vmem>>[vector<16xi32>, vector<16xi32>], vector<16xf32>,
          %add3A_494 = vector.broadcast %scan3A_487 : i32 to vector<16xi32>
          %add3A_495 = arith.addi %mul3A_330, %add3A_494 : vector<16xi32>
          %gather3A_496 = tpu.vector_load_idx %arg11[%add3A_11, %add3A_495] : memref<128x128xf32, #tpu.memory_space<vmem>>[vector<16xi32>, vector<16xi32>], vector<16xf32>,
          %add3A_497 = vector.broadcast %scan3A_487 : i32 to vector<16xi32>
          %add3A_498 = arith.addi %mul3A_339, %add3A_497 : vector<16xi32>
          %gather3A_499 = tpu.vector_load_idx %arg11[%add3A_14, %add3A_498] : memref<128x128xf32, #tpu.memory_space<vmem>>[vector<16xi32>, vector<16xi32>], vector<16xf32>,
          %swap3A_500 = arith.index_cast %scan3A_487 : i32 to index
          %swap3A_501 = arith.constant 0 : index
          %swap3A_502 = tpu.vector_load %arg14[%swap3A_500, %swap3A_501] {strides = array<i32>} : memref<64x128xf32, #tpu.memory_space<vmem>>, vector<16xf32>,
          tpu.vector_store %arg14[%swap3A_500, %swap3A_501], %gather3A_490 {strides = array<i32>} : memref<64x128xf32, #tpu.memory_space<vmem>>, vector<16xf32>,
          %swap3A_503 = arith.index_cast %scan3A_487 : i32 to index
          %swap3A_504 = arith.constant 16 : index
          %swap3A_505 = tpu.vector_load %arg14[%swap3A_503, %swap3A_504] {strides = array<i32>} : memref<64x128xf32, #tpu.memory_space<vmem>>, vector<16xf32>,
          tpu.vector_store %arg14[%swap3A_503, %swap3A_504], %gather3A_493 {strides = array<i32>} : memref<64x128xf32, #tpu.memory_space<vmem>>, vector<16xf32>,
          %swap3A_506 = arith.index_cast %scan3A_487 : i32 to index
          %swap3A_507 = arith.constant 32 : index
          %swap3A_508 = tpu.vector_load %arg14[%swap3A_506, %swap3A_507] {strides = array<i32>} : memref<64x128xf32, #tpu.memory_space<vmem>>, vector<16xf32>,
          tpu.vector_store %arg14[%swap3A_506, %swap3A_507], %gather3A_496 {strides = array<i32>} : memref<64x128xf32, #tpu.memory_space<vmem>>, vector<16xf32>,
          %swap3A_509 = arith.index_cast %scan3A_487 : i32 to index
          %swap3A_510 = arith.constant 48 : index
          %swap3A_511 = tpu.vector_load %arg14[%swap3A_509, %swap3A_510] {strides = array<i32>} : memref<64x128xf32, #tpu.memory_space<vmem>>, vector<16xf32>,
          tpu.vector_store %arg14[%swap3A_509, %swap3A_510], %gather3A_499 {strides = array<i32>} : memref<64x128xf32, #tpu.memory_space<vmem>>, vector<16xf32>,
        }
        %scan3A_344 = arith.constant 64 : i32
        %get3A_345 = arith.index_cast %add3A_277 : i32 to index
        %get3A_346 = arith.constant 64 : index
        %get3A_347 = tpu.vector_load %arg6[%get3A_345, %get3A_346] {strides = array<i32>} : memref<200x128xi32, #tpu.memory_space<vmem>>, vector<16xi32>,
        %and3A_348 = arith.constant 1 : i32
        %and3A_349 = vector.broadcast %and3A_348 : i32 to vector<16xi32>
        %and3A_350 = arith.andi %get3A_347, %and3A_349 : vector<16xi32>
        %mul3A_351 = arith.constant 64 : i32
        %mul3A_352 = vector.broadcast %mul3A_351 : i32 to vector<16xi32>
        %mul3A_353 = arith.muli %and3A_350, %mul3A_352 : vector<16xi32>
        %get3A_354 = arith.index_cast %add3A_277 : i32 to index
        %get3A_355 = arith.constant 80 : index
        %get3A_356 = tpu.vector_load %arg6[%get3A_354, %get3A_355] {strides = array<i32>} : memref<200x128xi32, #tpu.memory_space<vmem>>, vector<16xi32>,
        %and3A_357 = arith.constant 1 : i32
        %and3A_358 = vector.broadcast %and3A_357 : i32 to vector<16xi32>
        %and3A_359 = arith.andi %get3A_356, %and3A_358 : vector<16xi32>
        %mul3A_360 = arith.constant 64 : i32
        %mul3A_361 = vector.broadcast %mul3A_360 : i32 to vector<16xi32>
        %mul3A_362 = arith.muli %and3A_359, %mul3A_361 : vector<16xi32>
        %get3A_363 = arith.index_cast %add3A_277 : i32 to index
        %get3A_364 = arith.constant 96 : index
        %get3A_365 = tpu.vector_load %arg6[%get3A_363, %get3A_364] {strides = array<i32>} : memref<200x128xi32, #tpu.memory_space<vmem>>, vector<16xi32>,
        %and3A_366 = arith.constant 1 : i32
        %and3A_367 = vector.broadcast %and3A_366 : i32 to vector<16xi32>
        %and3A_368 = arith.andi %get3A_365, %and3A_367 : vector<16xi32>
        %mul3A_369 = arith.constant 64 : i32
        %mul3A_370 = vector.broadcast %mul3A_369 : i32 to vector<16xi32>
        %mul3A_371 = arith.muli %and3A_368, %mul3A_370 : vector<16xi32>
        %get3A_372 = arith.index_cast %add3A_277 : i32 to index
        %get3A_373 = arith.constant 112 : index
        %get3A_374 = tpu.vector_load %arg6[%get3A_372, %get3A_373] {strides = array<i32>} : memref<200x128xi32, #tpu.memory_space<vmem>>, vector<16xi32>,
        %and3A_375 = arith.constant 1 : i32
        %and3A_376 = vector.broadcast %and3A_375 : i32 to vector<16xi32>
        %and3A_377 = arith.andi %get3A_374, %and3A_376 : vector<16xi32>
        %mul3A_378 = arith.constant 64 : i32
        %mul3A_379 = vector.broadcast %mul3A_378 : i32 to vector<16xi32>
        %mul3A_380 = arith.muli %and3A_377, %mul3A_379 : vector<16xi32>
        %scan3A_381 = arith.constant 0 : i32
        %scan3A_382 = arith.constant 64 : i32
        %scan3A_383 = arith.addi %scan3A_381, %scan3A_382 : i32
        %scan3A_384 = arith.constant 4 : i32
        scf.for %scan3A_410 = %scan3A_381 to %scan3A_383 step %scan3A_384  : i32 {
          %add3A_411 = vector.broadcast %scan3A_410 : i32 to vector<16xi32>
          %add3A_412 = arith.addi %mul3A_353, %add3A_411 : vector<16xi32>
          %gather3A = tpu.vector_load_idx %arg11[%add3A_17, %add3A_412] : memref<128x128xf32, #tpu.memory_space<vmem>>[vector<16xi32>, vector<16xi32>], vector<16xf32>,
          %add3A_413 = vector.broadcast %scan3A_410 : i32 to vector<16xi32>
          %add3A_414 = arith.addi %mul3A_362, %add3A_413 : vector<16xi32>
          %gather3A_415 = tpu.vector_load_idx %arg11[%add3A_20, %add3A_414] : memref<128x128xf32, #tpu.memory_space<vmem>>[vector<16xi32>, vector<16xi32>], vector<16xf32>,
          %add3A_416 = vector.broadcast %scan3A_410 : i32 to vector<16xi32>
          %add3A_417 = arith.addi %mul3A_371, %add3A_416 : vector<16xi32>
          %gather3A_418 = tpu.vector_load_idx %arg11[%add3A_23, %add3A_417] : memref<128x128xf32, #tpu.memory_space<vmem>>[vector<16xi32>, vector<16xi32>], vector<16xf32>,
          %add3A_419 = vector.broadcast %scan3A_410 : i32 to vector<16xi32>
          %add3A_420 = arith.addi %mul3A_380, %add3A_419 : vector<16xi32>
          %gather3A_421 = tpu.vector_load_idx %arg11[%add3A_26, %add3A_420] : memref<128x128xf32, #tpu.memory_space<vmem>>[vector<16xi32>, vector<16xi32>], vector<16xf32>,
          %swap3A_422 = arith.index_cast %scan3A_410 : i32 to index
          %swap3A_423 = arith.constant 64 : index
          %swap3A_424 = tpu.vector_load %arg14[%swap3A_422, %swap3A_423] {strides = array<i32>} : memref<64x128xf32, #tpu.memory_space<vmem>>, vector<16xf32>,
          tpu.vector_store %arg14[%swap3A_422, %swap3A_423], %gather3A {strides = array<i32>} : memref<64x128xf32, #tpu.memory_space<vmem>>, vector<16xf32>,
          %swap3A_425 = arith.index_cast %scan3A_410 : i32 to index
          %swap3A_426 = arith.constant 80 : index
          %swap3A_427 = tpu.vector_load %arg14[%swap3A_425, %swap3A_426] {strides = array<i32>} : memref<64x128xf32, #tpu.memory_space<vmem>>, vector<16xf32>,
          tpu.vector_store %arg14[%swap3A_425, %swap3A_426], %gather3A_415 {strides = array<i32>} : memref<64x128xf32, #tpu.memory_space<vmem>>, vector<16xf32>,
          %swap3A_428 = arith.index_cast %scan3A_410 : i32 to index
          %swap3A_429 = arith.constant 96 : index
          %swap3A_430 = tpu.vector_load %arg14[%swap3A_428, %swap3A_429] {strides = array<i32>} : memref<64x128xf32, #tpu.memory_space<vmem>>, vector<16xf32>,
          tpu.vector_store %arg14[%swap3A_428, %swap3A_429], %gather3A_418 {strides = array<i32>} : memref<64x128xf32, #tpu.memory_space<vmem>>, vector<16xf32>,
          %swap3A_431 = arith.index_cast %scan3A_410 : i32 to index
          %swap3A_432 = arith.constant 112 : index
          %swap3A_433 = tpu.vector_load %arg14[%swap3A_431, %swap3A_432] {strides = array<i32>} : memref<64x128xf32, #tpu.memory_space<vmem>>, vector<16xf32>,
          tpu.vector_store %arg14[%swap3A_431, %swap3A_432], %gather3A_421 {strides = array<i32>} : memref<64x128xf32, #tpu.memory_space<vmem>>, vector<16xf32>,
          %scan3A_434 = arith.constant 1 : i32
          %scan3A_435 = arith.addi %scan3A_410, %scan3A_434 : i32
          %add3A_436 = vector.broadcast %scan3A_435 : i32 to vector<16xi32>
          %add3A_437 = arith.addi %mul3A_353, %add3A_436 : vector<16xi32>
          %gather3A_438 = tpu.vector_load_idx %arg11[%add3A_17, %add3A_437] : memref<128x128xf32, #tpu.memory_space<vmem>>[vector<16xi32>, vector<16xi32>], vector<16xf32>,
          %add3A_439 = vector.broadcast %scan3A_435 : i32 to vector<16xi32>
          %add3A_440 = arith.addi %mul3A_362, %add3A_439 : vector<16xi32>
          %gather3A_441 = tpu.vector_load_idx %arg11[%add3A_20, %add3A_440] : memref<128x128xf32, #tpu.memory_space<vmem>>[vector<16xi32>, vector<16xi32>], vector<16xf32>,
          %add3A_442 = vector.broadcast %scan3A_435 : i32 to vector<16xi32>
          %add3A_443 = arith.addi %mul3A_371, %add3A_442 : vector<16xi32>
          %gather3A_444 = tpu.vector_load_idx %arg11[%add3A_23, %add3A_443] : memref<128x128xf32, #tpu.memory_space<vmem>>[vector<16xi32>, vector<16xi32>], vector<16xf32>,
          %add3A_445 = vector.broadcast %scan3A_435 : i32 to vector<16xi32>
          %add3A_446 = arith.addi %mul3A_380, %add3A_445 : vector<16xi32>
          %gather3A_447 = tpu.vector_load_idx %arg11[%add3A_26, %add3A_446] : memref<128x128xf32, #tpu.memory_space<vmem>>[vector<16xi32>, vector<16xi32>], vector<16xf32>,
          %swap3A_448 = arith.index_cast %scan3A_435 : i32 to index
          %swap3A_449 = arith.constant 64 : index
          %swap3A_450 = tpu.vector_load %arg14[%swap3A_448, %swap3A_449] {strides = array<i32>} : memref<64x128xf32, #tpu.memory_space<vmem>>, vector<16xf32>,
          tpu.vector_store %arg14[%swap3A_448, %swap3A_449], %gather3A_438 {strides = array<i32>} : memref<64x128xf32, #tpu.memory_space<vmem>>, vector<16xf32>,
          %swap3A_451 = arith.index_cast %scan3A_435 : i32 to index
          %swap3A_452 = arith.constant 80 : index
          %swap3A_453 = tpu.vector_load %arg14[%swap3A_451, %swap3A_452] {strides = array<i32>} : memref<64x128xf32, #tpu.memory_space<vmem>>, vector<16xf32>,
          tpu.vector_store %arg14[%swap3A_451, %swap3A_452], %gather3A_441 {strides = array<i32>} : memref<64x128xf32, #tpu.memory_space<vmem>>, vector<16xf32>,
          %swap3A_454 = arith.index_cast %scan3A_435 : i32 to index
          %swap3A_455 = arith.constant 96 : index
          %swap3A_456 = tpu.vector_load %arg14[%swap3A_454, %swap3A_455] {strides = array<i32>} : memref<64x128xf32, #tpu.memory_space<vmem>>, vector<16xf32>,
          tpu.vector_store %arg14[%swap3A_454, %swap3A_455], %gather3A_444 {strides = array<i32>} : memref<64x128xf32, #tpu.memory_space<vmem>>, vector<16xf32>,
          %swap3A_457 = arith.index_cast %scan3A_435 : i32 to index
          %swap3A_458 = arith.constant 112 : index
          %swap3A_459 = tpu.vector_load %arg14[%swap3A_457, %swap3A_458] {strides = array<i32>} : memref<64x128xf32, #tpu.memory_space<vmem>>, vector<16xf32>,
          tpu.vector_store %arg14[%swap3A_457, %swap3A_458], %gather3A_447 {strides = array<i32>} : memref<64x128xf32, #tpu.memory_space<vmem>>, vector<16xf32>,
          %scan3A_460 = arith.constant 2 : i32
          %scan3A_461 = arith.addi %scan3A_410, %scan3A_460 : i32
          %add3A_462 = vector.broadcast %scan3A_461 : i32 to vector<16xi32>
          %add3A_463 = arith.addi %mul3A_353, %add3A_462 : vector<16xi32>
          %gather3A_464 = tpu.vector_load_idx %arg11[%add3A_17, %add3A_463] : memref<128x128xf32, #tpu.memory_space<vmem>>[vector<16xi32>, vector<16xi32>], vector<16xf32>,
          %add3A_465 = vector.broadcast %scan3A_461 : i32 to vector<16xi32>
          %add3A_466 = arith.addi %mul3A_362, %add3A_465 : vector<16xi32>
          %gather3A_467 = tpu.vector_load_idx %arg11[%add3A_20, %add3A_466] : memref<128x128xf32, #tpu.memory_space<vmem>>[vector<16xi32>, vector<16xi32>], vector<16xf32>,
          %add3A_468 = vector.broadcast %scan3A_461 : i32 to vector<16xi32>
          %add3A_469 = arith.addi %mul3A_371, %add3A_468 : vector<16xi32>
          %gather3A_470 = tpu.vector_load_idx %arg11[%add3A_23, %add3A_469] : memref<128x128xf32, #tpu.memory_space<vmem>>[vector<16xi32>, vector<16xi32>], vector<16xf32>,
          %add3A_471 = vector.broadcast %scan3A_461 : i32 to vector<16xi32>
          %add3A_472 = arith.addi %mul3A_380, %add3A_471 : vector<16xi32>
          %gather3A_473 = tpu.vector_load_idx %arg11[%add3A_26, %add3A_472] : memref<128x128xf32, #tpu.memory_space<vmem>>[vector<16xi32>, vector<16xi32>], vector<16xf32>,
          %swap3A_474 = arith.index_cast %scan3A_461 : i32 to index
          %swap3A_475 = arith.constant 64 : index
          %swap3A_476 = tpu.vector_load %arg14[%swap3A_474, %swap3A_475] {strides = array<i32>} : memref<64x128xf32, #tpu.memory_space<vmem>>, vector<16xf32>,
          tpu.vector_store %arg14[%swap3A_474, %swap3A_475], %gather3A_464 {strides = array<i32>} : memref<64x128xf32, #tpu.memory_space<vmem>>, vector<16xf32>,
          %swap3A_477 = arith.index_cast %scan3A_461 : i32 to index
          %swap3A_478 = arith.constant 80 : index
          %swap3A_479 = tpu.vector_load %arg14[%swap3A_477, %swap3A_478] {strides = array<i32>} : memref<64x128xf32, #tpu.memory_space<vmem>>, vector<16xf32>,
          tpu.vector_store %arg14[%swap3A_477, %swap3A_478], %gather3A_467 {strides = array<i32>} : memref<64x128xf32, #tpu.memory_space<vmem>>, vector<16xf32>,
          %swap3A_480 = arith.index_cast %scan3A_461 : i32 to index
          %swap3A_481 = arith.constant 96 : index
          %swap3A_482 = tpu.vector_load %arg14[%swap3A_480, %swap3A_481] {strides = array<i32>} : memref<64x128xf32, #tpu.memory_space<vmem>>, vector<16xf32>,
          tpu.vector_store %arg14[%swap3A_480, %swap3A_481], %gather3A_470 {strides = array<i32>} : memref<64x128xf32, #tpu.memory_space<vmem>>, vector<16xf32>,
          %swap3A_483 = arith.index_cast %scan3A_461 : i32 to index
          %swap3A_484 = arith.constant 112 : index
          %swap3A_485 = tpu.vector_load %arg14[%swap3A_483, %swap3A_484] {strides = array<i32>} : memref<64x128xf32, #tpu.memory_space<vmem>>, vector<16xf32>,
          tpu.vector_store %arg14[%swap3A_483, %swap3A_484], %gather3A_473 {strides = array<i32>} : memref<64x128xf32, #tpu.memory_space<vmem>>, vector<16xf32>,
          %scan3A_486 = arith.constant 3 : i32
          %scan3A_487 = arith.addi %scan3A_410, %scan3A_486 : i32
          %add3A_488 = vector.broadcast %scan3A_487 : i32 to vector<16xi32>
          %add3A_489 = arith.addi %mul3A_353, %add3A_488 : vector<16xi32>
          %gather3A_490 = tpu.vector_load_idx %arg11[%add3A_17, %add3A_489] : memref<128x128xf32, #tpu.memory_space<vmem>>[vector<16xi32>, vector<16xi32>], vector<16xf32>,
          %add3A_491 = vector.broadcast %scan3A_487 : i32 to vector<16xi32>
          %add3A_492 = arith.addi %mul3A_362, %add3A_491 : vector<16xi32>
          %gather3A_493 = tpu.vector_load_idx %arg11[%add3A_20, %add3A_492] : memref<128x128xf32, #tpu.memory_space<vmem>>[vector<16xi32>, vector<16xi32>], vector<16xf32>,
          %add3A_494 = vector.broadcast %scan3A_487 : i32 to vector<16xi32>
          %add3A_495 = arith.addi %mul3A_371, %add3A_494 : vector<16xi32>
          %gather3A_496 = tpu.vector_load_idx %arg11[%add3A_23, %add3A_495] : memref<128x128xf32, #tpu.memory_space<vmem>>[vector<16xi32>, vector<16xi32>], vector<16xf32>,
          %add3A_497 = vector.broadcast %scan3A_487 : i32 to vector<16xi32>
          %add3A_498 = arith.addi %mul3A_380, %add3A_497 : vector<16xi32>
          %gather3A_499 = tpu.vector_load_idx %arg11[%add3A_26, %add3A_498] : memref<128x128xf32, #tpu.memory_space<vmem>>[vector<16xi32>, vector<16xi32>], vector<16xf32>,
          %swap3A_500 = arith.index_cast %scan3A_487 : i32 to index
          %swap3A_501 = arith.constant 64 : index
          %swap3A_502 = tpu.vector_load %arg14[%swap3A_500, %swap3A_501] {strides = array<i32>} : memref<64x128xf32, #tpu.memory_space<vmem>>, vector<16xf32>,
          tpu.vector_store %arg14[%swap3A_500, %swap3A_501], %gather3A_490 {strides = array<i32>} : memref<64x128xf32, #tpu.memory_space<vmem>>, vector<16xf32>,
          %swap3A_503 = arith.index_cast %scan3A_487 : i32 to index
          %swap3A_504 = arith.constant 80 : index
          %swap3A_505 = tpu.vector_load %arg14[%swap3A_503, %swap3A_504] {strides = array<i32>} : memref<64x128xf32, #tpu.memory_space<vmem>>, vector<16xf32>,
          tpu.vector_store %arg14[%swap3A_503, %swap3A_504], %gather3A_493 {strides = array<i32>} : memref<64x128xf32, #tpu.memory_space<vmem>>, vector<16xf32>,
          %swap3A_506 = arith.index_cast %scan3A_487 : i32 to index
          %swap3A_507 = arith.constant 96 : index
          %swap3A_508 = tpu.vector_load %arg14[%swap3A_506, %swap3A_507] {strides = array<i32>} : memref<64x128xf32, #tpu.memory_space<vmem>>, vector<16xf32>,
          tpu.vector_store %arg14[%swap3A_506, %swap3A_507], %gather3A_496 {strides = array<i32>} : memref<64x128xf32, #tpu.memory_space<vmem>>, vector<16xf32>,
          %swap3A_509 = arith.index_cast %scan3A_487 : i32 to index
          %swap3A_510 = arith.constant 112 : index
          %swap3A_511 = tpu.vector_load %arg14[%swap3A_509, %swap3A_510] {strides = array<i32>} : memref<64x128xf32, #tpu.memory_space<vmem>>, vector<16xf32>,
          tpu.vector_store %arg14[%swap3A_509, %swap3A_510], %gather3A_499 {strides = array<i32>} : memref<64x128xf32, #tpu.memory_space<vmem>>, vector<16xf32>,
        }
        %scan3A_385 = arith.constant 64 : i32
        %mul3A_386 = arith.constant 0 : i32
        %mul3A_387 = vector.broadcast %mul3A_386 : i32 to vector<16xi32>
        %mul3A_388 = arith.muli %iota3A, %mul3A_387 : vector<16xi32>
        %add3A_389 = vector.broadcast %add3A_277 : i32 to vector<16xi32>
        %add3A_390 = arith.addi %mul3A_388, %add3A_389 : vector<16xi32>
        %scan3A_391 = arith.constant 0 : i32
        %scan3A_392 = arith.constant 0 : i32
        %scan3A_393 = arith.constant 64 : i32
        %scan3A_394 = arith.addi %scan3A_392, %scan3A_393 : i32
        %scan3A_395 = arith.constant 8 : i32
        scf.for %scan3A_410 = %scan3A_392 to %scan3A_394 step %scan3A_395  : i32 {
          %add3A_411 = vector.broadcast %scan3A_410 : i32 to vector<16xi32>
          %add3A_412 = arith.addi %mul3A_388, %add3A_411 : vector<16xi32>
          %gather3A = tpu.vector_load_idx %arg7[%add3A_412, %add3A_390] : memref<64x200xf32, #tpu.memory_space<vmem>>[vector<16xi32>, vector<16xi32>], vector<16xf32>,
          %swap3A_413 = arith.index_cast %scan3A_410 : i32 to index
          %swap3A_414 = arith.constant 0 : index
          %swap3A_415 = tpu.vector_load %arg14[%swap3A_413, %swap3A_414] {strides = array<i32>} : memref<64x128xf32, #tpu.memory_space<vmem>>, vector<16xf32>,
          tpu.vector_store %arg14[%swap3A_413, %swap3A_414], %gather3A {add = true, strides = array<i32>} : memref<64x128xf32, #tpu.memory_space<vmem>>, vector<16xf32>,
          %swap3A_416 = arith.index_cast %scan3A_410 : i32 to index
          %swap3A_417 = arith.constant 16 : index
          %swap3A_418 = tpu.vector_load %arg14[%swap3A_416, %swap3A_417] {strides = array<i32>} : memref<64x128xf32, #tpu.memory_space<vmem>>, vector<16xf32>,
          tpu.vector_store %arg14[%swap3A_416, %swap3A_417], %gather3A {add = true, strides = array<i32>} : memref<64x128xf32, #tpu.memory_space<vmem>>, vector<16xf32>,
          %swap3A_419 = arith.index_cast %scan3A_410 : i32 to index
          %swap3A_420 = arith.constant 32 : index
          %swap3A_421 = tpu.vector_load %arg14[%swap3A_419, %swap3A_420] {strides = array<i32>} : memref<64x128xf32, #tpu.memory_space<vmem>>, vector<16xf32>,
          tpu.vector_store %arg14[%swap3A_419, %swap3A_420], %gather3A {add = true, strides = array<i32>} : memref<64x128xf32, #tpu.memory_space<vmem>>, vector<16xf32>,
          %swap3A_422 = arith.index_cast %scan3A_410 : i32 to index
          %swap3A_423 = arith.constant 48 : index
          %swap3A_424 = tpu.vector_load %arg14[%swap3A_422, %swap3A_423] {strides = array<i32>} : memref<64x128xf32, #tpu.memory_space<vmem>>, vector<16xf32>,
          tpu.vector_store %arg14[%swap3A_422, %swap3A_423], %gather3A {add = true, strides = array<i32>} : memref<64x128xf32, #tpu.memory_space<vmem>>, vector<16xf32>,
          %swap3A_425 = arith.index_cast %scan3A_410 : i32 to index
          %swap3A_426 = arith.constant 64 : index
          %swap3A_427 = tpu.vector_load %arg14[%swap3A_425, %swap3A_426] {strides = array<i32>} : memref<64x128xf32, #tpu.memory_space<vmem>>, vector<16xf32>,
          tpu.vector_store %arg14[%swap3A_425, %swap3A_426], %gather3A {add = true, strides = array<i32>} : memref<64x128xf32, #tpu.memory_space<vmem>>, vector<16xf32>,
          %swap3A_428 = arith.index_cast %scan3A_410 : i32 to index
          %swap3A_429 = arith.constant 80 : index
          %swap3A_430 = tpu.vector_load %arg14[%swap3A_428, %swap3A_429] {strides = array<i32>} : memref<64x128xf32, #tpu.memory_space<vmem>>, vector<16xf32>,
          tpu.vector_store %arg14[%swap3A_428, %swap3A_429], %gather3A {add = true, strides = array<i32>} : memref<64x128xf32, #tpu.memory_space<vmem>>, vector<16xf32>,
          %swap3A_431 = arith.index_cast %scan3A_410 : i32 to index
          %swap3A_432 = arith.constant 96 : index
          %swap3A_433 = tpu.vector_load %arg14[%swap3A_431, %swap3A_432] {strides = array<i32>} : memref<64x128xf32, #tpu.memory_space<vmem>>, vector<16xf32>,
          tpu.vector_store %arg14[%swap3A_431, %swap3A_432], %gather3A {add = true, strides = array<i32>} : memref<64x128xf32, #tpu.memory_space<vmem>>, vector<16xf32>,
          %swap3A_434 = arith.index_cast %scan3A_410 : i32 to index
          %swap3A_435 = arith.constant 112 : index
          %swap3A_436 = tpu.vector_load %arg14[%swap3A_434, %swap3A_435] {strides = array<i32>} : memref<64x128xf32, #tpu.memory_space<vmem>>, vector<16xf32>,
          tpu.vector_store %arg14[%swap3A_434, %swap3A_435], %gather3A {add = true, strides = array<i32>} : memref<64x128xf32, #tpu.memory_space<vmem>>, vector<16xf32>,
          %scan3A_437 = arith.constant 1 : i32
          %scan3A_438 = arith.addi %scan3A_410, %scan3A_437 : i32
          %add3A_439 = vector.broadcast %scan3A_438 : i32 to vector<16xi32>
          %add3A_440 = arith.addi %mul3A_388, %add3A_439 : vector<16xi32>
          %gather3A_441 = tpu.vector_load_idx %arg7[%add3A_440, %add3A_390] : memref<64x200xf32, #tpu.memory_space<vmem>>[vector<16xi32>, vector<16xi32>], vector<16xf32>,
          %swap3A_442 = arith.index_cast %scan3A_438 : i32 to index
          %swap3A_443 = arith.constant 0 : index
          %swap3A_444 = tpu.vector_load %arg14[%swap3A_442, %swap3A_443] {strides = array<i32>} : memref<64x128xf32, #tpu.memory_space<vmem>>, vector<16xf32>,
          tpu.vector_store %arg14[%swap3A_442, %swap3A_443], %gather3A_441 {add = true, strides = array<i32>} : memref<64x128xf32, #tpu.memory_space<vmem>>, vector<16xf32>,
          %swap3A_445 = arith.index_cast %scan3A_438 : i32 to index
          %swap3A_446 = arith.constant 16 : index
          %swap3A_447 = tpu.vector_load %arg14[%swap3A_445, %swap3A_446] {strides = array<i32>} : memref<64x128xf32, #tpu.memory_space<vmem>>, vector<16xf32>,
          tpu.vector_store %arg14[%swap3A_445, %swap3A_446], %gather3A_441 {add = true, strides = array<i32>} : memref<64x128xf32, #tpu.memory_space<vmem>>, vector<16xf32>,
          %swap3A_448 = arith.index_cast %scan3A_438 : i32 to index
          %swap3A_449 = arith.constant 32 : index
          %swap3A_450 = tpu.vector_load %arg14[%swap3A_448, %swap3A_449] {strides = array<i32>} : memref<64x128xf32, #tpu.memory_space<vmem>>, vector<16xf32>,
          tpu.vector_store %arg14[%swap3A_448, %swap3A_449], %gather3A_441 {add = true, strides = array<i32>} : memref<64x128xf32, #tpu.memory_space<vmem>>, vector<16xf32>,
          %swap3A_451 = arith.index_cast %scan3A_438 : i32 to index
          %swap3A_452 = arith.constant 48 : index
          %swap3A_453 = tpu.vector_load %arg14[%swap3A_451, %swap3A_452] {strides = array<i32>} : memref<64x128xf32, #tpu.memory_space<vmem>>, vector<16xf32>,
          tpu.vector_store %arg14[%swap3A_451, %swap3A_452], %gather3A_441 {add = true, strides = array<i32>} : memref<64x128xf32, #tpu.memory_space<vmem>>, vector<16xf32>,
          %swap3A_454 = arith.index_cast %scan3A_438 : i32 to index
          %swap3A_455 = arith.constant 64 : index
          %swap3A_456 = tpu.vector_load %arg14[%swap3A_454, %swap3A_455] {strides = array<i32>} : memref<64x128xf32, #tpu.memory_space<vmem>>, vector<16xf32>,
          tpu.vector_store %arg14[%swap3A_454, %swap3A_455], %gather3A_441 {add = true, strides = array<i32>} : memref<64x128xf32, #tpu.memory_space<vmem>>, vector<16xf32>,
          %swap3A_457 = arith.index_cast %scan3A_438 : i32 to index
          %swap3A_458 = arith.constant 80 : index
          %swap3A_459 = tpu.vector_load %arg14[%swap3A_457, %swap3A_458] {strides = array<i32>} : memref<64x128xf32, #tpu.memory_space<vmem>>, vector<16xf32>,
          tpu.vector_store %arg14[%swap3A_457, %swap3A_458], %gather3A_441 {add = true, strides = array<i32>} : memref<64x128xf32, #tpu.memory_space<vmem>>, vector<16xf32>,
          %swap3A_460 = arith.index_cast %scan3A_438 : i32 to index
          %swap3A_461 = arith.constant 96 : index
          %swap3A_462 = tpu.vector_load %arg14[%swap3A_460, %swap3A_461] {strides = array<i32>} : memref<64x128xf32, #tpu.memory_space<vmem>>, vector<16xf32>,
          tpu.vector_store %arg14[%swap3A_460, %swap3A_461], %gather3A_441 {add = true, strides = array<i32>} : memref<64x128xf32, #tpu.memory_space<vmem>>, vector<16xf32>,
          %swap3A_463 = arith.index_cast %scan3A_438 : i32 to index
          %swap3A_464 = arith.constant 112 : index
          %swap3A_465 = tpu.vector_load %arg14[%swap3A_463, %swap3A_464] {strides = array<i32>} : memref<64x128xf32, #tpu.memory_space<vmem>>, vector<16xf32>,
          tpu.vector_store %arg14[%swap3A_463, %swap3A_464], %gather3A_441 {add = true, strides = array<i32>} : memref<64x128xf32, #tpu.memory_space<vmem>>, vector<16xf32>,
          %scan3A_466 = arith.constant 2 : i32
          %scan3A_467 = arith.addi %scan3A_410, %scan3A_466 : i32
          %add3A_468 = vector.broadcast %scan3A_467 : i32 to vector<16xi32>
          %add3A_469 = arith.addi %mul3A_388, %add3A_468 : vector<16xi32>
          %gather3A_470 = tpu.vector_load_idx %arg7[%add3A_469, %add3A_390] : memref<64x200xf32, #tpu.memory_space<vmem>>[vector<16xi32>, vector<16xi32>], vector<16xf32>,
          %swap3A_471 = arith.index_cast %scan3A_467 : i32 to index
          %swap3A_472 = arith.constant 0 : index
          %swap3A_473 = tpu.vector_load %arg14[%swap3A_471, %swap3A_472] {strides = array<i32>} : memref<64x128xf32, #tpu.memory_space<vmem>>, vector<16xf32>,
          tpu.vector_store %arg14[%swap3A_471, %swap3A_472], %gather3A_470 {add = true, strides = array<i32>} : memref<64x128xf32, #tpu.memory_space<vmem>>, vector<16xf32>,
          %swap3A_474 = arith.index_cast %scan3A_467 : i32 to index
          %swap3A_475 = arith.constant 16 : index
          %swap3A_476 = tpu.vector_load %arg14[%swap3A_474, %swap3A_475] {strides = array<i32>} : memref<64x128xf32, #tpu.memory_space<vmem>>, vector<16xf32>,
          tpu.vector_store %arg14[%swap3A_474, %swap3A_475], %gather3A_470 {add = true, strides = array<i32>} : memref<64x128xf32, #tpu.memory_space<vmem>>, vector<16xf32>,
          %swap3A_477 = arith.index_cast %scan3A_467 : i32 to index
          %swap3A_478 = arith.constant 32 : index
          %swap3A_479 = tpu.vector_load %arg14[%swap3A_477, %swap3A_478] {strides = array<i32>} : memref<64x128xf32, #tpu.memory_space<vmem>>, vector<16xf32>,
          tpu.vector_store %arg14[%swap3A_477, %swap3A_478], %gather3A_470 {add = true, strides = array<i32>} : memref<64x128xf32, #tpu.memory_space<vmem>>, vector<16xf32>,
          %swap3A_480 = arith.index_cast %scan3A_467 : i32 to index
          %swap3A_481 = arith.constant 48 : index
          %swap3A_482 = tpu.vector_load %arg14[%swap3A_480, %swap3A_481] {strides = array<i32>} : memref<64x128xf32, #tpu.memory_space<vmem>>, vector<16xf32>,
          tpu.vector_store %arg14[%swap3A_480, %swap3A_481], %gather3A_470 {add = true, strides = array<i32>} : memref<64x128xf32, #tpu.memory_space<vmem>>, vector<16xf32>,
          %swap3A_483 = arith.index_cast %scan3A_467 : i32 to index
          %swap3A_484 = arith.constant 64 : index
          %swap3A_485 = tpu.vector_load %arg14[%swap3A_483, %swap3A_484] {strides = array<i32>} : memref<64x128xf32, #tpu.memory_space<vmem>>, vector<16xf32>,
          tpu.vector_store %arg14[%swap3A_483, %swap3A_484], %gather3A_470 {add = true, strides = array<i32>} : memref<64x128xf32, #tpu.memory_space<vmem>>, vector<16xf32>,
          %swap3A_486 = arith.index_cast %scan3A_467 : i32 to index
          %swap3A_487 = arith.constant 80 : index
          %swap3A_488 = tpu.vector_load %arg14[%swap3A_486, %swap3A_487] {strides = array<i32>} : memref<64x128xf32, #tpu.memory_space<vmem>>, vector<16xf32>,
          tpu.vector_store %arg14[%swap3A_486, %swap3A_487], %gather3A_470 {add = true, strides = array<i32>} : memref<64x128xf32, #tpu.memory_space<vmem>>, vector<16xf32>,
          %swap3A_489 = arith.index_cast %scan3A_467 : i32 to index
          %swap3A_490 = arith.constant 96 : index
          %swap3A_491 = tpu.vector_load %arg14[%swap3A_489, %swap3A_490] {strides = array<i32>} : memref<64x128xf32, #tpu.memory_space<vmem>>, vector<16xf32>,
          tpu.vector_store %arg14[%swap3A_489, %swap3A_490], %gather3A_470 {add = true, strides = array<i32>} : memref<64x128xf32, #tpu.memory_space<vmem>>, vector<16xf32>,
          %swap3A_492 = arith.index_cast %scan3A_467 : i32 to index
          %swap3A_493 = arith.constant 112 : index
          %swap3A_494 = tpu.vector_load %arg14[%swap3A_492, %swap3A_493] {strides = array<i32>} : memref<64x128xf32, #tpu.memory_space<vmem>>, vector<16xf32>,
          tpu.vector_store %arg14[%swap3A_492, %swap3A_493], %gather3A_470 {add = true, strides = array<i32>} : memref<64x128xf32, #tpu.memory_space<vmem>>, vector<16xf32>,
          %scan3A_495 = arith.constant 3 : i32
          %scan3A_496 = arith.addi %scan3A_410, %scan3A_495 : i32
          %add3A_497 = vector.broadcast %scan3A_496 : i32 to vector<16xi32>
          %add3A_498 = arith.addi %mul3A_388, %add3A_497 : vector<16xi32>
          %gather3A_499 = tpu.vector_load_idx %arg7[%add3A_498, %add3A_390] : memref<64x200xf32, #tpu.memory_space<vmem>>[vector<16xi32>, vector<16xi32>], vector<16xf32>,
          %swap3A_500 = arith.index_cast %scan3A_496 : i32 to index
          %swap3A_501 = arith.constant 0 : index
          %swap3A_502 = tpu.vector_load %arg14[%swap3A_500, %swap3A_501] {strides = array<i32>} : memref<64x128xf32, #tpu.memory_space<vmem>>, vector<16xf32>,
          tpu.vector_store %arg14[%swap3A_500, %swap3A_501], %gather3A_499 {add = true, strides = array<i32>} : memref<64x128xf32, #tpu.memory_space<vmem>>, vector<16xf32>,
          %swap3A_503 = arith.index_cast %scan3A_496 : i32 to index
          %swap3A_504 = arith.constant 16 : index
          %swap3A_505 = tpu.vector_load %arg14[%swap3A_503, %swap3A_504] {strides = array<i32>} : memref<64x128xf32, #tpu.memory_space<vmem>>, vector<16xf32>,
          tpu.vector_store %arg14[%swap3A_503, %swap3A_504], %gather3A_499 {add = true, strides = array<i32>} : memref<64x128xf32, #tpu.memory_space<vmem>>, vector<16xf32>,
          %swap3A_506 = arith.index_cast %scan3A_496 : i32 to index
          %swap3A_507 = arith.constant 32 : index
          %swap3A_508 = tpu.vector_load %arg14[%swap3A_506, %swap3A_507] {strides = array<i32>} : memref<64x128xf32, #tpu.memory_space<vmem>>, vector<16xf32>,
          tpu.vector_store %arg14[%swap3A_506, %swap3A_507], %gather3A_499 {add = true, strides = array<i32>} : memref<64x128xf32, #tpu.memory_space<vmem>>, vector<16xf32>,
          %swap3A_509 = arith.index_cast %scan3A_496 : i32 to index
          %swap3A_510 = arith.constant 48 : index
          %swap3A_511 = tpu.vector_load %arg14[%swap3A_509, %swap3A_510] {strides = array<i32>} : memref<64x128xf32, #tpu.memory_space<vmem>>, vector<16xf32>,
          tpu.vector_store %arg14[%swap3A_509, %swap3A_510], %gather3A_499 {add = true, strides = array<i32>} : memref<64x128xf32, #tpu.memory_space<vmem>>, vector<16xf32>,
          %swap3A_512 = arith.index_cast %scan3A_496 : i32 to index
          %swap3A_513 = arith.constant 64 : index
          %swap3A_514 = tpu.vector_load %arg14[%swap3A_512, %swap3A_513] {strides = array<i32>} : memref<64x128xf32, #tpu.memory_space<vmem>>, vector<16xf32>,
          tpu.vector_store %arg14[%swap3A_512, %swap3A_513], %gather3A_499 {add = true, strides = array<i32>} : memref<64x128xf32, #tpu.memory_space<vmem>>, vector<16xf32>,
          %swap3A_515 = arith.index_cast %scan3A_496 : i32 to index
          %swap3A_516 = arith.constant 80 : index
          %swap3A_517 = tpu.vector_load %arg14[%swap3A_515, %swap3A_516] {strides = array<i32>} : memref<64x128xf32, #tpu.memory_space<vmem>>, vector<16xf32>,
          tpu.vector_store %arg14[%swap3A_515, %swap3A_516], %gather3A_499 {add = true, strides = array<i32>} : memref<64x128xf32, #tpu.memory_space<vmem>>, vector<16xf32>,
          %swap3A_518 = arith.index_cast %scan3A_496 : i32 to index
          %swap3A_519 = arith.constant 96 : index
          %swap3A_520 = tpu.vector_load %arg14[%swap3A_518, %swap3A_519] {strides = array<i32>} : memref<64x128xf32, #tpu.memory_space<vmem>>, vector<16xf32>,
          tpu.vector_store %arg14[%swap3A_518, %swap3A_519], %gather3A_499 {add = true, strides = array<i32>} : memref<64x128xf32, #tpu.memory_space<vmem>>, vector<16xf32>,
          %swap3A_521 = arith.index_cast %scan3A_496 : i32 to index
          %swap3A_522 = arith.constant 112 : index
          %swap3A_523 = tpu.vector_load %arg14[%swap3A_521, %swap3A_522] {strides = array<i32>} : memref<64x128xf32, #tpu.memory_space<vmem>>, vector<16xf32>,
          tpu.vector_store %arg14[%swap3A_521, %swap3A_522], %gather3A_499 {add = true, strides = array<i32>} : memref<64x128xf32, #tpu.memory_space<vmem>>, vector<16xf32>,
          %scan3A_524 = arith.constant 4 : i32
          %scan3A_525 = arith.addi %scan3A_410, %scan3A_524 : i32
          %add3A_526 = vector.broadcast %scan3A_525 : i32 to vector<16xi32>
          %add3A_527 = arith.addi %mul3A_388, %add3A_526 : vector<16xi32>
          %gather3A_528 = tpu.vector_load_idx %arg7[%add3A_527, %add3A_390] : memref<64x200xf32, #tpu.memory_space<vmem>>[vector<16xi32>, vector<16xi32>], vector<16xf32>,
          %swap3A_529 = arith.index_cast %scan3A_525 : i32 to index
          %swap3A_530 = arith.constant 0 : index
          %swap3A_531 = tpu.vector_load %arg14[%swap3A_529, %swap3A_530] {strides = array<i32>} : memref<64x128xf32, #tpu.memory_space<vmem>>, vector<16xf32>,
          tpu.vector_store %arg14[%swap3A_529, %swap3A_530], %gather3A_528 {add = true, strides = array<i32>} : memref<64x128xf32, #tpu.memory_space<vmem>>, vector<16xf32>,
          %swap3A_532 = arith.index_cast %scan3A_525 : i32 to index
          %swap3A_533 = arith.constant 16 : index
          %swap3A_534 = tpu.vector_load %arg14[%swap3A_532, %swap3A_533] {strides = array<i32>} : memref<64x128xf32, #tpu.memory_space<vmem>>, vector<16xf32>,
          tpu.vector_store %arg14[%swap3A_532, %swap3A_533], %gather3A_528 {add = true, strides = array<i32>} : memref<64x128xf32, #tpu.memory_space<vmem>>, vector<16xf32>,
          %swap3A_535 = arith.index_cast %scan3A_525 : i32 to index
          %swap3A_536 = arith.constant 32 : index
          %swap3A_537 = tpu.vector_load %arg14[%swap3A_535, %swap3A_536] {strides = array<i32>} : memref<64x128xf32, #tpu.memory_space<vmem>>, vector<16xf32>,
          tpu.vector_store %arg14[%swap3A_535, %swap3A_536], %gather3A_528 {add = true, strides = array<i32>} : memref<64x128xf32, #tpu.memory_space<vmem>>, vector<16xf32>,
          %swap3A_538 = arith.index_cast %scan3A_525 : i32 to index
          %swap3A_539 = arith.constant 48 : index
          %swap3A_540 = tpu.vector_load %arg14[%swap3A_538, %swap3A_539] {strides = array<i32>} : memref<64x128xf32, #tpu.memory_space<vmem>>, vector<16xf32>,
          tpu.vector_store %arg14[%swap3A_538, %swap3A_539], %gather3A_528 {add = true, strides = array<i32>} : memref<64x128xf32, #tpu.memory_space<vmem>>, vector<16xf32>,
          %swap3A_541 = arith.index_cast %scan3A_525 : i32 to index
          %swap3A_542 = arith.constant 64 : index
          %swap3A_543 = tpu.vector_load %arg14[%swap3A_541, %swap3A_542] {strides = array<i32>} : memref<64x128xf32, #tpu.memory_space<vmem>>, vector<16xf32>,
          tpu.vector_store %arg14[%swap3A_541, %swap3A_542], %gather3A_528 {add = true, strides = array<i32>} : memref<64x128xf32, #tpu.memory_space<vmem>>, vector<16xf32>,
          %swap3A_544 = arith.index_cast %scan3A_525 : i32 to index
          %swap3A_545 = arith.constant 80 : index
          %swap3A_546 = tpu.vector_load %arg14[%swap3A_544, %swap3A_545] {strides = array<i32>} : memref<64x128xf32, #tpu.memory_space<vmem>>, vector<16xf32>,
          tpu.vector_store %arg14[%swap3A_544, %swap3A_545], %gather3A_528 {add = true, strides = array<i32>} : memref<64x128xf32, #tpu.memory_space<vmem>>, vector<16xf32>,
          %swap3A_547 = arith.index_cast %scan3A_525 : i32 to index
          %swap3A_548 = arith.constant 96 : index
          %swap3A_549 = tpu.vector_load %arg14[%swap3A_547, %swap3A_548] {strides = array<i32>} : memref<64x128xf32, #tpu.memory_space<vmem>>, vector<16xf32>,
          tpu.vector_store %arg14[%swap3A_547, %swap3A_548], %gather3A_528 {add = true, strides = array<i32>} : memref<64x128xf32, #tpu.memory_space<vmem>>, vector<16xf32>,
          %swap3A_550 = arith.index_cast %scan3A_525 : i32 to index
          %swap3A_551 = arith.constant 112 : index
          %swap3A_552 = tpu.vector_load %arg14[%swap3A_550, %swap3A_551] {strides = array<i32>} : memref<64x128xf32, #tpu.memory_space<vmem>>, vector<16xf32>,
          tpu.vector_store %arg14[%swap3A_550, %swap3A_551], %gather3A_528 {add = true, strides = array<i32>} : memref<64x128xf32, #tpu.memory_space<vmem>>, vector<16xf32>,
          %scan3A_553 = arith.constant 5 : i32
          %scan3A_554 = arith.addi %scan3A_410, %scan3A_553 : i32
          %add3A_555 = vector.broadcast %scan3A_554 : i32 to vector<16xi32>
          %add3A_556 = arith.addi %mul3A_388, %add3A_555 : vector<16xi32>
          %gather3A_557 = tpu.vector_load_idx %arg7[%add3A_556, %add3A_390] : memref<64x200xf32, #tpu.memory_space<vmem>>[vector<16xi32>, vector<16xi32>], vector<16xf32>,
          %swap3A_558 = arith.index_cast %scan3A_554 : i32 to index
          %swap3A_559 = arith.constant 0 : index
          %swap3A_560 = tpu.vector_load %arg14[%swap3A_558, %swap3A_559] {strides = array<i32>} : memref<64x128xf32, #tpu.memory_space<vmem>>, vector<16xf32>,
          tpu.vector_store %arg14[%swap3A_558, %swap3A_559], %gather3A_557 {add = true, strides = array<i32>} : memref<64x128xf32, #tpu.memory_space<vmem>>, vector<16xf32>,
          %swap3A_561 = arith.index_cast %scan3A_554 : i32 to index
          %swap3A_562 = arith.constant 16 : index
          %swap3A_563 = tpu.vector_load %arg14[%swap3A_561, %swap3A_562] {strides = array<i32>} : memref<64x128xf32, #tpu.memory_space<vmem>>, vector<16xf32>,
          tpu.vector_store %arg14[%swap3A_561, %swap3A_562], %gather3A_557 {add = true, strides = array<i32>} : memref<64x128xf32, #tpu.memory_space<vmem>>, vector<16xf32>,
          %swap3A_564 = arith.index_cast %scan3A_554 : i32 to index
          %swap3A_565 = arith.constant 32 : index
          %swap3A_566 = tpu.vector_load %arg14[%swap3A_564, %swap3A_565] {strides = array<i32>} : memref<64x128xf32, #tpu.memory_space<vmem>>, vector<16xf32>,
          tpu.vector_store %arg14[%swap3A_564, %swap3A_565], %gather3A_557 {add = true, strides = array<i32>} : memref<64x128xf32, #tpu.memory_space<vmem>>, vector<16xf32>,
          %swap3A_567 = arith.index_cast %scan3A_554 : i32 to index
          %swap3A_568 = arith.constant 48 : index
          %swap3A_569 = tpu.vector_load %arg14[%swap3A_567, %swap3A_568] {strides = array<i32>} : memref<64x128xf32, #tpu.memory_space<vmem>>, vector<16xf32>,
          tpu.vector_store %arg14[%swap3A_567, %swap3A_568], %gather3A_557 {add = true, strides = array<i32>} : memref<64x128xf32, #tpu.memory_space<vmem>>, vector<16xf32>,
          %swap3A_570 = arith.index_cast %scan3A_554 : i32 to index
          %swap3A_571 = arith.constant 64 : index
          %swap3A_572 = tpu.vector_load %arg14[%swap3A_570, %swap3A_571] {strides = array<i32>} : memref<64x128xf32, #tpu.memory_space<vmem>>, vector<16xf32>,
          tpu.vector_store %arg14[%swap3A_570, %swap3A_571], %gather3A_557 {add = true, strides = array<i32>} : memref<64x128xf32, #tpu.memory_space<vmem>>, vector<16xf32>,
          %swap3A_573 = arith.index_cast %scan3A_554 : i32 to index
          %swap3A_574 = arith.constant 80 : index
          %swap3A_575 = tpu.vector_load %arg14[%swap3A_573, %swap3A_574] {strides = array<i32>} : memref<64x128xf32, #tpu.memory_space<vmem>>, vector<16xf32>,
          tpu.vector_store %arg14[%swap3A_573, %swap3A_574], %gather3A_557 {add = true, strides = array<i32>} : memref<64x128xf32, #tpu.memory_space<vmem>>, vector<16xf32>,
          %swap3A_576 = arith.index_cast %scan3A_554 : i32 to index
          %swap3A_577 = arith.constant 96 : index
          %swap3A_578 = tpu.vector_load %arg14[%swap3A_576, %swap3A_577] {strides = array<i32>} : memref<64x128xf32, #tpu.memory_space<vmem>>, vector<16xf32>,
          tpu.vector_store %arg14[%swap3A_576, %swap3A_577], %gather3A_557 {add = true, strides = array<i32>} : memref<64x128xf32, #tpu.memory_space<vmem>>, vector<16xf32>,
          %swap3A_579 = arith.index_cast %scan3A_554 : i32 to index
          %swap3A_580 = arith.constant 112 : index
          %swap3A_581 = tpu.vector_load %arg14[%swap3A_579, %swap3A_580] {strides = array<i32>} : memref<64x128xf32, #tpu.memory_space<vmem>>, vector<16xf32>,
          tpu.vector_store %arg14[%swap3A_579, %swap3A_580], %gather3A_557 {add = true, strides = array<i32>} : memref<64x128xf32, #tpu.memory_space<vmem>>, vector<16xf32>,
          %scan3A_582 = arith.constant 6 : i32
          %scan3A_583 = arith.addi %scan3A_410, %scan3A_582 : i32
          %add3A_584 = vector.broadcast %scan3A_583 : i32 to vector<16xi32>
          %add3A_585 = arith.addi %mul3A_388, %add3A_584 : vector<16xi32>
          %gather3A_586 = tpu.vector_load_idx %arg7[%add3A_585, %add3A_390] : memref<64x200xf32, #tpu.memory_space<vmem>>[vector<16xi32>, vector<16xi32>], vector<16xf32>,
          %swap3A_587 = arith.index_cast %scan3A_583 : i32 to index
          %swap3A_588 = arith.constant 0 : index
          %swap3A_589 = tpu.vector_load %arg14[%swap3A_587, %swap3A_588] {strides = array<i32>} : memref<64x128xf32, #tpu.memory_space<vmem>>, vector<16xf32>,
          tpu.vector_store %arg14[%swap3A_587, %swap3A_588], %gather3A_586 {add = true, strides = array<i32>} : memref<64x128xf32, #tpu.memory_space<vmem>>, vector<16xf32>,
          %swap3A_590 = arith.index_cast %scan3A_583 : i32 to index
          %swap3A_591 = arith.constant 16 : index
          %swap3A_592 = tpu.vector_load %arg14[%swap3A_590, %swap3A_591] {strides = array<i32>} : memref<64x128xf32, #tpu.memory_space<vmem>>, vector<16xf32>,
          tpu.vector_store %arg14[%swap3A_590, %swap3A_591], %gather3A_586 {add = true, strides = array<i32>} : memref<64x128xf32, #tpu.memory_space<vmem>>, vector<16xf32>,
          %swap3A_593 = arith.index_cast %scan3A_583 : i32 to index
          %swap3A_594 = arith.constant 32 : index
          %swap3A_595 = tpu.vector_load %arg14[%swap3A_593, %swap3A_594] {strides = array<i32>} : memref<64x128xf32, #tpu.memory_space<vmem>>, vector<16xf32>,
          tpu.vector_store %arg14[%swap3A_593, %swap3A_594], %gather3A_586 {add = true, strides = array<i32>} : memref<64x128xf32, #tpu.memory_space<vmem>>, vector<16xf32>,
          %swap3A_596 = arith.index_cast %scan3A_583 : i32 to index
          %swap3A_597 = arith.constant 48 : index
          %swap3A_598 = tpu.vector_load %arg14[%swap3A_596, %swap3A_597] {strides = array<i32>} : memref<64x128xf32, #tpu.memory_space<vmem>>, vector<16xf32>,
          tpu.vector_store %arg14[%swap3A_596, %swap3A_597], %gather3A_586 {add = true, strides = array<i32>} : memref<64x128xf32, #tpu.memory_space<vmem>>, vector<16xf32>,
          %swap3A_599 = arith.index_cast %scan3A_583 : i32 to index
          %swap3A_600 = arith.constant 64 : index
          %swap3A_601 = tpu.vector_load %arg14[%swap3A_599, %swap3A_600] {strides = array<i32>} : memref<64x128xf32, #tpu.memory_space<vmem>>, vector<16xf32>,
          tpu.vector_store %arg14[%swap3A_599, %swap3A_600], %gather3A_586 {add = true, strides = array<i32>} : memref<64x128xf32, #tpu.memory_space<vmem>>, vector<16xf32>,
          %swap3A_602 = arith.index_cast %scan3A_583 : i32 to index
          %swap3A_603 = arith.constant 80 : index
          %swap3A_604 = tpu.vector_load %arg14[%swap3A_602, %swap3A_603] {strides = array<i32>} : memref<64x128xf32, #tpu.memory_space<vmem>>, vector<16xf32>,
          tpu.vector_store %arg14[%swap3A_602, %swap3A_603], %gather3A_586 {add = true, strides = array<i32>} : memref<64x128xf32, #tpu.memory_space<vmem>>, vector<16xf32>,
          %swap3A_605 = arith.index_cast %scan3A_583 : i32 to index
          %swap3A_606 = arith.constant 96 : index
          %swap3A_607 = tpu.vector_load %arg14[%swap3A_605, %swap3A_606] {strides = array<i32>} : memref<64x128xf32, #tpu.memory_space<vmem>>, vector<16xf32>,
          tpu.vector_store %arg14[%swap3A_605, %swap3A_606], %gather3A_586 {add = true, strides = array<i32>} : memref<64x128xf32, #tpu.memory_space<vmem>>, vector<16xf32>,
          %swap3A_608 = arith.index_cast %scan3A_583 : i32 to index
          %swap3A_609 = arith.constant 112 : index
          %swap3A_610 = tpu.vector_load %arg14[%swap3A_608, %swap3A_609] {strides = array<i32>} : memref<64x128xf32, #tpu.memory_space<vmem>>, vector<16xf32>,
          tpu.vector_store %arg14[%swap3A_608, %swap3A_609], %gather3A_586 {add = true, strides = array<i32>} : memref<64x128xf32, #tpu.memory_space<vmem>>, vector<16xf32>,
          %scan3A_611 = arith.constant 7 : i32
          %scan3A_612 = arith.addi %scan3A_410, %scan3A_611 : i32
          %add3A_613 = vector.broadcast %scan3A_612 : i32 to vector<16xi32>
          %add3A_614 = arith.addi %mul3A_388, %add3A_613 : vector<16xi32>
          %gather3A_615 = tpu.vector_load_idx %arg7[%add3A_614, %add3A_390] : memref<64x200xf32, #tpu.memory_space<vmem>>[vector<16xi32>, vector<16xi32>], vector<16xf32>,
          %swap3A_616 = arith.index_cast %scan3A_612 : i32 to index
          %swap3A_617 = arith.constant 0 : index
          %swap3A_618 = tpu.vector_load %arg14[%swap3A_616, %swap3A_617] {strides = array<i32>} : memref<64x128xf32, #tpu.memory_space<vmem>>, vector<16xf32>,
          tpu.vector_store %arg14[%swap3A_616, %swap3A_617], %gather3A_615 {add = true, strides = array<i32>} : memref<64x128xf32, #tpu.memory_space<vmem>>, vector<16xf32>,
          %swap3A_619 = arith.index_cast %scan3A_612 : i32 to index
          %swap3A_620 = arith.constant 16 : index
          %swap3A_621 = tpu.vector_load %arg14[%swap3A_619, %swap3A_620] {strides = array<i32>} : memref<64x128xf32, #tpu.memory_space<vmem>>, vector<16xf32>,
          tpu.vector_store %arg14[%swap3A_619, %swap3A_620], %gather3A_615 {add = true, strides = array<i32>} : memref<64x128xf32, #tpu.memory_space<vmem>>, vector<16xf32>,
          %swap3A_622 = arith.index_cast %scan3A_612 : i32 to index
          %swap3A_623 = arith.constant 32 : index
          %swap3A_624 = tpu.vector_load %arg14[%swap3A_622, %swap3A_623] {strides = array<i32>} : memref<64x128xf32, #tpu.memory_space<vmem>>, vector<16xf32>,
          tpu.vector_store %arg14[%swap3A_622, %swap3A_623], %gather3A_615 {add = true, strides = array<i32>} : memref<64x128xf32, #tpu.memory_space<vmem>>, vector<16xf32>,
          %swap3A_625 = arith.index_cast %scan3A_612 : i32 to index
          %swap3A_626 = arith.constant 48 : index
          %swap3A_627 = tpu.vector_load %arg14[%swap3A_625, %swap3A_626] {strides = array<i32>} : memref<64x128xf32, #tpu.memory_space<vmem>>, vector<16xf32>,
          tpu.vector_store %arg14[%swap3A_625, %swap3A_626], %gather3A_615 {add = true, strides = array<i32>} : memref<64x128xf32, #tpu.memory_space<vmem>>, vector<16xf32>,
          %swap3A_628 = arith.index_cast %scan3A_612 : i32 to index
          %swap3A_629 = arith.constant 64 : index
          %swap3A_630 = tpu.vector_load %arg14[%swap3A_628, %swap3A_629] {strides = array<i32>} : memref<64x128xf32, #tpu.memory_space<vmem>>, vector<16xf32>,
          tpu.vector_store %arg14[%swap3A_628, %swap3A_629], %gather3A_615 {add = true, strides = array<i32>} : memref<64x128xf32, #tpu.memory_space<vmem>>, vector<16xf32>,
          %swap3A_631 = arith.index_cast %scan3A_612 : i32 to index
          %swap3A_632 = arith.constant 80 : index
          %swap3A_633 = tpu.vector_load %arg14[%swap3A_631, %swap3A_632] {strides = array<i32>} : memref<64x128xf32, #tpu.memory_space<vmem>>, vector<16xf32>,
          tpu.vector_store %arg14[%swap3A_631, %swap3A_632], %gather3A_615 {add = true, strides = array<i32>} : memref<64x128xf32, #tpu.memory_space<vmem>>, vector<16xf32>,
          %swap3A_634 = arith.index_cast %scan3A_612 : i32 to index
          %swap3A_635 = arith.constant 96 : index
          %swap3A_636 = tpu.vector_load %arg14[%swap3A_634, %swap3A_635] {strides = array<i32>} : memref<64x128xf32, #tpu.memory_space<vmem>>, vector<16xf32>,
          tpu.vector_store %arg14[%swap3A_634, %swap3A_635], %gather3A_615 {add = true, strides = array<i32>} : memref<64x128xf32, #tpu.memory_space<vmem>>, vector<16xf32>,
          %swap3A_637 = arith.index_cast %scan3A_612 : i32 to index
          %swap3A_638 = arith.constant 112 : index
          %swap3A_639 = tpu.vector_load %arg14[%swap3A_637, %swap3A_638] {strides = array<i32>} : memref<64x128xf32, #tpu.memory_space<vmem>>, vector<16xf32>,
          tpu.vector_store %arg14[%swap3A_637, %swap3A_638], %gather3A_615 {add = true, strides = array<i32>} : memref<64x128xf32, #tpu.memory_space<vmem>>, vector<16xf32>,
        }
        %scan3A_396 = arith.constant 64 : i32
        %dma_start3A_397 = arith.constant 0 : i32
        %dma_start3A_398 = tpu.memref_slice %arg5[%add3A_277, %dma_start3A_397, %mul3A_2] : memref<200x64x4096xf32, #tpu.memory_space<hbm>> -> memref<1x64x128xf32, #tpu.memory_space<hbm>>
        %dma_start3A_399 = tpu.memref_squeeze %dma_start3A_398 : memref<1x64x128xf32, #tpu.memory_space<hbm>> -> memref<64x128xf32, #tpu.memory_space<hbm>>
        %dma_start3A_400 = arith.constant 0 : i32
        %dma_start3A_401 = tpu.memref_slice %arg5[%add3A_277, %dma_start3A_400, %mul3A_2] : memref<200x64x4096xf32, #tpu.memory_space<hbm>> -> memref<1x64x128xf32, #tpu.memory_space<hbm>>
        %dma_start3A_402 = tpu.memref_squeeze %dma_start3A_401 : memref<1x64x128xf32, #tpu.memory_space<hbm>> -> memref<64x128xf32, #tpu.memory_space<hbm>>
        tpu.enqueue_dma source(%arg14 : memref<64x128xf32, #tpu.memory_space<vmem>>) target(%dma_start3A_402 : memref<64x128xf32, #tpu.memory_space<hbm>>) target_semaphore(%arg18 : memref<!tpu.dma_semaphore, #tpu.memory_space<semaphore_mem>>)
        %add3A_403 = arith.constant 3 : i32
        %add3A_404 = arith.addi %add3A_277, %add3A_403 : i32
        %lt3A_405 = arith.constant 200 : i32
        %lt3A_406 = arith.cmpi slt, %add3A_404, %lt3A_405 : i32
        %convert_element_type3A_407 = arith.extui %lt3A_406 : i1 to i32
        %cond3A_408 = arith.constant 0 : i32
        %cond3A_409 = arith.cmpi ne, %convert_element_type3A_407, %cond3A_408 : i32
        scf.if %cond3A_409 {
          %add3A_410 = arith.constant 3 : i32
          %add3A_411 = arith.addi %add3A_277, %add3A_410 : i32
          %get3A_412 = arith.index_cast %add3A_411 : i32 to index
          %get3A_413 = arith.constant 0 : index
          %get3A_414 = tpu.vector_load %arg6[%get3A_412, %get3A_413] {strides = array<i32>} : memref<200x128xi32, #tpu.memory_space<vmem>>, vector<16xi32>,
          %shift_right_logical3A_415 = arith.constant 1 : i32
          %shift_right_logical3A_416 = vector.broadcast %shift_right_logical3A_415 : i32 to vector<16xi32>
          %shift_right_logical3A_417 = arith.shrui %get3A_414, %shift_right_logical3A_416 : vector<16xi32>
          %swap3A_418 = arith.constant 0 : index
          %swap3A_419 = tpu.vector_load %arg8[%swap3A_418] {strides = array<i32>} : memref<128xi32, #tpu.memory_space<vmem>>, vector<16xi32>,
          tpu.vector_store %arg8[%swap3A_418], %shift_right_logical3A_417 {strides = array<i32>} : memref<128xi32, #tpu.memory_space<vmem>>, vector<16xi32>,
          %get3A_420 = arith.index_cast %add3A_411 : i32 to index
          %get3A_421 = arith.constant 16 : index
          %get3A_422 = tpu.vector_load %arg6[%get3A_420, %get3A_421] {strides = array<i32>} : memref<200x128xi32, #tpu.memory_space<vmem>>, vector<16xi32>,
          %shift_right_logical3A_423 = arith.constant 1 : i32
          %shift_right_logical3A_424 = vector.broadcast %shift_right_logical3A_423 : i32 to vector<16xi32>
          %shift_right_logical3A_425 = arith.shrui %get3A_422, %shift_right_logical3A_424 : vector<16xi32>
          %swap3A_426 = arith.constant 16 : index
          %swap3A_427 = tpu.vector_load %arg8[%swap3A_426] {strides = array<i32>} : memref<128xi32, #tpu.memory_space<vmem>>, vector<16xi32>,
          tpu.vector_store %arg8[%swap3A_426], %shift_right_logical3A_425 {strides = array<i32>} : memref<128xi32, #tpu.memory_space<vmem>>, vector<16xi32>,
          %get3A_428 = arith.index_cast %add3A_411 : i32 to index
          %get3A_429 = arith.constant 32 : index
          %get3A_430 = tpu.vector_load %arg6[%get3A_428, %get3A_429] {strides = array<i32>} : memref<200x128xi32, #tpu.memory_space<vmem>>, vector<16xi32>,
          %shift_right_logical3A_431 = arith.constant 1 : i32
          %shift_right_logical3A_432 = vector.broadcast %shift_right_logical3A_431 : i32 to vector<16xi32>
          %shift_right_logical3A_433 = arith.shrui %get3A_430, %shift_right_logical3A_432 : vector<16xi32>
          %swap3A_434 = arith.constant 32 : index
          %swap3A_435 = tpu.vector_load %arg8[%swap3A_434] {strides = array<i32>} : memref<128xi32, #tpu.memory_space<vmem>>, vector<16xi32>,
          tpu.vector_store %arg8[%swap3A_434], %shift_right_logical3A_433 {strides = array<i32>} : memref<128xi32, #tpu.memory_space<vmem>>, vector<16xi32>,
          %get3A_436 = arith.index_cast %add3A_411 : i32 to index
          %get3A_437 = arith.constant 48 : index
          %get3A_438 = tpu.vector_load %arg6[%get3A_436, %get3A_437] {strides = array<i32>} : memref<200x128xi32, #tpu.memory_space<vmem>>, vector<16xi32>,
          %shift_right_logical3A_439 = arith.constant 1 : i32
          %shift_right_logical3A_440 = vector.broadcast %shift_right_logical3A_439 : i32 to vector<16xi32>
          %shift_right_logical3A_441 = arith.shrui %get3A_438, %shift_right_logical3A_440 : vector<16xi32>
          %swap3A_442 = arith.constant 48 : index
          %swap3A_443 = tpu.vector_load %arg8[%swap3A_442] {strides = array<i32>} : memref<128xi32, #tpu.memory_space<vmem>>, vector<16xi32>,
          tpu.vector_store %arg8[%swap3A_442], %shift_right_logical3A_441 {strides = array<i32>} : memref<128xi32, #tpu.memory_space<vmem>>, vector<16xi32>,
          %get3A_444 = arith.index_cast %add3A_411 : i32 to index
          %get3A_445 = arith.constant 64 : index
          %get3A_446 = tpu.vector_load %arg6[%get3A_444, %get3A_445] {strides = array<i32>} : memref<200x128xi32, #tpu.memory_space<vmem>>, vector<16xi32>,
          %shift_right_logical3A_447 = arith.constant 1 : i32
          %shift_right_logical3A_448 = vector.broadcast %shift_right_logical3A_447 : i32 to vector<16xi32>
          %shift_right_logical3A_449 = arith.shrui %get3A_446, %shift_right_logical3A_448 : vector<16xi32>
          %swap3A_450 = arith.constant 64 : index
          %swap3A_451 = tpu.vector_load %arg8[%swap3A_450] {strides = array<i32>} : memref<128xi32, #tpu.memory_space<vmem>>, vector<16xi32>,
          tpu.vector_store %arg8[%swap3A_450], %shift_right_logical3A_449 {strides = array<i32>} : memref<128xi32, #tpu.memory_space<vmem>>, vector<16xi32>,
          %get3A_452 = arith.index_cast %add3A_411 : i32 to index
          %get3A_453 = arith.constant 80 : index
          %get3A_454 = tpu.vector_load %arg6[%get3A_452, %get3A_453] {strides = array<i32>} : memref<200x128xi32, #tpu.memory_space<vmem>>, vector<16xi32>,
          %shift_right_logical3A_455 = arith.constant 1 : i32
          %shift_right_logical3A_456 = vector.broadcast %shift_right_logical3A_455 : i32 to vector<16xi32>
          %shift_right_logical3A_457 = arith.shrui %get3A_454, %shift_right_logical3A_456 : vector<16xi32>
          %swap3A_458 = arith.constant 80 : index
          %swap3A_459 = tpu.vector_load %arg8[%swap3A_458] {strides = array<i32>} : memref<128xi32, #tpu.memory_space<vmem>>, vector<16xi32>,
          tpu.vector_store %arg8[%swap3A_458], %shift_right_logical3A_457 {strides = array<i32>} : memref<128xi32, #tpu.memory_space<vmem>>, vector<16xi32>,
          %get3A_460 = arith.index_cast %add3A_411 : i32 to index
          %get3A_461 = arith.constant 96 : index
          %get3A_462 = tpu.vector_load %arg6[%get3A_460, %get3A_461] {strides = array<i32>} : memref<200x128xi32, #tpu.memory_space<vmem>>, vector<16xi32>,
          %shift_right_logical3A_463 = arith.constant 1 : i32
          %shift_right_logical3A_464 = vector.broadcast %shift_right_logical3A_463 : i32 to vector<16xi32>
          %shift_right_logical3A_465 = arith.shrui %get3A_462, %shift_right_logical3A_464 : vector<16xi32>
          %swap3A_466 = arith.constant 96 : index
          %swap3A_467 = tpu.vector_load %arg8[%swap3A_466] {strides = array<i32>} : memref<128xi32, #tpu.memory_space<vmem>>, vector<16xi32>,
          tpu.vector_store %arg8[%swap3A_466], %shift_right_logical3A_465 {strides = array<i32>} : memref<128xi32, #tpu.memory_space<vmem>>, vector<16xi32>,
          %get3A_468 = arith.index_cast %add3A_411 : i32 to index
          %get3A_469 = arith.constant 112 : index
          %get3A_470 = tpu.vector_load %arg6[%get3A_468, %get3A_469] {strides = array<i32>} : memref<200x128xi32, #tpu.memory_space<vmem>>, vector<16xi32>,
          %shift_right_logical3A_471 = arith.constant 1 : i32
          %shift_right_logical3A_472 = vector.broadcast %shift_right_logical3A_471 : i32 to vector<16xi32>
          %shift_right_logical3A_473 = arith.shrui %get3A_470, %shift_right_logical3A_472 : vector<16xi32>
          %swap3A_474 = arith.constant 112 : index
          %swap3A_475 = tpu.vector_load %arg8[%swap3A_474] {strides = array<i32>} : memref<128xi32, #tpu.memory_space<vmem>>, vector<16xi32>,
          tpu.vector_store %arg8[%swap3A_474], %shift_right_logical3A_473 {strides = array<i32>} : memref<128xi32, #tpu.memory_space<vmem>>, vector<16xi32>,
          %dma_start3A_476 = arith.constant 0 : i32
          %dma_start3A_477 = arith.constant 0 : i32
          %dma_start3A_478 = tpu.memref_slice %arg3[%dma_start3A_476, %dma_start3A_477] : memref<500000x128xf32, #tpu.memory_space<hbm>> -> memref<500000x128xf32, #tpu.memory_space<hbm>>
          tpu.enqueue_indirect_dma source(%dma_start3A_478 : memref<500000x128xf32, #tpu.memory_space<hbm>>) target(%arg11 : memref<128x128xf32, #tpu.memory_space<vmem>>) offsets(%arg8 : memref<128xi32, #tpu.memory_space<vmem>>) semaphore(%arg17 : memref<!tpu.dma_semaphore, #tpu.memory_space<semaphore_mem>>)
        } else {
        }
      } else {
      }
      %mul3A_280 = arith.constant 3 : i32
      %mul3A_281 = arith.muli %scan3A_273, %mul3A_280 : i32
      %add3A_282 = arith.constant 1 : i32
      %add3A_283 = arith.addi %mul3A_281, %add3A_282 : i32
      %lt3A_284 = arith.constant 200 : i32
      %lt3A_285 = arith.cmpi slt, %add3A_283, %lt3A_284 : i32
      %convert_element_type3A_286 = arith.extui %lt3A_285 : i1 to i32
      %cond3A_287 = arith.constant 0 : i32
      %cond3A_288 = arith.cmpi ne, %convert_element_type3A_286, %cond3A_287 : i32
      scf.if %cond3A_288 {
        %dma_wait3A_298 = arith.constant 0 : i32
        %dma_wait3A_299 = arith.constant 0 : i32
        %dma_wait3A_300 = tpu.memref_slice %arg3[%dma_wait3A_298, %dma_wait3A_299] : memref<500000x128xf32, #tpu.memory_space<hbm>> -> memref<500000x128xf32, #tpu.memory_space<hbm>>
        tpu.wait_indirect_dma semaphore(%arg17 : memref<!tpu.dma_semaphore, #tpu.memory_space<semaphore_mem>>) src(%dma_wait3A_300 : memref<500000x128xf32, #tpu.memory_space<hbm>>) dst(%arg12 : memref<128x128xf32, #tpu.memory_space<vmem>>)
        %ge3A = arith.constant 3 : i32
        %ge3A_301 = arith.cmpi sge, %add3A_283, %ge3A : i32
        %convert_element_type3A_302 = arith.extui %ge3A_301 : i1 to i32
        %cond3A_303 = arith.constant 0 : i32
        %cond3A_304 = arith.cmpi ne, %convert_element_type3A_302, %cond3A_303 : i32
        scf.if %cond3A_304 {
          %sub3A = arith.constant 3 : i32
          %sub3A_410 = arith.subi %add3A_283, %sub3A : i32
          %dma_wait3A_411 = arith.constant 0 : i32
          %dma_wait3A_412 = tpu.memref_slice %arg5[%sub3A_410, %dma_wait3A_411, %mul3A_2] : memref<200x64x4096xf32, #tpu.memory_space<hbm>> -> memref<1x64x128xf32, #tpu.memory_space<hbm>>
          %dma_wait3A_413 = tpu.memref_squeeze %dma_wait3A_412 : memref<1x64x128xf32, #tpu.memory_space<hbm>> -> memref<64x128xf32, #tpu.memory_space<hbm>>
          %dma_wait3A_414 = arith.constant 0 : i32
          %dma_wait3A_415 = tpu.memref_slice %arg5[%sub3A_410, %dma_wait3A_414, %mul3A_2] : memref<200x64x4096xf32, #tpu.memory_space<hbm>> -> memref<1x64x128xf32, #tpu.memory_space<hbm>>
          %dma_wait3A_416 = tpu.memref_squeeze %dma_wait3A_415 : memref<1x64x128xf32, #tpu.memory_space<hbm>> -> memref<64x128xf32, #tpu.memory_space<hbm>>
          tpu.wait_dma2 semaphore(%arg18 : memref<!tpu.dma_semaphore, #tpu.memory_space<semaphore_mem>>) src(%arg15 : memref<64x128xf32, #tpu.memory_space<vmem>>) dst(%dma_wait3A_416 : memref<64x128xf32, #tpu.memory_space<hbm>>)
        } else {
        }
        %get3A_305 = arith.index_cast %add3A_283 : i32 to index
        %get3A_306 = arith.constant 0 : index
        %get3A_307 = tpu.vector_load %arg6[%get3A_305, %get3A_306] {strides = array<i32>} : memref<200x128xi32, #tpu.memory_space<vmem>>, vector<16xi32>,
        %and3A = arith.constant 1 : i32
        %and3A_308 = vector.broadcast %and3A : i32 to vector<16xi32>
        %and3A_309 = arith.andi %get3A_307, %and3A_308 : vector<16xi32>
        %mul3A_310 = arith.constant 64 : i32
        %mul3A_311 = vector.broadcast %mul3A_310 : i32 to vector<16xi32>
        %mul3A_312 = arith.muli %and3A_309, %mul3A_311 : vector<16xi32>
        %get3A_313 = arith.index_cast %add3A_283 : i32 to index
        %get3A_314 = arith.constant 16 : index
        %get3A_315 = tpu.vector_load %arg6[%get3A_313, %get3A_314] {strides = array<i32>} : memref<200x128xi32, #tpu.memory_space<vmem>>, vector<16xi32>,
        %and3A_316 = arith.constant 1 : i32
        %and3A_317 = vector.broadcast %and3A_316 : i32 to vector<16xi32>
        %and3A_318 = arith.andi %get3A_315, %and3A_317 : vector<16xi32>
        %mul3A_319 = arith.constant 64 : i32
        %mul3A_320 = vector.broadcast %mul3A_319 : i32 to vector<16xi32>
        %mul3A_321 = arith.muli %and3A_318, %mul3A_320 : vector<16xi32>
        %get3A_322 = arith.index_cast %add3A_283 : i32 to index
        %get3A_323 = arith.constant 32 : index
        %get3A_324 = tpu.vector_load %arg6[%get3A_322, %get3A_323] {strides = array<i32>} : memref<200x128xi32, #tpu.memory_space<vmem>>, vector<16xi32>,
        %and3A_325 = arith.constant 1 : i32
        %and3A_326 = vector.broadcast %and3A_325 : i32 to vector<16xi32>
        %and3A_327 = arith.andi %get3A_324, %and3A_326 : vector<16xi32>
        %mul3A_328 = arith.constant 64 : i32
        %mul3A_329 = vector.broadcast %mul3A_328 : i32 to vector<16xi32>
        %mul3A_330 = arith.muli %and3A_327, %mul3A_329 : vector<16xi32>
        %get3A_331 = arith.index_cast %add3A_283 : i32 to index
        %get3A_332 = arith.constant 48 : index
        %get3A_333 = tpu.vector_load %arg6[%get3A_331, %get3A_332] {strides = array<i32>} : memref<200x128xi32, #tpu.memory_space<vmem>>, vector<16xi32>,
        %and3A_334 = arith.constant 1 : i32
        %and3A_335 = vector.broadcast %and3A_334 : i32 to vector<16xi32>
        %and3A_336 = arith.andi %get3A_333, %and3A_335 : vector<16xi32>
        %mul3A_337 = arith.constant 64 : i32
        %mul3A_338 = vector.broadcast %mul3A_337 : i32 to vector<16xi32>
        %mul3A_339 = arith.muli %and3A_336, %mul3A_338 : vector<16xi32>
        %scan3A_340 = arith.constant 0 : i32
        %scan3A_341 = arith.constant 64 : i32
        %scan3A_342 = arith.addi %scan3A_340, %scan3A_341 : i32
        %scan3A_343 = arith.constant 4 : i32
        scf.for %scan3A_410 = %scan3A_340 to %scan3A_342 step %scan3A_343  : i32 {
          %add3A_411 = vector.broadcast %scan3A_410 : i32 to vector<16xi32>
          %add3A_412 = arith.addi %mul3A_312, %add3A_411 : vector<16xi32>
          %gather3A = tpu.vector_load_idx %arg12[%add3A_5, %add3A_412] : memref<128x128xf32, #tpu.memory_space<vmem>>[vector<16xi32>, vector<16xi32>], vector<16xf32>,
          %add3A_413 = vector.broadcast %scan3A_410 : i32 to vector<16xi32>
          %add3A_414 = arith.addi %mul3A_321, %add3A_413 : vector<16xi32>
          %gather3A_415 = tpu.vector_load_idx %arg12[%add3A_8, %add3A_414] : memref<128x128xf32, #tpu.memory_space<vmem>>[vector<16xi32>, vector<16xi32>], vector<16xf32>,
          %add3A_416 = vector.broadcast %scan3A_410 : i32 to vector<16xi32>
          %add3A_417 = arith.addi %mul3A_330, %add3A_416 : vector<16xi32>
          %gather3A_418 = tpu.vector_load_idx %arg12[%add3A_11, %add3A_417] : memref<128x128xf32, #tpu.memory_space<vmem>>[vector<16xi32>, vector<16xi32>], vector<16xf32>,
          %add3A_419 = vector.broadcast %scan3A_410 : i32 to vector<16xi32>
          %add3A_420 = arith.addi %mul3A_339, %add3A_419 : vector<16xi32>
          %gather3A_421 = tpu.vector_load_idx %arg12[%add3A_14, %add3A_420] : memref<128x128xf32, #tpu.memory_space<vmem>>[vector<16xi32>, vector<16xi32>], vector<16xf32>,
          %swap3A_422 = arith.index_cast %scan3A_410 : i32 to index
          %swap3A_423 = arith.constant 0 : index
          %swap3A_424 = tpu.vector_load %arg15[%swap3A_422, %swap3A_423] {strides = array<i32>} : memref<64x128xf32, #tpu.memory_space<vmem>>, vector<16xf32>,
          tpu.vector_store %arg15[%swap3A_422, %swap3A_423], %gather3A {strides = array<i32>} : memref<64x128xf32, #tpu.memory_space<vmem>>, vector<16xf32>,
          %swap3A_425 = arith.index_cast %scan3A_410 : i32 to index
          %swap3A_426 = arith.constant 16 : index
          %swap3A_427 = tpu.vector_load %arg15[%swap3A_425, %swap3A_426] {strides = array<i32>} : memref<64x128xf32, #tpu.memory_space<vmem>>, vector<16xf32>,
          tpu.vector_store %arg15[%swap3A_425, %swap3A_426], %gather3A_415 {strides = array<i32>} : memref<64x128xf32, #tpu.memory_space<vmem>>, vector<16xf32>,
          %swap3A_428 = arith.index_cast %scan3A_410 : i32 to index
          %swap3A_429 = arith.constant 32 : index
          %swap3A_430 = tpu.vector_load %arg15[%swap3A_428, %swap3A_429] {strides = array<i32>} : memref<64x128xf32, #tpu.memory_space<vmem>>, vector<16xf32>,
          tpu.vector_store %arg15[%swap3A_428, %swap3A_429], %gather3A_418 {strides = array<i32>} : memref<64x128xf32, #tpu.memory_space<vmem>>, vector<16xf32>,
          %swap3A_431 = arith.index_cast %scan3A_410 : i32 to index
          %swap3A_432 = arith.constant 48 : index
          %swap3A_433 = tpu.vector_load %arg15[%swap3A_431, %swap3A_432] {strides = array<i32>} : memref<64x128xf32, #tpu.memory_space<vmem>>, vector<16xf32>,
          tpu.vector_store %arg15[%swap3A_431, %swap3A_432], %gather3A_421 {strides = array<i32>} : memref<64x128xf32, #tpu.memory_space<vmem>>, vector<16xf32>,
          %scan3A_434 = arith.constant 1 : i32
          %scan3A_435 = arith.addi %scan3A_410, %scan3A_434 : i32
          %add3A_436 = vector.broadcast %scan3A_435 : i32 to vector<16xi32>
          %add3A_437 = arith.addi %mul3A_312, %add3A_436 : vector<16xi32>
          %gather3A_438 = tpu.vector_load_idx %arg12[%add3A_5, %add3A_437] : memref<128x128xf32, #tpu.memory_space<vmem>>[vector<16xi32>, vector<16xi32>], vector<16xf32>,
          %add3A_439 = vector.broadcast %scan3A_435 : i32 to vector<16xi32>
          %add3A_440 = arith.addi %mul3A_321, %add3A_439 : vector<16xi32>
          %gather3A_441 = tpu.vector_load_idx %arg12[%add3A_8, %add3A_440] : memref<128x128xf32, #tpu.memory_space<vmem>>[vector<16xi32>, vector<16xi32>], vector<16xf32>,
          %add3A_442 = vector.broadcast %scan3A_435 : i32 to vector<16xi32>
          %add3A_443 = arith.addi %mul3A_330, %add3A_442 : vector<16xi32>
          %gather3A_444 = tpu.vector_load_idx %arg12[%add3A_11, %add3A_443] : memref<128x128xf32, #tpu.memory_space<vmem>>[vector<16xi32>, vector<16xi32>], vector<16xf32>,
          %add3A_445 = vector.broadcast %scan3A_435 : i32 to vector<16xi32>
          %add3A_446 = arith.addi %mul3A_339, %add3A_445 : vector<16xi32>
          %gather3A_447 = tpu.vector_load_idx %arg12[%add3A_14, %add3A_446] : memref<128x128xf32, #tpu.memory_space<vmem>>[vector<16xi32>, vector<16xi32>], vector<16xf32>,
          %swap3A_448 = arith.index_cast %scan3A_435 : i32 to index
          %swap3A_449 = arith.constant 0 : index
          %swap3A_450 = tpu.vector_load %arg15[%swap3A_448, %swap3A_449] {strides = array<i32>} : memref<64x128xf32, #tpu.memory_space<vmem>>, vector<16xf32>,
          tpu.vector_store %arg15[%swap3A_448, %swap3A_449], %gather3A_438 {strides = array<i32>} : memref<64x128xf32, #tpu.memory_space<vmem>>, vector<16xf32>,
          %swap3A_451 = arith.index_cast %scan3A_435 : i32 to index
          %swap3A_452 = arith.constant 16 : index
          %swap3A_453 = tpu.vector_load %arg15[%swap3A_451, %swap3A_452] {strides = array<i32>} : memref<64x128xf32, #tpu.memory_space<vmem>>, vector<16xf32>,
          tpu.vector_store %arg15[%swap3A_451, %swap3A_452], %gather3A_441 {strides = array<i32>} : memref<64x128xf32, #tpu.memory_space<vmem>>, vector<16xf32>,
          %swap3A_454 = arith.index_cast %scan3A_435 : i32 to index
          %swap3A_455 = arith.constant 32 : index
          %swap3A_456 = tpu.vector_load %arg15[%swap3A_454, %swap3A_455] {strides = array<i32>} : memref<64x128xf32, #tpu.memory_space<vmem>>, vector<16xf32>,
          tpu.vector_store %arg15[%swap3A_454, %swap3A_455], %gather3A_444 {strides = array<i32>} : memref<64x128xf32, #tpu.memory_space<vmem>>, vector<16xf32>,
          %swap3A_457 = arith.index_cast %scan3A_435 : i32 to index
          %swap3A_458 = arith.constant 48 : index
          %swap3A_459 = tpu.vector_load %arg15[%swap3A_457, %swap3A_458] {strides = array<i32>} : memref<64x128xf32, #tpu.memory_space<vmem>>, vector<16xf32>,
          tpu.vector_store %arg15[%swap3A_457, %swap3A_458], %gather3A_447 {strides = array<i32>} : memref<64x128xf32, #tpu.memory_space<vmem>>, vector<16xf32>,
          %scan3A_460 = arith.constant 2 : i32
          %scan3A_461 = arith.addi %scan3A_410, %scan3A_460 : i32
          %add3A_462 = vector.broadcast %scan3A_461 : i32 to vector<16xi32>
          %add3A_463 = arith.addi %mul3A_312, %add3A_462 : vector<16xi32>
          %gather3A_464 = tpu.vector_load_idx %arg12[%add3A_5, %add3A_463] : memref<128x128xf32, #tpu.memory_space<vmem>>[vector<16xi32>, vector<16xi32>], vector<16xf32>,
          %add3A_465 = vector.broadcast %scan3A_461 : i32 to vector<16xi32>
          %add3A_466 = arith.addi %mul3A_321, %add3A_465 : vector<16xi32>
          %gather3A_467 = tpu.vector_load_idx %arg12[%add3A_8, %add3A_466] : memref<128x128xf32, #tpu.memory_space<vmem>>[vector<16xi32>, vector<16xi32>], vector<16xf32>,
          %add3A_468 = vector.broadcast %scan3A_461 : i32 to vector<16xi32>
          %add3A_469 = arith.addi %mul3A_330, %add3A_468 : vector<16xi32>
          %gather3A_470 = tpu.vector_load_idx %arg12[%add3A_11, %add3A_469] : memref<128x128xf32, #tpu.memory_space<vmem>>[vector<16xi32>, vector<16xi32>], vector<16xf32>,
          %add3A_471 = vector.broadcast %scan3A_461 : i32 to vector<16xi32>
          %add3A_472 = arith.addi %mul3A_339, %add3A_471 : vector<16xi32>
          %gather3A_473 = tpu.vector_load_idx %arg12[%add3A_14, %add3A_472] : memref<128x128xf32, #tpu.memory_space<vmem>>[vector<16xi32>, vector<16xi32>], vector<16xf32>,
          %swap3A_474 = arith.index_cast %scan3A_461 : i32 to index
          %swap3A_475 = arith.constant 0 : index
          %swap3A_476 = tpu.vector_load %arg15[%swap3A_474, %swap3A_475] {strides = array<i32>} : memref<64x128xf32, #tpu.memory_space<vmem>>, vector<16xf32>,
          tpu.vector_store %arg15[%swap3A_474, %swap3A_475], %gather3A_464 {strides = array<i32>} : memref<64x128xf32, #tpu.memory_space<vmem>>, vector<16xf32>,
          %swap3A_477 = arith.index_cast %scan3A_461 : i32 to index
          %swap3A_478 = arith.constant 16 : index
          %swap3A_479 = tpu.vector_load %arg15[%swap3A_477, %swap3A_478] {strides = array<i32>} : memref<64x128xf32, #tpu.memory_space<vmem>>, vector<16xf32>,
          tpu.vector_store %arg15[%swap3A_477, %swap3A_478], %gather3A_467 {strides = array<i32>} : memref<64x128xf32, #tpu.memory_space<vmem>>, vector<16xf32>,
          %swap3A_480 = arith.index_cast %scan3A_461 : i32 to index
          %swap3A_481 = arith.constant 32 : index
          %swap3A_482 = tpu.vector_load %arg15[%swap3A_480, %swap3A_481] {strides = array<i32>} : memref<64x128xf32, #tpu.memory_space<vmem>>, vector<16xf32>,
          tpu.vector_store %arg15[%swap3A_480, %swap3A_481], %gather3A_470 {strides = array<i32>} : memref<64x128xf32, #tpu.memory_space<vmem>>, vector<16xf32>,
          %swap3A_483 = arith.index_cast %scan3A_461 : i32 to index
          %swap3A_484 = arith.constant 48 : index
          %swap3A_485 = tpu.vector_load %arg15[%swap3A_483, %swap3A_484] {strides = array<i32>} : memref<64x128xf32, #tpu.memory_space<vmem>>, vector<16xf32>,
          tpu.vector_store %arg15[%swap3A_483, %swap3A_484], %gather3A_473 {strides = array<i32>} : memref<64x128xf32, #tpu.memory_space<vmem>>, vector<16xf32>,
          %scan3A_486 = arith.constant 3 : i32
          %scan3A_487 = arith.addi %scan3A_410, %scan3A_486 : i32
          %add3A_488 = vector.broadcast %scan3A_487 : i32 to vector<16xi32>
          %add3A_489 = arith.addi %mul3A_312, %add3A_488 : vector<16xi32>
          %gather3A_490 = tpu.vector_load_idx %arg12[%add3A_5, %add3A_489] : memref<128x128xf32, #tpu.memory_space<vmem>>[vector<16xi32>, vector<16xi32>], vector<16xf32>,
          %add3A_491 = vector.broadcast %scan3A_487 : i32 to vector<16xi32>
          %add3A_492 = arith.addi %mul3A_321, %add3A_491 : vector<16xi32>
          %gather3A_493 = tpu.vector_load_idx %arg12[%add3A_8, %add3A_492] : memref<128x128xf32, #tpu.memory_space<vmem>>[vector<16xi32>, vector<16xi32>], vector<16xf32>,
          %add3A_494 = vector.broadcast %scan3A_487 : i32 to vector<16xi32>
          %add3A_495 = arith.addi %mul3A_330, %add3A_494 : vector<16xi32>
          %gather3A_496 = tpu.vector_load_idx %arg12[%add3A_11, %add3A_495] : memref<128x128xf32, #tpu.memory_space<vmem>>[vector<16xi32>, vector<16xi32>], vector<16xf32>,
          %add3A_497 = vector.broadcast %scan3A_487 : i32 to vector<16xi32>
          %add3A_498 = arith.addi %mul3A_339, %add3A_497 : vector<16xi32>
          %gather3A_499 = tpu.vector_load_idx %arg12[%add3A_14, %add3A_498] : memref<128x128xf32, #tpu.memory_space<vmem>>[vector<16xi32>, vector<16xi32>], vector<16xf32>,
          %swap3A_500 = arith.index_cast %scan3A_487 : i32 to index
          %swap3A_501 = arith.constant 0 : index
          %swap3A_502 = tpu.vector_load %arg15[%swap3A_500, %swap3A_501] {strides = array<i32>} : memref<64x128xf32, #tpu.memory_space<vmem>>, vector<16xf32>,
          tpu.vector_store %arg15[%swap3A_500, %swap3A_501], %gather3A_490 {strides = array<i32>} : memref<64x128xf32, #tpu.memory_space<vmem>>, vector<16xf32>,
          %swap3A_503 = arith.index_cast %scan3A_487 : i32 to index
          %swap3A_504 = arith.constant 16 : index
          %swap3A_505 = tpu.vector_load %arg15[%swap3A_503, %swap3A_504] {strides = array<i32>} : memref<64x128xf32, #tpu.memory_space<vmem>>, vector<16xf32>,
          tpu.vector_store %arg15[%swap3A_503, %swap3A_504], %gather3A_493 {strides = array<i32>} : memref<64x128xf32, #tpu.memory_space<vmem>>, vector<16xf32>,
          %swap3A_506 = arith.index_cast %scan3A_487 : i32 to index
          %swap3A_507 = arith.constant 32 : index
          %swap3A_508 = tpu.vector_load %arg15[%swap3A_506, %swap3A_507] {strides = array<i32>} : memref<64x128xf32, #tpu.memory_space<vmem>>, vector<16xf32>,
          tpu.vector_store %arg15[%swap3A_506, %swap3A_507], %gather3A_496 {strides = array<i32>} : memref<64x128xf32, #tpu.memory_space<vmem>>, vector<16xf32>,
          %swap3A_509 = arith.index_cast %scan3A_487 : i32 to index
          %swap3A_510 = arith.constant 48 : index
          %swap3A_511 = tpu.vector_load %arg15[%swap3A_509, %swap3A_510] {strides = array<i32>} : memref<64x128xf32, #tpu.memory_space<vmem>>, vector<16xf32>,
          tpu.vector_store %arg15[%swap3A_509, %swap3A_510], %gather3A_499 {strides = array<i32>} : memref<64x128xf32, #tpu.memory_space<vmem>>, vector<16xf32>,
        }
        %scan3A_344 = arith.constant 64 : i32
        %get3A_345 = arith.index_cast %add3A_283 : i32 to index
        %get3A_346 = arith.constant 64 : index
        %get3A_347 = tpu.vector_load %arg6[%get3A_345, %get3A_346] {strides = array<i32>} : memref<200x128xi32, #tpu.memory_space<vmem>>, vector<16xi32>,
        %and3A_348 = arith.constant 1 : i32
        %and3A_349 = vector.broadcast %and3A_348 : i32 to vector<16xi32>
        %and3A_350 = arith.andi %get3A_347, %and3A_349 : vector<16xi32>
        %mul3A_351 = arith.constant 64 : i32
        %mul3A_352 = vector.broadcast %mul3A_351 : i32 to vector<16xi32>
        %mul3A_353 = arith.muli %and3A_350, %mul3A_352 : vector<16xi32>
        %get3A_354 = arith.index_cast %add3A_283 : i32 to index
        %get3A_355 = arith.constant 80 : index
        %get3A_356 = tpu.vector_load %arg6[%get3A_354, %get3A_355] {strides = array<i32>} : memref<200x128xi32, #tpu.memory_space<vmem>>, vector<16xi32>,
        %and3A_357 = arith.constant 1 : i32
        %and3A_358 = vector.broadcast %and3A_357 : i32 to vector<16xi32>
        %and3A_359 = arith.andi %get3A_356, %and3A_358 : vector<16xi32>
        %mul3A_360 = arith.constant 64 : i32
        %mul3A_361 = vector.broadcast %mul3A_360 : i32 to vector<16xi32>
        %mul3A_362 = arith.muli %and3A_359, %mul3A_361 : vector<16xi32>
        %get3A_363 = arith.index_cast %add3A_283 : i32 to index
        %get3A_364 = arith.constant 96 : index
        %get3A_365 = tpu.vector_load %arg6[%get3A_363, %get3A_364] {strides = array<i32>} : memref<200x128xi32, #tpu.memory_space<vmem>>, vector<16xi32>,
        %and3A_366 = arith.constant 1 : i32
        %and3A_367 = vector.broadcast %and3A_366 : i32 to vector<16xi32>
        %and3A_368 = arith.andi %get3A_365, %and3A_367 : vector<16xi32>
        %mul3A_369 = arith.constant 64 : i32
        %mul3A_370 = vector.broadcast %mul3A_369 : i32 to vector<16xi32>
        %mul3A_371 = arith.muli %and3A_368, %mul3A_370 : vector<16xi32>
        %get3A_372 = arith.index_cast %add3A_283 : i32 to index
        %get3A_373 = arith.constant 112 : index
        %get3A_374 = tpu.vector_load %arg6[%get3A_372, %get3A_373] {strides = array<i32>} : memref<200x128xi32, #tpu.memory_space<vmem>>, vector<16xi32>,
        %and3A_375 = arith.constant 1 : i32
        %and3A_376 = vector.broadcast %and3A_375 : i32 to vector<16xi32>
        %and3A_377 = arith.andi %get3A_374, %and3A_376 : vector<16xi32>
        %mul3A_378 = arith.constant 64 : i32
        %mul3A_379 = vector.broadcast %mul3A_378 : i32 to vector<16xi32>
        %mul3A_380 = arith.muli %and3A_377, %mul3A_379 : vector<16xi32>
        %scan3A_381 = arith.constant 0 : i32
        %scan3A_382 = arith.constant 64 : i32
        %scan3A_383 = arith.addi %scan3A_381, %scan3A_382 : i32
        %scan3A_384 = arith.constant 4 : i32
        scf.for %scan3A_410 = %scan3A_381 to %scan3A_383 step %scan3A_384  : i32 {
          %add3A_411 = vector.broadcast %scan3A_410 : i32 to vector<16xi32>
          %add3A_412 = arith.addi %mul3A_353, %add3A_411 : vector<16xi32>
          %gather3A = tpu.vector_load_idx %arg12[%add3A_17, %add3A_412] : memref<128x128xf32, #tpu.memory_space<vmem>>[vector<16xi32>, vector<16xi32>], vector<16xf32>,
          %add3A_413 = vector.broadcast %scan3A_410 : i32 to vector<16xi32>
          %add3A_414 = arith.addi %mul3A_362, %add3A_413 : vector<16xi32>
          %gather3A_415 = tpu.vector_load_idx %arg12[%add3A_20, %add3A_414] : memref<128x128xf32, #tpu.memory_space<vmem>>[vector<16xi32>, vector<16xi32>], vector<16xf32>,
          %add3A_416 = vector.broadcast %scan3A_410 : i32 to vector<16xi32>
          %add3A_417 = arith.addi %mul3A_371, %add3A_416 : vector<16xi32>
          %gather3A_418 = tpu.vector_load_idx %arg12[%add3A_23, %add3A_417] : memref<128x128xf32, #tpu.memory_space<vmem>>[vector<16xi32>, vector<16xi32>], vector<16xf32>,
          %add3A_419 = vector.broadcast %scan3A_410 : i32 to vector<16xi32>
          %add3A_420 = arith.addi %mul3A_380, %add3A_419 : vector<16xi32>
          %gather3A_421 = tpu.vector_load_idx %arg12[%add3A_26, %add3A_420] : memref<128x128xf32, #tpu.memory_space<vmem>>[vector<16xi32>, vector<16xi32>], vector<16xf32>,
          %swap3A_422 = arith.index_cast %scan3A_410 : i32 to index
          %swap3A_423 = arith.constant 64 : index
          %swap3A_424 = tpu.vector_load %arg15[%swap3A_422, %swap3A_423] {strides = array<i32>} : memref<64x128xf32, #tpu.memory_space<vmem>>, vector<16xf32>,
          tpu.vector_store %arg15[%swap3A_422, %swap3A_423], %gather3A {strides = array<i32>} : memref<64x128xf32, #tpu.memory_space<vmem>>, vector<16xf32>,
          %swap3A_425 = arith.index_cast %scan3A_410 : i32 to index
          %swap3A_426 = arith.constant 80 : index
          %swap3A_427 = tpu.vector_load %arg15[%swap3A_425, %swap3A_426] {strides = array<i32>} : memref<64x128xf32, #tpu.memory_space<vmem>>, vector<16xf32>,
          tpu.vector_store %arg15[%swap3A_425, %swap3A_426], %gather3A_415 {strides = array<i32>} : memref<64x128xf32, #tpu.memory_space<vmem>>, vector<16xf32>,
          %swap3A_428 = arith.index_cast %scan3A_410 : i32 to index
          %swap3A_429 = arith.constant 96 : index
          %swap3A_430 = tpu.vector_load %arg15[%swap3A_428, %swap3A_429] {strides = array<i32>} : memref<64x128xf32, #tpu.memory_space<vmem>>, vector<16xf32>,
          tpu.vector_store %arg15[%swap3A_428, %swap3A_429], %gather3A_418 {strides = array<i32>} : memref<64x128xf32, #tpu.memory_space<vmem>>, vector<16xf32>,
          %swap3A_431 = arith.index_cast %scan3A_410 : i32 to index
          %swap3A_432 = arith.constant 112 : index
          %swap3A_433 = tpu.vector_load %arg15[%swap3A_431, %swap3A_432] {strides = array<i32>} : memref<64x128xf32, #tpu.memory_space<vmem>>, vector<16xf32>,
          tpu.vector_store %arg15[%swap3A_431, %swap3A_432], %gather3A_421 {strides = array<i32>} : memref<64x128xf32, #tpu.memory_space<vmem>>, vector<16xf32>,
          %scan3A_434 = arith.constant 1 : i32
          %scan3A_435 = arith.addi %scan3A_410, %scan3A_434 : i32
          %add3A_436 = vector.broadcast %scan3A_435 : i32 to vector<16xi32>
          %add3A_437 = arith.addi %mul3A_353, %add3A_436 : vector<16xi32>
          %gather3A_438 = tpu.vector_load_idx %arg12[%add3A_17, %add3A_437] : memref<128x128xf32, #tpu.memory_space<vmem>>[vector<16xi32>, vector<16xi32>], vector<16xf32>,
          %add3A_439 = vector.broadcast %scan3A_435 : i32 to vector<16xi32>
          %add3A_440 = arith.addi %mul3A_362, %add3A_439 : vector<16xi32>
          %gather3A_441 = tpu.vector_load_idx %arg12[%add3A_20, %add3A_440] : memref<128x128xf32, #tpu.memory_space<vmem>>[vector<16xi32>, vector<16xi32>], vector<16xf32>,
          %add3A_442 = vector.broadcast %scan3A_435 : i32 to vector<16xi32>
          %add3A_443 = arith.addi %mul3A_371, %add3A_442 : vector<16xi32>
          %gather3A_444 = tpu.vector_load_idx %arg12[%add3A_23, %add3A_443] : memref<128x128xf32, #tpu.memory_space<vmem>>[vector<16xi32>, vector<16xi32>], vector<16xf32>,
          %add3A_445 = vector.broadcast %scan3A_435 : i32 to vector<16xi32>
          %add3A_446 = arith.addi %mul3A_380, %add3A_445 : vector<16xi32>
          %gather3A_447 = tpu.vector_load_idx %arg12[%add3A_26, %add3A_446] : memref<128x128xf32, #tpu.memory_space<vmem>>[vector<16xi32>, vector<16xi32>], vector<16xf32>,
          %swap3A_448 = arith.index_cast %scan3A_435 : i32 to index
          %swap3A_449 = arith.constant 64 : index
          %swap3A_450 = tpu.vector_load %arg15[%swap3A_448, %swap3A_449] {strides = array<i32>} : memref<64x128xf32, #tpu.memory_space<vmem>>, vector<16xf32>,
          tpu.vector_store %arg15[%swap3A_448, %swap3A_449], %gather3A_438 {strides = array<i32>} : memref<64x128xf32, #tpu.memory_space<vmem>>, vector<16xf32>,
          %swap3A_451 = arith.index_cast %scan3A_435 : i32 to index
          %swap3A_452 = arith.constant 80 : index
          %swap3A_453 = tpu.vector_load %arg15[%swap3A_451, %swap3A_452] {strides = array<i32>} : memref<64x128xf32, #tpu.memory_space<vmem>>, vector<16xf32>,
          tpu.vector_store %arg15[%swap3A_451, %swap3A_452], %gather3A_441 {strides = array<i32>} : memref<64x128xf32, #tpu.memory_space<vmem>>, vector<16xf32>,
          %swap3A_454 = arith.index_cast %scan3A_435 : i32 to index
          %swap3A_455 = arith.constant 96 : index
          %swap3A_456 = tpu.vector_load %arg15[%swap3A_454, %swap3A_455] {strides = array<i32>} : memref<64x128xf32, #tpu.memory_space<vmem>>, vector<16xf32>,
          tpu.vector_store %arg15[%swap3A_454, %swap3A_455], %gather3A_444 {strides = array<i32>} : memref<64x128xf32, #tpu.memory_space<vmem>>, vector<16xf32>,
          %swap3A_457 = arith.index_cast %scan3A_435 : i32 to index
          %swap3A_458 = arith.constant 112 : index
          %swap3A_459 = tpu.vector_load %arg15[%swap3A_457, %swap3A_458] {strides = array<i32>} : memref<64x128xf32, #tpu.memory_space<vmem>>, vector<16xf32>,
          tpu.vector_store %arg15[%swap3A_457, %swap3A_458], %gather3A_447 {strides = array<i32>} : memref<64x128xf32, #tpu.memory_space<vmem>>, vector<16xf32>,
          %scan3A_460 = arith.constant 2 : i32
          %scan3A_461 = arith.addi %scan3A_410, %scan3A_460 : i32
          %add3A_462 = vector.broadcast %scan3A_461 : i32 to vector<16xi32>
          %add3A_463 = arith.addi %mul3A_353, %add3A_462 : vector<16xi32>
          %gather3A_464 = tpu.vector_load_idx %arg12[%add3A_17, %add3A_463] : memref<128x128xf32, #tpu.memory_space<vmem>>[vector<16xi32>, vector<16xi32>], vector<16xf32>,
          %add3A_465 = vector.broadcast %scan3A_461 : i32 to vector<16xi32>
          %add3A_466 = arith.addi %mul3A_362, %add3A_465 : vector<16xi32>
          %gather3A_467 = tpu.vector_load_idx %arg12[%add3A_20, %add3A_466] : memref<128x128xf32, #tpu.memory_space<vmem>>[vector<16xi32>, vector<16xi32>], vector<16xf32>,
          %add3A_468 = vector.broadcast %scan3A_461 : i32 to vector<16xi32>
          %add3A_469 = arith.addi %mul3A_371, %add3A_468 : vector<16xi32>
          %gather3A_470 = tpu.vector_load_idx %arg12[%add3A_23, %add3A_469] : memref<128x128xf32, #tpu.memory_space<vmem>>[vector<16xi32>, vector<16xi32>], vector<16xf32>,
          %add3A_471 = vector.broadcast %scan3A_461 : i32 to vector<16xi32>
          %add3A_472 = arith.addi %mul3A_380, %add3A_471 : vector<16xi32>
          %gather3A_473 = tpu.vector_load_idx %arg12[%add3A_26, %add3A_472] : memref<128x128xf32, #tpu.memory_space<vmem>>[vector<16xi32>, vector<16xi32>], vector<16xf32>,
          %swap3A_474 = arith.index_cast %scan3A_461 : i32 to index
          %swap3A_475 = arith.constant 64 : index
          %swap3A_476 = tpu.vector_load %arg15[%swap3A_474, %swap3A_475] {strides = array<i32>} : memref<64x128xf32, #tpu.memory_space<vmem>>, vector<16xf32>,
          tpu.vector_store %arg15[%swap3A_474, %swap3A_475], %gather3A_464 {strides = array<i32>} : memref<64x128xf32, #tpu.memory_space<vmem>>, vector<16xf32>,
          %swap3A_477 = arith.index_cast %scan3A_461 : i32 to index
          %swap3A_478 = arith.constant 80 : index
          %swap3A_479 = tpu.vector_load %arg15[%swap3A_477, %swap3A_478] {strides = array<i32>} : memref<64x128xf32, #tpu.memory_space<vmem>>, vector<16xf32>,
          tpu.vector_store %arg15[%swap3A_477, %swap3A_478], %gather3A_467 {strides = array<i32>} : memref<64x128xf32, #tpu.memory_space<vmem>>, vector<16xf32>,
          %swap3A_480 = arith.index_cast %scan3A_461 : i32 to index
          %swap3A_481 = arith.constant 96 : index
          %swap3A_482 = tpu.vector_load %arg15[%swap3A_480, %swap3A_481] {strides = array<i32>} : memref<64x128xf32, #tpu.memory_space<vmem>>, vector<16xf32>,
          tpu.vector_store %arg15[%swap3A_480, %swap3A_481], %gather3A_470 {strides = array<i32>} : memref<64x128xf32, #tpu.memory_space<vmem>>, vector<16xf32>,
          %swap3A_483 = arith.index_cast %scan3A_461 : i32 to index
          %swap3A_484 = arith.constant 112 : index
          %swap3A_485 = tpu.vector_load %arg15[%swap3A_483, %swap3A_484] {strides = array<i32>} : memref<64x128xf32, #tpu.memory_space<vmem>>, vector<16xf32>,
          tpu.vector_store %arg15[%swap3A_483, %swap3A_484], %gather3A_473 {strides = array<i32>} : memref<64x128xf32, #tpu.memory_space<vmem>>, vector<16xf32>,
          %scan3A_486 = arith.constant 3 : i32
          %scan3A_487 = arith.addi %scan3A_410, %scan3A_486 : i32
          %add3A_488 = vector.broadcast %scan3A_487 : i32 to vector<16xi32>
          %add3A_489 = arith.addi %mul3A_353, %add3A_488 : vector<16xi32>
          %gather3A_490 = tpu.vector_load_idx %arg12[%add3A_17, %add3A_489] : memref<128x128xf32, #tpu.memory_space<vmem>>[vector<16xi32>, vector<16xi32>], vector<16xf32>,
          %add3A_491 = vector.broadcast %scan3A_487 : i32 to vector<16xi32>
          %add3A_492 = arith.addi %mul3A_362, %add3A_491 : vector<16xi32>
          %gather3A_493 = tpu.vector_load_idx %arg12[%add3A_20, %add3A_492] : memref<128x128xf32, #tpu.memory_space<vmem>>[vector<16xi32>, vector<16xi32>], vector<16xf32>,
          %add3A_494 = vector.broadcast %scan3A_487 : i32 to vector<16xi32>
          %add3A_495 = arith.addi %mul3A_371, %add3A_494 : vector<16xi32>
          %gather3A_496 = tpu.vector_load_idx %arg12[%add3A_23, %add3A_495] : memref<128x128xf32, #tpu.memory_space<vmem>>[vector<16xi32>, vector<16xi32>], vector<16xf32>,
          %add3A_497 = vector.broadcast %scan3A_487 : i32 to vector<16xi32>
          %add3A_498 = arith.addi %mul3A_380, %add3A_497 : vector<16xi32>
          %gather3A_499 = tpu.vector_load_idx %arg12[%add3A_26, %add3A_498] : memref<128x128xf32, #tpu.memory_space<vmem>>[vector<16xi32>, vector<16xi32>], vector<16xf32>,
          %swap3A_500 = arith.index_cast %scan3A_487 : i32 to index
          %swap3A_501 = arith.constant 64 : index
          %swap3A_502 = tpu.vector_load %arg15[%swap3A_500, %swap3A_501] {strides = array<i32>} : memref<64x128xf32, #tpu.memory_space<vmem>>, vector<16xf32>,
          tpu.vector_store %arg15[%swap3A_500, %swap3A_501], %gather3A_490 {strides = array<i32>} : memref<64x128xf32, #tpu.memory_space<vmem>>, vector<16xf32>,
          %swap3A_503 = arith.index_cast %scan3A_487 : i32 to index
          %swap3A_504 = arith.constant 80 : index
          %swap3A_505 = tpu.vector_load %arg15[%swap3A_503, %swap3A_504] {strides = array<i32>} : memref<64x128xf32, #tpu.memory_space<vmem>>, vector<16xf32>,
          tpu.vector_store %arg15[%swap3A_503, %swap3A_504], %gather3A_493 {strides = array<i32>} : memref<64x128xf32, #tpu.memory_space<vmem>>, vector<16xf32>,
          %swap3A_506 = arith.index_cast %scan3A_487 : i32 to index
          %swap3A_507 = arith.constant 96 : index
          %swap3A_508 = tpu.vector_load %arg15[%swap3A_506, %swap3A_507] {strides = array<i32>} : memref<64x128xf32, #tpu.memory_space<vmem>>, vector<16xf32>,
          tpu.vector_store %arg15[%swap3A_506, %swap3A_507], %gather3A_496 {strides = array<i32>} : memref<64x128xf32, #tpu.memory_space<vmem>>, vector<16xf32>,
          %swap3A_509 = arith.index_cast %scan3A_487 : i32 to index
          %swap3A_510 = arith.constant 112 : index
          %swap3A_511 = tpu.vector_load %arg15[%swap3A_509, %swap3A_510] {strides = array<i32>} : memref<64x128xf32, #tpu.memory_space<vmem>>, vector<16xf32>,
          tpu.vector_store %arg15[%swap3A_509, %swap3A_510], %gather3A_499 {strides = array<i32>} : memref<64x128xf32, #tpu.memory_space<vmem>>, vector<16xf32>,
        }
        %scan3A_385 = arith.constant 64 : i32
        %mul3A_386 = arith.constant 0 : i32
        %mul3A_387 = vector.broadcast %mul3A_386 : i32 to vector<16xi32>
        %mul3A_388 = arith.muli %iota3A, %mul3A_387 : vector<16xi32>
        %add3A_389 = vector.broadcast %add3A_283 : i32 to vector<16xi32>
        %add3A_390 = arith.addi %mul3A_388, %add3A_389 : vector<16xi32>
        %scan3A_391 = arith.constant 0 : i32
        %scan3A_392 = arith.constant 0 : i32
        %scan3A_393 = arith.constant 64 : i32
        %scan3A_394 = arith.addi %scan3A_392, %scan3A_393 : i32
        %scan3A_395 = arith.constant 8 : i32
        scf.for %scan3A_410 = %scan3A_392 to %scan3A_394 step %scan3A_395  : i32 {
          %add3A_411 = vector.broadcast %scan3A_410 : i32 to vector<16xi32>
          %add3A_412 = arith.addi %mul3A_388, %add3A_411 : vector<16xi32>
          %gather3A = tpu.vector_load_idx %arg7[%add3A_412, %add3A_390] : memref<64x200xf32, #tpu.memory_space<vmem>>[vector<16xi32>, vector<16xi32>], vector<16xf32>,
          %swap3A_413 = arith.index_cast %scan3A_410 : i32 to index
          %swap3A_414 = arith.constant 0 : index
          %swap3A_415 = tpu.vector_load %arg15[%swap3A_413, %swap3A_414] {strides = array<i32>} : memref<64x128xf32, #tpu.memory_space<vmem>>, vector<16xf32>,
          tpu.vector_store %arg15[%swap3A_413, %swap3A_414], %gather3A {add = true, strides = array<i32>} : memref<64x128xf32, #tpu.memory_space<vmem>>, vector<16xf32>,
          %swap3A_416 = arith.index_cast %scan3A_410 : i32 to index
          %swap3A_417 = arith.constant 16 : index
          %swap3A_418 = tpu.vector_load %arg15[%swap3A_416, %swap3A_417] {strides = array<i32>} : memref<64x128xf32, #tpu.memory_space<vmem>>, vector<16xf32>,
          tpu.vector_store %arg15[%swap3A_416, %swap3A_417], %gather3A {add = true, strides = array<i32>} : memref<64x128xf32, #tpu.memory_space<vmem>>, vector<16xf32>,
          %swap3A_419 = arith.index_cast %scan3A_410 : i32 to index
          %swap3A_420 = arith.constant 32 : index
          %swap3A_421 = tpu.vector_load %arg15[%swap3A_419, %swap3A_420] {strides = array<i32>} : memref<64x128xf32, #tpu.memory_space<vmem>>, vector<16xf32>,
          tpu.vector_store %arg15[%swap3A_419, %swap3A_420], %gather3A {add = true, strides = array<i32>} : memref<64x128xf32, #tpu.memory_space<vmem>>, vector<16xf32>,
          %swap3A_422 = arith.index_cast %scan3A_410 : i32 to index
          %swap3A_423 = arith.constant 48 : index
          %swap3A_424 = tpu.vector_load %arg15[%swap3A_422, %swap3A_423] {strides = array<i32>} : memref<64x128xf32, #tpu.memory_space<vmem>>, vector<16xf32>,
          tpu.vector_store %arg15[%swap3A_422, %swap3A_423], %gather3A {add = true, strides = array<i32>} : memref<64x128xf32, #tpu.memory_space<vmem>>, vector<16xf32>,
          %swap3A_425 = arith.index_cast %scan3A_410 : i32 to index
          %swap3A_426 = arith.constant 64 : index
          %swap3A_427 = tpu.vector_load %arg15[%swap3A_425, %swap3A_426] {strides = array<i32>} : memref<64x128xf32, #tpu.memory_space<vmem>>, vector<16xf32>,
          tpu.vector_store %arg15[%swap3A_425, %swap3A_426], %gather3A {add = true, strides = array<i32>} : memref<64x128xf32, #tpu.memory_space<vmem>>, vector<16xf32>,
          %swap3A_428 = arith.index_cast %scan3A_410 : i32 to index
          %swap3A_429 = arith.constant 80 : index
          %swap3A_430 = tpu.vector_load %arg15[%swap3A_428, %swap3A_429] {strides = array<i32>} : memref<64x128xf32, #tpu.memory_space<vmem>>, vector<16xf32>,
          tpu.vector_store %arg15[%swap3A_428, %swap3A_429], %gather3A {add = true, strides = array<i32>} : memref<64x128xf32, #tpu.memory_space<vmem>>, vector<16xf32>,
          %swap3A_431 = arith.index_cast %scan3A_410 : i32 to index
          %swap3A_432 = arith.constant 96 : index
          %swap3A_433 = tpu.vector_load %arg15[%swap3A_431, %swap3A_432] {strides = array<i32>} : memref<64x128xf32, #tpu.memory_space<vmem>>, vector<16xf32>,
          tpu.vector_store %arg15[%swap3A_431, %swap3A_432], %gather3A {add = true, strides = array<i32>} : memref<64x128xf32, #tpu.memory_space<vmem>>, vector<16xf32>,
          %swap3A_434 = arith.index_cast %scan3A_410 : i32 to index
          %swap3A_435 = arith.constant 112 : index
          %swap3A_436 = tpu.vector_load %arg15[%swap3A_434, %swap3A_435] {strides = array<i32>} : memref<64x128xf32, #tpu.memory_space<vmem>>, vector<16xf32>,
          tpu.vector_store %arg15[%swap3A_434, %swap3A_435], %gather3A {add = true, strides = array<i32>} : memref<64x128xf32, #tpu.memory_space<vmem>>, vector<16xf32>,
          %scan3A_437 = arith.constant 1 : i32
          %scan3A_438 = arith.addi %scan3A_410, %scan3A_437 : i32
          %add3A_439 = vector.broadcast %scan3A_438 : i32 to vector<16xi32>
          %add3A_440 = arith.addi %mul3A_388, %add3A_439 : vector<16xi32>
          %gather3A_441 = tpu.vector_load_idx %arg7[%add3A_440, %add3A_390] : memref<64x200xf32, #tpu.memory_space<vmem>>[vector<16xi32>, vector<16xi32>], vector<16xf32>,
          %swap3A_442 = arith.index_cast %scan3A_438 : i32 to index
          %swap3A_443 = arith.constant 0 : index
          %swap3A_444 = tpu.vector_load %arg15[%swap3A_442, %swap3A_443] {strides = array<i32>} : memref<64x128xf32, #tpu.memory_space<vmem>>, vector<16xf32>,
          tpu.vector_store %arg15[%swap3A_442, %swap3A_443], %gather3A_441 {add = true, strides = array<i32>} : memref<64x128xf32, #tpu.memory_space<vmem>>, vector<16xf32>,
          %swap3A_445 = arith.index_cast %scan3A_438 : i32 to index
          %swap3A_446 = arith.constant 16 : index
          %swap3A_447 = tpu.vector_load %arg15[%swap3A_445, %swap3A_446] {strides = array<i32>} : memref<64x128xf32, #tpu.memory_space<vmem>>, vector<16xf32>,
          tpu.vector_store %arg15[%swap3A_445, %swap3A_446], %gather3A_441 {add = true, strides = array<i32>} : memref<64x128xf32, #tpu.memory_space<vmem>>, vector<16xf32>,
          %swap3A_448 = arith.index_cast %scan3A_438 : i32 to index
          %swap3A_449 = arith.constant 32 : index
          %swap3A_450 = tpu.vector_load %arg15[%swap3A_448, %swap3A_449] {strides = array<i32>} : memref<64x128xf32, #tpu.memory_space<vmem>>, vector<16xf32>,
          tpu.vector_store %arg15[%swap3A_448, %swap3A_449], %gather3A_441 {add = true, strides = array<i32>} : memref<64x128xf32, #tpu.memory_space<vmem>>, vector<16xf32>,
          %swap3A_451 = arith.index_cast %scan3A_438 : i32 to index
          %swap3A_452 = arith.constant 48 : index
          %swap3A_453 = tpu.vector_load %arg15[%swap3A_451, %swap3A_452] {strides = array<i32>} : memref<64x128xf32, #tpu.memory_space<vmem>>, vector<16xf32>,
          tpu.vector_store %arg15[%swap3A_451, %swap3A_452], %gather3A_441 {add = true, strides = array<i32>} : memref<64x128xf32, #tpu.memory_space<vmem>>, vector<16xf32>,
          %swap3A_454 = arith.index_cast %scan3A_438 : i32 to index
          %swap3A_455 = arith.constant 64 : index
          %swap3A_456 = tpu.vector_load %arg15[%swap3A_454, %swap3A_455] {strides = array<i32>} : memref<64x128xf32, #tpu.memory_space<vmem>>, vector<16xf32>,
          tpu.vector_store %arg15[%swap3A_454, %swap3A_455], %gather3A_441 {add = true, strides = array<i32>} : memref<64x128xf32, #tpu.memory_space<vmem>>, vector<16xf32>,
          %swap3A_457 = arith.index_cast %scan3A_438 : i32 to index
          %swap3A_458 = arith.constant 80 : index
          %swap3A_459 = tpu.vector_load %arg15[%swap3A_457, %swap3A_458] {strides = array<i32>} : memref<64x128xf32, #tpu.memory_space<vmem>>, vector<16xf32>,
          tpu.vector_store %arg15[%swap3A_457, %swap3A_458], %gather3A_441 {add = true, strides = array<i32>} : memref<64x128xf32, #tpu.memory_space<vmem>>, vector<16xf32>,
          %swap3A_460 = arith.index_cast %scan3A_438 : i32 to index
          %swap3A_461 = arith.constant 96 : index
          %swap3A_462 = tpu.vector_load %arg15[%swap3A_460, %swap3A_461] {strides = array<i32>} : memref<64x128xf32, #tpu.memory_space<vmem>>, vector<16xf32>,
          tpu.vector_store %arg15[%swap3A_460, %swap3A_461], %gather3A_441 {add = true, strides = array<i32>} : memref<64x128xf32, #tpu.memory_space<vmem>>, vector<16xf32>,
          %swap3A_463 = arith.index_cast %scan3A_438 : i32 to index
          %swap3A_464 = arith.constant 112 : index
          %swap3A_465 = tpu.vector_load %arg15[%swap3A_463, %swap3A_464] {strides = array<i32>} : memref<64x128xf32, #tpu.memory_space<vmem>>, vector<16xf32>,
          tpu.vector_store %arg15[%swap3A_463, %swap3A_464], %gather3A_441 {add = true, strides = array<i32>} : memref<64x128xf32, #tpu.memory_space<vmem>>, vector<16xf32>,
          %scan3A_466 = arith.constant 2 : i32
          %scan3A_467 = arith.addi %scan3A_410, %scan3A_466 : i32
          %add3A_468 = vector.broadcast %scan3A_467 : i32 to vector<16xi32>
          %add3A_469 = arith.addi %mul3A_388, %add3A_468 : vector<16xi32>
          %gather3A_470 = tpu.vector_load_idx %arg7[%add3A_469, %add3A_390] : memref<64x200xf32, #tpu.memory_space<vmem>>[vector<16xi32>, vector<16xi32>], vector<16xf32>,
          %swap3A_471 = arith.index_cast %scan3A_467 : i32 to index
          %swap3A_472 = arith.constant 0 : index
          %swap3A_473 = tpu.vector_load %arg15[%swap3A_471, %swap3A_472] {strides = array<i32>} : memref<64x128xf32, #tpu.memory_space<vmem>>, vector<16xf32>,
          tpu.vector_store %arg15[%swap3A_471, %swap3A_472], %gather3A_470 {add = true, strides = array<i32>} : memref<64x128xf32, #tpu.memory_space<vmem>>, vector<16xf32>,
          %swap3A_474 = arith.index_cast %scan3A_467 : i32 to index
          %swap3A_475 = arith.constant 16 : index
          %swap3A_476 = tpu.vector_load %arg15[%swap3A_474, %swap3A_475] {strides = array<i32>} : memref<64x128xf32, #tpu.memory_space<vmem>>, vector<16xf32>,
          tpu.vector_store %arg15[%swap3A_474, %swap3A_475], %gather3A_470 {add = true, strides = array<i32>} : memref<64x128xf32, #tpu.memory_space<vmem>>, vector<16xf32>,
          %swap3A_477 = arith.index_cast %scan3A_467 : i32 to index
          %swap3A_478 = arith.constant 32 : index
          %swap3A_479 = tpu.vector_load %arg15[%swap3A_477, %swap3A_478] {strides = array<i32>} : memref<64x128xf32, #tpu.memory_space<vmem>>, vector<16xf32>,
          tpu.vector_store %arg15[%swap3A_477, %swap3A_478], %gather3A_470 {add = true, strides = array<i32>} : memref<64x128xf32, #tpu.memory_space<vmem>>, vector<16xf32>,
          %swap3A_480 = arith.index_cast %scan3A_467 : i32 to index
          %swap3A_481 = arith.constant 48 : index
          %swap3A_482 = tpu.vector_load %arg15[%swap3A_480, %swap3A_481] {strides = array<i32>} : memref<64x128xf32, #tpu.memory_space<vmem>>, vector<16xf32>,
          tpu.vector_store %arg15[%swap3A_480, %swap3A_481], %gather3A_470 {add = true, strides = array<i32>} : memref<64x128xf32, #tpu.memory_space<vmem>>, vector<16xf32>,
          %swap3A_483 = arith.index_cast %scan3A_467 : i32 to index
          %swap3A_484 = arith.constant 64 : index
          %swap3A_485 = tpu.vector_load %arg15[%swap3A_483, %swap3A_484] {strides = array<i32>} : memref<64x128xf32, #tpu.memory_space<vmem>>, vector<16xf32>,
          tpu.vector_store %arg15[%swap3A_483, %swap3A_484], %gather3A_470 {add = true, strides = array<i32>} : memref<64x128xf32, #tpu.memory_space<vmem>>, vector<16xf32>,
          %swap3A_486 = arith.index_cast %scan3A_467 : i32 to index
          %swap3A_487 = arith.constant 80 : index
          %swap3A_488 = tpu.vector_load %arg15[%swap3A_486, %swap3A_487] {strides = array<i32>} : memref<64x128xf32, #tpu.memory_space<vmem>>, vector<16xf32>,
          tpu.vector_store %arg15[%swap3A_486, %swap3A_487], %gather3A_470 {add = true, strides = array<i32>} : memref<64x128xf32, #tpu.memory_space<vmem>>, vector<16xf32>,
          %swap3A_489 = arith.index_cast %scan3A_467 : i32 to index
          %swap3A_490 = arith.constant 96 : index
          %swap3A_491 = tpu.vector_load %arg15[%swap3A_489, %swap3A_490] {strides = array<i32>} : memref<64x128xf32, #tpu.memory_space<vmem>>, vector<16xf32>,
          tpu.vector_store %arg15[%swap3A_489, %swap3A_490], %gather3A_470 {add = true, strides = array<i32>} : memref<64x128xf32, #tpu.memory_space<vmem>>, vector<16xf32>,
          %swap3A_492 = arith.index_cast %scan3A_467 : i32 to index
          %swap3A_493 = arith.constant 112 : index
          %swap3A_494 = tpu.vector_load %arg15[%swap3A_492, %swap3A_493] {strides = array<i32>} : memref<64x128xf32, #tpu.memory_space<vmem>>, vector<16xf32>,
          tpu.vector_store %arg15[%swap3A_492, %swap3A_493], %gather3A_470 {add = true, strides = array<i32>} : memref<64x128xf32, #tpu.memory_space<vmem>>, vector<16xf32>,
          %scan3A_495 = arith.constant 3 : i32
          %scan3A_496 = arith.addi %scan3A_410, %scan3A_495 : i32
          %add3A_497 = vector.broadcast %scan3A_496 : i32 to vector<16xi32>
          %add3A_498 = arith.addi %mul3A_388, %add3A_497 : vector<16xi32>
          %gather3A_499 = tpu.vector_load_idx %arg7[%add3A_498, %add3A_390] : memref<64x200xf32, #tpu.memory_space<vmem>>[vector<16xi32>, vector<16xi32>], vector<16xf32>,
          %swap3A_500 = arith.index_cast %scan3A_496 : i32 to index
          %swap3A_501 = arith.constant 0 : index
          %swap3A_502 = tpu.vector_load %arg15[%swap3A_500, %swap3A_501] {strides = array<i32>} : memref<64x128xf32, #tpu.memory_space<vmem>>, vector<16xf32>,
          tpu.vector_store %arg15[%swap3A_500, %swap3A_501], %gather3A_499 {add = true, strides = array<i32>} : memref<64x128xf32, #tpu.memory_space<vmem>>, vector<16xf32>,
          %swap3A_503 = arith.index_cast %scan3A_496 : i32 to index
          %swap3A_504 = arith.constant 16 : index
          %swap3A_505 = tpu.vector_load %arg15[%swap3A_503, %swap3A_504] {strides = array<i32>} : memref<64x128xf32, #tpu.memory_space<vmem>>, vector<16xf32>,
          tpu.vector_store %arg15[%swap3A_503, %swap3A_504], %gather3A_499 {add = true, strides = array<i32>} : memref<64x128xf32, #tpu.memory_space<vmem>>, vector<16xf32>,
          %swap3A_506 = arith.index_cast %scan3A_496 : i32 to index
          %swap3A_507 = arith.constant 32 : index
          %swap3A_508 = tpu.vector_load %arg15[%swap3A_506, %swap3A_507] {strides = array<i32>} : memref<64x128xf32, #tpu.memory_space<vmem>>, vector<16xf32>,
          tpu.vector_store %arg15[%swap3A_506, %swap3A_507], %gather3A_499 {add = true, strides = array<i32>} : memref<64x128xf32, #tpu.memory_space<vmem>>, vector<16xf32>,
          %swap3A_509 = arith.index_cast %scan3A_496 : i32 to index
          %swap3A_510 = arith.constant 48 : index
          %swap3A_511 = tpu.vector_load %arg15[%swap3A_509, %swap3A_510] {strides = array<i32>} : memref<64x128xf32, #tpu.memory_space<vmem>>, vector<16xf32>,
          tpu.vector_store %arg15[%swap3A_509, %swap3A_510], %gather3A_499 {add = true, strides = array<i32>} : memref<64x128xf32, #tpu.memory_space<vmem>>, vector<16xf32>,
          %swap3A_512 = arith.index_cast %scan3A_496 : i32 to index
          %swap3A_513 = arith.constant 64 : index
          %swap3A_514 = tpu.vector_load %arg15[%swap3A_512, %swap3A_513] {strides = array<i32>} : memref<64x128xf32, #tpu.memory_space<vmem>>, vector<16xf32>,
          tpu.vector_store %arg15[%swap3A_512, %swap3A_513], %gather3A_499 {add = true, strides = array<i32>} : memref<64x128xf32, #tpu.memory_space<vmem>>, vector<16xf32>,
          %swap3A_515 = arith.index_cast %scan3A_496 : i32 to index
          %swap3A_516 = arith.constant 80 : index
          %swap3A_517 = tpu.vector_load %arg15[%swap3A_515, %swap3A_516] {strides = array<i32>} : memref<64x128xf32, #tpu.memory_space<vmem>>, vector<16xf32>,
          tpu.vector_store %arg15[%swap3A_515, %swap3A_516], %gather3A_499 {add = true, strides = array<i32>} : memref<64x128xf32, #tpu.memory_space<vmem>>, vector<16xf32>,
          %swap3A_518 = arith.index_cast %scan3A_496 : i32 to index
          %swap3A_519 = arith.constant 96 : index
          %swap3A_520 = tpu.vector_load %arg15[%swap3A_518, %swap3A_519] {strides = array<i32>} : memref<64x128xf32, #tpu.memory_space<vmem>>, vector<16xf32>,
          tpu.vector_store %arg15[%swap3A_518, %swap3A_519], %gather3A_499 {add = true, strides = array<i32>} : memref<64x128xf32, #tpu.memory_space<vmem>>, vector<16xf32>,
          %swap3A_521 = arith.index_cast %scan3A_496 : i32 to index
          %swap3A_522 = arith.constant 112 : index
          %swap3A_523 = tpu.vector_load %arg15[%swap3A_521, %swap3A_522] {strides = array<i32>} : memref<64x128xf32, #tpu.memory_space<vmem>>, vector<16xf32>,
          tpu.vector_store %arg15[%swap3A_521, %swap3A_522], %gather3A_499 {add = true, strides = array<i32>} : memref<64x128xf32, #tpu.memory_space<vmem>>, vector<16xf32>,
          %scan3A_524 = arith.constant 4 : i32
          %scan3A_525 = arith.addi %scan3A_410, %scan3A_524 : i32
          %add3A_526 = vector.broadcast %scan3A_525 : i32 to vector<16xi32>
          %add3A_527 = arith.addi %mul3A_388, %add3A_526 : vector<16xi32>
          %gather3A_528 = tpu.vector_load_idx %arg7[%add3A_527, %add3A_390] : memref<64x200xf32, #tpu.memory_space<vmem>>[vector<16xi32>, vector<16xi32>], vector<16xf32>,
          %swap3A_529 = arith.index_cast %scan3A_525 : i32 to index
          %swap3A_530 = arith.constant 0 : index
          %swap3A_531 = tpu.vector_load %arg15[%swap3A_529, %swap3A_530] {strides = array<i32>} : memref<64x128xf32, #tpu.memory_space<vmem>>, vector<16xf32>,
          tpu.vector_store %arg15[%swap3A_529, %swap3A_530], %gather3A_528 {add = true, strides = array<i32>} : memref<64x128xf32, #tpu.memory_space<vmem>>, vector<16xf32>,
          %swap3A_532 = arith.index_cast %scan3A_525 : i32 to index
          %swap3A_533 = arith.constant 16 : index
          %swap3A_534 = tpu.vector_load %arg15[%swap3A_532, %swap3A_533] {strides = array<i32>} : memref<64x128xf32, #tpu.memory_space<vmem>>, vector<16xf32>,
          tpu.vector_store %arg15[%swap3A_532, %swap3A_533], %gather3A_528 {add = true, strides = array<i32>} : memref<64x128xf32, #tpu.memory_space<vmem>>, vector<16xf32>,
          %swap3A_535 = arith.index_cast %scan3A_525 : i32 to index
          %swap3A_536 = arith.constant 32 : index
          %swap3A_537 = tpu.vector_load %arg15[%swap3A_535, %swap3A_536] {strides = array<i32>} : memref<64x128xf32, #tpu.memory_space<vmem>>, vector<16xf32>,
          tpu.vector_store %arg15[%swap3A_535, %swap3A_536], %gather3A_528 {add = true, strides = array<i32>} : memref<64x128xf32, #tpu.memory_space<vmem>>, vector<16xf32>,
          %swap3A_538 = arith.index_cast %scan3A_525 : i32 to index
          %swap3A_539 = arith.constant 48 : index
          %swap3A_540 = tpu.vector_load %arg15[%swap3A_538, %swap3A_539] {strides = array<i32>} : memref<64x128xf32, #tpu.memory_space<vmem>>, vector<16xf32>,
          tpu.vector_store %arg15[%swap3A_538, %swap3A_539], %gather3A_528 {add = true, strides = array<i32>} : memref<64x128xf32, #tpu.memory_space<vmem>>, vector<16xf32>,
          %swap3A_541 = arith.index_cast %scan3A_525 : i32 to index
          %swap3A_542 = arith.constant 64 : index
          %swap3A_543 = tpu.vector_load %arg15[%swap3A_541, %swap3A_542] {strides = array<i32>} : memref<64x128xf32, #tpu.memory_space<vmem>>, vector<16xf32>,
          tpu.vector_store %arg15[%swap3A_541, %swap3A_542], %gather3A_528 {add = true, strides = array<i32>} : memref<64x128xf32, #tpu.memory_space<vmem>>, vector<16xf32>,
          %swap3A_544 = arith.index_cast %scan3A_525 : i32 to index
          %swap3A_545 = arith.constant 80 : index
          %swap3A_546 = tpu.vector_load %arg15[%swap3A_544, %swap3A_545] {strides = array<i32>} : memref<64x128xf32, #tpu.memory_space<vmem>>, vector<16xf32>,
          tpu.vector_store %arg15[%swap3A_544, %swap3A_545], %gather3A_528 {add = true, strides = array<i32>} : memref<64x128xf32, #tpu.memory_space<vmem>>, vector<16xf32>,
          %swap3A_547 = arith.index_cast %scan3A_525 : i32 to index
          %swap3A_548 = arith.constant 96 : index
          %swap3A_549 = tpu.vector_load %arg15[%swap3A_547, %swap3A_548] {strides = array<i32>} : memref<64x128xf32, #tpu.memory_space<vmem>>, vector<16xf32>,
          tpu.vector_store %arg15[%swap3A_547, %swap3A_548], %gather3A_528 {add = true, strides = array<i32>} : memref<64x128xf32, #tpu.memory_space<vmem>>, vector<16xf32>,
          %swap3A_550 = arith.index_cast %scan3A_525 : i32 to index
          %swap3A_551 = arith.constant 112 : index
          %swap3A_552 = tpu.vector_load %arg15[%swap3A_550, %swap3A_551] {strides = array<i32>} : memref<64x128xf32, #tpu.memory_space<vmem>>, vector<16xf32>,
          tpu.vector_store %arg15[%swap3A_550, %swap3A_551], %gather3A_528 {add = true, strides = array<i32>} : memref<64x128xf32, #tpu.memory_space<vmem>>, vector<16xf32>,
          %scan3A_553 = arith.constant 5 : i32
          %scan3A_554 = arith.addi %scan3A_410, %scan3A_553 : i32
          %add3A_555 = vector.broadcast %scan3A_554 : i32 to vector<16xi32>
          %add3A_556 = arith.addi %mul3A_388, %add3A_555 : vector<16xi32>
          %gather3A_557 = tpu.vector_load_idx %arg7[%add3A_556, %add3A_390] : memref<64x200xf32, #tpu.memory_space<vmem>>[vector<16xi32>, vector<16xi32>], vector<16xf32>,
          %swap3A_558 = arith.index_cast %scan3A_554 : i32 to index
          %swap3A_559 = arith.constant 0 : index
          %swap3A_560 = tpu.vector_load %arg15[%swap3A_558, %swap3A_559] {strides = array<i32>} : memref<64x128xf32, #tpu.memory_space<vmem>>, vector<16xf32>,
          tpu.vector_store %arg15[%swap3A_558, %swap3A_559], %gather3A_557 {add = true, strides = array<i32>} : memref<64x128xf32, #tpu.memory_space<vmem>>, vector<16xf32>,
          %swap3A_561 = arith.index_cast %scan3A_554 : i32 to index
          %swap3A_562 = arith.constant 16 : index
          %swap3A_563 = tpu.vector_load %arg15[%swap3A_561, %swap3A_562] {strides = array<i32>} : memref<64x128xf32, #tpu.memory_space<vmem>>, vector<16xf32>,
          tpu.vector_store %arg15[%swap3A_561, %swap3A_562], %gather3A_557 {add = true, strides = array<i32>} : memref<64x128xf32, #tpu.memory_space<vmem>>, vector<16xf32>,
          %swap3A_564 = arith.index_cast %scan3A_554 : i32 to index
          %swap3A_565 = arith.constant 32 : index
          %swap3A_566 = tpu.vector_load %arg15[%swap3A_564, %swap3A_565] {strides = array<i32>} : memref<64x128xf32, #tpu.memory_space<vmem>>, vector<16xf32>,
          tpu.vector_store %arg15[%swap3A_564, %swap3A_565], %gather3A_557 {add = true, strides = array<i32>} : memref<64x128xf32, #tpu.memory_space<vmem>>, vector<16xf32>,
          %swap3A_567 = arith.index_cast %scan3A_554 : i32 to index
          %swap3A_568 = arith.constant 48 : index
          %swap3A_569 = tpu.vector_load %arg15[%swap3A_567, %swap3A_568] {strides = array<i32>} : memref<64x128xf32, #tpu.memory_space<vmem>>, vector<16xf32>,
          tpu.vector_store %arg15[%swap3A_567, %swap3A_568], %gather3A_557 {add = true, strides = array<i32>} : memref<64x128xf32, #tpu.memory_space<vmem>>, vector<16xf32>,
          %swap3A_570 = arith.index_cast %scan3A_554 : i32 to index
          %swap3A_571 = arith.constant 64 : index
          %swap3A_572 = tpu.vector_load %arg15[%swap3A_570, %swap3A_571] {strides = array<i32>} : memref<64x128xf32, #tpu.memory_space<vmem>>, vector<16xf32>,
          tpu.vector_store %arg15[%swap3A_570, %swap3A_571], %gather3A_557 {add = true, strides = array<i32>} : memref<64x128xf32, #tpu.memory_space<vmem>>, vector<16xf32>,
          %swap3A_573 = arith.index_cast %scan3A_554 : i32 to index
          %swap3A_574 = arith.constant 80 : index
          %swap3A_575 = tpu.vector_load %arg15[%swap3A_573, %swap3A_574] {strides = array<i32>} : memref<64x128xf32, #tpu.memory_space<vmem>>, vector<16xf32>,
          tpu.vector_store %arg15[%swap3A_573, %swap3A_574], %gather3A_557 {add = true, strides = array<i32>} : memref<64x128xf32, #tpu.memory_space<vmem>>, vector<16xf32>,
          %swap3A_576 = arith.index_cast %scan3A_554 : i32 to index
          %swap3A_577 = arith.constant 96 : index
          %swap3A_578 = tpu.vector_load %arg15[%swap3A_576, %swap3A_577] {strides = array<i32>} : memref<64x128xf32, #tpu.memory_space<vmem>>, vector<16xf32>,
          tpu.vector_store %arg15[%swap3A_576, %swap3A_577], %gather3A_557 {add = true, strides = array<i32>} : memref<64x128xf32, #tpu.memory_space<vmem>>, vector<16xf32>,
          %swap3A_579 = arith.index_cast %scan3A_554 : i32 to index
          %swap3A_580 = arith.constant 112 : index
          %swap3A_581 = tpu.vector_load %arg15[%swap3A_579, %swap3A_580] {strides = array<i32>} : memref<64x128xf32, #tpu.memory_space<vmem>>, vector<16xf32>,
          tpu.vector_store %arg15[%swap3A_579, %swap3A_580], %gather3A_557 {add = true, strides = array<i32>} : memref<64x128xf32, #tpu.memory_space<vmem>>, vector<16xf32>,
          %scan3A_582 = arith.constant 6 : i32
          %scan3A_583 = arith.addi %scan3A_410, %scan3A_582 : i32
          %add3A_584 = vector.broadcast %scan3A_583 : i32 to vector<16xi32>
          %add3A_585 = arith.addi %mul3A_388, %add3A_584 : vector<16xi32>
          %gather3A_586 = tpu.vector_load_idx %arg7[%add3A_585, %add3A_390] : memref<64x200xf32, #tpu.memory_space<vmem>>[vector<16xi32>, vector<16xi32>], vector<16xf32>,
          %swap3A_587 = arith.index_cast %scan3A_583 : i32 to index
          %swap3A_588 = arith.constant 0 : index
          %swap3A_589 = tpu.vector_load %arg15[%swap3A_587, %swap3A_588] {strides = array<i32>} : memref<64x128xf32, #tpu.memory_space<vmem>>, vector<16xf32>,
          tpu.vector_store %arg15[%swap3A_587, %swap3A_588], %gather3A_586 {add = true, strides = array<i32>} : memref<64x128xf32, #tpu.memory_space<vmem>>, vector<16xf32>,
          %swap3A_590 = arith.index_cast %scan3A_583 : i32 to index
          %swap3A_591 = arith.constant 16 : index
          %swap3A_592 = tpu.vector_load %arg15[%swap3A_590, %swap3A_591] {strides = array<i32>} : memref<64x128xf32, #tpu.memory_space<vmem>>, vector<16xf32>,
          tpu.vector_store %arg15[%swap3A_590, %swap3A_591], %gather3A_586 {add = true, strides = array<i32>} : memref<64x128xf32, #tpu.memory_space<vmem>>, vector<16xf32>,
          %swap3A_593 = arith.index_cast %scan3A_583 : i32 to index
          %swap3A_594 = arith.constant 32 : index
          %swap3A_595 = tpu.vector_load %arg15[%swap3A_593, %swap3A_594] {strides = array<i32>} : memref<64x128xf32, #tpu.memory_space<vmem>>, vector<16xf32>,
          tpu.vector_store %arg15[%swap3A_593, %swap3A_594], %gather3A_586 {add = true, strides = array<i32>} : memref<64x128xf32, #tpu.memory_space<vmem>>, vector<16xf32>,
          %swap3A_596 = arith.index_cast %scan3A_583 : i32 to index
          %swap3A_597 = arith.constant 48 : index
          %swap3A_598 = tpu.vector_load %arg15[%swap3A_596, %swap3A_597] {strides = array<i32>} : memref<64x128xf32, #tpu.memory_space<vmem>>, vector<16xf32>,
          tpu.vector_store %arg15[%swap3A_596, %swap3A_597], %gather3A_586 {add = true, strides = array<i32>} : memref<64x128xf32, #tpu.memory_space<vmem>>, vector<16xf32>,
          %swap3A_599 = arith.index_cast %scan3A_583 : i32 to index
          %swap3A_600 = arith.constant 64 : index
          %swap3A_601 = tpu.vector_load %arg15[%swap3A_599, %swap3A_600] {strides = array<i32>} : memref<64x128xf32, #tpu.memory_space<vmem>>, vector<16xf32>,
          tpu.vector_store %arg15[%swap3A_599, %swap3A_600], %gather3A_586 {add = true, strides = array<i32>} : memref<64x128xf32, #tpu.memory_space<vmem>>, vector<16xf32>,
          %swap3A_602 = arith.index_cast %scan3A_583 : i32 to index
          %swap3A_603 = arith.constant 80 : index
          %swap3A_604 = tpu.vector_load %arg15[%swap3A_602, %swap3A_603] {strides = array<i32>} : memref<64x128xf32, #tpu.memory_space<vmem>>, vector<16xf32>,
          tpu.vector_store %arg15[%swap3A_602, %swap3A_603], %gather3A_586 {add = true, strides = array<i32>} : memref<64x128xf32, #tpu.memory_space<vmem>>, vector<16xf32>,
          %swap3A_605 = arith.index_cast %scan3A_583 : i32 to index
          %swap3A_606 = arith.constant 96 : index
          %swap3A_607 = tpu.vector_load %arg15[%swap3A_605, %swap3A_606] {strides = array<i32>} : memref<64x128xf32, #tpu.memory_space<vmem>>, vector<16xf32>,
          tpu.vector_store %arg15[%swap3A_605, %swap3A_606], %gather3A_586 {add = true, strides = array<i32>} : memref<64x128xf32, #tpu.memory_space<vmem>>, vector<16xf32>,
          %swap3A_608 = arith.index_cast %scan3A_583 : i32 to index
          %swap3A_609 = arith.constant 112 : index
          %swap3A_610 = tpu.vector_load %arg15[%swap3A_608, %swap3A_609] {strides = array<i32>} : memref<64x128xf32, #tpu.memory_space<vmem>>, vector<16xf32>,
          tpu.vector_store %arg15[%swap3A_608, %swap3A_609], %gather3A_586 {add = true, strides = array<i32>} : memref<64x128xf32, #tpu.memory_space<vmem>>, vector<16xf32>,
          %scan3A_611 = arith.constant 7 : i32
          %scan3A_612 = arith.addi %scan3A_410, %scan3A_611 : i32
          %add3A_613 = vector.broadcast %scan3A_612 : i32 to vector<16xi32>
          %add3A_614 = arith.addi %mul3A_388, %add3A_613 : vector<16xi32>
          %gather3A_615 = tpu.vector_load_idx %arg7[%add3A_614, %add3A_390] : memref<64x200xf32, #tpu.memory_space<vmem>>[vector<16xi32>, vector<16xi32>], vector<16xf32>,
          %swap3A_616 = arith.index_cast %scan3A_612 : i32 to index
          %swap3A_617 = arith.constant 0 : index
          %swap3A_618 = tpu.vector_load %arg15[%swap3A_616, %swap3A_617] {strides = array<i32>} : memref<64x128xf32, #tpu.memory_space<vmem>>, vector<16xf32>,
          tpu.vector_store %arg15[%swap3A_616, %swap3A_617], %gather3A_615 {add = true, strides = array<i32>} : memref<64x128xf32, #tpu.memory_space<vmem>>, vector<16xf32>,
          %swap3A_619 = arith.index_cast %scan3A_612 : i32 to index
          %swap3A_620 = arith.constant 16 : index
          %swap3A_621 = tpu.vector_load %arg15[%swap3A_619, %swap3A_620] {strides = array<i32>} : memref<64x128xf32, #tpu.memory_space<vmem>>, vector<16xf32>,
          tpu.vector_store %arg15[%swap3A_619, %swap3A_620], %gather3A_615 {add = true, strides = array<i32>} : memref<64x128xf32, #tpu.memory_space<vmem>>, vector<16xf32>,
          %swap3A_622 = arith.index_cast %scan3A_612 : i32 to index
          %swap3A_623 = arith.constant 32 : index
          %swap3A_624 = tpu.vector_load %arg15[%swap3A_622, %swap3A_623] {strides = array<i32>} : memref<64x128xf32, #tpu.memory_space<vmem>>, vector<16xf32>,
          tpu.vector_store %arg15[%swap3A_622, %swap3A_623], %gather3A_615 {add = true, strides = array<i32>} : memref<64x128xf32, #tpu.memory_space<vmem>>, vector<16xf32>,
          %swap3A_625 = arith.index_cast %scan3A_612 : i32 to index
          %swap3A_626 = arith.constant 48 : index
          %swap3A_627 = tpu.vector_load %arg15[%swap3A_625, %swap3A_626] {strides = array<i32>} : memref<64x128xf32, #tpu.memory_space<vmem>>, vector<16xf32>,
          tpu.vector_store %arg15[%swap3A_625, %swap3A_626], %gather3A_615 {add = true, strides = array<i32>} : memref<64x128xf32, #tpu.memory_space<vmem>>, vector<16xf32>,
          %swap3A_628 = arith.index_cast %scan3A_612 : i32 to index
          %swap3A_629 = arith.constant 64 : index
          %swap3A_630 = tpu.vector_load %arg15[%swap3A_628, %swap3A_629] {strides = array<i32>} : memref<64x128xf32, #tpu.memory_space<vmem>>, vector<16xf32>,
          tpu.vector_store %arg15[%swap3A_628, %swap3A_629], %gather3A_615 {add = true, strides = array<i32>} : memref<64x128xf32, #tpu.memory_space<vmem>>, vector<16xf32>,
          %swap3A_631 = arith.index_cast %scan3A_612 : i32 to index
          %swap3A_632 = arith.constant 80 : index
          %swap3A_633 = tpu.vector_load %arg15[%swap3A_631, %swap3A_632] {strides = array<i32>} : memref<64x128xf32, #tpu.memory_space<vmem>>, vector<16xf32>,
          tpu.vector_store %arg15[%swap3A_631, %swap3A_632], %gather3A_615 {add = true, strides = array<i32>} : memref<64x128xf32, #tpu.memory_space<vmem>>, vector<16xf32>,
          %swap3A_634 = arith.index_cast %scan3A_612 : i32 to index
          %swap3A_635 = arith.constant 96 : index
          %swap3A_636 = tpu.vector_load %arg15[%swap3A_634, %swap3A_635] {strides = array<i32>} : memref<64x128xf32, #tpu.memory_space<vmem>>, vector<16xf32>,
          tpu.vector_store %arg15[%swap3A_634, %swap3A_635], %gather3A_615 {add = true, strides = array<i32>} : memref<64x128xf32, #tpu.memory_space<vmem>>, vector<16xf32>,
          %swap3A_637 = arith.index_cast %scan3A_612 : i32 to index
          %swap3A_638 = arith.constant 112 : index
          %swap3A_639 = tpu.vector_load %arg15[%swap3A_637, %swap3A_638] {strides = array<i32>} : memref<64x128xf32, #tpu.memory_space<vmem>>, vector<16xf32>,
          tpu.vector_store %arg15[%swap3A_637, %swap3A_638], %gather3A_615 {add = true, strides = array<i32>} : memref<64x128xf32, #tpu.memory_space<vmem>>, vector<16xf32>,
        }
        %scan3A_396 = arith.constant 64 : i32
        %dma_start3A_397 = arith.constant 0 : i32
        %dma_start3A_398 = tpu.memref_slice %arg5[%add3A_283, %dma_start3A_397, %mul3A_2] : memref<200x64x4096xf32, #tpu.memory_space<hbm>> -> memref<1x64x128xf32, #tpu.memory_space<hbm>>
        %dma_start3A_399 = tpu.memref_squeeze %dma_start3A_398 : memref<1x64x128xf32, #tpu.memory_space<hbm>> -> memref<64x128xf32, #tpu.memory_space<hbm>>
        %dma_start3A_400 = arith.constant 0 : i32
        %dma_start3A_401 = tpu.memref_slice %arg5[%add3A_283, %dma_start3A_400, %mul3A_2] : memref<200x64x4096xf32, #tpu.memory_space<hbm>> -> memref<1x64x128xf32, #tpu.memory_space<hbm>>
        %dma_start3A_402 = tpu.memref_squeeze %dma_start3A_401 : memref<1x64x128xf32, #tpu.memory_space<hbm>> -> memref<64x128xf32, #tpu.memory_space<hbm>>
        tpu.enqueue_dma source(%arg15 : memref<64x128xf32, #tpu.memory_space<vmem>>) target(%dma_start3A_402 : memref<64x128xf32, #tpu.memory_space<hbm>>) target_semaphore(%arg18 : memref<!tpu.dma_semaphore, #tpu.memory_space<semaphore_mem>>)
        %add3A_403 = arith.constant 3 : i32
        %add3A_404 = arith.addi %add3A_283, %add3A_403 : i32
        %lt3A_405 = arith.constant 200 : i32
        %lt3A_406 = arith.cmpi slt, %add3A_404, %lt3A_405 : i32
        %convert_element_type3A_407 = arith.extui %lt3A_406 : i1 to i32
        %cond3A_408 = arith.constant 0 : i32
        %cond3A_409 = arith.cmpi ne, %convert_element_type3A_407, %cond3A_408 : i32
        scf.if %cond3A_409 {
          %add3A_410 = arith.constant 3 : i32
          %add3A_411 = arith.addi %add3A_283, %add3A_410 : i32
          %get3A_412 = arith.index_cast %add3A_411 : i32 to index
          %get3A_413 = arith.constant 0 : index
          %get3A_414 = tpu.vector_load %arg6[%get3A_412, %get3A_413] {strides = array<i32>} : memref<200x128xi32, #tpu.memory_space<vmem>>, vector<16xi32>,
          %shift_right_logical3A_415 = arith.constant 1 : i32
          %shift_right_logical3A_416 = vector.broadcast %shift_right_logical3A_415 : i32 to vector<16xi32>
          %shift_right_logical3A_417 = arith.shrui %get3A_414, %shift_right_logical3A_416 : vector<16xi32>
          %swap3A_418 = arith.constant 0 : index
          %swap3A_419 = tpu.vector_load %arg9[%swap3A_418] {strides = array<i32>} : memref<128xi32, #tpu.memory_space<vmem>>, vector<16xi32>,
          tpu.vector_store %arg9[%swap3A_418], %shift_right_logical3A_417 {strides = array<i32>} : memref<128xi32, #tpu.memory_space<vmem>>, vector<16xi32>,
          %get3A_420 = arith.index_cast %add3A_411 : i32 to index
          %get3A_421 = arith.constant 16 : index
          %get3A_422 = tpu.vector_load %arg6[%get3A_420, %get3A_421] {strides = array<i32>} : memref<200x128xi32, #tpu.memory_space<vmem>>, vector<16xi32>,
          %shift_right_logical3A_423 = arith.constant 1 : i32
          %shift_right_logical3A_424 = vector.broadcast %shift_right_logical3A_423 : i32 to vector<16xi32>
          %shift_right_logical3A_425 = arith.shrui %get3A_422, %shift_right_logical3A_424 : vector<16xi32>
          %swap3A_426 = arith.constant 16 : index
          %swap3A_427 = tpu.vector_load %arg9[%swap3A_426] {strides = array<i32>} : memref<128xi32, #tpu.memory_space<vmem>>, vector<16xi32>,
          tpu.vector_store %arg9[%swap3A_426], %shift_right_logical3A_425 {strides = array<i32>} : memref<128xi32, #tpu.memory_space<vmem>>, vector<16xi32>,
          %get3A_428 = arith.index_cast %add3A_411 : i32 to index
          %get3A_429 = arith.constant 32 : index
          %get3A_430 = tpu.vector_load %arg6[%get3A_428, %get3A_429] {strides = array<i32>} : memref<200x128xi32, #tpu.memory_space<vmem>>, vector<16xi32>,
          %shift_right_logical3A_431 = arith.constant 1 : i32
          %shift_right_logical3A_432 = vector.broadcast %shift_right_logical3A_431 : i32 to vector<16xi32>
          %shift_right_logical3A_433 = arith.shrui %get3A_430, %shift_right_logical3A_432 : vector<16xi32>
          %swap3A_434 = arith.constant 32 : index
          %swap3A_435 = tpu.vector_load %arg9[%swap3A_434] {strides = array<i32>} : memref<128xi32, #tpu.memory_space<vmem>>, vector<16xi32>,
          tpu.vector_store %arg9[%swap3A_434], %shift_right_logical3A_433 {strides = array<i32>} : memref<128xi32, #tpu.memory_space<vmem>>, vector<16xi32>,
          %get3A_436 = arith.index_cast %add3A_411 : i32 to index
          %get3A_437 = arith.constant 48 : index
          %get3A_438 = tpu.vector_load %arg6[%get3A_436, %get3A_437] {strides = array<i32>} : memref<200x128xi32, #tpu.memory_space<vmem>>, vector<16xi32>,
          %shift_right_logical3A_439 = arith.constant 1 : i32
          %shift_right_logical3A_440 = vector.broadcast %shift_right_logical3A_439 : i32 to vector<16xi32>
          %shift_right_logical3A_441 = arith.shrui %get3A_438, %shift_right_logical3A_440 : vector<16xi32>
          %swap3A_442 = arith.constant 48 : index
          %swap3A_443 = tpu.vector_load %arg9[%swap3A_442] {strides = array<i32>} : memref<128xi32, #tpu.memory_space<vmem>>, vector<16xi32>,
          tpu.vector_store %arg9[%swap3A_442], %shift_right_logical3A_441 {strides = array<i32>} : memref<128xi32, #tpu.memory_space<vmem>>, vector<16xi32>,
          %get3A_444 = arith.index_cast %add3A_411 : i32 to index
          %get3A_445 = arith.constant 64 : index
          %get3A_446 = tpu.vector_load %arg6[%get3A_444, %get3A_445] {strides = array<i32>} : memref<200x128xi32, #tpu.memory_space<vmem>>, vector<16xi32>,
          %shift_right_logical3A_447 = arith.constant 1 : i32
          %shift_right_logical3A_448 = vector.broadcast %shift_right_logical3A_447 : i32 to vector<16xi32>
          %shift_right_logical3A_449 = arith.shrui %get3A_446, %shift_right_logical3A_448 : vector<16xi32>
          %swap3A_450 = arith.constant 64 : index
          %swap3A_451 = tpu.vector_load %arg9[%swap3A_450] {strides = array<i32>} : memref<128xi32, #tpu.memory_space<vmem>>, vector<16xi32>,
          tpu.vector_store %arg9[%swap3A_450], %shift_right_logical3A_449 {strides = array<i32>} : memref<128xi32, #tpu.memory_space<vmem>>, vector<16xi32>,
          %get3A_452 = arith.index_cast %add3A_411 : i32 to index
          %get3A_453 = arith.constant 80 : index
          %get3A_454 = tpu.vector_load %arg6[%get3A_452, %get3A_453] {strides = array<i32>} : memref<200x128xi32, #tpu.memory_space<vmem>>, vector<16xi32>,
          %shift_right_logical3A_455 = arith.constant 1 : i32
          %shift_right_logical3A_456 = vector.broadcast %shift_right_logical3A_455 : i32 to vector<16xi32>
          %shift_right_logical3A_457 = arith.shrui %get3A_454, %shift_right_logical3A_456 : vector<16xi32>
          %swap3A_458 = arith.constant 80 : index
          %swap3A_459 = tpu.vector_load %arg9[%swap3A_458] {strides = array<i32>} : memref<128xi32, #tpu.memory_space<vmem>>, vector<16xi32>,
          tpu.vector_store %arg9[%swap3A_458], %shift_right_logical3A_457 {strides = array<i32>} : memref<128xi32, #tpu.memory_space<vmem>>, vector<16xi32>,
          %get3A_460 = arith.index_cast %add3A_411 : i32 to index
          %get3A_461 = arith.constant 96 : index
          %get3A_462 = tpu.vector_load %arg6[%get3A_460, %get3A_461] {strides = array<i32>} : memref<200x128xi32, #tpu.memory_space<vmem>>, vector<16xi32>,
          %shift_right_logical3A_463 = arith.constant 1 : i32
          %shift_right_logical3A_464 = vector.broadcast %shift_right_logical3A_463 : i32 to vector<16xi32>
          %shift_right_logical3A_465 = arith.shrui %get3A_462, %shift_right_logical3A_464 : vector<16xi32>
          %swap3A_466 = arith.constant 96 : index
          %swap3A_467 = tpu.vector_load %arg9[%swap3A_466] {strides = array<i32>} : memref<128xi32, #tpu.memory_space<vmem>>, vector<16xi32>,
          tpu.vector_store %arg9[%swap3A_466], %shift_right_logical3A_465 {strides = array<i32>} : memref<128xi32, #tpu.memory_space<vmem>>, vector<16xi32>,
          %get3A_468 = arith.index_cast %add3A_411 : i32 to index
          %get3A_469 = arith.constant 112 : index
          %get3A_470 = tpu.vector_load %arg6[%get3A_468, %get3A_469] {strides = array<i32>} : memref<200x128xi32, #tpu.memory_space<vmem>>, vector<16xi32>,
          %shift_right_logical3A_471 = arith.constant 1 : i32
          %shift_right_logical3A_472 = vector.broadcast %shift_right_logical3A_471 : i32 to vector<16xi32>
          %shift_right_logical3A_473 = arith.shrui %get3A_470, %shift_right_logical3A_472 : vector<16xi32>
          %swap3A_474 = arith.constant 112 : index
          %swap3A_475 = tpu.vector_load %arg9[%swap3A_474] {strides = array<i32>} : memref<128xi32, #tpu.memory_space<vmem>>, vector<16xi32>,
          tpu.vector_store %arg9[%swap3A_474], %shift_right_logical3A_473 {strides = array<i32>} : memref<128xi32, #tpu.memory_space<vmem>>, vector<16xi32>,
          %dma_start3A_476 = arith.constant 0 : i32
          %dma_start3A_477 = arith.constant 0 : i32
          %dma_start3A_478 = tpu.memref_slice %arg3[%dma_start3A_476, %dma_start3A_477] : memref<500000x128xf32, #tpu.memory_space<hbm>> -> memref<500000x128xf32, #tpu.memory_space<hbm>>
          tpu.enqueue_indirect_dma source(%dma_start3A_478 : memref<500000x128xf32, #tpu.memory_space<hbm>>) target(%arg12 : memref<128x128xf32, #tpu.memory_space<vmem>>) offsets(%arg9 : memref<128xi32, #tpu.memory_space<vmem>>) semaphore(%arg17 : memref<!tpu.dma_semaphore, #tpu.memory_space<semaphore_mem>>)
        } else {
        }
      } else {
      }
      %mul3A_289 = arith.constant 3 : i32
      %mul3A_290 = arith.muli %scan3A_273, %mul3A_289 : i32
      %add3A_291 = arith.constant 2 : i32
      %add3A_292 = arith.addi %mul3A_290, %add3A_291 : i32
      %lt3A_293 = arith.constant 200 : i32
      %lt3A_294 = arith.cmpi slt, %add3A_292, %lt3A_293 : i32
      %convert_element_type3A_295 = arith.extui %lt3A_294 : i1 to i32
      %cond3A_296 = arith.constant 0 : i32
      %cond3A_297 = arith.cmpi ne, %convert_element_type3A_295, %cond3A_296 : i32
      scf.if %cond3A_297 {
        %dma_wait3A_298 = arith.constant 0 : i32
        %dma_wait3A_299 = arith.constant 0 : i32
        %dma_wait3A_300 = tpu.memref_slice %arg3[%dma_wait3A_298, %dma_wait3A_299] : memref<500000x128xf32, #tpu.memory_space<hbm>> -> memref<500000x128xf32, #tpu.memory_space<hbm>>
        tpu.wait_indirect_dma semaphore(%arg17 : memref<!tpu.dma_semaphore, #tpu.memory_space<semaphore_mem>>) src(%dma_wait3A_300 : memref<500000x128xf32, #tpu.memory_space<hbm>>) dst(%arg13 : memref<128x128xf32, #tpu.memory_space<vmem>>)
        %ge3A = arith.constant 3 : i32
        %ge3A_301 = arith.cmpi sge, %add3A_292, %ge3A : i32
        %convert_element_type3A_302 = arith.extui %ge3A_301 : i1 to i32
        %cond3A_303 = arith.constant 0 : i32
        %cond3A_304 = arith.cmpi ne, %convert_element_type3A_302, %cond3A_303 : i32
        scf.if %cond3A_304 {
          %sub3A = arith.constant 3 : i32
          %sub3A_410 = arith.subi %add3A_292, %sub3A : i32
          %dma_wait3A_411 = arith.constant 0 : i32
          %dma_wait3A_412 = tpu.memref_slice %arg5[%sub3A_410, %dma_wait3A_411, %mul3A_2] : memref<200x64x4096xf32, #tpu.memory_space<hbm>> -> memref<1x64x128xf32, #tpu.memory_space<hbm>>
          %dma_wait3A_413 = tpu.memref_squeeze %dma_wait3A_412 : memref<1x64x128xf32, #tpu.memory_space<hbm>> -> memref<64x128xf32, #tpu.memory_space<hbm>>
          %dma_wait3A_414 = arith.constant 0 : i32
          %dma_wait3A_415 = tpu.memref_slice %arg5[%sub3A_410, %dma_wait3A_414, %mul3A_2] : memref<200x64x4096xf32, #tpu.memory_space<hbm>> -> memref<1x64x128xf32, #tpu.memory_space<hbm>>
          %dma_wait3A_416 = tpu.memref_squeeze %dma_wait3A_415 : memref<1x64x128xf32, #tpu.memory_space<hbm>> -> memref<64x128xf32, #tpu.memory_space<hbm>>
          tpu.wait_dma2 semaphore(%arg18 : memref<!tpu.dma_semaphore, #tpu.memory_space<semaphore_mem>>) src(%arg16 : memref<64x128xf32, #tpu.memory_space<vmem>>) dst(%dma_wait3A_416 : memref<64x128xf32, #tpu.memory_space<hbm>>)
        } else {
        }
        %get3A_305 = arith.index_cast %add3A_292 : i32 to index
        %get3A_306 = arith.constant 0 : index
        %get3A_307 = tpu.vector_load %arg6[%get3A_305, %get3A_306] {strides = array<i32>} : memref<200x128xi32, #tpu.memory_space<vmem>>, vector<16xi32>,
        %and3A = arith.constant 1 : i32
        %and3A_308 = vector.broadcast %and3A : i32 to vector<16xi32>
        %and3A_309 = arith.andi %get3A_307, %and3A_308 : vector<16xi32>
        %mul3A_310 = arith.constant 64 : i32
        %mul3A_311 = vector.broadcast %mul3A_310 : i32 to vector<16xi32>
        %mul3A_312 = arith.muli %and3A_309, %mul3A_311 : vector<16xi32>
        %get3A_313 = arith.index_cast %add3A_292 : i32 to index
        %get3A_314 = arith.constant 16 : index
        %get3A_315 = tpu.vector_load %arg6[%get3A_313, %get3A_314] {strides = array<i32>} : memref<200x128xi32, #tpu.memory_space<vmem>>, vector<16xi32>,
        %and3A_316 = arith.constant 1 : i32
        %and3A_317 = vector.broadcast %and3A_316 : i32 to vector<16xi32>
        %and3A_318 = arith.andi %get3A_315, %and3A_317 : vector<16xi32>
        %mul3A_319 = arith.constant 64 : i32
        %mul3A_320 = vector.broadcast %mul3A_319 : i32 to vector<16xi32>
        %mul3A_321 = arith.muli %and3A_318, %mul3A_320 : vector<16xi32>
        %get3A_322 = arith.index_cast %add3A_292 : i32 to index
        %get3A_323 = arith.constant 32 : index
        %get3A_324 = tpu.vector_load %arg6[%get3A_322, %get3A_323] {strides = array<i32>} : memref<200x128xi32, #tpu.memory_space<vmem>>, vector<16xi32>,
        %and3A_325 = arith.constant 1 : i32
        %and3A_326 = vector.broadcast %and3A_325 : i32 to vector<16xi32>
        %and3A_327 = arith.andi %get3A_324, %and3A_326 : vector<16xi32>
        %mul3A_328 = arith.constant 64 : i32
        %mul3A_329 = vector.broadcast %mul3A_328 : i32 to vector<16xi32>
        %mul3A_330 = arith.muli %and3A_327, %mul3A_329 : vector<16xi32>
        %get3A_331 = arith.index_cast %add3A_292 : i32 to index
        %get3A_332 = arith.constant 48 : index
        %get3A_333 = tpu.vector_load %arg6[%get3A_331, %get3A_332] {strides = array<i32>} : memref<200x128xi32, #tpu.memory_space<vmem>>, vector<16xi32>,
        %and3A_334 = arith.constant 1 : i32
        %and3A_335 = vector.broadcast %and3A_334 : i32 to vector<16xi32>
        %and3A_336 = arith.andi %get3A_333, %and3A_335 : vector<16xi32>
        %mul3A_337 = arith.constant 64 : i32
        %mul3A_338 = vector.broadcast %mul3A_337 : i32 to vector<16xi32>
        %mul3A_339 = arith.muli %and3A_336, %mul3A_338 : vector<16xi32>
        %scan3A_340 = arith.constant 0 : i32
        %scan3A_341 = arith.constant 64 : i32
        %scan3A_342 = arith.addi %scan3A_340, %scan3A_341 : i32
        %scan3A_343 = arith.constant 4 : i32
        scf.for %scan3A_410 = %scan3A_340 to %scan3A_342 step %scan3A_343  : i32 {
          %add3A_411 = vector.broadcast %scan3A_410 : i32 to vector<16xi32>
          %add3A_412 = arith.addi %mul3A_312, %add3A_411 : vector<16xi32>
          %gather3A = tpu.vector_load_idx %arg13[%add3A_5, %add3A_412] : memref<128x128xf32, #tpu.memory_space<vmem>>[vector<16xi32>, vector<16xi32>], vector<16xf32>,
          %add3A_413 = vector.broadcast %scan3A_410 : i32 to vector<16xi32>
          %add3A_414 = arith.addi %mul3A_321, %add3A_413 : vector<16xi32>
          %gather3A_415 = tpu.vector_load_idx %arg13[%add3A_8, %add3A_414] : memref<128x128xf32, #tpu.memory_space<vmem>>[vector<16xi32>, vector<16xi32>], vector<16xf32>,
          %add3A_416 = vector.broadcast %scan3A_410 : i32 to vector<16xi32>
          %add3A_417 = arith.addi %mul3A_330, %add3A_416 : vector<16xi32>
          %gather3A_418 = tpu.vector_load_idx %arg13[%add3A_11, %add3A_417] : memref<128x128xf32, #tpu.memory_space<vmem>>[vector<16xi32>, vector<16xi32>], vector<16xf32>,
          %add3A_419 = vector.broadcast %scan3A_410 : i32 to vector<16xi32>
          %add3A_420 = arith.addi %mul3A_339, %add3A_419 : vector<16xi32>
          %gather3A_421 = tpu.vector_load_idx %arg13[%add3A_14, %add3A_420] : memref<128x128xf32, #tpu.memory_space<vmem>>[vector<16xi32>, vector<16xi32>], vector<16xf32>,
          %swap3A_422 = arith.index_cast %scan3A_410 : i32 to index
          %swap3A_423 = arith.constant 0 : index
          %swap3A_424 = tpu.vector_load %arg16[%swap3A_422, %swap3A_423] {strides = array<i32>} : memref<64x128xf32, #tpu.memory_space<vmem>>, vector<16xf32>,
          tpu.vector_store %arg16[%swap3A_422, %swap3A_423], %gather3A {strides = array<i32>} : memref<64x128xf32, #tpu.memory_space<vmem>>, vector<16xf32>,
          %swap3A_425 = arith.index_cast %scan3A_410 : i32 to index
          %swap3A_426 = arith.constant 16 : index
          %swap3A_427 = tpu.vector_load %arg16[%swap3A_425, %swap3A_426] {strides = array<i32>} : memref<64x128xf32, #tpu.memory_space<vmem>>, vector<16xf32>,
          tpu.vector_store %arg16[%swap3A_425, %swap3A_426], %gather3A_415 {strides = array<i32>} : memref<64x128xf32, #tpu.memory_space<vmem>>, vector<16xf32>,
          %swap3A_428 = arith.index_cast %scan3A_410 : i32 to index
          %swap3A_429 = arith.constant 32 : index
          %swap3A_430 = tpu.vector_load %arg16[%swap3A_428, %swap3A_429] {strides = array<i32>} : memref<64x128xf32, #tpu.memory_space<vmem>>, vector<16xf32>,
          tpu.vector_store %arg16[%swap3A_428, %swap3A_429], %gather3A_418 {strides = array<i32>} : memref<64x128xf32, #tpu.memory_space<vmem>>, vector<16xf32>,
          %swap3A_431 = arith.index_cast %scan3A_410 : i32 to index
          %swap3A_432 = arith.constant 48 : index
          %swap3A_433 = tpu.vector_load %arg16[%swap3A_431, %swap3A_432] {strides = array<i32>} : memref<64x128xf32, #tpu.memory_space<vmem>>, vector<16xf32>,
          tpu.vector_store %arg16[%swap3A_431, %swap3A_432], %gather3A_421 {strides = array<i32>} : memref<64x128xf32, #tpu.memory_space<vmem>>, vector<16xf32>,
          %scan3A_434 = arith.constant 1 : i32
          %scan3A_435 = arith.addi %scan3A_410, %scan3A_434 : i32
          %add3A_436 = vector.broadcast %scan3A_435 : i32 to vector<16xi32>
          %add3A_437 = arith.addi %mul3A_312, %add3A_436 : vector<16xi32>
          %gather3A_438 = tpu.vector_load_idx %arg13[%add3A_5, %add3A_437] : memref<128x128xf32, #tpu.memory_space<vmem>>[vector<16xi32>, vector<16xi32>], vector<16xf32>,
          %add3A_439 = vector.broadcast %scan3A_435 : i32 to vector<16xi32>
          %add3A_440 = arith.addi %mul3A_321, %add3A_439 : vector<16xi32>
          %gather3A_441 = tpu.vector_load_idx %arg13[%add3A_8, %add3A_440] : memref<128x128xf32, #tpu.memory_space<vmem>>[vector<16xi32>, vector<16xi32>], vector<16xf32>,
          %add3A_442 = vector.broadcast %scan3A_435 : i32 to vector<16xi32>
          %add3A_443 = arith.addi %mul3A_330, %add3A_442 : vector<16xi32>
          %gather3A_444 = tpu.vector_load_idx %arg13[%add3A_11, %add3A_443] : memref<128x128xf32, #tpu.memory_space<vmem>>[vector<16xi32>, vector<16xi32>], vector<16xf32>,
          %add3A_445 = vector.broadcast %scan3A_435 : i32 to vector<16xi32>
          %add3A_446 = arith.addi %mul3A_339, %add3A_445 : vector<16xi32>
          %gather3A_447 = tpu.vector_load_idx %arg13[%add3A_14, %add3A_446] : memref<128x128xf32, #tpu.memory_space<vmem>>[vector<16xi32>, vector<16xi32>], vector<16xf32>,
          %swap3A_448 = arith.index_cast %scan3A_435 : i32 to index
          %swap3A_449 = arith.constant 0 : index
          %swap3A_450 = tpu.vector_load %arg16[%swap3A_448, %swap3A_449] {strides = array<i32>} : memref<64x128xf32, #tpu.memory_space<vmem>>, vector<16xf32>,
          tpu.vector_store %arg16[%swap3A_448, %swap3A_449], %gather3A_438 {strides = array<i32>} : memref<64x128xf32, #tpu.memory_space<vmem>>, vector<16xf32>,
          %swap3A_451 = arith.index_cast %scan3A_435 : i32 to index
          %swap3A_452 = arith.constant 16 : index
          %swap3A_453 = tpu.vector_load %arg16[%swap3A_451, %swap3A_452] {strides = array<i32>} : memref<64x128xf32, #tpu.memory_space<vmem>>, vector<16xf32>,
          tpu.vector_store %arg16[%swap3A_451, %swap3A_452], %gather3A_441 {strides = array<i32>} : memref<64x128xf32, #tpu.memory_space<vmem>>, vector<16xf32>,
          %swap3A_454 = arith.index_cast %scan3A_435 : i32 to index
          %swap3A_455 = arith.constant 32 : index
          %swap3A_456 = tpu.vector_load %arg16[%swap3A_454, %swap3A_455] {strides = array<i32>} : memref<64x128xf32, #tpu.memory_space<vmem>>, vector<16xf32>,
          tpu.vector_store %arg16[%swap3A_454, %swap3A_455], %gather3A_444 {strides = array<i32>} : memref<64x128xf32, #tpu.memory_space<vmem>>, vector<16xf32>,
          %swap3A_457 = arith.index_cast %scan3A_435 : i32 to index
          %swap3A_458 = arith.constant 48 : index
          %swap3A_459 = tpu.vector_load %arg16[%swap3A_457, %swap3A_458] {strides = array<i32>} : memref<64x128xf32, #tpu.memory_space<vmem>>, vector<16xf32>,
          tpu.vector_store %arg16[%swap3A_457, %swap3A_458], %gather3A_447 {strides = array<i32>} : memref<64x128xf32, #tpu.memory_space<vmem>>, vector<16xf32>,
          %scan3A_460 = arith.constant 2 : i32
          %scan3A_461 = arith.addi %scan3A_410, %scan3A_460 : i32
          %add3A_462 = vector.broadcast %scan3A_461 : i32 to vector<16xi32>
          %add3A_463 = arith.addi %mul3A_312, %add3A_462 : vector<16xi32>
          %gather3A_464 = tpu.vector_load_idx %arg13[%add3A_5, %add3A_463] : memref<128x128xf32, #tpu.memory_space<vmem>>[vector<16xi32>, vector<16xi32>], vector<16xf32>,
          %add3A_465 = vector.broadcast %scan3A_461 : i32 to vector<16xi32>
          %add3A_466 = arith.addi %mul3A_321, %add3A_465 : vector<16xi32>
          %gather3A_467 = tpu.vector_load_idx %arg13[%add3A_8, %add3A_466] : memref<128x128xf32, #tpu.memory_space<vmem>>[vector<16xi32>, vector<16xi32>], vector<16xf32>,
          %add3A_468 = vector.broadcast %scan3A_461 : i32 to vector<16xi32>
          %add3A_469 = arith.addi %mul3A_330, %add3A_468 : vector<16xi32>
          %gather3A_470 = tpu.vector_load_idx %arg13[%add3A_11, %add3A_469] : memref<128x128xf32, #tpu.memory_space<vmem>>[vector<16xi32>, vector<16xi32>], vector<16xf32>,
          %add3A_471 = vector.broadcast %scan3A_461 : i32 to vector<16xi32>
          %add3A_472 = arith.addi %mul3A_339, %add3A_471 : vector<16xi32>
          %gather3A_473 = tpu.vector_load_idx %arg13[%add3A_14, %add3A_472] : memref<128x128xf32, #tpu.memory_space<vmem>>[vector<16xi32>, vector<16xi32>], vector<16xf32>,
          %swap3A_474 = arith.index_cast %scan3A_461 : i32 to index
          %swap3A_475 = arith.constant 0 : index
          %swap3A_476 = tpu.vector_load %arg16[%swap3A_474, %swap3A_475] {strides = array<i32>} : memref<64x128xf32, #tpu.memory_space<vmem>>, vector<16xf32>,
          tpu.vector_store %arg16[%swap3A_474, %swap3A_475], %gather3A_464 {strides = array<i32>} : memref<64x128xf32, #tpu.memory_space<vmem>>, vector<16xf32>,
          %swap3A_477 = arith.index_cast %scan3A_461 : i32 to index
          %swap3A_478 = arith.constant 16 : index
          %swap3A_479 = tpu.vector_load %arg16[%swap3A_477, %swap3A_478] {strides = array<i32>} : memref<64x128xf32, #tpu.memory_space<vmem>>, vector<16xf32>,
          tpu.vector_store %arg16[%swap3A_477, %swap3A_478], %gather3A_467 {strides = array<i32>} : memref<64x128xf32, #tpu.memory_space<vmem>>, vector<16xf32>,
          %swap3A_480 = arith.index_cast %scan3A_461 : i32 to index
          %swap3A_481 = arith.constant 32 : index
          %swap3A_482 = tpu.vector_load %arg16[%swap3A_480, %swap3A_481] {strides = array<i32>} : memref<64x128xf32, #tpu.memory_space<vmem>>, vector<16xf32>,
          tpu.vector_store %arg16[%swap3A_480, %swap3A_481], %gather3A_470 {strides = array<i32>} : memref<64x128xf32, #tpu.memory_space<vmem>>, vector<16xf32>,
          %swap3A_483 = arith.index_cast %scan3A_461 : i32 to index
          %swap3A_484 = arith.constant 48 : index
          %swap3A_485 = tpu.vector_load %arg16[%swap3A_483, %swap3A_484] {strides = array<i32>} : memref<64x128xf32, #tpu.memory_space<vmem>>, vector<16xf32>,
          tpu.vector_store %arg16[%swap3A_483, %swap3A_484], %gather3A_473 {strides = array<i32>} : memref<64x128xf32, #tpu.memory_space<vmem>>, vector<16xf32>,
          %scan3A_486 = arith.constant 3 : i32
          %scan3A_487 = arith.addi %scan3A_410, %scan3A_486 : i32
          %add3A_488 = vector.broadcast %scan3A_487 : i32 to vector<16xi32>
          %add3A_489 = arith.addi %mul3A_312, %add3A_488 : vector<16xi32>
          %gather3A_490 = tpu.vector_load_idx %arg13[%add3A_5, %add3A_489] : memref<128x128xf32, #tpu.memory_space<vmem>>[vector<16xi32>, vector<16xi32>], vector<16xf32>,
          %add3A_491 = vector.broadcast %scan3A_487 : i32 to vector<16xi32>
          %add3A_492 = arith.addi %mul3A_321, %add3A_491 : vector<16xi32>
          %gather3A_493 = tpu.vector_load_idx %arg13[%add3A_8, %add3A_492] : memref<128x128xf32, #tpu.memory_space<vmem>>[vector<16xi32>, vector<16xi32>], vector<16xf32>,
          %add3A_494 = vector.broadcast %scan3A_487 : i32 to vector<16xi32>
          %add3A_495 = arith.addi %mul3A_330, %add3A_494 : vector<16xi32>
          %gather3A_496 = tpu.vector_load_idx %arg13[%add3A_11, %add3A_495] : memref<128x128xf32, #tpu.memory_space<vmem>>[vector<16xi32>, vector<16xi32>], vector<16xf32>,
          %add3A_497 = vector.broadcast %scan3A_487 : i32 to vector<16xi32>
          %add3A_498 = arith.addi %mul3A_339, %add3A_497 : vector<16xi32>
          %gather3A_499 = tpu.vector_load_idx %arg13[%add3A_14, %add3A_498] : memref<128x128xf32, #tpu.memory_space<vmem>>[vector<16xi32>, vector<16xi32>], vector<16xf32>,
          %swap3A_500 = arith.index_cast %scan3A_487 : i32 to index
          %swap3A_501 = arith.constant 0 : index
          %swap3A_502 = tpu.vector_load %arg16[%swap3A_500, %swap3A_501] {strides = array<i32>} : memref<64x128xf32, #tpu.memory_space<vmem>>, vector<16xf32>,
          tpu.vector_store %arg16[%swap3A_500, %swap3A_501], %gather3A_490 {strides = array<i32>} : memref<64x128xf32, #tpu.memory_space<vmem>>, vector<16xf32>,
          %swap3A_503 = arith.index_cast %scan3A_487 : i32 to index
          %swap3A_504 = arith.constant 16 : index
          %swap3A_505 = tpu.vector_load %arg16[%swap3A_503, %swap3A_504] {strides = array<i32>} : memref<64x128xf32, #tpu.memory_space<vmem>>, vector<16xf32>,
          tpu.vector_store %arg16[%swap3A_503, %swap3A_504], %gather3A_493 {strides = array<i32>} : memref<64x128xf32, #tpu.memory_space<vmem>>, vector<16xf32>,
          %swap3A_506 = arith.index_cast %scan3A_487 : i32 to index
          %swap3A_507 = arith.constant 32 : index
          %swap3A_508 = tpu.vector_load %arg16[%swap3A_506, %swap3A_507] {strides = array<i32>} : memref<64x128xf32, #tpu.memory_space<vmem>>, vector<16xf32>,
          tpu.vector_store %arg16[%swap3A_506, %swap3A_507], %gather3A_496 {strides = array<i32>} : memref<64x128xf32, #tpu.memory_space<vmem>>, vector<16xf32>,
          %swap3A_509 = arith.index_cast %scan3A_487 : i32 to index
          %swap3A_510 = arith.constant 48 : index
          %swap3A_511 = tpu.vector_load %arg16[%swap3A_509, %swap3A_510] {strides = array<i32>} : memref<64x128xf32, #tpu.memory_space<vmem>>, vector<16xf32>,
          tpu.vector_store %arg16[%swap3A_509, %swap3A_510], %gather3A_499 {strides = array<i32>} : memref<64x128xf32, #tpu.memory_space<vmem>>, vector<16xf32>,
        }
        %scan3A_344 = arith.constant 64 : i32
        %get3A_345 = arith.index_cast %add3A_292 : i32 to index
        %get3A_346 = arith.constant 64 : index
        %get3A_347 = tpu.vector_load %arg6[%get3A_345, %get3A_346] {strides = array<i32>} : memref<200x128xi32, #tpu.memory_space<vmem>>, vector<16xi32>,
        %and3A_348 = arith.constant 1 : i32
        %and3A_349 = vector.broadcast %and3A_348 : i32 to vector<16xi32>
        %and3A_350 = arith.andi %get3A_347, %and3A_349 : vector<16xi32>
        %mul3A_351 = arith.constant 64 : i32
        %mul3A_352 = vector.broadcast %mul3A_351 : i32 to vector<16xi32>
        %mul3A_353 = arith.muli %and3A_350, %mul3A_352 : vector<16xi32>
        %get3A_354 = arith.index_cast %add3A_292 : i32 to index
        %get3A_355 = arith.constant 80 : index
        %get3A_356 = tpu.vector_load %arg6[%get3A_354, %get3A_355] {strides = array<i32>} : memref<200x128xi32, #tpu.memory_space<vmem>>, vector<16xi32>,
        %and3A_357 = arith.constant 1 : i32
        %and3A_358 = vector.broadcast %and3A_357 : i32 to vector<16xi32>
        %and3A_359 = arith.andi %get3A_356, %and3A_358 : vector<16xi32>
        %mul3A_360 = arith.constant 64 : i32
        %mul3A_361 = vector.broadcast %mul3A_360 : i32 to vector<16xi32>
        %mul3A_362 = arith.muli %and3A_359, %mul3A_361 : vector<16xi32>
        %get3A_363 = arith.index_cast %add3A_292 : i32 to index
        %get3A_364 = arith.constant 96 : index
        %get3A_365 = tpu.vector_load %arg6[%get3A_363, %get3A_364] {strides = array<i32>} : memref<200x128xi32, #tpu.memory_space<vmem>>, vector<16xi32>,
        %and3A_366 = arith.constant 1 : i32
        %and3A_367 = vector.broadcast %and3A_366 : i32 to vector<16xi32>
        %and3A_368 = arith.andi %get3A_365, %and3A_367 : vector<16xi32>
        %mul3A_369 = arith.constant 64 : i32
        %mul3A_370 = vector.broadcast %mul3A_369 : i32 to vector<16xi32>
        %mul3A_371 = arith.muli %and3A_368, %mul3A_370 : vector<16xi32>
        %get3A_372 = arith.index_cast %add3A_292 : i32 to index
        %get3A_373 = arith.constant 112 : index
        %get3A_374 = tpu.vector_load %arg6[%get3A_372, %get3A_373] {strides = array<i32>} : memref<200x128xi32, #tpu.memory_space<vmem>>, vector<16xi32>,
        %and3A_375 = arith.constant 1 : i32
        %and3A_376 = vector.broadcast %and3A_375 : i32 to vector<16xi32>
        %and3A_377 = arith.andi %get3A_374, %and3A_376 : vector<16xi32>
        %mul3A_378 = arith.constant 64 : i32
        %mul3A_379 = vector.broadcast %mul3A_378 : i32 to vector<16xi32>
        %mul3A_380 = arith.muli %and3A_377, %mul3A_379 : vector<16xi32>
        %scan3A_381 = arith.constant 0 : i32
        %scan3A_382 = arith.constant 64 : i32
        %scan3A_383 = arith.addi %scan3A_381, %scan3A_382 : i32
        %scan3A_384 = arith.constant 4 : i32
        scf.for %scan3A_410 = %scan3A_381 to %scan3A_383 step %scan3A_384  : i32 {
          %add3A_411 = vector.broadcast %scan3A_410 : i32 to vector<16xi32>
          %add3A_412 = arith.addi %mul3A_353, %add3A_411 : vector<16xi32>
          %gather3A = tpu.vector_load_idx %arg13[%add3A_17, %add3A_412] : memref<128x128xf32, #tpu.memory_space<vmem>>[vector<16xi32>, vector<16xi32>], vector<16xf32>,
          %add3A_413 = vector.broadcast %scan3A_410 : i32 to vector<16xi32>
          %add3A_414 = arith.addi %mul3A_362, %add3A_413 : vector<16xi32>
          %gather3A_415 = tpu.vector_load_idx %arg13[%add3A_20, %add3A_414] : memref<128x128xf32, #tpu.memory_space<vmem>>[vector<16xi32>, vector<16xi32>], vector<16xf32>,
          %add3A_416 = vector.broadcast %scan3A_410 : i32 to vector<16xi32>
          %add3A_417 = arith.addi %mul3A_371, %add3A_416 : vector<16xi32>
          %gather3A_418 = tpu.vector_load_idx %arg13[%add3A_23, %add3A_417] : memref<128x128xf32, #tpu.memory_space<vmem>>[vector<16xi32>, vector<16xi32>], vector<16xf32>,
          %add3A_419 = vector.broadcast %scan3A_410 : i32 to vector<16xi32>
          %add3A_420 = arith.addi %mul3A_380, %add3A_419 : vector<16xi32>
          %gather3A_421 = tpu.vector_load_idx %arg13[%add3A_26, %add3A_420] : memref<128x128xf32, #tpu.memory_space<vmem>>[vector<16xi32>, vector<16xi32>], vector<16xf32>,
          %swap3A_422 = arith.index_cast %scan3A_410 : i32 to index
          %swap3A_423 = arith.constant 64 : index
          %swap3A_424 = tpu.vector_load %arg16[%swap3A_422, %swap3A_423] {strides = array<i32>} : memref<64x128xf32, #tpu.memory_space<vmem>>, vector<16xf32>,
          tpu.vector_store %arg16[%swap3A_422, %swap3A_423], %gather3A {strides = array<i32>} : memref<64x128xf32, #tpu.memory_space<vmem>>, vector<16xf32>,
          %swap3A_425 = arith.index_cast %scan3A_410 : i32 to index
          %swap3A_426 = arith.constant 80 : index
          %swap3A_427 = tpu.vector_load %arg16[%swap3A_425, %swap3A_426] {strides = array<i32>} : memref<64x128xf32, #tpu.memory_space<vmem>>, vector<16xf32>,
          tpu.vector_store %arg16[%swap3A_425, %swap3A_426], %gather3A_415 {strides = array<i32>} : memref<64x128xf32, #tpu.memory_space<vmem>>, vector<16xf32>,
          %swap3A_428 = arith.index_cast %scan3A_410 : i32 to index
          %swap3A_429 = arith.constant 96 : index
          %swap3A_430 = tpu.vector_load %arg16[%swap3A_428, %swap3A_429] {strides = array<i32>} : memref<64x128xf32, #tpu.memory_space<vmem>>, vector<16xf32>,
          tpu.vector_store %arg16[%swap3A_428, %swap3A_429], %gather3A_418 {strides = array<i32>} : memref<64x128xf32, #tpu.memory_space<vmem>>, vector<16xf32>,
          %swap3A_431 = arith.index_cast %scan3A_410 : i32 to index
          %swap3A_432 = arith.constant 112 : index
          %swap3A_433 = tpu.vector_load %arg16[%swap3A_431, %swap3A_432] {strides = array<i32>} : memref<64x128xf32, #tpu.memory_space<vmem>>, vector<16xf32>,
          tpu.vector_store %arg16[%swap3A_431, %swap3A_432], %gather3A_421 {strides = array<i32>} : memref<64x128xf32, #tpu.memory_space<vmem>>, vector<16xf32>,
          %scan3A_434 = arith.constant 1 : i32
          %scan3A_435 = arith.addi %scan3A_410, %scan3A_434 : i32
          %add3A_436 = vector.broadcast %scan3A_435 : i32 to vector<16xi32>
          %add3A_437 = arith.addi %mul3A_353, %add3A_436 : vector<16xi32>
          %gather3A_438 = tpu.vector_load_idx %arg13[%add3A_17, %add3A_437] : memref<128x128xf32, #tpu.memory_space<vmem>>[vector<16xi32>, vector<16xi32>], vector<16xf32>,
          %add3A_439 = vector.broadcast %scan3A_435 : i32 to vector<16xi32>
          %add3A_440 = arith.addi %mul3A_362, %add3A_439 : vector<16xi32>
          %gather3A_441 = tpu.vector_load_idx %arg13[%add3A_20, %add3A_440] : memref<128x128xf32, #tpu.memory_space<vmem>>[vector<16xi32>, vector<16xi32>], vector<16xf32>,
          %add3A_442 = vector.broadcast %scan3A_435 : i32 to vector<16xi32>
          %add3A_443 = arith.addi %mul3A_371, %add3A_442 : vector<16xi32>
          %gather3A_444 = tpu.vector_load_idx %arg13[%add3A_23, %add3A_443] : memref<128x128xf32, #tpu.memory_space<vmem>>[vector<16xi32>, vector<16xi32>], vector<16xf32>,
          %add3A_445 = vector.broadcast %scan3A_435 : i32 to vector<16xi32>
          %add3A_446 = arith.addi %mul3A_380, %add3A_445 : vector<16xi32>
          %gather3A_447 = tpu.vector_load_idx %arg13[%add3A_26, %add3A_446] : memref<128x128xf32, #tpu.memory_space<vmem>>[vector<16xi32>, vector<16xi32>], vector<16xf32>,
          %swap3A_448 = arith.index_cast %scan3A_435 : i32 to index
          %swap3A_449 = arith.constant 64 : index
          %swap3A_450 = tpu.vector_load %arg16[%swap3A_448, %swap3A_449] {strides = array<i32>} : memref<64x128xf32, #tpu.memory_space<vmem>>, vector<16xf32>,
          tpu.vector_store %arg16[%swap3A_448, %swap3A_449], %gather3A_438 {strides = array<i32>} : memref<64x128xf32, #tpu.memory_space<vmem>>, vector<16xf32>,
          %swap3A_451 = arith.index_cast %scan3A_435 : i32 to index
          %swap3A_452 = arith.constant 80 : index
          %swap3A_453 = tpu.vector_load %arg16[%swap3A_451, %swap3A_452] {strides = array<i32>} : memref<64x128xf32, #tpu.memory_space<vmem>>, vector<16xf32>,
          tpu.vector_store %arg16[%swap3A_451, %swap3A_452], %gather3A_441 {strides = array<i32>} : memref<64x128xf32, #tpu.memory_space<vmem>>, vector<16xf32>,
          %swap3A_454 = arith.index_cast %scan3A_435 : i32 to index
          %swap3A_455 = arith.constant 96 : index
          %swap3A_456 = tpu.vector_load %arg16[%swap3A_454, %swap3A_455] {strides = array<i32>} : memref<64x128xf32, #tpu.memory_space<vmem>>, vector<16xf32>,
          tpu.vector_store %arg16[%swap3A_454, %swap3A_455], %gather3A_444 {strides = array<i32>} : memref<64x128xf32, #tpu.memory_space<vmem>>, vector<16xf32>,
          %swap3A_457 = arith.index_cast %scan3A_435 : i32 to index
          %swap3A_458 = arith.constant 112 : index
          %swap3A_459 = tpu.vector_load %arg16[%swap3A_457, %swap3A_458] {strides = array<i32>} : memref<64x128xf32, #tpu.memory_space<vmem>>, vector<16xf32>,
          tpu.vector_store %arg16[%swap3A_457, %swap3A_458], %gather3A_447 {strides = array<i32>} : memref<64x128xf32, #tpu.memory_space<vmem>>, vector<16xf32>,
          %scan3A_460 = arith.constant 2 : i32
          %scan3A_461 = arith.addi %scan3A_410, %scan3A_460 : i32
          %add3A_462 = vector.broadcast %scan3A_461 : i32 to vector<16xi32>
          %add3A_463 = arith.addi %mul3A_353, %add3A_462 : vector<16xi32>
          %gather3A_464 = tpu.vector_load_idx %arg13[%add3A_17, %add3A_463] : memref<128x128xf32, #tpu.memory_space<vmem>>[vector<16xi32>, vector<16xi32>], vector<16xf32>,
          %add3A_465 = vector.broadcast %scan3A_461 : i32 to vector<16xi32>
          %add3A_466 = arith.addi %mul3A_362, %add3A_465 : vector<16xi32>
          %gather3A_467 = tpu.vector_load_idx %arg13[%add3A_20, %add3A_466] : memref<128x128xf32, #tpu.memory_space<vmem>>[vector<16xi32>, vector<16xi32>], vector<16xf32>,
          %add3A_468 = vector.broadcast %scan3A_461 : i32 to vector<16xi32>
          %add3A_469 = arith.addi %mul3A_371, %add3A_468 : vector<16xi32>
          %gather3A_470 = tpu.vector_load_idx %arg13[%add3A_23, %add3A_469] : memref<128x128xf32, #tpu.memory_space<vmem>>[vector<16xi32>, vector<16xi32>], vector<16xf32>,
          %add3A_471 = vector.broadcast %scan3A_461 : i32 to vector<16xi32>
          %add3A_472 = arith.addi %mul3A_380, %add3A_471 : vector<16xi32>
          %gather3A_473 = tpu.vector_load_idx %arg13[%add3A_26, %add3A_472] : memref<128x128xf32, #tpu.memory_space<vmem>>[vector<16xi32>, vector<16xi32>], vector<16xf32>,
          %swap3A_474 = arith.index_cast %scan3A_461 : i32 to index
          %swap3A_475 = arith.constant 64 : index
          %swap3A_476 = tpu.vector_load %arg16[%swap3A_474, %swap3A_475] {strides = array<i32>} : memref<64x128xf32, #tpu.memory_space<vmem>>, vector<16xf32>,
          tpu.vector_store %arg16[%swap3A_474, %swap3A_475], %gather3A_464 {strides = array<i32>} : memref<64x128xf32, #tpu.memory_space<vmem>>, vector<16xf32>,
          %swap3A_477 = arith.index_cast %scan3A_461 : i32 to index
          %swap3A_478 = arith.constant 80 : index
          %swap3A_479 = tpu.vector_load %arg16[%swap3A_477, %swap3A_478] {strides = array<i32>} : memref<64x128xf32, #tpu.memory_space<vmem>>, vector<16xf32>,
          tpu.vector_store %arg16[%swap3A_477, %swap3A_478], %gather3A_467 {strides = array<i32>} : memref<64x128xf32, #tpu.memory_space<vmem>>, vector<16xf32>,
          %swap3A_480 = arith.index_cast %scan3A_461 : i32 to index
          %swap3A_481 = arith.constant 96 : index
          %swap3A_482 = tpu.vector_load %arg16[%swap3A_480, %swap3A_481] {strides = array<i32>} : memref<64x128xf32, #tpu.memory_space<vmem>>, vector<16xf32>,
          tpu.vector_store %arg16[%swap3A_480, %swap3A_481], %gather3A_470 {strides = array<i32>} : memref<64x128xf32, #tpu.memory_space<vmem>>, vector<16xf32>,
          %swap3A_483 = arith.index_cast %scan3A_461 : i32 to index
          %swap3A_484 = arith.constant 112 : index
          %swap3A_485 = tpu.vector_load %arg16[%swap3A_483, %swap3A_484] {strides = array<i32>} : memref<64x128xf32, #tpu.memory_space<vmem>>, vector<16xf32>,
          tpu.vector_store %arg16[%swap3A_483, %swap3A_484], %gather3A_473 {strides = array<i32>} : memref<64x128xf32, #tpu.memory_space<vmem>>, vector<16xf32>,
          %scan3A_486 = arith.constant 3 : i32
          %scan3A_487 = arith.addi %scan3A_410, %scan3A_486 : i32
          %add3A_488 = vector.broadcast %scan3A_487 : i32 to vector<16xi32>
          %add3A_489 = arith.addi %mul3A_353, %add3A_488 : vector<16xi32>
          %gather3A_490 = tpu.vector_load_idx %arg13[%add3A_17, %add3A_489] : memref<128x128xf32, #tpu.memory_space<vmem>>[vector<16xi32>, vector<16xi32>], vector<16xf32>,
          %add3A_491 = vector.broadcast %scan3A_487 : i32 to vector<16xi32>
          %add3A_492 = arith.addi %mul3A_362, %add3A_491 : vector<16xi32>
          %gather3A_493 = tpu.vector_load_idx %arg13[%add3A_20, %add3A_492] : memref<128x128xf32, #tpu.memory_space<vmem>>[vector<16xi32>, vector<16xi32>], vector<16xf32>,
          %add3A_494 = vector.broadcast %scan3A_487 : i32 to vector<16xi32>
          %add3A_495 = arith.addi %mul3A_371, %add3A_494 : vector<16xi32>
          %gather3A_496 = tpu.vector_load_idx %arg13[%add3A_23, %add3A_495] : memref<128x128xf32, #tpu.memory_space<vmem>>[vector<16xi32>, vector<16xi32>], vector<16xf32>,
          %add3A_497 = vector.broadcast %scan3A_487 : i32 to vector<16xi32>
          %add3A_498 = arith.addi %mul3A_380, %add3A_497 : vector<16xi32>
          %gather3A_499 = tpu.vector_load_idx %arg13[%add3A_26, %add3A_498] : memref<128x128xf32, #tpu.memory_space<vmem>>[vector<16xi32>, vector<16xi32>], vector<16xf32>,
          %swap3A_500 = arith.index_cast %scan3A_487 : i32 to index
          %swap3A_501 = arith.constant 64 : index
          %swap3A_502 = tpu.vector_load %arg16[%swap3A_500, %swap3A_501] {strides = array<i32>} : memref<64x128xf32, #tpu.memory_space<vmem>>, vector<16xf32>,
          tpu.vector_store %arg16[%swap3A_500, %swap3A_501], %gather3A_490 {strides = array<i32>} : memref<64x128xf32, #tpu.memory_space<vmem>>, vector<16xf32>,
          %swap3A_503 = arith.index_cast %scan3A_487 : i32 to index
          %swap3A_504 = arith.constant 80 : index
          %swap3A_505 = tpu.vector_load %arg16[%swap3A_503, %swap3A_504] {strides = array<i32>} : memref<64x128xf32, #tpu.memory_space<vmem>>, vector<16xf32>,
          tpu.vector_store %arg16[%swap3A_503, %swap3A_504], %gather3A_493 {strides = array<i32>} : memref<64x128xf32, #tpu.memory_space<vmem>>, vector<16xf32>,
          %swap3A_506 = arith.index_cast %scan3A_487 : i32 to index
          %swap3A_507 = arith.constant 96 : index
          %swap3A_508 = tpu.vector_load %arg16[%swap3A_506, %swap3A_507] {strides = array<i32>} : memref<64x128xf32, #tpu.memory_space<vmem>>, vector<16xf32>,
          tpu.vector_store %arg16[%swap3A_506, %swap3A_507], %gather3A_496 {strides = array<i32>} : memref<64x128xf32, #tpu.memory_space<vmem>>, vector<16xf32>,
          %swap3A_509 = arith.index_cast %scan3A_487 : i32 to index
          %swap3A_510 = arith.constant 112 : index
          %swap3A_511 = tpu.vector_load %arg16[%swap3A_509, %swap3A_510] {strides = array<i32>} : memref<64x128xf32, #tpu.memory_space<vmem>>, vector<16xf32>,
          tpu.vector_store %arg16[%swap3A_509, %swap3A_510], %gather3A_499 {strides = array<i32>} : memref<64x128xf32, #tpu.memory_space<vmem>>, vector<16xf32>,
        }
        %scan3A_385 = arith.constant 64 : i32
        %mul3A_386 = arith.constant 0 : i32
        %mul3A_387 = vector.broadcast %mul3A_386 : i32 to vector<16xi32>
        %mul3A_388 = arith.muli %iota3A, %mul3A_387 : vector<16xi32>
        %add3A_389 = vector.broadcast %add3A_292 : i32 to vector<16xi32>
        %add3A_390 = arith.addi %mul3A_388, %add3A_389 : vector<16xi32>
        %scan3A_391 = arith.constant 0 : i32
        %scan3A_392 = arith.constant 0 : i32
        %scan3A_393 = arith.constant 64 : i32
        %scan3A_394 = arith.addi %scan3A_392, %scan3A_393 : i32
        %scan3A_395 = arith.constant 8 : i32
        scf.for %scan3A_410 = %scan3A_392 to %scan3A_394 step %scan3A_395  : i32 {
          %add3A_411 = vector.broadcast %scan3A_410 : i32 to vector<16xi32>
          %add3A_412 = arith.addi %mul3A_388, %add3A_411 : vector<16xi32>
          %gather3A = tpu.vector_load_idx %arg7[%add3A_412, %add3A_390] : memref<64x200xf32, #tpu.memory_space<vmem>>[vector<16xi32>, vector<16xi32>], vector<16xf32>,
          %swap3A_413 = arith.index_cast %scan3A_410 : i32 to index
          %swap3A_414 = arith.constant 0 : index
          %swap3A_415 = tpu.vector_load %arg16[%swap3A_413, %swap3A_414] {strides = array<i32>} : memref<64x128xf32, #tpu.memory_space<vmem>>, vector<16xf32>,
          tpu.vector_store %arg16[%swap3A_413, %swap3A_414], %gather3A {add = true, strides = array<i32>} : memref<64x128xf32, #tpu.memory_space<vmem>>, vector<16xf32>,
          %swap3A_416 = arith.index_cast %scan3A_410 : i32 to index
          %swap3A_417 = arith.constant 16 : index
          %swap3A_418 = tpu.vector_load %arg16[%swap3A_416, %swap3A_417] {strides = array<i32>} : memref<64x128xf32, #tpu.memory_space<vmem>>, vector<16xf32>,
          tpu.vector_store %arg16[%swap3A_416, %swap3A_417], %gather3A {add = true, strides = array<i32>} : memref<64x128xf32, #tpu.memory_space<vmem>>, vector<16xf32>,
          %swap3A_419 = arith.index_cast %scan3A_410 : i32 to index
          %swap3A_420 = arith.constant 32 : index
          %swap3A_421 = tpu.vector_load %arg16[%swap3A_419, %swap3A_420] {strides = array<i32>} : memref<64x128xf32, #tpu.memory_space<vmem>>, vector<16xf32>,
          tpu.vector_store %arg16[%swap3A_419, %swap3A_420], %gather3A {add = true, strides = array<i32>} : memref<64x128xf32, #tpu.memory_space<vmem>>, vector<16xf32>,
          %swap3A_422 = arith.index_cast %scan3A_410 : i32 to index
          %swap3A_423 = arith.constant 48 : index
          %swap3A_424 = tpu.vector_load %arg16[%swap3A_422, %swap3A_423] {strides = array<i32>} : memref<64x128xf32, #tpu.memory_space<vmem>>, vector<16xf32>,
          tpu.vector_store %arg16[%swap3A_422, %swap3A_423], %gather3A {add = true, strides = array<i32>} : memref<64x128xf32, #tpu.memory_space<vmem>>, vector<16xf32>,
          %swap3A_425 = arith.index_cast %scan3A_410 : i32 to index
          %swap3A_426 = arith.constant 64 : index
          %swap3A_427 = tpu.vector_load %arg16[%swap3A_425, %swap3A_426] {strides = array<i32>} : memref<64x128xf32, #tpu.memory_space<vmem>>, vector<16xf32>,
          tpu.vector_store %arg16[%swap3A_425, %swap3A_426], %gather3A {add = true, strides = array<i32>} : memref<64x128xf32, #tpu.memory_space<vmem>>, vector<16xf32>,
          %swap3A_428 = arith.index_cast %scan3A_410 : i32 to index
          %swap3A_429 = arith.constant 80 : index
          %swap3A_430 = tpu.vector_load %arg16[%swap3A_428, %swap3A_429] {strides = array<i32>} : memref<64x128xf32, #tpu.memory_space<vmem>>, vector<16xf32>,
          tpu.vector_store %arg16[%swap3A_428, %swap3A_429], %gather3A {add = true, strides = array<i32>} : memref<64x128xf32, #tpu.memory_space<vmem>>, vector<16xf32>,
          %swap3A_431 = arith.index_cast %scan3A_410 : i32 to index
          %swap3A_432 = arith.constant 96 : index
          %swap3A_433 = tpu.vector_load %arg16[%swap3A_431, %swap3A_432] {strides = array<i32>} : memref<64x128xf32, #tpu.memory_space<vmem>>, vector<16xf32>,
          tpu.vector_store %arg16[%swap3A_431, %swap3A_432], %gather3A {add = true, strides = array<i32>} : memref<64x128xf32, #tpu.memory_space<vmem>>, vector<16xf32>,
          %swap3A_434 = arith.index_cast %scan3A_410 : i32 to index
          %swap3A_435 = arith.constant 112 : index
          %swap3A_436 = tpu.vector_load %arg16[%swap3A_434, %swap3A_435] {strides = array<i32>} : memref<64x128xf32, #tpu.memory_space<vmem>>, vector<16xf32>,
          tpu.vector_store %arg16[%swap3A_434, %swap3A_435], %gather3A {add = true, strides = array<i32>} : memref<64x128xf32, #tpu.memory_space<vmem>>, vector<16xf32>,
          %scan3A_437 = arith.constant 1 : i32
          %scan3A_438 = arith.addi %scan3A_410, %scan3A_437 : i32
          %add3A_439 = vector.broadcast %scan3A_438 : i32 to vector<16xi32>
          %add3A_440 = arith.addi %mul3A_388, %add3A_439 : vector<16xi32>
          %gather3A_441 = tpu.vector_load_idx %arg7[%add3A_440, %add3A_390] : memref<64x200xf32, #tpu.memory_space<vmem>>[vector<16xi32>, vector<16xi32>], vector<16xf32>,
          %swap3A_442 = arith.index_cast %scan3A_438 : i32 to index
          %swap3A_443 = arith.constant 0 : index
          %swap3A_444 = tpu.vector_load %arg16[%swap3A_442, %swap3A_443] {strides = array<i32>} : memref<64x128xf32, #tpu.memory_space<vmem>>, vector<16xf32>,
          tpu.vector_store %arg16[%swap3A_442, %swap3A_443], %gather3A_441 {add = true, strides = array<i32>} : memref<64x128xf32, #tpu.memory_space<vmem>>, vector<16xf32>,
          %swap3A_445 = arith.index_cast %scan3A_438 : i32 to index
          %swap3A_446 = arith.constant 16 : index
          %swap3A_447 = tpu.vector_load %arg16[%swap3A_445, %swap3A_446] {strides = array<i32>} : memref<64x128xf32, #tpu.memory_space<vmem>>, vector<16xf32>,
          tpu.vector_store %arg16[%swap3A_445, %swap3A_446], %gather3A_441 {add = true, strides = array<i32>} : memref<64x128xf32, #tpu.memory_space<vmem>>, vector<16xf32>,
          %swap3A_448 = arith.index_cast %scan3A_438 : i32 to index
          %swap3A_449 = arith.constant 32 : index
          %swap3A_450 = tpu.vector_load %arg16[%swap3A_448, %swap3A_449] {strides = array<i32>} : memref<64x128xf32, #tpu.memory_space<vmem>>, vector<16xf32>,
          tpu.vector_store %arg16[%swap3A_448, %swap3A_449], %gather3A_441 {add = true, strides = array<i32>} : memref<64x128xf32, #tpu.memory_space<vmem>>, vector<16xf32>,
          %swap3A_451 = arith.index_cast %scan3A_438 : i32 to index
          %swap3A_452 = arith.constant 48 : index
          %swap3A_453 = tpu.vector_load %arg16[%swap3A_451, %swap3A_452] {strides = array<i32>} : memref<64x128xf32, #tpu.memory_space<vmem>>, vector<16xf32>,
          tpu.vector_store %arg16[%swap3A_451, %swap3A_452], %gather3A_441 {add = true, strides = array<i32>} : memref<64x128xf32, #tpu.memory_space<vmem>>, vector<16xf32>,
          %swap3A_454 = arith.index_cast %scan3A_438 : i32 to index
          %swap3A_455 = arith.constant 64 : index
          %swap3A_456 = tpu.vector_load %arg16[%swap3A_454, %swap3A_455] {strides = array<i32>} : memref<64x128xf32, #tpu.memory_space<vmem>>, vector<16xf32>,
          tpu.vector_store %arg16[%swap3A_454, %swap3A_455], %gather3A_441 {add = true, strides = array<i32>} : memref<64x128xf32, #tpu.memory_space<vmem>>, vector<16xf32>,
          %swap3A_457 = arith.index_cast %scan3A_438 : i32 to index
          %swap3A_458 = arith.constant 80 : index
          %swap3A_459 = tpu.vector_load %arg16[%swap3A_457, %swap3A_458] {strides = array<i32>} : memref<64x128xf32, #tpu.memory_space<vmem>>, vector<16xf32>,
          tpu.vector_store %arg16[%swap3A_457, %swap3A_458], %gather3A_441 {add = true, strides = array<i32>} : memref<64x128xf32, #tpu.memory_space<vmem>>, vector<16xf32>,
          %swap3A_460 = arith.index_cast %scan3A_438 : i32 to index
          %swap3A_461 = arith.constant 96 : index
          %swap3A_462 = tpu.vector_load %arg16[%swap3A_460, %swap3A_461] {strides = array<i32>} : memref<64x128xf32, #tpu.memory_space<vmem>>, vector<16xf32>,
          tpu.vector_store %arg16[%swap3A_460, %swap3A_461], %gather3A_441 {add = true, strides = array<i32>} : memref<64x128xf32, #tpu.memory_space<vmem>>, vector<16xf32>,
          %swap3A_463 = arith.index_cast %scan3A_438 : i32 to index
          %swap3A_464 = arith.constant 112 : index
          %swap3A_465 = tpu.vector_load %arg16[%swap3A_463, %swap3A_464] {strides = array<i32>} : memref<64x128xf32, #tpu.memory_space<vmem>>, vector<16xf32>,
          tpu.vector_store %arg16[%swap3A_463, %swap3A_464], %gather3A_441 {add = true, strides = array<i32>} : memref<64x128xf32, #tpu.memory_space<vmem>>, vector<16xf32>,
          %scan3A_466 = arith.constant 2 : i32
          %scan3A_467 = arith.addi %scan3A_410, %scan3A_466 : i32
          %add3A_468 = vector.broadcast %scan3A_467 : i32 to vector<16xi32>
          %add3A_469 = arith.addi %mul3A_388, %add3A_468 : vector<16xi32>
          %gather3A_470 = tpu.vector_load_idx %arg7[%add3A_469, %add3A_390] : memref<64x200xf32, #tpu.memory_space<vmem>>[vector<16xi32>, vector<16xi32>], vector<16xf32>,
          %swap3A_471 = arith.index_cast %scan3A_467 : i32 to index
          %swap3A_472 = arith.constant 0 : index
          %swap3A_473 = tpu.vector_load %arg16[%swap3A_471, %swap3A_472] {strides = array<i32>} : memref<64x128xf32, #tpu.memory_space<vmem>>, vector<16xf32>,
          tpu.vector_store %arg16[%swap3A_471, %swap3A_472], %gather3A_470 {add = true, strides = array<i32>} : memref<64x128xf32, #tpu.memory_space<vmem>>, vector<16xf32>,
          %swap3A_474 = arith.index_cast %scan3A_467 : i32 to index
          %swap3A_475 = arith.constant 16 : index
          %swap3A_476 = tpu.vector_load %arg16[%swap3A_474, %swap3A_475] {strides = array<i32>} : memref<64x128xf32, #tpu.memory_space<vmem>>, vector<16xf32>,
          tpu.vector_store %arg16[%swap3A_474, %swap3A_475], %gather3A_470 {add = true, strides = array<i32>} : memref<64x128xf32, #tpu.memory_space<vmem>>, vector<16xf32>,
          %swap3A_477 = arith.index_cast %scan3A_467 : i32 to index
          %swap3A_478 = arith.constant 32 : index
          %swap3A_479 = tpu.vector_load %arg16[%swap3A_477, %swap3A_478] {strides = array<i32>} : memref<64x128xf32, #tpu.memory_space<vmem>>, vector<16xf32>,
          tpu.vector_store %arg16[%swap3A_477, %swap3A_478], %gather3A_470 {add = true, strides = array<i32>} : memref<64x128xf32, #tpu.memory_space<vmem>>, vector<16xf32>,
          %swap3A_480 = arith.index_cast %scan3A_467 : i32 to index
          %swap3A_481 = arith.constant 48 : index
          %swap3A_482 = tpu.vector_load %arg16[%swap3A_480, %swap3A_481] {strides = array<i32>} : memref<64x128xf32, #tpu.memory_space<vmem>>, vector<16xf32>,
          tpu.vector_store %arg16[%swap3A_480, %swap3A_481], %gather3A_470 {add = true, strides = array<i32>} : memref<64x128xf32, #tpu.memory_space<vmem>>, vector<16xf32>,
          %swap3A_483 = arith.index_cast %scan3A_467 : i32 to index
          %swap3A_484 = arith.constant 64 : index
          %swap3A_485 = tpu.vector_load %arg16[%swap3A_483, %swap3A_484] {strides = array<i32>} : memref<64x128xf32, #tpu.memory_space<vmem>>, vector<16xf32>,
          tpu.vector_store %arg16[%swap3A_483, %swap3A_484], %gather3A_470 {add = true, strides = array<i32>} : memref<64x128xf32, #tpu.memory_space<vmem>>, vector<16xf32>,
          %swap3A_486 = arith.index_cast %scan3A_467 : i32 to index
          %swap3A_487 = arith.constant 80 : index
          %swap3A_488 = tpu.vector_load %arg16[%swap3A_486, %swap3A_487] {strides = array<i32>} : memref<64x128xf32, #tpu.memory_space<vmem>>, vector<16xf32>,
          tpu.vector_store %arg16[%swap3A_486, %swap3A_487], %gather3A_470 {add = true, strides = array<i32>} : memref<64x128xf32, #tpu.memory_space<vmem>>, vector<16xf32>,
          %swap3A_489 = arith.index_cast %scan3A_467 : i32 to index
          %swap3A_490 = arith.constant 96 : index
          %swap3A_491 = tpu.vector_load %arg16[%swap3A_489, %swap3A_490] {strides = array<i32>} : memref<64x128xf32, #tpu.memory_space<vmem>>, vector<16xf32>,
          tpu.vector_store %arg16[%swap3A_489, %swap3A_490], %gather3A_470 {add = true, strides = array<i32>} : memref<64x128xf32, #tpu.memory_space<vmem>>, vector<16xf32>,
          %swap3A_492 = arith.index_cast %scan3A_467 : i32 to index
          %swap3A_493 = arith.constant 112 : index
          %swap3A_494 = tpu.vector_load %arg16[%swap3A_492, %swap3A_493] {strides = array<i32>} : memref<64x128xf32, #tpu.memory_space<vmem>>, vector<16xf32>,
          tpu.vector_store %arg16[%swap3A_492, %swap3A_493], %gather3A_470 {add = true, strides = array<i32>} : memref<64x128xf32, #tpu.memory_space<vmem>>, vector<16xf32>,
          %scan3A_495 = arith.constant 3 : i32
          %scan3A_496 = arith.addi %scan3A_410, %scan3A_495 : i32
          %add3A_497 = vector.broadcast %scan3A_496 : i32 to vector<16xi32>
          %add3A_498 = arith.addi %mul3A_388, %add3A_497 : vector<16xi32>
          %gather3A_499 = tpu.vector_load_idx %arg7[%add3A_498, %add3A_390] : memref<64x200xf32, #tpu.memory_space<vmem>>[vector<16xi32>, vector<16xi32>], vector<16xf32>,
          %swap3A_500 = arith.index_cast %scan3A_496 : i32 to index
          %swap3A_501 = arith.constant 0 : index
          %swap3A_502 = tpu.vector_load %arg16[%swap3A_500, %swap3A_501] {strides = array<i32>} : memref<64x128xf32, #tpu.memory_space<vmem>>, vector<16xf32>,
          tpu.vector_store %arg16[%swap3A_500, %swap3A_501], %gather3A_499 {add = true, strides = array<i32>} : memref<64x128xf32, #tpu.memory_space<vmem>>, vector<16xf32>,
          %swap3A_503 = arith.index_cast %scan3A_496 : i32 to index
          %swap3A_504 = arith.constant 16 : index
          %swap3A_505 = tpu.vector_load %arg16[%swap3A_503, %swap3A_504] {strides = array<i32>} : memref<64x128xf32, #tpu.memory_space<vmem>>, vector<16xf32>,
          tpu.vector_store %arg16[%swap3A_503, %swap3A_504], %gather3A_499 {add = true, strides = array<i32>} : memref<64x128xf32, #tpu.memory_space<vmem>>, vector<16xf32>,
          %swap3A_506 = arith.index_cast %scan3A_496 : i32 to index
          %swap3A_507 = arith.constant 32 : index
          %swap3A_508 = tpu.vector_load %arg16[%swap3A_506, %swap3A_507] {strides = array<i32>} : memref<64x128xf32, #tpu.memory_space<vmem>>, vector<16xf32>,
          tpu.vector_store %arg16[%swap3A_506, %swap3A_507], %gather3A_499 {add = true, strides = array<i32>} : memref<64x128xf32, #tpu.memory_space<vmem>>, vector<16xf32>,
          %swap3A_509 = arith.index_cast %scan3A_496 : i32 to index
          %swap3A_510 = arith.constant 48 : index
          %swap3A_511 = tpu.vector_load %arg16[%swap3A_509, %swap3A_510] {strides = array<i32>} : memref<64x128xf32, #tpu.memory_space<vmem>>, vector<16xf32>,
          tpu.vector_store %arg16[%swap3A_509, %swap3A_510], %gather3A_499 {add = true, strides = array<i32>} : memref<64x128xf32, #tpu.memory_space<vmem>>, vector<16xf32>,
          %swap3A_512 = arith.index_cast %scan3A_496 : i32 to index
          %swap3A_513 = arith.constant 64 : index
          %swap3A_514 = tpu.vector_load %arg16[%swap3A_512, %swap3A_513] {strides = array<i32>} : memref<64x128xf32, #tpu.memory_space<vmem>>, vector<16xf32>,
          tpu.vector_store %arg16[%swap3A_512, %swap3A_513], %gather3A_499 {add = true, strides = array<i32>} : memref<64x128xf32, #tpu.memory_space<vmem>>, vector<16xf32>,
          %swap3A_515 = arith.index_cast %scan3A_496 : i32 to index
          %swap3A_516 = arith.constant 80 : index
          %swap3A_517 = tpu.vector_load %arg16[%swap3A_515, %swap3A_516] {strides = array<i32>} : memref<64x128xf32, #tpu.memory_space<vmem>>, vector<16xf32>,
          tpu.vector_store %arg16[%swap3A_515, %swap3A_516], %gather3A_499 {add = true, strides = array<i32>} : memref<64x128xf32, #tpu.memory_space<vmem>>, vector<16xf32>,
          %swap3A_518 = arith.index_cast %scan3A_496 : i32 to index
          %swap3A_519 = arith.constant 96 : index
          %swap3A_520 = tpu.vector_load %arg16[%swap3A_518, %swap3A_519] {strides = array<i32>} : memref<64x128xf32, #tpu.memory_space<vmem>>, vector<16xf32>,
          tpu.vector_store %arg16[%swap3A_518, %swap3A_519], %gather3A_499 {add = true, strides = array<i32>} : memref<64x128xf32, #tpu.memory_space<vmem>>, vector<16xf32>,
          %swap3A_521 = arith.index_cast %scan3A_496 : i32 to index
          %swap3A_522 = arith.constant 112 : index
          %swap3A_523 = tpu.vector_load %arg16[%swap3A_521, %swap3A_522] {strides = array<i32>} : memref<64x128xf32, #tpu.memory_space<vmem>>, vector<16xf32>,
          tpu.vector_store %arg16[%swap3A_521, %swap3A_522], %gather3A_499 {add = true, strides = array<i32>} : memref<64x128xf32, #tpu.memory_space<vmem>>, vector<16xf32>,
          %scan3A_524 = arith.constant 4 : i32
          %scan3A_525 = arith.addi %scan3A_410, %scan3A_524 : i32
          %add3A_526 = vector.broadcast %scan3A_525 : i32 to vector<16xi32>
          %add3A_527 = arith.addi %mul3A_388, %add3A_526 : vector<16xi32>
          %gather3A_528 = tpu.vector_load_idx %arg7[%add3A_527, %add3A_390] : memref<64x200xf32, #tpu.memory_space<vmem>>[vector<16xi32>, vector<16xi32>], vector<16xf32>,
          %swap3A_529 = arith.index_cast %scan3A_525 : i32 to index
          %swap3A_530 = arith.constant 0 : index
          %swap3A_531 = tpu.vector_load %arg16[%swap3A_529, %swap3A_530] {strides = array<i32>} : memref<64x128xf32, #tpu.memory_space<vmem>>, vector<16xf32>,
          tpu.vector_store %arg16[%swap3A_529, %swap3A_530], %gather3A_528 {add = true, strides = array<i32>} : memref<64x128xf32, #tpu.memory_space<vmem>>, vector<16xf32>,
          %swap3A_532 = arith.index_cast %scan3A_525 : i32 to index
          %swap3A_533 = arith.constant 16 : index
          %swap3A_534 = tpu.vector_load %arg16[%swap3A_532, %swap3A_533] {strides = array<i32>} : memref<64x128xf32, #tpu.memory_space<vmem>>, vector<16xf32>,
          tpu.vector_store %arg16[%swap3A_532, %swap3A_533], %gather3A_528 {add = true, strides = array<i32>} : memref<64x128xf32, #tpu.memory_space<vmem>>, vector<16xf32>,
          %swap3A_535 = arith.index_cast %scan3A_525 : i32 to index
          %swap3A_536 = arith.constant 32 : index
          %swap3A_537 = tpu.vector_load %arg16[%swap3A_535, %swap3A_536] {strides = array<i32>} : memref<64x128xf32, #tpu.memory_space<vmem>>, vector<16xf32>,
          tpu.vector_store %arg16[%swap3A_535, %swap3A_536], %gather3A_528 {add = true, strides = array<i32>} : memref<64x128xf32, #tpu.memory_space<vmem>>, vector<16xf32>,
          %swap3A_538 = arith.index_cast %scan3A_525 : i32 to index
          %swap3A_539 = arith.constant 48 : index
          %swap3A_540 = tpu.vector_load %arg16[%swap3A_538, %swap3A_539] {strides = array<i32>} : memref<64x128xf32, #tpu.memory_space<vmem>>, vector<16xf32>,
          tpu.vector_store %arg16[%swap3A_538, %swap3A_539], %gather3A_528 {add = true, strides = array<i32>} : memref<64x128xf32, #tpu.memory_space<vmem>>, vector<16xf32>,
          %swap3A_541 = arith.index_cast %scan3A_525 : i32 to index
          %swap3A_542 = arith.constant 64 : index
          %swap3A_543 = tpu.vector_load %arg16[%swap3A_541, %swap3A_542] {strides = array<i32>} : memref<64x128xf32, #tpu.memory_space<vmem>>, vector<16xf32>,
          tpu.vector_store %arg16[%swap3A_541, %swap3A_542], %gather3A_528 {add = true, strides = array<i32>} : memref<64x128xf32, #tpu.memory_space<vmem>>, vector<16xf32>,
          %swap3A_544 = arith.index_cast %scan3A_525 : i32 to index
          %swap3A_545 = arith.constant 80 : index
          %swap3A_546 = tpu.vector_load %arg16[%swap3A_544, %swap3A_545] {strides = array<i32>} : memref<64x128xf32, #tpu.memory_space<vmem>>, vector<16xf32>,
          tpu.vector_store %arg16[%swap3A_544, %swap3A_545], %gather3A_528 {add = true, strides = array<i32>} : memref<64x128xf32, #tpu.memory_space<vmem>>, vector<16xf32>,
          %swap3A_547 = arith.index_cast %scan3A_525 : i32 to index
          %swap3A_548 = arith.constant 96 : index
          %swap3A_549 = tpu.vector_load %arg16[%swap3A_547, %swap3A_548] {strides = array<i32>} : memref<64x128xf32, #tpu.memory_space<vmem>>, vector<16xf32>,
          tpu.vector_store %arg16[%swap3A_547, %swap3A_548], %gather3A_528 {add = true, strides = array<i32>} : memref<64x128xf32, #tpu.memory_space<vmem>>, vector<16xf32>,
          %swap3A_550 = arith.index_cast %scan3A_525 : i32 to index
          %swap3A_551 = arith.constant 112 : index
          %swap3A_552 = tpu.vector_load %arg16[%swap3A_550, %swap3A_551] {strides = array<i32>} : memref<64x128xf32, #tpu.memory_space<vmem>>, vector<16xf32>,
          tpu.vector_store %arg16[%swap3A_550, %swap3A_551], %gather3A_528 {add = true, strides = array<i32>} : memref<64x128xf32, #tpu.memory_space<vmem>>, vector<16xf32>,
          %scan3A_553 = arith.constant 5 : i32
          %scan3A_554 = arith.addi %scan3A_410, %scan3A_553 : i32
          %add3A_555 = vector.broadcast %scan3A_554 : i32 to vector<16xi32>
          %add3A_556 = arith.addi %mul3A_388, %add3A_555 : vector<16xi32>
          %gather3A_557 = tpu.vector_load_idx %arg7[%add3A_556, %add3A_390] : memref<64x200xf32, #tpu.memory_space<vmem>>[vector<16xi32>, vector<16xi32>], vector<16xf32>,
          %swap3A_558 = arith.index_cast %scan3A_554 : i32 to index
          %swap3A_559 = arith.constant 0 : index
          %swap3A_560 = tpu.vector_load %arg16[%swap3A_558, %swap3A_559] {strides = array<i32>} : memref<64x128xf32, #tpu.memory_space<vmem>>, vector<16xf32>,
          tpu.vector_store %arg16[%swap3A_558, %swap3A_559], %gather3A_557 {add = true, strides = array<i32>} : memref<64x128xf32, #tpu.memory_space<vmem>>, vector<16xf32>,
          %swap3A_561 = arith.index_cast %scan3A_554 : i32 to index
          %swap3A_562 = arith.constant 16 : index
          %swap3A_563 = tpu.vector_load %arg16[%swap3A_561, %swap3A_562] {strides = array<i32>} : memref<64x128xf32, #tpu.memory_space<vmem>>, vector<16xf32>,
          tpu.vector_store %arg16[%swap3A_561, %swap3A_562], %gather3A_557 {add = true, strides = array<i32>} : memref<64x128xf32, #tpu.memory_space<vmem>>, vector<16xf32>,
          %swap3A_564 = arith.index_cast %scan3A_554 : i32 to index
          %swap3A_565 = arith.constant 32 : index
          %swap3A_566 = tpu.vector_load %arg16[%swap3A_564, %swap3A_565] {strides = array<i32>} : memref<64x128xf32, #tpu.memory_space<vmem>>, vector<16xf32>,
          tpu.vector_store %arg16[%swap3A_564, %swap3A_565], %gather3A_557 {add = true, strides = array<i32>} : memref<64x128xf32, #tpu.memory_space<vmem>>, vector<16xf32>,
          %swap3A_567 = arith.index_cast %scan3A_554 : i32 to index
          %swap3A_568 = arith.constant 48 : index
          %swap3A_569 = tpu.vector_load %arg16[%swap3A_567, %swap3A_568] {strides = array<i32>} : memref<64x128xf32, #tpu.memory_space<vmem>>, vector<16xf32>,
          tpu.vector_store %arg16[%swap3A_567, %swap3A_568], %gather3A_557 {add = true, strides = array<i32>} : memref<64x128xf32, #tpu.memory_space<vmem>>, vector<16xf32>,
          %swap3A_570 = arith.index_cast %scan3A_554 : i32 to index
          %swap3A_571 = arith.constant 64 : index
          %swap3A_572 = tpu.vector_load %arg16[%swap3A_570, %swap3A_571] {strides = array<i32>} : memref<64x128xf32, #tpu.memory_space<vmem>>, vector<16xf32>,
          tpu.vector_store %arg16[%swap3A_570, %swap3A_571], %gather3A_557 {add = true, strides = array<i32>} : memref<64x128xf32, #tpu.memory_space<vmem>>, vector<16xf32>,
          %swap3A_573 = arith.index_cast %scan3A_554 : i32 to index
          %swap3A_574 = arith.constant 80 : index
          %swap3A_575 = tpu.vector_load %arg16[%swap3A_573, %swap3A_574] {strides = array<i32>} : memref<64x128xf32, #tpu.memory_space<vmem>>, vector<16xf32>,
          tpu.vector_store %arg16[%swap3A_573, %swap3A_574], %gather3A_557 {add = true, strides = array<i32>} : memref<64x128xf32, #tpu.memory_space<vmem>>, vector<16xf32>,
          %swap3A_576 = arith.index_cast %scan3A_554 : i32 to index
          %swap3A_577 = arith.constant 96 : index
          %swap3A_578 = tpu.vector_load %arg16[%swap3A_576, %swap3A_577] {strides = array<i32>} : memref<64x128xf32, #tpu.memory_space<vmem>>, vector<16xf32>,
          tpu.vector_store %arg16[%swap3A_576, %swap3A_577], %gather3A_557 {add = true, strides = array<i32>} : memref<64x128xf32, #tpu.memory_space<vmem>>, vector<16xf32>,
          %swap3A_579 = arith.index_cast %scan3A_554 : i32 to index
          %swap3A_580 = arith.constant 112 : index
          %swap3A_581 = tpu.vector_load %arg16[%swap3A_579, %swap3A_580] {strides = array<i32>} : memref<64x128xf32, #tpu.memory_space<vmem>>, vector<16xf32>,
          tpu.vector_store %arg16[%swap3A_579, %swap3A_580], %gather3A_557 {add = true, strides = array<i32>} : memref<64x128xf32, #tpu.memory_space<vmem>>, vector<16xf32>,
          %scan3A_582 = arith.constant 6 : i32
          %scan3A_583 = arith.addi %scan3A_410, %scan3A_582 : i32
          %add3A_584 = vector.broadcast %scan3A_583 : i32 to vector<16xi32>
          %add3A_585 = arith.addi %mul3A_388, %add3A_584 : vector<16xi32>
          %gather3A_586 = tpu.vector_load_idx %arg7[%add3A_585, %add3A_390] : memref<64x200xf32, #tpu.memory_space<vmem>>[vector<16xi32>, vector<16xi32>], vector<16xf32>,
          %swap3A_587 = arith.index_cast %scan3A_583 : i32 to index
          %swap3A_588 = arith.constant 0 : index
          %swap3A_589 = tpu.vector_load %arg16[%swap3A_587, %swap3A_588] {strides = array<i32>} : memref<64x128xf32, #tpu.memory_space<vmem>>, vector<16xf32>,
          tpu.vector_store %arg16[%swap3A_587, %swap3A_588], %gather3A_586 {add = true, strides = array<i32>} : memref<64x128xf32, #tpu.memory_space<vmem>>, vector<16xf32>,
          %swap3A_590 = arith.index_cast %scan3A_583 : i32 to index
          %swap3A_591 = arith.constant 16 : index
          %swap3A_592 = tpu.vector_load %arg16[%swap3A_590, %swap3A_591] {strides = array<i32>} : memref<64x128xf32, #tpu.memory_space<vmem>>, vector<16xf32>,
          tpu.vector_store %arg16[%swap3A_590, %swap3A_591], %gather3A_586 {add = true, strides = array<i32>} : memref<64x128xf32, #tpu.memory_space<vmem>>, vector<16xf32>,
          %swap3A_593 = arith.index_cast %scan3A_583 : i32 to index
          %swap3A_594 = arith.constant 32 : index
          %swap3A_595 = tpu.vector_load %arg16[%swap3A_593, %swap3A_594] {strides = array<i32>} : memref<64x128xf32, #tpu.memory_space<vmem>>, vector<16xf32>,
          tpu.vector_store %arg16[%swap3A_593, %swap3A_594], %gather3A_586 {add = true, strides = array<i32>} : memref<64x128xf32, #tpu.memory_space<vmem>>, vector<16xf32>,
          %swap3A_596 = arith.index_cast %scan3A_583 : i32 to index
          %swap3A_597 = arith.constant 48 : index
          %swap3A_598 = tpu.vector_load %arg16[%swap3A_596, %swap3A_597] {strides = array<i32>} : memref<64x128xf32, #tpu.memory_space<vmem>>, vector<16xf32>,
          tpu.vector_store %arg16[%swap3A_596, %swap3A_597], %gather3A_586 {add = true, strides = array<i32>} : memref<64x128xf32, #tpu.memory_space<vmem>>, vector<16xf32>,
          %swap3A_599 = arith.index_cast %scan3A_583 : i32 to index
          %swap3A_600 = arith.constant 64 : index
          %swap3A_601 = tpu.vector_load %arg16[%swap3A_599, %swap3A_600] {strides = array<i32>} : memref<64x128xf32, #tpu.memory_space<vmem>>, vector<16xf32>,
          tpu.vector_store %arg16[%swap3A_599, %swap3A_600], %gather3A_586 {add = true, strides = array<i32>} : memref<64x128xf32, #tpu.memory_space<vmem>>, vector<16xf32>,
          %swap3A_602 = arith.index_cast %scan3A_583 : i32 to index
          %swap3A_603 = arith.constant 80 : index
          %swap3A_604 = tpu.vector_load %arg16[%swap3A_602, %swap3A_603] {strides = array<i32>} : memref<64x128xf32, #tpu.memory_space<vmem>>, vector<16xf32>,
          tpu.vector_store %arg16[%swap3A_602, %swap3A_603], %gather3A_586 {add = true, strides = array<i32>} : memref<64x128xf32, #tpu.memory_space<vmem>>, vector<16xf32>,
          %swap3A_605 = arith.index_cast %scan3A_583 : i32 to index
          %swap3A_606 = arith.constant 96 : index
          %swap3A_607 = tpu.vector_load %arg16[%swap3A_605, %swap3A_606] {strides = array<i32>} : memref<64x128xf32, #tpu.memory_space<vmem>>, vector<16xf32>,
          tpu.vector_store %arg16[%swap3A_605, %swap3A_606], %gather3A_586 {add = true, strides = array<i32>} : memref<64x128xf32, #tpu.memory_space<vmem>>, vector<16xf32>,
          %swap3A_608 = arith.index_cast %scan3A_583 : i32 to index
          %swap3A_609 = arith.constant 112 : index
          %swap3A_610 = tpu.vector_load %arg16[%swap3A_608, %swap3A_609] {strides = array<i32>} : memref<64x128xf32, #tpu.memory_space<vmem>>, vector<16xf32>,
          tpu.vector_store %arg16[%swap3A_608, %swap3A_609], %gather3A_586 {add = true, strides = array<i32>} : memref<64x128xf32, #tpu.memory_space<vmem>>, vector<16xf32>,
          %scan3A_611 = arith.constant 7 : i32
          %scan3A_612 = arith.addi %scan3A_410, %scan3A_611 : i32
          %add3A_613 = vector.broadcast %scan3A_612 : i32 to vector<16xi32>
          %add3A_614 = arith.addi %mul3A_388, %add3A_613 : vector<16xi32>
          %gather3A_615 = tpu.vector_load_idx %arg7[%add3A_614, %add3A_390] : memref<64x200xf32, #tpu.memory_space<vmem>>[vector<16xi32>, vector<16xi32>], vector<16xf32>,
          %swap3A_616 = arith.index_cast %scan3A_612 : i32 to index
          %swap3A_617 = arith.constant 0 : index
          %swap3A_618 = tpu.vector_load %arg16[%swap3A_616, %swap3A_617] {strides = array<i32>} : memref<64x128xf32, #tpu.memory_space<vmem>>, vector<16xf32>,
          tpu.vector_store %arg16[%swap3A_616, %swap3A_617], %gather3A_615 {add = true, strides = array<i32>} : memref<64x128xf32, #tpu.memory_space<vmem>>, vector<16xf32>,
          %swap3A_619 = arith.index_cast %scan3A_612 : i32 to index
          %swap3A_620 = arith.constant 16 : index
          %swap3A_621 = tpu.vector_load %arg16[%swap3A_619, %swap3A_620] {strides = array<i32>} : memref<64x128xf32, #tpu.memory_space<vmem>>, vector<16xf32>,
          tpu.vector_store %arg16[%swap3A_619, %swap3A_620], %gather3A_615 {add = true, strides = array<i32>} : memref<64x128xf32, #tpu.memory_space<vmem>>, vector<16xf32>,
          %swap3A_622 = arith.index_cast %scan3A_612 : i32 to index
          %swap3A_623 = arith.constant 32 : index
          %swap3A_624 = tpu.vector_load %arg16[%swap3A_622, %swap3A_623] {strides = array<i32>} : memref<64x128xf32, #tpu.memory_space<vmem>>, vector<16xf32>,
          tpu.vector_store %arg16[%swap3A_622, %swap3A_623], %gather3A_615 {add = true, strides = array<i32>} : memref<64x128xf32, #tpu.memory_space<vmem>>, vector<16xf32>,
          %swap3A_625 = arith.index_cast %scan3A_612 : i32 to index
          %swap3A_626 = arith.constant 48 : index
          %swap3A_627 = tpu.vector_load %arg16[%swap3A_625, %swap3A_626] {strides = array<i32>} : memref<64x128xf32, #tpu.memory_space<vmem>>, vector<16xf32>,
          tpu.vector_store %arg16[%swap3A_625, %swap3A_626], %gather3A_615 {add = true, strides = array<i32>} : memref<64x128xf32, #tpu.memory_space<vmem>>, vector<16xf32>,
          %swap3A_628 = arith.index_cast %scan3A_612 : i32 to index
          %swap3A_629 = arith.constant 64 : index
          %swap3A_630 = tpu.vector_load %arg16[%swap3A_628, %swap3A_629] {strides = array<i32>} : memref<64x128xf32, #tpu.memory_space<vmem>>, vector<16xf32>,
          tpu.vector_store %arg16[%swap3A_628, %swap3A_629], %gather3A_615 {add = true, strides = array<i32>} : memref<64x128xf32, #tpu.memory_space<vmem>>, vector<16xf32>,
          %swap3A_631 = arith.index_cast %scan3A_612 : i32 to index
          %swap3A_632 = arith.constant 80 : index
          %swap3A_633 = tpu.vector_load %arg16[%swap3A_631, %swap3A_632] {strides = array<i32>} : memref<64x128xf32, #tpu.memory_space<vmem>>, vector<16xf32>,
          tpu.vector_store %arg16[%swap3A_631, %swap3A_632], %gather3A_615 {add = true, strides = array<i32>} : memref<64x128xf32, #tpu.memory_space<vmem>>, vector<16xf32>,
          %swap3A_634 = arith.index_cast %scan3A_612 : i32 to index
          %swap3A_635 = arith.constant 96 : index
          %swap3A_636 = tpu.vector_load %arg16[%swap3A_634, %swap3A_635] {strides = array<i32>} : memref<64x128xf32, #tpu.memory_space<vmem>>, vector<16xf32>,
          tpu.vector_store %arg16[%swap3A_634, %swap3A_635], %gather3A_615 {add = true, strides = array<i32>} : memref<64x128xf32, #tpu.memory_space<vmem>>, vector<16xf32>,
          %swap3A_637 = arith.index_cast %scan3A_612 : i32 to index
          %swap3A_638 = arith.constant 112 : index
          %swap3A_639 = tpu.vector_load %arg16[%swap3A_637, %swap3A_638] {strides = array<i32>} : memref<64x128xf32, #tpu.memory_space<vmem>>, vector<16xf32>,
          tpu.vector_store %arg16[%swap3A_637, %swap3A_638], %gather3A_615 {add = true, strides = array<i32>} : memref<64x128xf32, #tpu.memory_space<vmem>>, vector<16xf32>,
        }
        %scan3A_396 = arith.constant 64 : i32
        %dma_start3A_397 = arith.constant 0 : i32
        %dma_start3A_398 = tpu.memref_slice %arg5[%add3A_292, %dma_start3A_397, %mul3A_2] : memref<200x64x4096xf32, #tpu.memory_space<hbm>> -> memref<1x64x128xf32, #tpu.memory_space<hbm>>
        %dma_start3A_399 = tpu.memref_squeeze %dma_start3A_398 : memref<1x64x128xf32, #tpu.memory_space<hbm>> -> memref<64x128xf32, #tpu.memory_space<hbm>>
        %dma_start3A_400 = arith.constant 0 : i32
        %dma_start3A_401 = tpu.memref_slice %arg5[%add3A_292, %dma_start3A_400, %mul3A_2] : memref<200x64x4096xf32, #tpu.memory_space<hbm>> -> memref<1x64x128xf32, #tpu.memory_space<hbm>>
        %dma_start3A_402 = tpu.memref_squeeze %dma_start3A_401 : memref<1x64x128xf32, #tpu.memory_space<hbm>> -> memref<64x128xf32, #tpu.memory_space<hbm>>
        tpu.enqueue_dma source(%arg16 : memref<64x128xf32, #tpu.memory_space<vmem>>) target(%dma_start3A_402 : memref<64x128xf32, #tpu.memory_space<hbm>>) target_semaphore(%arg18 : memref<!tpu.dma_semaphore, #tpu.memory_space<semaphore_mem>>)
        %add3A_403 = arith.constant 3 : i32
        %add3A_404 = arith.addi %add3A_292, %add3A_403 : i32
        %lt3A_405 = arith.constant 200 : i32
        %lt3A_406 = arith.cmpi slt, %add3A_404, %lt3A_405 : i32
        %convert_element_type3A_407 = arith.extui %lt3A_406 : i1 to i32
        %cond3A_408 = arith.constant 0 : i32
        %cond3A_409 = arith.cmpi ne, %convert_element_type3A_407, %cond3A_408 : i32
        scf.if %cond3A_409 {
          %add3A_410 = arith.constant 3 : i32
          %add3A_411 = arith.addi %add3A_292, %add3A_410 : i32
          %get3A_412 = arith.index_cast %add3A_411 : i32 to index
          %get3A_413 = arith.constant 0 : index
          %get3A_414 = tpu.vector_load %arg6[%get3A_412, %get3A_413] {strides = array<i32>} : memref<200x128xi32, #tpu.memory_space<vmem>>, vector<16xi32>,
          %shift_right_logical3A_415 = arith.constant 1 : i32
          %shift_right_logical3A_416 = vector.broadcast %shift_right_logical3A_415 : i32 to vector<16xi32>
          %shift_right_logical3A_417 = arith.shrui %get3A_414, %shift_right_logical3A_416 : vector<16xi32>
          %swap3A_418 = arith.constant 0 : index
          %swap3A_419 = tpu.vector_load %arg10[%swap3A_418] {strides = array<i32>} : memref<128xi32, #tpu.memory_space<vmem>>, vector<16xi32>,
          tpu.vector_store %arg10[%swap3A_418], %shift_right_logical3A_417 {strides = array<i32>} : memref<128xi32, #tpu.memory_space<vmem>>, vector<16xi32>,
          %get3A_420 = arith.index_cast %add3A_411 : i32 to index
          %get3A_421 = arith.constant 16 : index
          %get3A_422 = tpu.vector_load %arg6[%get3A_420, %get3A_421] {strides = array<i32>} : memref<200x128xi32, #tpu.memory_space<vmem>>, vector<16xi32>,
          %shift_right_logical3A_423 = arith.constant 1 : i32
          %shift_right_logical3A_424 = vector.broadcast %shift_right_logical3A_423 : i32 to vector<16xi32>
          %shift_right_logical3A_425 = arith.shrui %get3A_422, %shift_right_logical3A_424 : vector<16xi32>
          %swap3A_426 = arith.constant 16 : index
          %swap3A_427 = tpu.vector_load %arg10[%swap3A_426] {strides = array<i32>} : memref<128xi32, #tpu.memory_space<vmem>>, vector<16xi32>,
          tpu.vector_store %arg10[%swap3A_426], %shift_right_logical3A_425 {strides = array<i32>} : memref<128xi32, #tpu.memory_space<vmem>>, vector<16xi32>,
          %get3A_428 = arith.index_cast %add3A_411 : i32 to index
          %get3A_429 = arith.constant 32 : index
          %get3A_430 = tpu.vector_load %arg6[%get3A_428, %get3A_429] {strides = array<i32>} : memref<200x128xi32, #tpu.memory_space<vmem>>, vector<16xi32>,
          %shift_right_logical3A_431 = arith.constant 1 : i32
          %shift_right_logical3A_432 = vector.broadcast %shift_right_logical3A_431 : i32 to vector<16xi32>
          %shift_right_logical3A_433 = arith.shrui %get3A_430, %shift_right_logical3A_432 : vector<16xi32>
          %swap3A_434 = arith.constant 32 : index
          %swap3A_435 = tpu.vector_load %arg10[%swap3A_434] {strides = array<i32>} : memref<128xi32, #tpu.memory_space<vmem>>, vector<16xi32>,
          tpu.vector_store %arg10[%swap3A_434], %shift_right_logical3A_433 {strides = array<i32>} : memref<128xi32, #tpu.memory_space<vmem>>, vector<16xi32>,
          %get3A_436 = arith.index_cast %add3A_411 : i32 to index
          %get3A_437 = arith.constant 48 : index
          %get3A_438 = tpu.vector_load %arg6[%get3A_436, %get3A_437] {strides = array<i32>} : memref<200x128xi32, #tpu.memory_space<vmem>>, vector<16xi32>,
          %shift_right_logical3A_439 = arith.constant 1 : i32
          %shift_right_logical3A_440 = vector.broadcast %shift_right_logical3A_439 : i32 to vector<16xi32>
          %shift_right_logical3A_441 = arith.shrui %get3A_438, %shift_right_logical3A_440 : vector<16xi32>
          %swap3A_442 = arith.constant 48 : index
          %swap3A_443 = tpu.vector_load %arg10[%swap3A_442] {strides = array<i32>} : memref<128xi32, #tpu.memory_space<vmem>>, vector<16xi32>,
          tpu.vector_store %arg10[%swap3A_442], %shift_right_logical3A_441 {strides = array<i32>} : memref<128xi32, #tpu.memory_space<vmem>>, vector<16xi32>,
          %get3A_444 = arith.index_cast %add3A_411 : i32 to index
          %get3A_445 = arith.constant 64 : index
          %get3A_446 = tpu.vector_load %arg6[%get3A_444, %get3A_445] {strides = array<i32>} : memref<200x128xi32, #tpu.memory_space<vmem>>, vector<16xi32>,
          %shift_right_logical3A_447 = arith.constant 1 : i32
          %shift_right_logical3A_448 = vector.broadcast %shift_right_logical3A_447 : i32 to vector<16xi32>
          %shift_right_logical3A_449 = arith.shrui %get3A_446, %shift_right_logical3A_448 : vector<16xi32>
          %swap3A_450 = arith.constant 64 : index
          %swap3A_451 = tpu.vector_load %arg10[%swap3A_450] {strides = array<i32>} : memref<128xi32, #tpu.memory_space<vmem>>, vector<16xi32>,
          tpu.vector_store %arg10[%swap3A_450], %shift_right_logical3A_449 {strides = array<i32>} : memref<128xi32, #tpu.memory_space<vmem>>, vector<16xi32>,
          %get3A_452 = arith.index_cast %add3A_411 : i32 to index
          %get3A_453 = arith.constant 80 : index
          %get3A_454 = tpu.vector_load %arg6[%get3A_452, %get3A_453] {strides = array<i32>} : memref<200x128xi32, #tpu.memory_space<vmem>>, vector<16xi32>,
          %shift_right_logical3A_455 = arith.constant 1 : i32
          %shift_right_logical3A_456 = vector.broadcast %shift_right_logical3A_455 : i32 to vector<16xi32>
          %shift_right_logical3A_457 = arith.shrui %get3A_454, %shift_right_logical3A_456 : vector<16xi32>
          %swap3A_458 = arith.constant 80 : index
          %swap3A_459 = tpu.vector_load %arg10[%swap3A_458] {strides = array<i32>} : memref<128xi32, #tpu.memory_space<vmem>>, vector<16xi32>,
          tpu.vector_store %arg10[%swap3A_458], %shift_right_logical3A_457 {strides = array<i32>} : memref<128xi32, #tpu.memory_space<vmem>>, vector<16xi32>,
          %get3A_460 = arith.index_cast %add3A_411 : i32 to index
          %get3A_461 = arith.constant 96 : index
          %get3A_462 = tpu.vector_load %arg6[%get3A_460, %get3A_461] {strides = array<i32>} : memref<200x128xi32, #tpu.memory_space<vmem>>, vector<16xi32>,
          %shift_right_logical3A_463 = arith.constant 1 : i32
          %shift_right_logical3A_464 = vector.broadcast %shift_right_logical3A_463 : i32 to vector<16xi32>
          %shift_right_logical3A_465 = arith.shrui %get3A_462, %shift_right_logical3A_464 : vector<16xi32>
          %swap3A_466 = arith.constant 96 : index
          %swap3A_467 = tpu.vector_load %arg10[%swap3A_466] {strides = array<i32>} : memref<128xi32, #tpu.memory_space<vmem>>, vector<16xi32>,
          tpu.vector_store %arg10[%swap3A_466], %shift_right_logical3A_465 {strides = array<i32>} : memref<128xi32, #tpu.memory_space<vmem>>, vector<16xi32>,
          %get3A_468 = arith.index_cast %add3A_411 : i32 to index
          %get3A_469 = arith.constant 112 : index
          %get3A_470 = tpu.vector_load %arg6[%get3A_468, %get3A_469] {strides = array<i32>} : memref<200x128xi32, #tpu.memory_space<vmem>>, vector<16xi32>,
          %shift_right_logical3A_471 = arith.constant 1 : i32
          %shift_right_logical3A_472 = vector.broadcast %shift_right_logical3A_471 : i32 to vector<16xi32>
          %shift_right_logical3A_473 = arith.shrui %get3A_470, %shift_right_logical3A_472 : vector<16xi32>
          %swap3A_474 = arith.constant 112 : index
          %swap3A_475 = tpu.vector_load %arg10[%swap3A_474] {strides = array<i32>} : memref<128xi32, #tpu.memory_space<vmem>>, vector<16xi32>,
          tpu.vector_store %arg10[%swap3A_474], %shift_right_logical3A_473 {strides = array<i32>} : memref<128xi32, #tpu.memory_space<vmem>>, vector<16xi32>,
          %dma_start3A_476 = arith.constant 0 : i32
          %dma_start3A_477 = arith.constant 0 : i32
          %dma_start3A_478 = tpu.memref_slice %arg3[%dma_start3A_476, %dma_start3A_477] : memref<500000x128xf32, #tpu.memory_space<hbm>> -> memref<500000x128xf32, #tpu.memory_space<hbm>>
          tpu.enqueue_indirect_dma source(%dma_start3A_478 : memref<500000x128xf32, #tpu.memory_space<hbm>>) target(%arg13 : memref<128x128xf32, #tpu.memory_space<vmem>>) offsets(%arg10 : memref<128xi32, #tpu.memory_space<vmem>>) semaphore(%arg17 : memref<!tpu.dma_semaphore, #tpu.memory_space<semaphore_mem>>)
        } else {
        }
      } else {
      }
    }
    %scan3A_252 = arith.constant 67 : i32
    %dma_wait3A = arith.constant 197 : i32
    %dma_wait3A_253 = arith.constant 0 : i32
    %dma_wait3A_254 = tpu.memref_slice %arg5[%dma_wait3A, %dma_wait3A_253, %mul3A_2] : memref<200x64x4096xf32, #tpu.memory_space<hbm>> -> memref<1x64x128xf32, #tpu.memory_space<hbm>>
    %dma_wait3A_255 = tpu.memref_squeeze %dma_wait3A_254 : memref<1x64x128xf32, #tpu.memory_space<hbm>> -> memref<64x128xf32, #tpu.memory_space<hbm>>
    %dma_wait3A_256 = arith.constant 0 : i32
    %dma_wait3A_257 = tpu.memref_slice %arg5[%dma_wait3A, %dma_wait3A_256, %mul3A_2] : memref<200x64x4096xf32, #tpu.memory_space<hbm>> -> memref<1x64x128xf32, #tpu.memory_space<hbm>>
    %dma_wait3A_258 = tpu.memref_squeeze %dma_wait3A_257 : memref<1x64x128xf32, #tpu.memory_space<hbm>> -> memref<64x128xf32, #tpu.memory_space<hbm>>
    tpu.wait_dma2 semaphore(%arg18 : memref<!tpu.dma_semaphore, #tpu.memory_space<semaphore_mem>>) src(%arg16 : memref<64x128xf32, #tpu.memory_space<vmem>>) dst(%dma_wait3A_258 : memref<64x128xf32, #tpu.memory_space<hbm>>)
    %dma_wait3A_259 = arith.constant 198 : i32
    %dma_wait3A_260 = arith.constant 0 : i32
    %dma_wait3A_261 = tpu.memref_slice %arg5[%dma_wait3A_259, %dma_wait3A_260, %mul3A_2] : memref<200x64x4096xf32, #tpu.memory_space<hbm>> -> memref<1x64x128xf32, #tpu.memory_space<hbm>>
    %dma_wait3A_262 = tpu.memref_squeeze %dma_wait3A_261 : memref<1x64x128xf32, #tpu.memory_space<hbm>> -> memref<64x128xf32, #tpu.memory_space<hbm>>
    %dma_wait3A_263 = arith.constant 0 : i32
    %dma_wait3A_264 = tpu.memref_slice %arg5[%dma_wait3A_259, %dma_wait3A_263, %mul3A_2] : memref<200x64x4096xf32, #tpu.memory_space<hbm>> -> memref<1x64x128xf32, #tpu.memory_space<hbm>>
    %dma_wait3A_265 = tpu.memref_squeeze %dma_wait3A_264 : memref<1x64x128xf32, #tpu.memory_space<hbm>> -> memref<64x128xf32, #tpu.memory_space<hbm>>
    tpu.wait_dma2 semaphore(%arg18 : memref<!tpu.dma_semaphore, #tpu.memory_space<semaphore_mem>>) src(%arg14 : memref<64x128xf32, #tpu.memory_space<vmem>>) dst(%dma_wait3A_265 : memref<64x128xf32, #tpu.memory_space<hbm>>)
    %dma_wait3A_266 = arith.constant 199 : i32
    %dma_wait3A_267 = arith.constant 0 : i32
    %dma_wait3A_268 = tpu.memref_slice %arg5[%dma_wait3A_266, %dma_wait3A_267, %mul3A_2] : memref<200x64x4096xf32, #tpu.memory_space<hbm>> -> memref<1x64x128xf32, #tpu.memory_space<hbm>>
    %dma_wait3A_269 = tpu.memref_squeeze %dma_wait3A_268 : memref<1x64x128xf32, #tpu.memory_space<hbm>> -> memref<64x128xf32, #tpu.memory_space<hbm>>
    %dma_wait3A_270 = arith.constant 0 : i32
    %dma_wait3A_271 = tpu.memref_slice %arg5[%dma_wait3A_266, %dma_wait3A_270, %mul3A_2] : memref<200x64x4096xf32, #tpu.memory_space<hbm>> -> memref<1x64x128xf32, #tpu.memory_space<hbm>>
    %dma_wait3A_272 = tpu.memref_squeeze %dma_wait3A_271 : memref<1x64x128xf32, #tpu.memory_space<hbm>> -> memref<64x128xf32, #tpu.memory_space<hbm>>
    tpu.wait_dma2 semaphore(%arg18 : memref<!tpu.dma_semaphore, #tpu.memory_space<semaphore_mem>>) src(%arg15 : memref<64x128xf32, #tpu.memory_space<vmem>>) dst(%dma_wait3A_272 : memref<64x128xf32, #tpu.memory_space<hbm>>)
    return
  }
}

</mosaic_0001>

<sc_bundles>
// kernel: kernel.4.cloned.1.call-start
scs
__scs_entry_jumppad:
0x0: {  	(pc) =	sbr.rel $0x88, $3  }
0x1: {  	(tag) =	ssettag $0x0;
	lr =	simm.s32 $0x1  }
0x2: {  	[smem:$0x3F9E] =	sst lr;
	_ =	strace $0xD0000000  }
0x3: {  	_ = 	snop  }
0x4: {  	_ = 	snop  }
0x5: {  	_ = 	snop  }
0x6: {  	_ = 	snop  }
0x7: {  	_ = 	snop  }
__scs_overlays_trampoline_lowered:
0x8: {  	[smem:$0x3FAD] =	sst s0  }
0x9: {  	[smem:$0x3FAE] =	sst s1  }
0xa: {  	[smem:$0x3FAF] =	sst s2  }
0xb: {  	[smem:$0x3FB0] =	sst s3  }
0xc: {  	[smem:$0x3FB1] =	sst s4  }
0xd: {  	[smem:$0x3FB2] =	sst s5  }
0xe: {  	[smem:$0x3FB3] =	sst s6  }
0xf: {  	[smem:$0x3FB4] =	sst s7  }
0x10: {  	[smem:$0x3FB5] =	sst s8  }
0x11: {  	[smem:$0x3FB6] =	sst s9;
	s0 =	simm.s32 @!p0 $0x0  }
0x12: {  	s1 =	sld [smem:$0x3F9C];
	s0 =	simm.s32 @p0 $0x1  }
0x13: {  	[smem:$0x3FB7] =	sst s0;
	s0 =	simm.s32 @!p1 $0x0  }
0x14: {  	s2 =	sld [smem:$0x3F9B];
	s0 =	simm.s32 @p1 $0x1  }
0x15: {  	[smem:$0x3FB8] =	sst s0;
	s0 =	simm.s32 @!p2 $0x0  }
0x16: {  	s3 =	sld [smem:$0x3FDB];
	s0 =	simm.s32 @p2 $0x1  }
0x17: {  	s4 =	simm.s32 $0x1BF5;
	[smem:$0x3FBA] =	sst s0  }
0x18: {  	s0 =	sld [smem:$0x3F9D];
	_ =	swait.ge [sflag:s4], $0x0  }
0x19: {  	s7 =	sld [smem:$0x3F9E]  }
0x1a: {  	s8 =	sadd.s32 $0xFFFFE003, lr  }
0x1b: {  	s9 =	sadd.s32 $0xFFFFFEF7, lr;
	s5 =	simm.s32 $0xFFFFFFFF;
	p2 =	slt.u32 s8, $0xFFFFF086  }
0x1c: {  	p1 =	slt.u32 s9, $0xF7A;
	s5 =	simm.s32 @!p2 $0x0  }
0x1d: {  	s5 =	simm.s32 @p1 $0x1;
	p0 =	seq.s32 s7, s2  }
0x1e: {  	s7 =	smul.u32 @!p0 $0xF7A, s2;
	p2 =	seq.s32 @!p0 s5, $0x0  }
0x1f: {  	s9 =	smul.u32 $0xF7A, s1;
	s8 =	simm.s32 @!p0 $0x1BF5;
	p2 =	por !p2, p0  }
0x20: {  	[sflag:s8] =	ssyncset.s32 @!p0 $0xFFFFF086;
	s6 =	sadd.s32 @!p0 s3, s7;
	s7 =	simm.s32 @!p0 $0x108  }
0x21: {  	s3 =	sadd.s32 s3, s9;
	s6 =	sadd.s32 @!p0 $0x88, s6;
	s7 =	simm.s32 @p2 $0x1082  }
0x22: {  	[simem:s7], [sflag:s8] =	dma.local @!p0 [hbm:s6], $0xF7A  }
0x23: {  	s9 =	sor.u32 $0xD0000000, s2;
	s6 =	simm.s32 $0x108;
	_ =	swait.ge @!p0 [sflag:s8], $0x0  }
0x24: {  	s3 =	sadd.s32 $0x88, s3;
	s6 =	simm.s32 @!p1 $0x1082;
	[sflag:s4] =	ssyncset.s32 $0xFFFFF086  }
0x25: {  	[simem:s6], [sflag:s4] =	dma.local [hbm:s3], $0xF7A  }
0x26: {  	[smem:$0x3F9E] =	sst s1;
	(tag) =	ssettag s2;
	_ =	strace s9  }
0x27: {  	s1 =	sld [smem:$0x3FAE]  }
0x28: {  	s2 =	sld [smem:$0x3FAF]  }
0x29: {  	s4 =	sld [smem:$0x3FB1]  }
0x2a: {  	p0 =	seq.s32 s5, $0x0;
	s5 =	sld [smem:$0x3FB2]  }
0x2b: {  	s6 =	sld [smem:$0x3FB3]  }
0x2c: {  	s7 =	sld [smem:$0x3FB4]  }
0x2d: {  	s3 =	simm.s32 $0x108;
	s8 =	sld [smem:$0x3FB5]  }
0x2e: {  	s3 =	simm.s32 @!p0 $0x1082;
	s9 =	sld [smem:$0x3FB6]  }
0x2f: {  	lr =	sadd.s32 s0, s3;
	s0 =	sld [smem:$0x3FAD]  }
0x30: {  	s3 =	sld [smem:$0x3FB0]  }
0x31: {  	[smem:$0x3FB9] =	sst s10  }
0x32: {  	s10 =	sld [smem:$0x3FB7];
	_ =	sdelay $0x3  }
0x33: {  	p0 =	seq.s32 s10, $0x1;
	s10 =	sld [smem:$0x3FB9];
	_ =	sdelay $0x3  }
0x34: {  	[smem:$0x3FB9] =	sst s10  }
0x35: {  	s10 =	sld [smem:$0x3FB8];
	_ =	sdelay $0x3  }
0x36: {  	p1 =	seq.s32 s10, $0x1;
	s10 =	sld [smem:$0x3FB9];
	_ =	sdelay $0x3  }
0x37: {  	[smem:$0x3FB9] =	sst s10  }
0x38: {  	s10 =	sld [smem:$0x3FBA]  }
0x39: {  	_ = 	snop;
	(pc) =	sbr.ind lr, $3  }
0x3a: {  	_ = 	snop  }
0x3b: {  	_ = 	snop  }
0x3c: {  	p2 =	seq.s32 s10, $0x1;
	s10 =	sld [smem:$0x3FB9]  }
0x3d: {  	_ =	shalt  }
0x3e: {  	_ =	shalt  }
0x3f: {  	_ =	shalt  }
0x40: {  	_ =	shalt  }
0x41: {  	_ =	shalt  }
0x42: {  	_ =	shalt  }
0x43: {  	_ =	shalt  }
0x44: {  	_ =	shalt  }
0x45: {  	_ =	shalt  }
0x46: {  	_ =	shalt  }
0x47: {  	_ =	shalt  }
0x48: {  	_ =	shalt  }
0x49: {  	_ =	shalt  }
0x4a: {  	_ =	shalt  }
0x4b: {  	_ =	shalt  }
0x4c: {  	_ =	shalt  }
0x4d: {  	_ =	shalt  }
0x4e: {  	_ =	shalt  }
0x4f: {  	_ =	shalt  }
0x50: {  	_ =	shalt  }
0x51: {  	_ =	shalt  }
0x52: {  	_ =	shalt  }
0x53: {  	_ =	shalt  }
0x54: {  	_ =	shalt  }
0x55: {  	_ =	shalt  }
0x56: {  	_ =	shalt  }
0x57: {  	_ =	shalt  }
0x58: {  	_ =	shalt  }
0x59: {  	_ =	shalt  }
0x5a: {  	_ =	shalt  }
0x5b: {  	_ =	shalt  }
0x5c: {  	_ =	shalt  }
0x5d: {  	_ =	shalt  }
0x5e: {  	_ =	shalt  }
0x5f: {  	_ =	shalt  }
0x60: {  	_ =	shalt  }
0x61: {  	_ =	shalt  }
0x62: {  	_ =	shalt  }
0x63: {  	_ =	shalt  }
0x64: {  	_ =	shalt  }
0x65: {  	_ =	shalt  }
0x66: {  	_ =	shalt  }
0x67: {  	_ =	shalt  }
0x68: {  	_ =	shalt  }
0x69: {  	_ =	shalt  }
0x6a: {  	_ =	shalt  }
0x6b: {  	_ =	shalt  }
0x6c: {  	_ =	shalt  }
0x6d: {  	_ =	shalt  }
0x6e: {  	_ =	shalt  }
0x6f: {  	_ =	shalt  }
0x70: {  	_ =	shalt  }
0x71: {  	_ =	shalt  }
0x72: {  	_ =	shalt  }
0x73: {  	_ =	shalt  }
0x74: {  	_ =	shalt  }
0x75: {  	_ =	shalt  }
0x76: {  	_ =	shalt  }
0x77: {  	_ =	shalt  }
0x78: {  	_ =	shalt  }
0x79: {  	_ =	shalt  }
0x7a: {  	_ =	shalt  }
0x7b: {  	_ =	shalt  }
0x7c: {  	_ =	shalt  }
0x7d: {  	_ =	shalt  }
0x7e: {  	_ =	shalt  }
0x7f: {  	_ =	shalt  }
0x80: {  	_ =	shalt  }
0x81: {  	_ =	shalt  }
0x82: {  	_ =	shalt  }
0x83: {  	_ =	shalt  }
0x84: {  	_ =	shalt  }
0x85: {  	_ =	shalt  }
0x86: {  	_ =	shalt  }
0x87: {  	_ =	shalt  }
.Lfunc_end0:
.L_simem_size_0:
called_computation_lowered:
.L_overlay_start_0:
0x88: {  	s2 =	sld [smem:$0x3FD9]  }
0x89: {  	s3 =	sld [smem:$0x3FFE];
	_ =	sdelay $0x1  }
0x8a: {  	s1 =	srdreg.scid  }
0x8b: {  	s0 =	sand.u32 $0x1, s1  }
0x8c: {  	s17 =	sshll.u32 s0, $0xA;
	s2 =	sadd.s32 s3, s2  }
0x8d: {  	s2 =	sadd.s32 s2, s17  }
0x8e: {  	[smem:$0x3FC5] =	sst s2  }
0x8f: {  	_ = 	snop  }
0x90: {  	s2 =	sld [smem:$0x3FC8]  }
0x91: {  	s18 =	sld [smem:$0x3FD0];
	(tm) =	ssettm $0x1  }
0x92: {  	s4 =	sld [smem:$0x3FFB];
	_ =	sdelay $0x3  }
0x93: {  	_ =	strace s4  }
0x94: {  	s4 =	sld [smem:$0x3FFC];
	_ =	sdelay $0x3  }
0x95: {  	_ =	strace s4  }
0x96: {  	s4 =	sld [smem:$0x3FFD];
	_ =	sdelay $0x3  }
0x97: {  	_ =	strace s4  }
0x98: {  	_ =	strace $0x8FFFFFFF  }
0x99: {  	s19 =	sld [smem:$0x3FDB];
	_ =	sdelay $0x1  }
0x9a: {  	s5 =	simm.s32 $_scs_section_size  }
0x9b: {  	s6 =	simm.s32 $_size__tile_overlayer_lowered;
	s7 =	simm.s32 $_tile_overlayer_lowered  }
0x9c: {  	s22 =	simm.s32 $0x1BFF;
	s21 =	sshll.u32 s7, $0x1;
	s4 =	sadd.s32 s5, s19  }
0x9d: {  	s8 =	simm.s32 $0x0;
	s20 =	sshll.u32 s6, $0x1;
	s6 =	sadd.s32 s21, s4  }
0x9e: {  	[timem:s8], [sflag:s22] =	dma.local [hbm:s6], s20  }
0x9f: {  	_ =	swait.ge [sflag:s22], s20  }
0xa0: {  	s5 =	ssub.s32 $0x0, s20;
	[sflag:s22] =	ssyncset.done $0x0  }
0xa1: {  	[sflag:s22] =	ssyncadd.s32 s5;
	_ =	sdelay $0x1  }
0xa2: {  	s23 =	simm.s32 $0x1B8B  }
0xa3: {  	_ =	swait.ge [sflag:s23], $0x1  }
0xa4: {  	[sflag:s23] =	ssyncset.done $0x0  }
0xa5: {  	s25 =	simm.s32 $0x1B8E;
	s24 =	sld [smem:$0x3FFE];
	[sflag:s23] =	ssyncadd.s32 $0xFFFFFFFF  }
0xa6: {  	s26 =	simm.s32 $execute0_lowered;
	[smem:$0x3FD2] =	sst s25  }
0xa7: {  	s6 =	sshll.u32 s26, $0x1;
	_ =	strace $0x80000046;
	[dreg:$0x1] =	wrdreg $0xFFFFFFFF  }
0xa8: {  	s28 =	simm.s32 $_size_execute0_lowered;
	s4 =	sadd.s32 s4, s6;
	[dreg:$0x0] =	wrdreg $0x0  }
0xa9: {  	s6 =	sshll.u32 s28, $0x1;
	[dreg:$0x2] =	wrdreg s4  }
0xaa: {  	[dreg:$0x3] =	wrdreg s6  }
0xab: {  	[dreg:$0x4] =	wrdreg $0xC0  }
0xac: {  	_ =	task [dreg:s8], $0x5FFFF  }
0xad: {  	[dreg:$0x1] =	wrdreg $0xFFFFFFFF  }
0xae: {  	[dreg:$0x0] =	wrdreg $0x60  }
0xaf: {  	[dreg:$0x2] =	wrdreg s2  }
0xb0: {  	[dreg:$0x3] =	wrdreg s18  }
0xb1: {  	[dreg:$0x4] =	wrdreg s24  }
0xb2: {  	[dreg:$0x5] =	wrdreg $0x9  }
0xb3: {  	_ =	task.clear_ibuf [dreg:s8], $0x6FFFF;
	_ =	strace $0x90000046  }
0xb4: {  	s29 =	simm.s32 $0x9;
	_ =	strace $0x80000048  }
0xb5: {  	_ =	swait.ge [sflag:s29], $0x1  }
0xb6: {  	[sflag:s29] =	ssyncadd.s32 $0xFFFFFFFF  }
0xb7: {  	_ =	strace $0x90000048  }
0xb8: {  	_ =	sfence  }
0xb9: {  	s30 =	sld [smem:$0x0];
	_ =	sdelay $0x2  }
0xba: {  	s31 =	sshll.u32 s1, $0xD;
	s1 =	sshrl.u32 s1, $0x2  }
0xbb: {  	s3 =	sand.u32 $0x4000, s31;
	s1 =	sadd.s32 s1, s30  }
0xbc: {  	s0 =	sor.u32 s3, s0;
	s1 =	sshll.u32 s1, $0x11  }
0xbd: {  	s0 =	sor.u32 s1, s0  }
0xbe: {  	s0 =	sadd.s32 $0x8F2B, s0  }
0xbf: {  	[sflag:s0] =	ssyncadd.remote.s32 $0x1  }
0xc0: {  	_ =	sfence.sel $0xFFFF  }
0xc1: {  	[dreg:$0x0] =	wrdreg $0xFFFFFFFF;
	(pc) =	sbr.abs _section_cstart, $3  }
0xc2: {  	[dreg:$0x1] =	wrdreg $0xFFFFFFFF  }
0xc3: {  	_ =	task.clear_ibuf [dreg:s8], $0x2FFFF;
	_ =	strace $0x9FFFFFFF  }
0xc4: {  	(tm) =	ssettm $0x7FFFFFFF  }
0xc5: {  	_ =	shalt  }
tec
execute0_lowered:
.L_overlay_start_1:
0x0: {  	(tag) =	ssettag $0x1  }
0x1: {  	s1 =	rddreg [dreg:$0x0]  }
0x2: {  	s3 =	rddreg [dreg:$0x1]  }
0x3: {  	s2 =	srdreg.scid;
	s0 =	stileid.u32  }
0x4: {  	s11 =	rddreg [dreg:$0x2];
	s4 =	simm.s32 $0x0;
	s13 =	simm.s32 $0x400  }
0x5: {  	s14 =	simm.s32 $0x7A1400;
	s15 =	simm.s32 $0x2000;
	s16 =	simm.s32 $0x1  }
0x6: {  	s17 =	simm.s32 $0x4000;
	s18 =	simm.s32 $0x6000;
	s19 =	simm.s32 $0x2  }
0x7: {  	s20 =	simm.s32 $0x8000;
	s21 =	simm.s32 $0x3;
	s22 =	simm.s32 $0x0  }
0x8: {  	s2 =	sand.u32 $0x1, s2;
	s5 =	sshll.u32 s0, $0x1;
	[smem:$0x7FF] =	sst s4  }
.Ltmp0:
0x9: {  	s7 =	sadd.s32 $0x800, s11;
	s11 =	sadd.s32 $0x7A1800, s11;
	(pc) =	sbr.rel .LBB2_1-.Ltmp0, $4  }
0xa: {  	v0 =	vlaneseq.u32;
	s5 =	sor.u32 s2, s5;
	s2 =	ssub.s32 $0x2, s2;
	_ =	strace $0x80000047  }
0xb: {  	v0 =	vmul.u32 $0x80, v0;
	s6 =	sshll.u32 s5, $0x7;
	s8 =	sshrl.u32 s2, $0x1;
	s9 =	sor.u32 $0x40, s5  }
0xc: {  	s10 =	sor.u32 $0x60, s5;
	s6 =	sadd.s32 s1, s6;
	s2 =	ssub.s32 s2, s8  }
0xd: {  	p0 =	sne.s32 s5, $0x4;
	v1 =	vor.u32 $0x800, v0;
	v2 =	vor.u32 $0x1000, v0;
	v3 =	vor.u32 $0x1800, v0;
	s8 =	sadd.s32 $0x1000, s6;
	s12 =	smax.u32 s2, $0x1  }
.LBB2_19:
0xe: {  	s22 =	sadd.s32 $0x1, s22  }
0xf: {  	p1 =	sne.s32 s22, s12  }
.Ltmp1:
0x10: {  	_ = 	snop;
	(pc) =	sbr.rel @!p1 .LBB2_20-.Ltmp1, $1  }
0x11: {  	_ =	sdelay $0x3  }
.LBB2_1:
.Ltmp2:
0x12: {  	(pc) =	sbr.rel .LBB2_2-.Ltmp2, $4  }
0x13: {  	_ = 	snop  }
0x14: {  	[tilespmem:s4], [sflag:$0x1] =	stream.strided.gather [hbm4b:s6+s13], $0x2000, s14, s13, $0x38;
	[tilespmem:$0xA000] =	vst v63  }
0x15: {  	s23 =	simm.s32 $0x0  }
0x16: {  	[tilespmem:s15], [sflag:$0x1] =	stream.strided.gather [hbm4b:s8+s13], $0x2000, s14, s13, $0x38;
	[tilespmem:$0xA000] =	vst v63  }
.LBB2_14:
0x17: {  	s0 =	sadd.s32 s10, s24  }
0x18: {  	p1 =	sgt.u32 s0, $0x1E83  }
0x19: {  	s23 =	sadd.s32 $0x1, s23;
	s0 =	sshll.u32 @!p1 s0, $0x7;
	s2 =	simm.s32 @!p1 $0x400  }
0x1a: {  	s24 =	simm.s32 @!p1 $0x7A1400;
	s25 =	simm.s32 @!p1 $0x2000;
	s0 =	sadd.s32 @!p1 s1, s0  }
0x1b: {  	[tilespmem:s25], [sflag:$0x1] =	stream.strided.gather @!p1 [hbm4b:s0+s2], $0x2000, s24, s2, $0x38;
	[tilespmem:$0xA000] =	vst v63  }
0x1c: {  	p1 =	sne.s32 s23, $0x7B  }
.Ltmp3:
0x1d: {  	_ = 	snop;
	(pc) =	sbr.rel @!p1 .LBB2_15-.Ltmp3, $1  }
0x1e: {  	_ =	sdelay $0x3  }
.LBB2_2:
0x1f: {  	s24 =	sshll.u32 s23, $0x6  }
0x20: {  	s25 =	sor.u32 s5, s24  }
0x21: {  	p2 =	sgt.u32 s25, $0x1E83  }
.Ltmp4:
0x22: {  	_ = 	snop;
	(pc) =	sbr.rel @p2 .LBB2_8-.Ltmp4, $2  }
0x23: {  	_ =	sdelay $0x2  }
0x24: {  	p1 =	seq.s32 s23, $0x0  }
0x25: {  	s29 =	simm.s32 $0x0  }
0x26: {  	v4 =	vmov s29  }
0x27: {  	v4 =	vand.u32 $0x78, v4  }
0x28: {  	v4 =	vbroadcast v4, $0x0  }
0x29: {  	_ =	swait.ge [sflag:s16], $0x2000  }
0x2a: {  	[sflag:s16] =	ssyncset.done $0x0;
	v5 =	vor.u32 v0, v4  }
0x2b: {  	s2 =	simm.s32 @!p1 $0x2;
	[sflag:s16] =	ssyncadd.s32 $0xFFFFE000;
	v6 =	vor.u32 v2, v4  }
0x2c: {  	_ =	swait.ge @!p1 [sflag:s2], $0x2000;
	v7 =	vor.u32 v3, v4  }
0x2d: {  	[sflag:s2] =	ssyncset.done @!p1 $0x0;
	v4 =	vor.u32 v1, v4  }
0x2e: {  	s26 =	simm.s32 $0x2;
	[sflag:s2] =	ssyncadd.s32 @!p1 $0xFFFFE000  }
0x2f: {  	v8 =	vmov s26;
	v5 =	vld.idx.msk [tilespmem:v5+s4+$0x0], $0xffff  }
0x30: {  	v8 =	vand.u32 $0x7A, v8;
	v6 =	vld.idx.msk [tilespmem:v6+s4+$0x0], $0xffff  }
0x31: {  	v8 =	vbroadcast v8, $0x0;
	v7 =	vld.idx.msk [tilespmem:v7+s4+$0x0], $0xffff  }
0x32: {  	v4 =	vld.idx.msk [tilespmem:v4+s4+$0x0], $0xffff  }
0x33: {  	s30 =	simm.s32 $0x4100;
	v9 =	vor.u32 v0, v8  }
0x34: {  	[tilespmem:s30+$0xFFFFFF00] =	vst v5;
	v5 =	vor.u32 v1, v8  }
0x35: {  	[tilespmem:s30+$0xFFFFFF20] =	vst v6;
	v6 =	vor.u32 v2, v8  }
0x36: {  	[tilespmem:s30+$0xFFFFFF30] =	vst v7;
	v7 =	vor.u32 v3, v8  }
0x37: {  	s0 =	simm.s32 $0x4;
	[tilespmem:s30+$0xFFFFFF10] =	vst v4  }
0x38: {  	v8 =	vmov s0;
	v4 =	vld.idx.msk [tilespmem:v9+s4+$0x0], $0xffff  }
0x39: {  	v8 =	vand.u32 $0x7C, v8;
	v5 =	vld.idx.msk [tilespmem:v5+s4+$0x0], $0xffff  }
0x3a: {  	v8 =	vbroadcast v8, $0x0;
	v6 =	vld.idx.msk [tilespmem:v6+s4+$0x0], $0xffff  }
0x3b: {  	v7 =	vld.idx.msk [tilespmem:v7+s4+$0x0], $0xffff  }
0x3c: {  	v9 =	vor.u32 v2, v8  }
0x3d: {  	[tilespmem:s30+$0xFFFFFF80] =	vst v4;
	v4 =	vor.u32 v0, v8  }
0x3e: {  	[tilespmem:s30+$0xFFFFFF90] =	vst v5;
	v5 =	vor.u32 v1, v8  }
0x3f: {  	[tilespmem:s30+$0xFFFFFFA0] =	vst v6;
	v8 =	vor.u32 v3, v8  }
0x40: {  	s26 =	simm.s32 $0x6;
	[tilespmem:s30+$0xFFFFFFB0] =	vst v7  }
0x41: {  	v6 =	vmov s26;
	v10 =	vld.idx.msk [tilespmem:v9+s4+$0x0], $0xffff  }
0x42: {  	v6 =	vand.u32 $0x7E, v6;
	v7 =	vld.idx.msk [tilespmem:v4+s4+$0x0], $0xffff  }
0x43: {  	v11 =	vbroadcast v6, $0x0;
	v6 =	vld.idx.msk [tilespmem:v5+s4+$0x0], $0xffff  }
0x44: {  	v8 =	vld.idx.msk [tilespmem:v8+s4+$0x0], $0xffff  }
0x45: {  	s31 =	simm.s32 $0x0;
	v9 =	vor.u32 v0, v11  }
0x46: {  	s28 =	simm.s32 $0x7;
	s2 =	simm.s32 $0x4100;
	s26 =	simm.s32 $0x4140;
	v4 =	vor.u32 v2, v11;
	v5 =	vor.u32 v3, v11;
	[tilespmem:s30+$0x20] =	vst v10;
	v10 =	vor.u32 v1, v11  }
.LBB2_4:
0x47: {  	s31 =	sadd.s32 $0x4, s31;
	[tilespmem:s30+$0x0] =	vst v7;
	s29 =	sadd.s32 $0x8, s29;
	s2 =	sadd.s32 $0x200, s2  }
0x48: {  	p2 =	slt.u32 s31, $0x3C;
	[tilespmem:s30+$0x10] =	vst v6  }
0x49: {  	[tilespmem:s30+$0x30] =	vst v8  }
0x4a: {  	v6 =	vld.idx.msk [tilespmem:v9+s4+$0x0], $0xffff  }
0x4b: {  	v7 =	vmov s29;
	v8 =	vld.idx.msk [tilespmem:v10+s4+$0x0], $0xffff  }
0x4c: {  	v7 =	vand.u32 $0x78, v7;
	v5 =	vld.idx.msk [tilespmem:v5+s4+$0x0], $0xffff  }
0x4d: {  	v7 =	vbroadcast v7, $0x0;
	v4 =	vld.idx.msk [tilespmem:v4+s4+$0x0], $0xffff;
	_ =	sdelay $0x1  }
0x4e: {  	v9 =	vor.u32 v0, v7;
	v10 =	vor.u32 v1, v7;
	v11 =	vor.u32 v2, v7  }
0x4f: {  	v7 =	vor.u32 v3, v7;
	[tilespmem:s30+$0x80] =	vst v6  }
0x50: {  	[tilespmem:s30+$0x90] =	vst v8  }
0x51: {  	[tilespmem:s30+$0xB0] =	vst v5  }
0x52: {  	[tilespmem:s30+$0xA0] =	vst v4;
	s30 =	smov.u32 s2  }
0x53: {  	s0 =	sadd.s32 $0x2, s29;
	v4 =	vld.idx.msk [tilespmem:v9+s4+$0x0], $0xffff  }
0x54: {  	v6 =	vmov s0;
	v5 =	vld.idx.msk [tilespmem:v11+s4+$0x0], $0xffff  }
0x55: {  	v6 =	vand.u32 $0x7A, v6;
	v7 =	vld.idx.msk [tilespmem:v7+s4+$0x0], $0xffff  }
0x56: {  	v6 =	vbroadcast v6, $0x0;
	v8 =	vld.idx.msk [tilespmem:v10+s4+$0x0], $0xffff;
	_ =	sdelay $0x1  }
0x57: {  	v9 =	vor.u32 v0, v6  }
0x58: {  	[tilespmem:s2+$0xFFFFFF00] =	vst v4;
	v4 =	vor.u32 v1, v6  }
0x59: {  	[tilespmem:s2+$0xFFFFFF20] =	vst v5;
	v5 =	vor.u32 v2, v6  }
0x5a: {  	v6 =	vor.u32 v3, v6;
	[tilespmem:s2+$0xFFFFFF30] =	vst v7  }
0x5b: {  	[tilespmem:s2+$0xFFFFFF10] =	vst v8  }
0x5c: {  	s0 =	sadd.s32 $0x4, s29;
	v7 =	vld.idx.msk [tilespmem:v9+s4+$0x0], $0xffff  }
0x5d: {  	v8 =	vmov s0;
	v4 =	vld.idx.msk [tilespmem:v4+s4+$0x0], $0xffff  }
0x5e: {  	v8 =	vand.u32 $0x7C, v8;
	v5 =	vld.idx.msk [tilespmem:v5+s4+$0x0], $0xffff  }
0x5f: {  	v8 =	vbroadcast v8, $0x0;
	v6 =	vld.idx.msk [tilespmem:v6+s4+$0x0], $0xffff;
	_ =	sdelay $0x1  }
0x60: {  	v9 =	vor.u32 v2, v8  }
0x61: {  	[tilespmem:s2+$0xFFFFFF80] =	vst v7;
	v7 =	vor.u32 v0, v8  }
0x62: {  	[tilespmem:s2+$0xFFFFFF90] =	vst v4;
	v4 =	vor.u32 v1, v8  }
0x63: {  	[tilespmem:s2+$0xFFFFFFA0] =	vst v5;
	v5 =	vor.u32 v3, v8  }
0x64: {  	[tilespmem:s2+$0xFFFFFFB0] =	vst v6  }
0x65: {  	s0 =	sadd.s32 $0x6, s29;
	v10 =	vld.idx.msk [tilespmem:v9+s4+$0x0], $0xffff  }
0x66: {  	v8 =	vmov s0;
	v7 =	vld.idx.msk [tilespmem:v7+s4+$0x0], $0xffff  }
.Ltmp5:
0x67: {  	v6 =	vld.idx.msk [tilespmem:v4+s4+$0x0], $0xffff;
	v4 =	vand.u32 $0x7E, v8;
	(pc) =	sbr.rel @p2 .LBB2_4-.Ltmp5, $3  }
0x68: {  	v8 =	vld.idx.msk [tilespmem:v5+s4+$0x0], $0xffff;
	v11 =	vbroadcast v4, $0x0;
	_ =	sdelay $0x1  }
0x69: {  	v9 =	vor.u32 v0, v11;
	v4 =	vor.u32 v2, v11;
	v5 =	vor.u32 v3, v11  }
0x6a: {  	[tilespmem:s2+$0x20] =	vst v10;
	v10 =	vor.u32 v1, v11  }
0x6b: {  	_ = 	snop  }
0x6c: {  	[tilespmem:s30+$0x0] =	vst v7  }
0x6d: {  	[tilespmem:s30+$0x10] =	vst v6  }
0x6e: {  	s0 =	simm.s32 $0x1;
	[tilespmem:s30+$0x30] =	vst v8  }
0x6f: {  	v7 =	vmov s0;
	v6 =	vld.idx.msk [tilespmem:v9+s4+$0x0], $0xffff  }
0x70: {  	v8 =	vld.idx.msk [tilespmem:v10+s4+$0x0], $0xffff;
	v7 =	vand.u32 $0x79, v7  }
0x71: {  	v5 =	vld.idx.msk [tilespmem:v5+s4+$0x0], $0xffff;
	v7 =	vbroadcast v7, $0x0  }
0x72: {  	v4 =	vld.idx.msk [tilespmem:v4+s4+$0x0], $0xffff  }
0x73: {  	v9 =	vor.u32 v0, v7  }
0x74: {  	[tilespmem:s30+$0x80] =	vst v6;
	v6 =	vor.u32 v2, v7  }
0x75: {  	[tilespmem:s30+$0x90] =	vst v8;
	v8 =	vor.u32 v3, v7  }
0x76: {  	[tilespmem:s30+$0xB0] =	vst v5;
	v5 =	vor.u32 v1, v7  }
0x77: {  	[tilespmem:s30+$0xA0] =	vst v4;
	s30 =	simm.s32 $0x3  }
0x78: {  	v7 =	vmov s30;
	v4 =	vld.idx.msk [tilespmem:v9+s4+$0x0], $0xffff  }
0x79: {  	v7 =	vand.u32 $0x7B, v7;
	v6 =	vld.idx.msk [tilespmem:v6+s4+$0x0], $0xffff  }
0x7a: {  	v7 =	vbroadcast v7, $0x0;
	v8 =	vld.idx.msk [tilespmem:v8+s4+$0x0], $0xffff  }
0x7b: {  	v5 =	vld.idx.msk [tilespmem:v5+s4+$0x0], $0xffff  }
0x7c: {  	v9 =	vor.u32 v0, v7  }
0x7d: {  	[tilespmem:s26+$0xFFFFFF00] =	vst v4;
	v4 =	vor.u32 v1, v7  }
0x7e: {  	[tilespmem:s26+$0xFFFFFF20] =	vst v6;
	v6 =	vor.u32 v2, v7  }
0x7f: {  	[tilespmem:s26+$0xFFFFFF30] =	vst v8;
	v7 =	vor.u32 v3, v7  }
0x80: {  	s31 =	simm.s32 $0x5;
	[tilespmem:s26+$0xFFFFFF10] =	vst v5  }
0x81: {  	v8 =	vmov s31;
	v5 =	vld.idx.msk [tilespmem:v9+s4+$0x0], $0xffff  }
0x82: {  	v8 =	vand.u32 $0x7D, v8;
	v4 =	vld.idx.msk [tilespmem:v4+s4+$0x0], $0xffff  }
0x83: {  	v8 =	vbroadcast v8, $0x0;
	v6 =	vld.idx.msk [tilespmem:v6+s4+$0x0], $0xffff  }
0x84: {  	v7 =	vld.idx.msk [tilespmem:v7+s4+$0x0], $0xffff  }
0x85: {  	v9 =	vor.u32 v2, v8  }
0x86: {  	[tilespmem:s26+$0xFFFFFF80] =	vst v5;
	v5 =	vor.u32 v0, v8  }
0x87: {  	[tilespmem:s26+$0xFFFFFF90] =	vst v4;
	v4 =	vor.u32 v1, v8  }
0x88: {  	v8 =	vor.u32 v3, v8;
	[tilespmem:s26+$0xFFFFFFA0] =	vst v6  }
0x89: {  	[tilespmem:s26+$0xFFFFFFB0] =	vst v7  }
0x8a: {  	v6 =	vmov s28;
	v10 =	vld.idx.msk [tilespmem:v9+s4+$0x0], $0xffff  }
0x8b: {  	v6 =	vand.u32 $0x7F, v6;
	v7 =	vld.idx.msk [tilespmem:v5+s4+$0x0], $0xffff  }
0x8c: {  	v11 =	vbroadcast v6, $0x0;
	v6 =	vld.idx.msk [tilespmem:v4+s4+$0x0], $0xffff  }
0x8d: {  	v8 =	vld.idx.msk [tilespmem:v8+s4+$0x0], $0xffff  }
0x8e: {  	v9 =	vor.u32 v0, v11  }
0x8f: {  	s29 =	simm.s32 $0x0;
	s2 =	simm.s32 $0x4140;
	v4 =	vor.u32 v2, v11;
	v5 =	vor.u32 v3, v11;
	[tilespmem:s26+$0x20] =	vst v10;
	v10 =	vor.u32 v1, v11  }
.LBB2_6:
0x90: {  	s29 =	sadd.s32 $0x4, s29;
	[tilespmem:s26+$0x0] =	vst v7;
	s28 =	sadd.s32 $0x8, s28;
	s2 =	sadd.s32 $0x200, s2  }
0x91: {  	p2 =	slt.u32 s29, $0x3C;
	[tilespmem:s26+$0x10] =	vst v6  }
0x92: {  	[tilespmem:s26+$0x30] =	vst v8  }
0x93: {  	s0 =	sadd.s32 $0xFFFFFFFA, s28;
	v6 =	vld.idx.msk [tilespmem:v9+s4+$0x0], $0xffff  }
0x94: {  	v7 =	vmov s0;
	v8 =	vld.idx.msk [tilespmem:v10+s4+$0x0], $0xffff  }
0x95: {  	v7 =	vand.u32 $0x79, v7;
	v5 =	vld.idx.msk [tilespmem:v5+s4+$0x0], $0xffff  }
0x96: {  	v7 =	vbroadcast v7, $0x0;
	v4 =	vld.idx.msk [tilespmem:v4+s4+$0x0], $0xffff;
	_ =	sdelay $0x1  }
0x97: {  	v9 =	vor.u32 v0, v7;
	v10 =	vor.u32 v1, v7;
	v11 =	vor.u32 v2, v7  }
0x98: {  	v7 =	vor.u32 v3, v7;
	[tilespmem:s26+$0x80] =	vst v6  }
0x99: {  	[tilespmem:s26+$0x90] =	vst v8  }
0x9a: {  	[tilespmem:s26+$0xB0] =	vst v5  }
0x9b: {  	[tilespmem:s26+$0xA0] =	vst v4;
	s26 =	smov.u32 s2  }
0x9c: {  	s0 =	sadd.s32 $0xFFFFFFFC, s28;
	v4 =	vld.idx.msk [tilespmem:v9+s4+$0x0], $0xffff  }
0x9d: {  	v6 =	vmov s0;
	v5 =	vld.idx.msk [tilespmem:v11+s4+$0x0], $0xffff  }
0x9e: {  	v6 =	vand.u32 $0x7B, v6;
	v7 =	vld.idx.msk [tilespmem:v7+s4+$0x0], $0xffff  }
0x9f: {  	v6 =	vbroadcast v6, $0x0;
	v8 =	vld.idx.msk [tilespmem:v10+s4+$0x0], $0xffff;
	_ =	sdelay $0x1  }
0xa0: {  	v9 =	vor.u32 v0, v6  }
0xa1: {  	[tilespmem:s2+$0xFFFFFF00] =	vst v4;
	v4 =	vor.u32 v1, v6  }
0xa2: {  	[tilespmem:s2+$0xFFFFFF20] =	vst v5;
	v5 =	vor.u32 v2, v6  }
0xa3: {  	v6 =	vor.u32 v3, v6;
	[tilespmem:s2+$0xFFFFFF30] =	vst v7  }
0xa4: {  	[tilespmem:s2+$0xFFFFFF10] =	vst v8  }
0xa5: {  	s0 =	sadd.s32 $0xFFFFFFFE, s28;
	v7 =	vld.idx.msk [tilespmem:v9+s4+$0x0], $0xffff  }
0xa6: {  	v8 =	vmov s0;
	v4 =	vld.idx.msk [tilespmem:v4+s4+$0x0], $0xffff  }
0xa7: {  	v8 =	vand.u32 $0x7D, v8;
	v5 =	vld.idx.msk [tilespmem:v5+s4+$0x0], $0xffff  }
0xa8: {  	v8 =	vbroadcast v8, $0x0;
	v6 =	vld.idx.msk [tilespmem:v6+s4+$0x0], $0xffff;
	_ =	sdelay $0x1  }
0xa9: {  	v9 =	vor.u32 v2, v8  }
0xaa: {  	[tilespmem:s2+$0xFFFFFF80] =	vst v7;
	v7 =	vor.u32 v0, v8  }
0xab: {  	[tilespmem:s2+$0xFFFFFF90] =	vst v4;
	v4 =	vor.u32 v1, v8  }
0xac: {  	[tilespmem:s2+$0xFFFFFFA0] =	vst v5;
	v5 =	vor.u32 v3, v8  }
0xad: {  	[tilespmem:s2+$0xFFFFFFB0] =	vst v6  }
0xae: {  	v10 =	vld.idx.msk [tilespmem:v9+s4+$0x0], $0xffff  }
0xaf: {  	v8 =	vmov s28;
	v7 =	vld.idx.msk [tilespmem:v7+s4+$0x0], $0xffff  }
.Ltmp6:
0xb0: {  	v6 =	vld.idx.msk [tilespmem:v4+s4+$0x0], $0xffff;
	v4 =	vand.u32 $0x7F, v8;
	(pc) =	sbr.rel @p2 .LBB2_6-.Ltmp6, $3  }
0xb1: {  	v8 =	vld.idx.msk [tilespmem:v5+s4+$0x0], $0xffff;
	v11 =	vbroadcast v4, $0x0;
	_ =	sdelay $0x1  }
0xb2: {  	v9 =	vor.u32 v0, v11;
	v4 =	vor.u32 v2, v11;
	v5 =	vor.u32 v3, v11  }
0xb3: {  	[tilespmem:s2+$0x20] =	vst v10;
	v10 =	vor.u32 v1, v11  }
0xb4: {  	_ = 	snop  }
0xb5: {  	[tilespmem:s26+$0x0] =	vst v7  }
0xb6: {  	[tilespmem:s26+$0x10] =	vst v6  }
0xb7: {  	[tilespmem:s26+$0x30] =	vst v8  }
0xb8: {  	v6 =	vld.idx.msk [tilespmem:v9+s4+$0x0], $0xffff  }
0xb9: {  	v7 =	vld.idx.msk [tilespmem:v10+s4+$0x0], $0xffff  }
0xba: {  	v5 =	vld.idx.msk [tilespmem:v5+s4+$0x0], $0xffff  }
0xbb: {  	v4 =	vld.idx.msk [tilespmem:v4+s4+$0x0], $0xffff;
	_ =	sdelay $0x1  }
0xbc: {  	[tilespmem:s26+$0x80] =	vst v6  }
0xbd: {  	[tilespmem:s26+$0x90] =	vst v7  }
0xbe: {  	s0 =	sshll.u32 s25, $0xA;
	[tilespmem:s26+$0xB0] =	vst v5  }
0xbf: {  	s0 =	sadd.s32 s7, s0;
	[tilespmem:s26+$0xA0] =	vst v4  }
0xc0: {  	[hbm4b:s0+s4] =	stream.linear.scatter [tilespmem:s17], [sflag:$0x2], $0x2000, $0x38;
	[tilespmem:$0xA000] =	vst v63  }
.LBB2_8:
0xc1: {  	s0 =	sadd.s32 s9, s24  }
0xc2: {  	p2 =	sgt.u32 s0, $0x1E83  }
0xc3: {  	s25 =	sor.u32 $0x20, s25;
	s0 =	sshll.u32 @!p2 s0, $0x7;
	s2 =	simm.s32 @!p2 $0x400  }
0xc4: {  	s26 =	simm.s32 @!p2 $0x7A1400;
	s28 =	simm.s32 @!p2 $0x0;
	s0 =	sadd.s32 @!p2 s1, s0  }
0xc5: {  	[tilespmem:s28], [sflag:$0x1] =	stream.strided.gather @!p2 [hbm4b:s0+s2], $0x2000, s26, s2, $0x38;
	[tilespmem:$0xA000] =	vst v63  }
0xc6: {  	p2 =	sgt.u32 s25, $0x1E83  }
.Ltmp7:
0xc7: {  	_ = 	snop;
	(pc) =	sbr.rel @p2 .LBB2_14-.Ltmp7, $1  }
0xc8: {  	_ =	sdelay $0x3  }
0xc9: {  	s29 =	simm.s32 $0x0  }
0xca: {  	v4 =	vmov s29  }
0xcb: {  	v4 =	vand.u32 $0x78, v4  }
0xcc: {  	v4 =	vbroadcast v4, $0x0  }
0xcd: {  	_ =	swait.ge [sflag:s16], $0x2000  }
0xce: {  	[sflag:s16] =	ssyncset.done $0x0;
	v5 =	vor.u32 v0, v4  }
0xcf: {  	s0 =	simm.s32 @!p1 $0x2;
	[sflag:s16] =	ssyncadd.s32 $0xFFFFE000;
	v6 =	vor.u32 v2, v4  }
0xd0: {  	_ =	swait.ge @!p1 [sflag:s0], $0x2000;
	v7 =	vor.u32 v3, v4  }
0xd1: {  	[sflag:s0] =	ssyncset.done @!p1 $0x0;
	v4 =	vor.u32 v1, v4  }
0xd2: {  	s26 =	simm.s32 $0x2;
	[sflag:s0] =	ssyncadd.s32 @!p1 $0xFFFFE000  }
0xd3: {  	v8 =	vmov s26;
	v5 =	vld.idx.msk [tilespmem:v5+s15+$0x0], $0xffff  }
0xd4: {  	v8 =	vand.u32 $0x7A, v8;
	v6 =	vld.idx.msk [tilespmem:v6+s15+$0x0], $0xffff  }
0xd5: {  	v8 =	vbroadcast v8, $0x0;
	v7 =	vld.idx.msk [tilespmem:v7+s15+$0x0], $0xffff  }
0xd6: {  	v4 =	vld.idx.msk [tilespmem:v4+s15+$0x0], $0xffff  }
0xd7: {  	s30 =	simm.s32 $0x6100;
	v9 =	vor.u32 v0, v8  }
0xd8: {  	[tilespmem:s30+$0xFFFFFF00] =	vst v5;
	v5 =	vor.u32 v1, v8  }
0xd9: {  	[tilespmem:s30+$0xFFFFFF20] =	vst v6;
	v6 =	vor.u32 v2, v8  }
0xda: {  	[tilespmem:s30+$0xFFFFFF30] =	vst v7;
	v7 =	vor.u32 v3, v8  }
0xdb: {  	s2 =	simm.s32 $0x4;
	[tilespmem:s30+$0xFFFFFF10] =	vst v4  }
0xdc: {  	v8 =	vmov s2;
	v4 =	vld.idx.msk [tilespmem:v9+s15+$0x0], $0xffff  }
0xdd: {  	v8 =	vand.u32 $0x7C, v8;
	v5 =	vld.idx.msk [tilespmem:v5+s15+$0x0], $0xffff  }
0xde: {  	v8 =	vbroadcast v8, $0x0;
	v6 =	vld.idx.msk [tilespmem:v6+s15+$0x0], $0xffff  }
0xdf: {  	v7 =	vld.idx.msk [tilespmem:v7+s15+$0x0], $0xffff  }
0xe0: {  	v9 =	vor.u32 v2, v8  }
0xe1: {  	[tilespmem:s30+$0xFFFFFF80] =	vst v4;
	v4 =	vor.u32 v0, v8  }
0xe2: {  	[tilespmem:s30+$0xFFFFFF90] =	vst v5;
	v5 =	vor.u32 v1, v8  }
0xe3: {  	[tilespmem:s30+$0xFFFFFFA0] =	vst v6;
	v8 =	vor.u32 v3, v8  }
0xe4: {  	s26 =	simm.s32 $0x6;
	[tilespmem:s30+$0xFFFFFFB0] =	vst v7  }
0xe5: {  	v6 =	vmov s26;
	v10 =	vld.idx.msk [tilespmem:v9+s15+$0x0], $0xffff  }
0xe6: {  	v6 =	vand.u32 $0x7E, v6;
	v7 =	vld.idx.msk [tilespmem:v4+s15+$0x0], $0xffff  }
0xe7: {  	v11 =	vbroadcast v6, $0x0;
	v6 =	vld.idx.msk [tilespmem:v5+s15+$0x0], $0xffff  }
0xe8: {  	v8 =	vld.idx.msk [tilespmem:v8+s15+$0x0], $0xffff  }
0xe9: {  	s31 =	simm.s32 $0x0;
	v9 =	vor.u32 v0, v11  }
0xea: {  	s28 =	simm.s32 $0x7;
	s2 =	simm.s32 $0x6100;
	s26 =	simm.s32 $0x6140;
	v4 =	vor.u32 v2, v11;
	v5 =	vor.u32 v3, v11;
	[tilespmem:s30+$0x20] =	vst v10;
	v10 =	vor.u32 v1, v11  }
.LBB2_10:
0xeb: {  	s31 =	sadd.s32 $0x4, s31;
	[tilespmem:s30+$0x0] =	vst v7;
	s29 =	sadd.s32 $0x8, s29;
	s2 =	sadd.s32 $0x200, s2  }
0xec: {  	p1 =	slt.u32 s31, $0x3C;
	[tilespmem:s30+$0x10] =	vst v6  }
0xed: {  	[tilespmem:s30+$0x30] =	vst v8  }
0xee: {  	v6 =	vld.idx.msk [tilespmem:v9+s15+$0x0], $0xffff  }
0xef: {  	v7 =	vmov s29;
	v8 =	vld.idx.msk [tilespmem:v10+s15+$0x0], $0xffff  }
0xf0: {  	v7 =	vand.u32 $0x78, v7;
	v5 =	vld.idx.msk [tilespmem:v5+s15+$0x0], $0xffff  }
0xf1: {  	v7 =	vbroadcast v7, $0x0;
	v4 =	vld.idx.msk [tilespmem:v4+s15+$0x0], $0xffff;
	_ =	sdelay $0x1  }
0xf2: {  	v9 =	vor.u32 v0, v7;
	v10 =	vor.u32 v1, v7;
	v11 =	vor.u32 v2, v7  }
0xf3: {  	v7 =	vor.u32 v3, v7;
	[tilespmem:s30+$0x80] =	vst v6  }
0xf4: {  	[tilespmem:s30+$0x90] =	vst v8  }
0xf5: {  	[tilespmem:s30+$0xB0] =	vst v5  }
0xf6: {  	[tilespmem:s30+$0xA0] =	vst v4;
	s30 =	smov.u32 s2  }
0xf7: {  	s0 =	sadd.s32 $0x2, s29;
	v4 =	vld.idx.msk [tilespmem:v9+s15+$0x0], $0xffff  }
0xf8: {  	v6 =	vmov s0;
	v5 =	vld.idx.msk [tilespmem:v11+s15+$0x0], $0xffff  }
0xf9: {  	v6 =	vand.u32 $0x7A, v6;
	v7 =	vld.idx.msk [tilespmem:v7+s15+$0x0], $0xffff  }
0xfa: {  	v6 =	vbroadcast v6, $0x0;
	v8 =	vld.idx.msk [tilespmem:v10+s15+$0x0], $0xffff;
	_ =	sdelay $0x1  }
0xfb: {  	v9 =	vor.u32 v0, v6  }
0xfc: {  	[tilespmem:s2+$0xFFFFFF00] =	vst v4;
	v4 =	vor.u32 v1, v6  }
0xfd: {  	[tilespmem:s2+$0xFFFFFF20] =	vst v5;
	v5 =	vor.u32 v2, v6  }
0xfe: {  	v6 =	vor.u32 v3, v6;
	[tilespmem:s2+$0xFFFFFF30] =	vst v7  }
0xff: {  	[tilespmem:s2+$0xFFFFFF10] =	vst v8  }
0x100: {  	s0 =	sadd.s32 $0x4, s29;
	v7 =	vld.idx.msk [tilespmem:v9+s15+$0x0], $0xffff  }
0x101: {  	v8 =	vmov s0;
	v4 =	vld.idx.msk [tilespmem:v4+s15+$0x0], $0xffff  }
0x102: {  	v8 =	vand.u32 $0x7C, v8;
	v5 =	vld.idx.msk [tilespmem:v5+s15+$0x0], $0xffff  }
0x103: {  	v8 =	vbroadcast v8, $0x0;
	v6 =	vld.idx.msk [tilespmem:v6+s15+$0x0], $0xffff;
	_ =	sdelay $0x1  }
0x104: {  	v9 =	vor.u32 v2, v8  }
0x105: {  	[tilespmem:s2+$0xFFFFFF80] =	vst v7;
	v7 =	vor.u32 v0, v8  }
0x106: {  	[tilespmem:s2+$0xFFFFFF90] =	vst v4;
	v4 =	vor.u32 v1, v8  }
0x107: {  	[tilespmem:s2+$0xFFFFFFA0] =	vst v5;
	v5 =	vor.u32 v3, v8  }
0x108: {  	[tilespmem:s2+$0xFFFFFFB0] =	vst v6  }
0x109: {  	s0 =	sadd.s32 $0x6, s29;
	v10 =	vld.idx.msk [tilespmem:v9+s15+$0x0], $0xffff  }
0x10a: {  	v8 =	vmov s0;
	v7 =	vld.idx.msk [tilespmem:v7+s15+$0x0], $0xffff  }
.Ltmp8:
0x10b: {  	v6 =	vld.idx.msk [tilespmem:v4+s15+$0x0], $0xffff;
	v4 =	vand.u32 $0x7E, v8;
	(pc) =	sbr.rel @p1 .LBB2_10-.Ltmp8, $3  }
0x10c: {  	v8 =	vld.idx.msk [tilespmem:v5+s15+$0x0], $0xffff;
	v11 =	vbroadcast v4, $0x0;
	_ =	sdelay $0x1  }
0x10d: {  	v9 =	vor.u32 v0, v11;
	v4 =	vor.u32 v2, v11;
	v5 =	vor.u32 v3, v11  }
0x10e: {  	[tilespmem:s2+$0x20] =	vst v10;
	v10 =	vor.u32 v1, v11  }
0x10f: {  	_ = 	snop  }
0x110: {  	[tilespmem:s30+$0x0] =	vst v7  }
0x111: {  	[tilespmem:s30+$0x10] =	vst v6  }
0x112: {  	s0 =	simm.s32 $0x1;
	[tilespmem:s30+$0x30] =	vst v8  }
0x113: {  	v7 =	vmov s0;
	v6 =	vld.idx.msk [tilespmem:v9+s15+$0x0], $0xffff  }
0x114: {  	v8 =	vld.idx.msk [tilespmem:v10+s15+$0x0], $0xffff;
	v7 =	vand.u32 $0x79, v7  }
0x115: {  	v5 =	vld.idx.msk [tilespmem:v5+s15+$0x0], $0xffff;
	v7 =	vbroadcast v7, $0x0  }
0x116: {  	v4 =	vld.idx.msk [tilespmem:v4+s15+$0x0], $0xffff  }
0x117: {  	v9 =	vor.u32 v0, v7  }
0x118: {  	[tilespmem:s30+$0x80] =	vst v6;
	v6 =	vor.u32 v2, v7  }
0x119: {  	[tilespmem:s30+$0x90] =	vst v8;
	v8 =	vor.u32 v3, v7  }
0x11a: {  	[tilespmem:s30+$0xB0] =	vst v5;
	v5 =	vor.u32 v1, v7  }
0x11b: {  	[tilespmem:s30+$0xA0] =	vst v4;
	s30 =	simm.s32 $0x3  }
0x11c: {  	v7 =	vmov s30;
	v4 =	vld.idx.msk [tilespmem:v9+s15+$0x0], $0xffff  }
0x11d: {  	v7 =	vand.u32 $0x7B, v7;
	v6 =	vld.idx.msk [tilespmem:v6+s15+$0x0], $0xffff  }
0x11e: {  	v7 =	vbroadcast v7, $0x0;
	v8 =	vld.idx.msk [tilespmem:v8+s15+$0x0], $0xffff  }
0x11f: {  	v5 =	vld.idx.msk [tilespmem:v5+s15+$0x0], $0xffff  }
0x120: {  	v9 =	vor.u32 v0, v7  }
0x121: {  	[tilespmem:s26+$0xFFFFFF00] =	vst v4;
	v4 =	vor.u32 v1, v7  }
0x122: {  	[tilespmem:s26+$0xFFFFFF20] =	vst v6;
	v6 =	vor.u32 v2, v7  }
0x123: {  	[tilespmem:s26+$0xFFFFFF30] =	vst v8;
	v7 =	vor.u32 v3, v7  }
0x124: {  	s31 =	simm.s32 $0x5;
	[tilespmem:s26+$0xFFFFFF10] =	vst v5  }
0x125: {  	v8 =	vmov s31;
	v5 =	vld.idx.msk [tilespmem:v9+s15+$0x0], $0xffff  }
0x126: {  	v8 =	vand.u32 $0x7D, v8;
	v4 =	vld.idx.msk [tilespmem:v4+s15+$0x0], $0xffff  }
0x127: {  	v8 =	vbroadcast v8, $0x0;
	v6 =	vld.idx.msk [tilespmem:v6+s15+$0x0], $0xffff  }
0x128: {  	v7 =	vld.idx.msk [tilespmem:v7+s15+$0x0], $0xffff  }
0x129: {  	v9 =	vor.u32 v2, v8  }
0x12a: {  	[tilespmem:s26+$0xFFFFFF80] =	vst v5;
	v5 =	vor.u32 v0, v8  }
0x12b: {  	[tilespmem:s26+$0xFFFFFF90] =	vst v4;
	v4 =	vor.u32 v1, v8  }
0x12c: {  	v8 =	vor.u32 v3, v8;
	[tilespmem:s26+$0xFFFFFFA0] =	vst v6  }
0x12d: {  	[tilespmem:s26+$0xFFFFFFB0] =	vst v7  }
0x12e: {  	v6 =	vmov s28;
	v10 =	vld.idx.msk [tilespmem:v9+s15+$0x0], $0xffff  }
0x12f: {  	v6 =	vand.u32 $0x7F, v6;
	v7 =	vld.idx.msk [tilespmem:v5+s15+$0x0], $0xffff  }
0x130: {  	v11 =	vbroadcast v6, $0x0;
	v6 =	vld.idx.msk [tilespmem:v4+s15+$0x0], $0xffff  }
0x131: {  	v8 =	vld.idx.msk [tilespmem:v8+s15+$0x0], $0xffff  }
0x132: {  	v9 =	vor.u32 v0, v11  }
0x133: {  	s29 =	simm.s32 $0x0;
	s2 =	simm.s32 $0x6140;
	v4 =	vor.u32 v2, v11;
	v5 =	vor.u32 v3, v11;
	[tilespmem:s26+$0x20] =	vst v10;
	v10 =	vor.u32 v1, v11  }
.LBB2_12:
0x134: {  	s29 =	sadd.s32 $0x4, s29;
	[tilespmem:s26+$0x0] =	vst v7;
	s28 =	sadd.s32 $0x8, s28;
	s2 =	sadd.s32 $0x200, s2  }
0x135: {  	p1 =	slt.u32 s29, $0x3C;
	[tilespmem:s26+$0x10] =	vst v6  }
0x136: {  	[tilespmem:s26+$0x30] =	vst v8  }
0x137: {  	s0 =	sadd.s32 $0xFFFFFFFA, s28;
	v6 =	vld.idx.msk [tilespmem:v9+s15+$0x0], $0xffff  }
0x138: {  	v7 =	vmov s0;
	v8 =	vld.idx.msk [tilespmem:v10+s15+$0x0], $0xffff  }
0x139: {  	v7 =	vand.u32 $0x79, v7;
	v5 =	vld.idx.msk [tilespmem:v5+s15+$0x0], $0xffff  }
0x13a: {  	v7 =	vbroadcast v7, $0x0;
	v4 =	vld.idx.msk [tilespmem:v4+s15+$0x0], $0xffff;
	_ =	sdelay $0x1  }
0x13b: {  	v9 =	vor.u32 v0, v7;
	v10 =	vor.u32 v1, v7;
	v11 =	vor.u32 v2, v7  }
0x13c: {  	v7 =	vor.u32 v3, v7;
	[tilespmem:s26+$0x80] =	vst v6  }
0x13d: {  	[tilespmem:s26+$0x90] =	vst v8  }
0x13e: {  	[tilespmem:s26+$0xB0] =	vst v5  }
0x13f: {  	[tilespmem:s26+$0xA0] =	vst v4;
	s26 =	smov.u32 s2  }
0x140: {  	s0 =	sadd.s32 $0xFFFFFFFC, s28;
	v4 =	vld.idx.msk [tilespmem:v9+s15+$0x0], $0xffff  }
0x141: {  	v6 =	vmov s0;
	v5 =	vld.idx.msk [tilespmem:v11+s15+$0x0], $0xffff  }
0x142: {  	v6 =	vand.u32 $0x7B, v6;
	v7 =	vld.idx.msk [tilespmem:v7+s15+$0x0], $0xffff  }
0x143: {  	v6 =	vbroadcast v6, $0x0;
	v8 =	vld.idx.msk [tilespmem:v10+s15+$0x0], $0xffff;
	_ =	sdelay $0x1  }
0x144: {  	v9 =	vor.u32 v0, v6  }
0x145: {  	[tilespmem:s2+$0xFFFFFF00] =	vst v4;
	v4 =	vor.u32 v1, v6  }
0x146: {  	[tilespmem:s2+$0xFFFFFF20] =	vst v5;
	v5 =	vor.u32 v2, v6  }
0x147: {  	v6 =	vor.u32 v3, v6;
	[tilespmem:s2+$0xFFFFFF30] =	vst v7  }
0x148: {  	[tilespmem:s2+$0xFFFFFF10] =	vst v8  }
0x149: {  	s0 =	sadd.s32 $0xFFFFFFFE, s28;
	v7 =	vld.idx.msk [tilespmem:v9+s15+$0x0], $0xffff  }
0x14a: {  	v8 =	vmov s0;
	v4 =	vld.idx.msk [tilespmem:v4+s15+$0x0], $0xffff  }
0x14b: {  	v8 =	vand.u32 $0x7D, v8;
	v5 =	vld.idx.msk [tilespmem:v5+s15+$0x0], $0xffff  }
0x14c: {  	v8 =	vbroadcast v8, $0x0;
	v6 =	vld.idx.msk [tilespmem:v6+s15+$0x0], $0xffff;
	_ =	sdelay $0x1  }
0x14d: {  	v9 =	vor.u32 v2, v8  }
0x14e: {  	[tilespmem:s2+$0xFFFFFF80] =	vst v7;
	v7 =	vor.u32 v0, v8  }
0x14f: {  	[tilespmem:s2+$0xFFFFFF90] =	vst v4;
	v4 =	vor.u32 v1, v8  }
0x150: {  	[tilespmem:s2+$0xFFFFFFA0] =	vst v5;
	v5 =	vor.u32 v3, v8  }
0x151: {  	[tilespmem:s2+$0xFFFFFFB0] =	vst v6  }
0x152: {  	v10 =	vld.idx.msk [tilespmem:v9+s15+$0x0], $0xffff  }
0x153: {  	v8 =	vmov s28;
	v7 =	vld.idx.msk [tilespmem:v7+s15+$0x0], $0xffff  }
.Ltmp9:
0x154: {  	v6 =	vld.idx.msk [tilespmem:v4+s15+$0x0], $0xffff;
	v4 =	vand.u32 $0x7F, v8;
	(pc) =	sbr.rel @p1 .LBB2_12-.Ltmp9, $3  }
0x155: {  	v8 =	vld.idx.msk [tilespmem:v5+s15+$0x0], $0xffff;
	v11 =	vbroadcast v4, $0x0;
	_ =	sdelay $0x1  }
0x156: {  	v9 =	vor.u32 v0, v11;
	v4 =	vor.u32 v2, v11;
	v5 =	vor.u32 v3, v11  }
0x157: {  	[tilespmem:s2+$0x20] =	vst v10;
	v10 =	vor.u32 v1, v11  }
0x158: {  	_ = 	snop  }
0x159: {  	[tilespmem:s26+$0x0] =	vst v7  }
0x15a: {  	[tilespmem:s26+$0x10] =	vst v6  }
0x15b: {  	[tilespmem:s26+$0x30] =	vst v8  }
0x15c: {  	v6 =	vld.idx.msk [tilespmem:v9+s15+$0x0], $0xffff  }
0x15d: {  	v7 =	vld.idx.msk [tilespmem:v10+s15+$0x0], $0xffff  }
0x15e: {  	v5 =	vld.idx.msk [tilespmem:v5+s15+$0x0], $0xffff  }
0x15f: {  	v4 =	vld.idx.msk [tilespmem:v4+s15+$0x0], $0xffff;
	_ =	sdelay $0x1  }
.Ltmp10:
0x160: {  	[tilespmem:s26+$0x80] =	vst v6;
	(pc) =	sbr.rel .LBB2_14-.Ltmp10, $4  }
0x161: {  	[tilespmem:s26+$0x90] =	vst v7  }
0x162: {  	s0 =	sshll.u32 s25, $0xA;
	[tilespmem:s26+$0xB0] =	vst v5  }
0x163: {  	s0 =	sadd.s32 s7, s0;
	[tilespmem:s26+$0xA0] =	vst v4  }
0x164: {  	[hbm4b:s0+s4] =	stream.linear.scatter [tilespmem:s18], [sflag:$0x2], $0x2000, $0x38;
	[tilespmem:$0xA000] =	vst v63  }
.LBB2_15:
0x165: {  	_ =	swait.ge [sflag:s19], $0x2000  }
.Ltmp11:
0x166: {  	[sflag:s19] =	ssyncset.done $0x0;
	(pc) =	sbr.rel @p0 .LBB2_19-.Ltmp11, $4  }
0x167: {  	[sflag:s19] =	ssyncadd.s32 $0xFFFFE000  }
0x168: {  	_ =	swait.ge [sflag:s19], $0x2000  }
0x169: {  	[sflag:s19] =	ssyncset.done $0x0  }
0x16a: {  	[sflag:s19] =	ssyncadd.s32 $0xFFFFE000  }
0x16b: {  	s0 =	simm.s32 $0x0  }
0x16c: {  	[tilespmem:s20], [sflag:$0x3] =	stream.linear.gather [hbm4b:s3+s0], $0x2000, $0x38;
	[tilespmem:$0xA000] =	vst v63  }
0x16d: {  	_ =	swait.ge [sflag:s21], $0x2000  }
0x16e: {  	[sflag:s21] =	ssyncset.done $0x0  }
0x16f: {  	s31 =	simm.s32 $0x0;
	[sflag:s21] =	ssyncadd.s32 $0xFFFFE000  }
0x170: {  	v4 =	vld [tilespmem:s31+$0x8000];
	_ =	sdelay $0x3  }
0x171: {  	s2 =	simm.s32 $0x4040  }
0x172: {  	[tilespmem:s2+$0xFFFFFFC0] =	vst v4  }
0x173: {  	v4 =	vld [tilespmem:s31+$0x8010];
	_ =	sdelay $0x4  }
0x174: {  	[tilespmem:s2+$0xFFFFFFD0] =	vst v4  }
0x175: {  	v4 =	vld [tilespmem:s31+$0x8020];
	_ =	sdelay $0x4  }
0x176: {  	[tilespmem:s2+$0xFFFFFFE0] =	vst v4  }
0x177: {  	v4 =	vld [tilespmem:s31+$0x8030];
	_ =	sdelay $0x4  }
0x178: {  	[tilespmem:s2+$0xFFFFFFF0] =	vst v4  }
0x179: {  	v4 =	vld [tilespmem:s31+$0x8080];
	_ =	sdelay $0x4  }
0x17a: {  	[tilespmem:s2+$0x0] =	vst v4  }
0x17b: {  	v4 =	vld [tilespmem:s31+$0x8090];
	_ =	sdelay $0x4  }
0x17c: {  	[tilespmem:s2+$0x10] =	vst v4  }
0x17d: {  	v4 =	vld [tilespmem:s31+$0x80A0];
	_ =	sdelay $0x4  }
0x17e: {  	[tilespmem:s2+$0x20] =	vst v4  }
0x17f: {  	v4 =	vld [tilespmem:s31+$0x80B0];
	_ =	sdelay $0x4  }
0x180: {  	s23 =	simm.s32 $0x100;
	s24 =	simm.s32 $0x800;
	[tilespmem:s2+$0x30] =	vst v4  }
.LBB2_17:
0x181: {  	p1 =	sne.s32 s24, $0x7C00;
	v4 =	vld [tilespmem:s23+$0x8000];
	_ =	sdelay $0x3  }
0x182: {  	s2 =	sadd.s32 $0x80, s2  }
0x183: {  	[tilespmem:s2+$0xFFFFFFC0] =	vst v4  }
0x184: {  	v4 =	vld [tilespmem:s23+$0x8010];
	_ =	sdelay $0x4  }
0x185: {  	[tilespmem:s2+$0xFFFFFFD0] =	vst v4  }
0x186: {  	v4 =	vld [tilespmem:s23+$0x8020];
	_ =	sdelay $0x4  }
0x187: {  	[tilespmem:s2+$0xFFFFFFE0] =	vst v4  }
0x188: {  	v4 =	vld [tilespmem:s23+$0x8030];
	_ =	sdelay $0x4  }
0x189: {  	[tilespmem:s2+$0xFFFFFFF0] =	vst v4  }
0x18a: {  	v4 =	vld [tilespmem:s23+$0x8080];
	_ =	sdelay $0x4  }
0x18b: {  	[tilespmem:s2+$0x0] =	vst v4  }
0x18c: {  	v4 =	vld [tilespmem:s23+$0x8090];
	_ =	sdelay $0x4  }
0x18d: {  	[tilespmem:s2+$0x10] =	vst v4  }
0x18e: {  	v4 =	vld [tilespmem:s23+$0x80A0];
	_ =	sdelay $0x4  }
0x18f: {  	[tilespmem:s2+$0x20] =	vst v4  }
0x190: {  	v4 =	vld [tilespmem:s23+$0x80B0]  }
.Ltmp12:
0x191: {  	(pc) =	sbr.rel @p1 .LBB2_17-.Ltmp12, $2  }
0x192: {  	_ =	sdelay $0x2  }
0x193: {  	s23 =	sshra.s32 s24, $0x2;
	s24 =	sadd.s32 $0x400, s24;
	[tilespmem:s2+$0x30] =	vst v4  }
0x194: {  	v4 =	vld [tilespmem:s23+$0x8000];
	_ =	sdelay $0x3  }
0x195: {  	s0 =	sadd.s32 $0x80, s2  }
0x196: {  	[tilespmem:s0+$0xFFFFFFC0] =	vst v4  }
0x197: {  	v4 =	vld [tilespmem:s23+$0x8010];
	_ =	sdelay $0x4  }
0x198: {  	[tilespmem:s0+$0xFFFFFFD0] =	vst v4  }
0x199: {  	v4 =	vld [tilespmem:s23+$0x8020];
	_ =	sdelay $0x4  }
0x19a: {  	[tilespmem:s0+$0xFFFFFFE0] =	vst v4  }
0x19b: {  	v4 =	vld [tilespmem:s23+$0x8030];
	_ =	sdelay $0x4  }
0x19c: {  	[tilespmem:s0+$0xFFFFFFF0] =	vst v4  }
0x19d: {  	v4 =	vld [tilespmem:s23+$0x8080];
	_ =	sdelay $0x4  }
0x19e: {  	[tilespmem:s0+$0x0] =	vst v4  }
0x19f: {  	v4 =	vld [tilespmem:s23+$0x8090];
	_ =	sdelay $0x4  }
0x1a0: {  	[tilespmem:s0+$0x10] =	vst v4  }
0x1a1: {  	v4 =	vld [tilespmem:s23+$0x80A0];
	_ =	sdelay $0x4  }
0x1a2: {  	[tilespmem:s0+$0x20] =	vst v4  }
0x1a3: {  	v4 =	vld [tilespmem:s23+$0x80B0];
	_ =	sdelay $0x4  }
.Ltmp13:
0x1a4: {  	[tilespmem:s0+$0x30] =	vst v4;
	(pc) =	sbr.rel .LBB2_19-.Ltmp13, $4  }
0x1a5: {  	[hbm4b:s11+s4] =	stream.linear.scatter [tilespmem:s17], [sflag:$0x3], $0x1000, $0x38;
	[tilespmem:$0xA000] =	vst v63  }
0x1a6: {  	_ =	swait.ge [sflag:s21], $0x1000  }
0x1a7: {  	[sflag:s21] =	ssyncset.done $0x0  }
0x1a8: {  	[sflag:s21] =	ssyncadd.s32 $0xFFFFF000  }
.LBB2_20:
0x1a9: {  	_ =	sfence.sel $0x180000  }
0x1aa: {  	[bflag:$0x0] =	sbarrier.arrive $0xFFFF  }
0x1ab: {  	_ =	strace $0x90000047  }
0x1ac: {  	s0 =	stileid.u32;
	[bflag:$0x2] =	sbarrier.arrive $0xFFFF  }
0x1ad: {  	p0 =	sne.s32 s0, $0x0;
	s0 =	rddreg [dreg:$0x3]  }
0x1ae: {  	s0 =	sadd.s32 @!p0 $0x100000, s0  }
0x1af: {  	[sflag:s0] =	ssyncadd.tile.s32 @!p0 $0x1;
	_ =	shalt  }
.Lfunc_end2:
_tile_overlayer_lowered:
.L_overlay_start_2:
0x1b0: {  	(tag) =	ssettag $0x2  }
0x1b1: {  	s0 =	rddreg [dreg:$0x0];
	s2 =	stileid.u32  }
0x1b2: {  	s1 =	rddreg [dreg:$0x1];
	p0 =	sne.s32 s2, $0x0  }
0x1b3: {  	s3 =	rddreg [dreg:$0x2];
	[bflag:$0x3] =	sbarrier.arrive $0xFFFF;
	s2 =	simm.s32 @!p0 $0x1C03  }
0x1b4: {  	[timem:s3], [sflag:s2] =	dma.local @!p0 [hbm:s0], s1  }
0x1b5: {  	s0 =	simm.s32 @!p0 $0x3  }
0x1b6: {  	_ =	swait.ge @!p0 [sflag:s0], s1  }
0x1b7: {  	s1 =	ssub.s32 @!p0 $0x0, s1;
	[sflag:s0] =	ssyncset.done @!p0 $0x0  }
0x1b8: {  	[sflag:s0] =	ssyncadd.s32 @!p0 s1  }
0x1b9: {  	[bflag:$0x3] =	sbarrier.arrive $0xFFFF  }
0x1ba: {  	_ =	shalt  }

// kernel: kernel.7.cloned.1.call-start
scs
__scs_entry_jumppad:
0x0: {  	(pc) =	sbr.rel $0x88, $3  }
0x1: {  	(tag) =	ssettag $0x0;
	lr =	simm.s32 $0x1  }
0x2: {  	[smem:$0x3F9E] =	sst lr;
	_ =	strace $0xD0000000  }
0x3: {  	_ = 	snop  }
0x4: {  	_ = 	snop  }
0x5: {  	_ = 	snop  }
0x6: {  	_ = 	snop  }
0x7: {  	_ = 	snop  }
__scs_overlays_trampoline_lowered:
0x8: {  	[smem:$0x3FAD] =	sst s0  }
0x9: {  	[smem:$0x3FAE] =	sst s1  }
0xa: {  	[smem:$0x3FAF] =	sst s2  }
0xb: {  	[smem:$0x3FB0] =	sst s3  }
0xc: {  	[smem:$0x3FB1] =	sst s4  }
0xd: {  	[smem:$0x3FB2] =	sst s5  }
0xe: {  	[smem:$0x3FB3] =	sst s6  }
0xf: {  	[smem:$0x3FB4] =	sst s7  }
0x10: {  	[smem:$0x3FB5] =	sst s8  }
0x11: {  	[smem:$0x3FB6] =	sst s9;
	s0 =	simm.s32 @!p0 $0x0  }
0x12: {  	s1 =	sld [smem:$0x3F9C];
	s0 =	simm.s32 @p0 $0x1  }
0x13: {  	[smem:$0x3FB7] =	sst s0;
	s0 =	simm.s32 @!p1 $0x0  }
0x14: {  	s2 =	sld [smem:$0x3F9B];
	s0 =	simm.s32 @p1 $0x1  }
0x15: {  	[smem:$0x3FB8] =	sst s0;
	s0 =	simm.s32 @!p2 $0x0  }
0x16: {  	s3 =	sld [smem:$0x3FDB];
	s0 =	simm.s32 @p2 $0x1  }
0x17: {  	s4 =	simm.s32 $0x1BF5;
	[smem:$0x3FBA] =	sst s0  }
0x18: {  	s0 =	sld [smem:$0x3F9D];
	_ =	swait.ge [sflag:s4], $0x0  }
0x19: {  	s7 =	sld [smem:$0x3F9E]  }
0x1a: {  	s8 =	sadd.s32 $0xFFFFE003, lr  }
0x1b: {  	s9 =	sadd.s32 $0xFFFFFEF7, lr;
	s5 =	simm.s32 $0xFFFFFFFF;
	p2 =	slt.u32 s8, $0xFFFFF086  }
0x1c: {  	p1 =	slt.u32 s9, $0xF7A;
	s5 =	simm.s32 @!p2 $0x0  }
0x1d: {  	s5 =	simm.s32 @p1 $0x1;
	p0 =	seq.s32 s7, s2  }
0x1e: {  	s7 =	smul.u32 @!p0 $0xF7A, s2;
	p2 =	seq.s32 @!p0 s5, $0x0  }
0x1f: {  	s9 =	smul.u32 $0xF7A, s1;
	s8 =	simm.s32 @!p0 $0x1BF5;
	p2 =	por !p2, p0  }
0x20: {  	[sflag:s8] =	ssyncset.s32 @!p0 $0xFFFFF086;
	s6 =	sadd.s32 @!p0 s3, s7;
	s7 =	simm.s32 @!p0 $0x108  }
0x21: {  	s3 =	sadd.s32 s3, s9;
	s6 =	sadd.s32 @!p0 $0x88, s6;
	s7 =	simm.s32 @p2 $0x1082  }
0x22: {  	[simem:s7], [sflag:s8] =	dma.local @!p0 [hbm:s6], $0xF7A  }
0x23: {  	s9 =	sor.u32 $0xD0000000, s2;
	s6 =	simm.s32 $0x108;
	_ =	swait.ge @!p0 [sflag:s8], $0x0  }
0x24: {  	s3 =	sadd.s32 $0x88, s3;
	s6 =	simm.s32 @!p1 $0x1082;
	[sflag:s4] =	ssyncset.s32 $0xFFFFF086  }
0x25: {  	[simem:s6], [sflag:s4] =	dma.local [hbm:s3], $0xF7A  }
0x26: {  	[smem:$0x3F9E] =	sst s1;
	(tag) =	ssettag s2;
	_ =	strace s9  }
0x27: {  	s1 =	sld [smem:$0x3FAE]  }
0x28: {  	s2 =	sld [smem:$0x3FAF]  }
0x29: {  	s4 =	sld [smem:$0x3FB1]  }
0x2a: {  	p0 =	seq.s32 s5, $0x0;
	s5 =	sld [smem:$0x3FB2]  }
0x2b: {  	s6 =	sld [smem:$0x3FB3]  }
0x2c: {  	s7 =	sld [smem:$0x3FB4]  }
0x2d: {  	s3 =	simm.s32 $0x108;
	s8 =	sld [smem:$0x3FB5]  }
0x2e: {  	s3 =	simm.s32 @!p0 $0x1082;
	s9 =	sld [smem:$0x3FB6]  }
0x2f: {  	lr =	sadd.s32 s0, s3;
	s0 =	sld [smem:$0x3FAD]  }
0x30: {  	s3 =	sld [smem:$0x3FB0]  }
0x31: {  	[smem:$0x3FB9] =	sst s10  }
0x32: {  	s10 =	sld [smem:$0x3FB7];
	_ =	sdelay $0x3  }
0x33: {  	p0 =	seq.s32 s10, $0x1;
	s10 =	sld [smem:$0x3FB9];
	_ =	sdelay $0x3  }
0x34: {  	[smem:$0x3FB9] =	sst s10  }
0x35: {  	s10 =	sld [smem:$0x3FB8];
	_ =	sdelay $0x3  }
0x36: {  	p1 =	seq.s32 s10, $0x1;
	s10 =	sld [smem:$0x3FB9];
	_ =	sdelay $0x3  }
0x37: {  	[smem:$0x3FB9] =	sst s10  }
0x38: {  	s10 =	sld [smem:$0x3FBA]  }
0x39: {  	_ = 	snop;
	(pc) =	sbr.ind lr, $3  }
0x3a: {  	_ = 	snop  }
0x3b: {  	_ = 	snop  }
0x3c: {  	p2 =	seq.s32 s10, $0x1;
	s10 =	sld [smem:$0x3FB9]  }
0x3d: {  	_ =	shalt  }
0x3e: {  	_ =	shalt  }
0x3f: {  	_ =	shalt  }
0x40: {  	_ =	shalt  }
0x41: {  	_ =	shalt  }
0x42: {  	_ =	shalt  }
0x43: {  	_ =	shalt  }
0x44: {  	_ =	shalt  }
0x45: {  	_ =	shalt  }
0x46: {  	_ =	shalt  }
0x47: {  	_ =	shalt  }
0x48: {  	_ =	shalt  }
0x49: {  	_ =	shalt  }
0x4a: {  	_ =	shalt  }
0x4b: {  	_ =	shalt  }
0x4c: {  	_ =	shalt  }
0x4d: {  	_ =	shalt  }
0x4e: {  	_ =	shalt  }
0x4f: {  	_ =	shalt  }
0x50: {  	_ =	shalt  }
0x51: {  	_ =	shalt  }
0x52: {  	_ =	shalt  }
0x53: {  	_ =	shalt  }
0x54: {  	_ =	shalt  }
0x55: {  	_ =	shalt  }
0x56: {  	_ =	shalt  }
0x57: {  	_ =	shalt  }
0x58: {  	_ =	shalt  }
0x59: {  	_ =	shalt  }
0x5a: {  	_ =	shalt  }
0x5b: {  	_ =	shalt  }
0x5c: {  	_ =	shalt  }
0x5d: {  	_ =	shalt  }
0x5e: {  	_ =	shalt  }
0x5f: {  	_ =	shalt  }
0x60: {  	_ =	shalt  }
0x61: {  	_ =	shalt  }
0x62: {  	_ =	shalt  }
0x63: {  	_ =	shalt  }
0x64: {  	_ =	shalt  }
0x65: {  	_ =	shalt  }
0x66: {  	_ =	shalt  }
0x67: {  	_ =	shalt  }
0x68: {  	_ =	shalt  }
0x69: {  	_ =	shalt  }
0x6a: {  	_ =	shalt  }
0x6b: {  	_ =	shalt  }
0x6c: {  	_ =	shalt  }
0x6d: {  	_ =	shalt  }
0x6e: {  	_ =	shalt  }
0x6f: {  	_ =	shalt  }
0x70: {  	_ =	shalt  }
0x71: {  	_ =	shalt  }
0x72: {  	_ =	shalt  }
0x73: {  	_ =	shalt  }
0x74: {  	_ =	shalt  }
0x75: {  	_ =	shalt  }
0x76: {  	_ =	shalt  }
0x77: {  	_ =	shalt  }
0x78: {  	_ =	shalt  }
0x79: {  	_ =	shalt  }
0x7a: {  	_ =	shalt  }
0x7b: {  	_ =	shalt  }
0x7c: {  	_ =	shalt  }
0x7d: {  	_ =	shalt  }
0x7e: {  	_ =	shalt  }
0x7f: {  	_ =	shalt  }
0x80: {  	_ =	shalt  }
0x81: {  	_ =	shalt  }
0x82: {  	_ =	shalt  }
0x83: {  	_ =	shalt  }
0x84: {  	_ =	shalt  }
0x85: {  	_ =	shalt  }
0x86: {  	_ =	shalt  }
0x87: {  	_ =	shalt  }
.Lfunc_end0:
.L_simem_size_0:
called_computation.1_lowered:
.L_overlay_start_0:
0x88: {  	s2 =	sld [smem:$0x3FD9]  }
0x89: {  	s3 =	sld [smem:$0x3FFE];
	_ =	sdelay $0x1  }
0x8a: {  	s1 =	srdreg.scid  }
0x8b: {  	s0 =	sand.u32 $0x1, s1  }
0x8c: {  	s17 =	sshll.u32 s0, $0xA;
	s2 =	sadd.s32 s3, s2  }
0x8d: {  	s2 =	sadd.s32 s2, s17  }
0x8e: {  	[smem:$0x3FC5] =	sst s2  }
0x8f: {  	_ = 	snop  }
0x90: {  	s2 =	sld [smem:$0x3FC9]  }
0x91: {  	s18 =	sld [smem:$0x3FC7]  }
0x92: {  	s4 =	sld [smem:$0x3FD0];
	(tm) =	ssettm $0x1  }
0x93: {  	s5 =	sld [smem:$0x3FFB];
	_ =	sdelay $0x3  }
0x94: {  	_ =	strace s5  }
0x95: {  	s5 =	sld [smem:$0x3FFC];
	_ =	sdelay $0x3  }
0x96: {  	_ =	strace s5  }
0x97: {  	s5 =	sld [smem:$0x3FFD];
	_ =	sdelay $0x3  }
0x98: {  	_ =	strace s5  }
0x99: {  	_ =	strace $0x8FFFFFFF  }
0x9a: {  	s19 =	sld [smem:$0x3FDB];
	_ =	sdelay $0x1  }
0x9b: {  	s6 =	simm.s32 $_scs_section_size  }
0x9c: {  	s7 =	simm.s32 $_size__tile_overlayer_lowered;
	s8 =	simm.s32 $_tile_overlayer_lowered  }
0x9d: {  	s22 =	simm.s32 $0x1BFF;
	s21 =	sshll.u32 s8, $0x1;
	s5 =	sadd.s32 s6, s19  }
0x9e: {  	s9 =	simm.s32 $0x0;
	s20 =	sshll.u32 s7, $0x1;
	s7 =	sadd.s32 s21, s5  }
0x9f: {  	[timem:s9], [sflag:s22] =	dma.local [hbm:s7], s20  }
0xa0: {  	_ =	swait.ge [sflag:s22], s20  }
0xa1: {  	s6 =	ssub.s32 $0x0, s20;
	[sflag:s22] =	ssyncset.done $0x0  }
0xa2: {  	[sflag:s22] =	ssyncadd.s32 s6;
	_ =	sdelay $0x1  }
0xa3: {  	s23 =	simm.s32 $0x1B8B  }
0xa4: {  	_ =	swait.ge [sflag:s23], $0x1  }
0xa5: {  	[sflag:s23] =	ssyncset.done $0x0  }
0xa6: {  	s25 =	simm.s32 $0x1B8E;
	s24 =	sld [smem:$0x3FFE];
	[sflag:s23] =	ssyncadd.s32 $0xFFFFFFFF  }
0xa7: {  	s26 =	simm.s32 $execute0_lowered;
	[smem:$0x3FD2] =	sst s25  }
0xa8: {  	s7 =	sshll.u32 s26, $0x1;
	_ =	strace $0x80000049;
	[dreg:$0x1] =	wrdreg $0xFFFFFFFF  }
0xa9: {  	s28 =	simm.s32 $_size_execute0_lowered;
	s5 =	sadd.s32 s5, s7;
	[dreg:$0x0] =	wrdreg $0x0  }
0xaa: {  	s7 =	sshll.u32 s28, $0x1;
	[dreg:$0x2] =	wrdreg s5  }
0xab: {  	[dreg:$0x3] =	wrdreg s7  }
0xac: {  	[dreg:$0x4] =	wrdreg $0xC0  }
0xad: {  	_ =	task [dreg:s9], $0x5FFFF  }
0xae: {  	[dreg:$0x1] =	wrdreg $0xFFFFFFFF  }
0xaf: {  	[dreg:$0x0] =	wrdreg $0x60  }
0xb0: {  	[dreg:$0x2] =	wrdreg s2  }
0xb1: {  	[dreg:$0x3] =	wrdreg s24  }
0xb2: {  	[dreg:$0x4] =	wrdreg s18  }
0xb3: {  	[dreg:$0x5] =	wrdreg s4  }
0xb4: {  	[dreg:$0x6] =	wrdreg $0x9  }
0xb5: {  	_ =	task.clear_ibuf [dreg:s9], $0x7FFFF;
	_ =	strace $0x90000049  }
0xb6: {  	s29 =	simm.s32 $0x9;
	_ =	strace $0x8000004B  }
0xb7: {  	_ =	swait.ge [sflag:s29], $0x1  }
0xb8: {  	[sflag:s29] =	ssyncadd.s32 $0xFFFFFFFF  }
0xb9: {  	_ =	strace $0x9000004B  }
0xba: {  	_ =	sfence  }
0xbb: {  	s30 =	sld [smem:$0x0];
	_ =	sdelay $0x2  }
0xbc: {  	s31 =	sshll.u32 s1, $0xD;
	s1 =	sshrl.u32 s1, $0x2  }
0xbd: {  	s3 =	sand.u32 $0x4000, s31;
	s1 =	sadd.s32 s1, s30  }
0xbe: {  	s0 =	sor.u32 s3, s0;
	s1 =	sshll.u32 s1, $0x11  }
0xbf: {  	s0 =	sor.u32 s1, s0  }
0xc0: {  	s0 =	sadd.s32 $0x8F2B, s0  }
0xc1: {  	[sflag:s0] =	ssyncadd.remote.s32 $0x1  }
0xc2: {  	_ =	sfence.sel $0xFFFF  }
0xc3: {  	[dreg:$0x0] =	wrdreg $0xFFFFFFFF;
	(pc) =	sbr.abs _section_cstart, $3  }
0xc4: {  	[dreg:$0x1] =	wrdreg $0xFFFFFFFF  }
0xc5: {  	_ =	task.clear_ibuf [dreg:s9], $0x2FFFF;
	_ =	strace $0x9FFFFFFF  }
0xc6: {  	(tm) =	ssettm $0x7FFFFFFF  }
0xc7: {  	_ =	shalt  }
tec
execute0_lowered:
.L_overlay_start_1:
0x0: {  	(tag) =	ssettag $0x1  }
0x1: {  	s0 =	rddreg [dreg:$0x0]  }
0x2: {  	s1 =	rddreg [dreg:$0x1]  }
0x3: {  	s3 =	rddreg [dreg:$0x3]  }
0x4: {  	s2 =	srdreg.scid;
	s4 =	stileid.u32  }
0x5: {  	s7 =	simm.s32 $0x0;
	s9 =	simm.s32 $0x400;
	s10 =	simm.s32 $0x8000  }
0x6: {  	s11 =	simm.s32 $0x3;
	s12 =	simm.s32 $0x6400;
	s13 =	simm.s32 $0x80  }
0x7: {  	s15 =	simm.s32 $0xA580;
	s16 =	simm.s32 $0xA480;
	s17 =	simm.s32 $0xE580  }
0x8: {  	s19 =	simm.s32 $0x12580;
	s20 =	simm.s32 $0x1;
	s21 =	simm.s32 $0x16580  }
0x9: {  	v0 =	vlaneseq.u32;
	s22 =	simm.s32 $0x18580;
	s23 =	simm.s32 $0x2;
	s24 =	simm.s32 $0x1A580  }
.Ltmp0:
0xa: {  	s25 =	simm.s32 $0x0;
	s2 =	sand.u32 $0x1, s2;
	v0 =	vmul.u32 $0x80, v0;
	(pc) =	sbr.rel .LBB2_1-.Ltmp0, $4  }
0xb: {  	v8 =	vimm.s32 $0x0;
	vm0 =	vcmask $0x300;
	s5 =	sshll.u32 s4, $0xB;
	s6 =	sshll.u32 s2, $0xA;
	s2 =	ssub.s32 $0x2, s2  }
0xc: {  	[smem:$0x7FF] =	sst s7;
	v8 =	vsel vm0, $0xB, v8;
	s5 =	sor.u32 s6, s5;
	s30 =	sshrl.u32 s2, $0x1;
	v1 =	vor.u32 $0x800, v0  }
0xd: {  	_ =	strace $0x8000004A;
	v2 =	vor.u32 $0x1000, v0;
	v3 =	vor.u32 $0x1800, v0;
	v4 =	vor.u32 $0x2000, v0;
	s8 =	sshrl.u32 s5, $0x3;
	s31 =	ssub.s32 s2, s30  }
0xe: {  	s6 =	sadd.s32 $0x800, s1;
	v5 =	vor.u32 $0x2800, v0;
	v6 =	vor.u32 $0x3000, v0;
	v7 =	vor.u32 $0x3800, v0;
	s7 =	sadd.s32 s0, s8;
	s8 =	smax.u32 s31, $0x1  }
.LBB2_22:
0xf: {  	_ =	swait.ge [sflag:s23], $0x2000  }
0x10: {  	[sflag:s23] =	ssyncset.done $0x0  }
0x11: {  	s25 =	sadd.s32 $0x1, s25;
	[sflag:s23] =	ssyncadd.s32 $0xFFFFE000  }
0x12: {  	p0 =	sne.s32 s25, s8;
	_ =	swait.ge [sflag:s23], $0x2000  }
.Ltmp1:
0x13: {  	[sflag:s23] =	ssyncset.done $0x0;
	(pc) =	sbr.rel @!p0 .LBB2_23-.Ltmp1, $4  }
0x14: {  	[sflag:s23] =	ssyncadd.s32 $0xFFFFE000  }
0x15: {  	_ =	swait.ge [sflag:s23], $0x2000  }
0x16: {  	[sflag:s23] =	ssyncset.done $0x0  }
0x17: {  	[sflag:s23] =	ssyncadd.s32 $0xFFFFE000  }
.LBB2_1:
0x18: {  	s1 =	simm.s32 $0x0  }
0x19: {  	[tilespmem:s1], [sflag:$0x3] =	stream.strided.gather [hbm4b:s7+s9], $0x6400, s10, s9, $0x38;
	[tilespmem:$0x1C580] =	vst v63  }
0x1a: {  	_ =	swait.ge [sflag:s11], $0x6400  }
0x1b: {  	[sflag:s11] =	ssyncset.done $0x0  }
0x1c: {  	[sflag:s11] =	ssyncadd.s32 $0xFFFF9C00  }
0x1d: {  	s0 =	rddreg [dreg:$0x2]  }
0x1e: {  	[tilespmem:s12], [sflag:$0x3] =	stream.linear.gather [hbm4b:s0+s1], $0x4000, $0x38;
	[tilespmem:$0x1C580] =	vst v63  }
0x1f: {  	_ =	swait.ge [sflag:s11], $0x4000  }
0x20: {  	[sflag:s11] =	ssyncset.done $0x0  }
0x21: {  	[sflag:s11] =	ssyncadd.s32 $0xFFFFC000  }
0x22: {  	v9 =	vld [tilespmem:$0x0]  }
0x23: {  	v10 =	vld [tilespmem:$0x10]  }
0x24: {  	v11 =	vld [tilespmem:$0x20]  }
0x25: {  	v12 =	vld [tilespmem:$0x30]  }
0x26: {  	v13 =	vld [tilespmem:$0x40]  }
0x27: {  	v14 =	vld [tilespmem:$0x50];
	v9 =	vshrl.u32 v9, $0x1  }
0x28: {  	[tilespmem:$0xA400] =	vst v9;
	v9 =	vshrl.u32 v10, $0x1;
	v10 =	vld [tilespmem:$0x60]  }
0x29: {  	[tilespmem:$0xA410] =	vst v9;
	v9 =	vshrl.u32 v11, $0x1;
	v11 =	vld [tilespmem:$0x70]  }
0x2a: {  	[tilespmem:$0xA420] =	vst v9;
	v9 =	vshrl.u32 v12, $0x1  }
0x2b: {  	[tilespmem:$0xA430] =	vst v9;
	v9 =	vshrl.u32 v13, $0x1  }
0x2c: {  	[tilespmem:$0xA440] =	vst v9;
	v9 =	vshrl.u32 v14, $0x1  }
0x2d: {  	[tilespmem:$0xA450] =	vst v9;
	v9 =	vshrl.u32 v10, $0x1  }
0x2e: {  	[tilespmem:$0xA460] =	vst v9;
	v9 =	vshrl.u32 v11, $0x1  }
0x2f: {  	s30 =	simm.s32 $0xA400;
	[tilespmem:$0xA470] =	vst v9  }
0x30: {  	[tilespmem:s15], [sflag:$0x1] =	stream.indirect.gather [hbm4b:s6+s13], $0x80, s30, s13, $0xb8;
	[tilespmem:$0x1C580] =	vst v63  }
0x31: {  	v9 =	vld [tilespmem:$0x80]  }
0x32: {  	v10 =	vld [tilespmem:$0x90]  }
0x33: {  	v11 =	vld [tilespmem:$0xA0]  }
0x34: {  	v58 =	vld [tilespmem:$0xB0]  }
0x35: {  	v59 =	vld [tilespmem:$0xC0]  }
0x36: {  	v60 =	vld [tilespmem:$0xD0];
	v9 =	vshrl.u32 v9, $0x1  }
0x37: {  	[tilespmem:$0xA480] =	vst v9;
	v9 =	vshrl.u32 v10, $0x1;
	v10 =	vld [tilespmem:$0xE0]  }
0x38: {  	[tilespmem:$0xA490] =	vst v9;
	v9 =	vshrl.u32 v11, $0x1;
	v11 =	vld [tilespmem:$0xF0]  }
0x39: {  	[tilespmem:$0xA4A0] =	vst v9;
	v9 =	vshrl.u32 v58, $0x1  }
0x3a: {  	[tilespmem:$0xA4B0] =	vst v9;
	v9 =	vshrl.u32 v59, $0x1  }
0x3b: {  	[tilespmem:$0xA4C0] =	vst v9;
	v9 =	vshrl.u32 v60, $0x1  }
0x3c: {  	[tilespmem:$0xA4D0] =	vst v9;
	v9 =	vshrl.u32 v10, $0x1  }
0x3d: {  	[tilespmem:$0xA4E0] =	vst v9;
	v9 =	vshrl.u32 v11, $0x1  }
0x3e: {  	[tilespmem:$0xA4F0] =	vst v9  }
0x3f: {  	[tilespmem:s17], [sflag:$0x1] =	stream.indirect.gather [hbm4b:s6+s13], $0x80, s16, s13, $0xb8;
	[tilespmem:$0x1C580] =	vst v63  }
0x40: {  	v9 =	vld [tilespmem:$0x100]  }
0x41: {  	v10 =	vld [tilespmem:$0x110]  }
0x42: {  	v11 =	vld [tilespmem:$0x120]  }
0x43: {  	v61 =	vld [tilespmem:$0x130]  }
0x44: {  	v62 =	vld [tilespmem:$0x140]  }
0x45: {  	v63 =	vld [tilespmem:$0x150];
	v9 =	vshrl.u32 v9, $0x1  }
0x46: {  	[tilespmem:$0xA500] =	vst v9;
	v9 =	vshrl.u32 v10, $0x1;
	v10 =	vld [tilespmem:$0x160]  }
0x47: {  	[tilespmem:$0xA510] =	vst v9;
	v9 =	vshrl.u32 v11, $0x1;
	v11 =	vld [tilespmem:$0x170]  }
0x48: {  	[tilespmem:$0xA520] =	vst v9;
	v9 =	vshrl.u32 v61, $0x1  }
0x49: {  	[tilespmem:$0xA530] =	vst v9;
	v9 =	vshrl.u32 v62, $0x1  }
0x4a: {  	[tilespmem:$0xA540] =	vst v9;
	v9 =	vshrl.u32 v63, $0x1  }
0x4b: {  	[tilespmem:$0xA550] =	vst v9;
	v9 =	vshrl.u32 v10, $0x1  }
0x4c: {  	[tilespmem:$0xA560] =	vst v9;
	v9 =	vshrl.u32 v11, $0x1  }
0x4d: {  	s31 =	simm.s32 $0xA500;
	s26 =	simm.s32 $0x0;
	[tilespmem:$0xA570] =	vst v9  }
0x4e: {  	[tilespmem:s19], [sflag:$0x1] =	stream.indirect.gather [hbm4b:s6+s13], $0x80, s31, s13, $0xb8;
	[tilespmem:$0x1C580] =	vst v63  }
.LBB2_2:
0x4f: {  	_ =	swait.ge [sflag:s20], $0x4000  }
0x50: {  	p0 =	seq.s32 s26, $0x0;
	[sflag:s20] =	ssyncset.done $0x0  }
0x51: {  	s0 =	simm.s32 @!p0 $0x2;
	[sflag:s20] =	ssyncadd.s32 $0xFFFFC000  }
0x52: {  	s1 =	smul.u32 $0x600, s26;
	_ =	swait.ge @!p0 [sflag:s0], $0x2000  }
0x53: {  	[sflag:s0] =	ssyncset.done @!p0 $0x0  }
0x54: {  	s28 =	sshra.s32 s1, $0x2;
	[sflag:s0] =	ssyncadd.s32 @!p0 $0xFFFFE000  }
0x55: {  	v9 =	vld [tilespmem:s28+$0x10]  }
0x56: {  	v10 =	vld [tilespmem:s28+$0x0];
	_ =	sdelay $0x1  }
0x57: {  	v11 =	vld [tilespmem:s28+$0x30]  }
0x58: {  	v12 =	vld [tilespmem:s28+$0x20]  }
0x59: {  	v9 =	vshll.u32 v9, $0x6  }
0x5a: {  	v10 =	vshll.u32 v10, $0x6;
	v9 =	vand.u32 $0x40, v9  }
0x5b: {  	s1 =	simm.s32 $0x0;
	v10 =	vand.u32 $0x40, v10;
	v9 =	vor.u32 v1, v9  }
0x5c: {  	v11 =	vshll.u32 v11, $0x6;
	v10 =	vor.u32 v0, v10;
	v13 =	vor.u32 s1, v9  }
0x5d: {  	v12 =	vshll.u32 v12, $0x6;
	v11 =	vand.u32 $0x40, v11;
	v14 =	vor.u32 s1, v10  }
0x5e: {  	v12 =	vand.u32 $0x40, v12;
	v11 =	vor.u32 v3, v11  }
0x5f: {  	v12 =	vor.u32 v2, v12;
	v15 =	vor.u32 s1, v11  }
0x60: {  	v16 =	vor.u32 s1, v12  }
0x61: {  	v17 =	vld.idx.msk [tilespmem:v13+s15+$0x0], $0xffff  }
0x62: {  	v18 =	vld.idx.msk [tilespmem:v14+s15+$0x0], $0xffff;
	_ =	sdelay $0x1  }
0x63: {  	v15 =	vld.idx.msk [tilespmem:v15+s15+$0x0], $0xffff  }
0x64: {  	s14 =	simm.s32 $0x1;
	s0 =	simm.s32 $0x16680;
	v14 =	vld.idx.msk [tilespmem:v16+s15+$0x0], $0xffff  }
0x65: {  	v16 =	vor.u32 s14, v12;
	[tilespmem:s0+$0xFFFFFF10] =	vst v17  }
0x66: {  	s29 =	smul.u32 $0x3, s26;
	s2 =	simm.s32 $0x4;
	s30 =	simm.s32 $0x16680;
	v13 =	vor.u32 s14, v10;
	v17 =	vor.u32 s14, v9;
	[tilespmem:s0+$0xFFFFFF00] =	vst v18;
	v18 =	vor.u32 s14, v11  }
.LBB2_3:
0x67: {  	p1 =	slt.u32 s2, $0x3C  }
0x68: {  	[tilespmem:s0+$0xFFFFFF30] =	vst v15;
	s30 =	sadd.s32 $0x200, s30;
	s14 =	smov.u32 s2;
	s2 =	sadd.s32 $0x4, s2  }
0x69: {  	[tilespmem:s0+$0xFFFFFF20] =	vst v14  }
0x6a: {  	v14 =	vld.idx.msk [tilespmem:v16+s15+$0x0], $0xffff  }
0x6b: {  	v15 =	vld.idx.msk [tilespmem:v17+s15+$0x0], $0xffff  }
0x6c: {  	v16 =	vld.idx.msk [tilespmem:v18+s15+$0x0], $0xffff  }
0x6d: {  	v13 =	vld.idx.msk [tilespmem:v13+s15+$0x0], $0xffff  }
0x6e: {  	s31 =	sadd.s32 $0x2, s1  }
0x6f: {  	v19 =	vor.u32 s31, v11;
	v17 =	vor.u32 s14, v10;
	v18 =	vor.u32 s31, v9  }
0x70: {  	v20 =	vor.u32 s14, v9;
	v21 =	vor.u32 s14, v12;
	v22 =	vor.u32 s14, v11;
	[tilespmem:s0+$0xFFFFFFA0] =	vst v14  }
0x71: {  	v14 =	vor.u32 s31, v12;
	[tilespmem:s0+$0xFFFFFF90] =	vst v15  }
0x72: {  	v15 =	vor.u32 s31, v10;
	[tilespmem:s0+$0xFFFFFFB0] =	vst v16  }
0x73: {  	[tilespmem:s0+$0xFFFFFF80] =	vst v13  }
0x74: {  	v13 =	vld.idx.msk [tilespmem:v18+s15+$0x0], $0xffff  }
0x75: {  	v16 =	vld.idx.msk [tilespmem:v19+s15+$0x0], $0xffff  }
0x76: {  	v14 =	vld.idx.msk [tilespmem:v14+s15+$0x0], $0xffff  }
0x77: {  	v15 =	vld.idx.msk [tilespmem:v15+s15+$0x0], $0xffff  }
0x78: {  	s31 =	sadd.s32 $0x3, s1;
	s1 =	smov.u32 s14  }
0x79: {  	v18 =	vor.u32 s31, v10  }
0x7a: {  	[tilespmem:s0+$0x10] =	vst v13;
	v13 =	vor.u32 s31, v9  }
0x7b: {  	[tilespmem:s0+$0x30] =	vst v16;
	v16 =	vor.u32 s31, v12  }
0x7c: {  	[tilespmem:s0+$0x20] =	vst v14;
	v14 =	vor.u32 s31, v11  }
0x7d: {  	[tilespmem:s0+$0x0] =	vst v15  }
0x7e: {  	v15 =	vld.idx.msk [tilespmem:v18+s15+$0x0], $0xffff  }
0x7f: {  	v13 =	vld.idx.msk [tilespmem:v13+s15+$0x0], $0xffff  }
0x80: {  	v16 =	vld.idx.msk [tilespmem:v16+s15+$0x0], $0xffff  }
0x81: {  	v14 =	vld.idx.msk [tilespmem:v14+s15+$0x0], $0xffff;
	_ =	sdelay $0x2  }
0x82: {  	[tilespmem:s0+$0x80] =	vst v15  }
0x83: {  	[tilespmem:s0+$0x90] =	vst v13  }
0x84: {  	[tilespmem:s0+$0xA0] =	vst v16  }
0x85: {  	[tilespmem:s0+$0xB0] =	vst v14;
	s0 =	smov.u32 s30  }
0x86: {  	v18 =	vld.idx.msk [tilespmem:v20+s15+$0x0], $0xffff  }
0x87: {  	v19 =	vld.idx.msk [tilespmem:v17+s15+$0x0], $0xffff  }
0x88: {  	v15 =	vld.idx.msk [tilespmem:v22+s15+$0x0], $0xffff  }
.Ltmp2:
0x89: {  	v14 =	vld.idx.msk [tilespmem:v21+s15+$0x0], $0xffff;
	(pc) =	sbr.rel @p1 .LBB2_3-.Ltmp2, $4  }
0x8a: {  	s14 =	sadd.s32 $0x1, s1  }
0x8b: {  	v13 =	vor.u32 s14, v10;
	v16 =	vor.u32 s14, v12  }
0x8c: {  	v17 =	vor.u32 s14, v9;
	[tilespmem:s30+$0xFFFFFF10] =	vst v18  }
0x8d: {  	v18 =	vor.u32 s14, v11;
	[tilespmem:s30+$0xFFFFFF00] =	vst v19  }
0x8e: {  	_ =	sdelay $0x1  }
0x8f: {  	[tilespmem:s0+$0xFFFFFF30] =	vst v15  }
0x90: {  	[tilespmem:s0+$0xFFFFFF20] =	vst v14  }
0x91: {  	v14 =	vld.idx.msk [tilespmem:v16+s15+$0x0], $0xffff  }
0x92: {  	v15 =	vld.idx.msk [tilespmem:v17+s15+$0x0], $0xffff  }
0x93: {  	v16 =	vld.idx.msk [tilespmem:v18+s15+$0x0], $0xffff  }
0x94: {  	s2 =	sadd.s32 $0x2, s1;
	v13 =	vld.idx.msk [tilespmem:v13+s15+$0x0], $0xffff  }
0x95: {  	v17 =	vor.u32 s2, v9  }
0x96: {  	v18 =	vor.u32 s2, v11;
	[tilespmem:s0+$0xFFFFFFA0] =	vst v14  }
0x97: {  	[tilespmem:s0+$0xFFFFFF90] =	vst v15;
	v14 =	vor.u32 s2, v12  }
0x98: {  	[tilespmem:s0+$0xFFFFFFB0] =	vst v16;
	v15 =	vor.u32 s2, v10  }
0x99: {  	[tilespmem:s0+$0xFFFFFF80] =	vst v13  }
0x9a: {  	v13 =	vld.idx.msk [tilespmem:v17+s15+$0x0], $0xffff  }
0x9b: {  	v16 =	vld.idx.msk [tilespmem:v18+s15+$0x0], $0xffff  }
0x9c: {  	v14 =	vld.idx.msk [tilespmem:v14+s15+$0x0], $0xffff  }
0x9d: {  	s31 =	sadd.s32 $0x3, s1;
	v15 =	vld.idx.msk [tilespmem:v15+s15+$0x0], $0xffff  }
0x9e: {  	v10 =	vor.u32 s31, v10  }
0x9f: {  	v9 =	vor.u32 s31, v9;
	[tilespmem:s0+$0x10] =	vst v13  }
0xa0: {  	v12 =	vor.u32 s31, v12;
	[tilespmem:s0+$0x30] =	vst v16  }
0xa1: {  	v11 =	vor.u32 s31, v11;
	[tilespmem:s0+$0x20] =	vst v14  }
0xa2: {  	[tilespmem:s0+$0x0] =	vst v15  }
0xa3: {  	v10 =	vld.idx.msk [tilespmem:v10+s15+$0x0], $0xffff  }
0xa4: {  	v9 =	vld.idx.msk [tilespmem:v9+s15+$0x0], $0xffff  }
0xa5: {  	v12 =	vld.idx.msk [tilespmem:v12+s15+$0x0], $0xffff  }
0xa6: {  	v11 =	vld.idx.msk [tilespmem:v11+s15+$0x0], $0xffff;
	_ =	sdelay $0x1  }
0xa7: {  	[tilespmem:s0+$0x80] =	vst v10  }
0xa8: {  	[tilespmem:s0+$0x90] =	vst v9  }
0xa9: {  	[tilespmem:s0+$0xA0] =	vst v12  }
0xaa: {  	[tilespmem:s0+$0xB0] =	vst v11  }
0xab: {  	v9 =	vld [tilespmem:s28+$0x50]  }
0xac: {  	v10 =	vld [tilespmem:s28+$0x40];
	_ =	sdelay $0x1  }
0xad: {  	v11 =	vld [tilespmem:s28+$0x70]  }
0xae: {  	v12 =	vld [tilespmem:s28+$0x60]  }
0xaf: {  	v9 =	vshll.u32 v9, $0x6  }
0xb0: {  	v10 =	vshll.u32 v10, $0x6;
	v9 =	vand.u32 $0x40, v9  }
0xb1: {  	s1 =	simm.s32 $0x0;
	v10 =	vand.u32 $0x40, v10;
	v9 =	vor.u32 v5, v9  }
0xb2: {  	v11 =	vshll.u32 v11, $0x6;
	v10 =	vor.u32 v4, v10;
	v13 =	vor.u32 s1, v9  }
0xb3: {  	v12 =	vshll.u32 v12, $0x6;
	v11 =	vand.u32 $0x40, v11;
	v14 =	vor.u32 s1, v10  }
0xb4: {  	v12 =	vand.u32 $0x40, v12;
	v11 =	vor.u32 v7, v11  }
0xb5: {  	v12 =	vor.u32 v6, v12;
	v15 =	vor.u32 s1, v11  }
0xb6: {  	v16 =	vor.u32 s1, v12  }
0xb7: {  	v17 =	vld.idx.msk [tilespmem:v13+s15+$0x0], $0xffff  }
0xb8: {  	v18 =	vld.idx.msk [tilespmem:v14+s15+$0x0], $0xffff;
	_ =	sdelay $0x1  }
0xb9: {  	v15 =	vld.idx.msk [tilespmem:v15+s15+$0x0], $0xffff  }
0xba: {  	s14 =	simm.s32 $0x1;
	s0 =	simm.s32 $0x166C0;
	v14 =	vld.idx.msk [tilespmem:v16+s15+$0x0], $0xffff  }
0xbb: {  	v16 =	vor.u32 s14, v12;
	[tilespmem:s0+$0xFFFFFF10] =	vst v17  }
0xbc: {  	s30 =	simm.s32 $0x166C0;
	s2 =	simm.s32 $0x4;
	v13 =	vor.u32 s14, v10;
	v17 =	vor.u32 s14, v9;
	[tilespmem:s0+$0xFFFFFF00] =	vst v18;
	v18 =	vor.u32 s14, v11  }
.LBB2_5:
0xbd: {  	p1 =	slt.u32 s2, $0x3C  }
0xbe: {  	[tilespmem:s0+$0xFFFFFF30] =	vst v15;
	s30 =	sadd.s32 $0x200, s30;
	s14 =	smov.u32 s2;
	s2 =	sadd.s32 $0x4, s2  }
0xbf: {  	[tilespmem:s0+$0xFFFFFF20] =	vst v14  }
0xc0: {  	v14 =	vld.idx.msk [tilespmem:v16+s15+$0x0], $0xffff  }
0xc1: {  	v15 =	vld.idx.msk [tilespmem:v17+s15+$0x0], $0xffff  }
0xc2: {  	v16 =	vld.idx.msk [tilespmem:v18+s15+$0x0], $0xffff  }
0xc3: {  	v13 =	vld.idx.msk [tilespmem:v13+s15+$0x0], $0xffff  }
0xc4: {  	s31 =	sadd.s32 $0x2, s1  }
0xc5: {  	v19 =	vor.u32 s31, v11;
	v17 =	vor.u32 s14, v10;
	v18 =	vor.u32 s31, v9  }
0xc6: {  	v20 =	vor.u32 s14, v9;
	v21 =	vor.u32 s14, v12;
	v22 =	vor.u32 s14, v11;
	[tilespmem:s0+$0xFFFFFFA0] =	vst v14  }
0xc7: {  	v14 =	vor.u32 s31, v12;
	[tilespmem:s0+$0xFFFFFF90] =	vst v15  }
0xc8: {  	v15 =	vor.u32 s31, v10;
	[tilespmem:s0+$0xFFFFFFB0] =	vst v16  }
0xc9: {  	[tilespmem:s0+$0xFFFFFF80] =	vst v13  }
0xca: {  	v13 =	vld.idx.msk [tilespmem:v18+s15+$0x0], $0xffff  }
0xcb: {  	v16 =	vld.idx.msk [tilespmem:v19+s15+$0x0], $0xffff  }
0xcc: {  	v14 =	vld.idx.msk [tilespmem:v14+s15+$0x0], $0xffff  }
0xcd: {  	v15 =	vld.idx.msk [tilespmem:v15+s15+$0x0], $0xffff  }
0xce: {  	s31 =	sadd.s32 $0x3, s1;
	s1 =	smov.u32 s14  }
0xcf: {  	v18 =	vor.u32 s31, v10  }
0xd0: {  	[tilespmem:s0+$0x10] =	vst v13;
	v13 =	vor.u32 s31, v9  }
0xd1: {  	[tilespmem:s0+$0x30] =	vst v16;
	v16 =	vor.u32 s31, v12  }
0xd2: {  	[tilespmem:s0+$0x20] =	vst v14;
	v14 =	vor.u32 s31, v11  }
0xd3: {  	[tilespmem:s0+$0x0] =	vst v15  }
0xd4: {  	v15 =	vld.idx.msk [tilespmem:v18+s15+$0x0], $0xffff  }
0xd5: {  	v13 =	vld.idx.msk [tilespmem:v13+s15+$0x0], $0xffff  }
0xd6: {  	v16 =	vld.idx.msk [tilespmem:v16+s15+$0x0], $0xffff  }
0xd7: {  	v14 =	vld.idx.msk [tilespmem:v14+s15+$0x0], $0xffff;
	_ =	sdelay $0x2  }
0xd8: {  	[tilespmem:s0+$0x80] =	vst v15  }
0xd9: {  	[tilespmem:s0+$0x90] =	vst v13  }
0xda: {  	[tilespmem:s0+$0xA0] =	vst v16  }
0xdb: {  	[tilespmem:s0+$0xB0] =	vst v14;
	s0 =	smov.u32 s30  }
0xdc: {  	v18 =	vld.idx.msk [tilespmem:v20+s15+$0x0], $0xffff  }
0xdd: {  	v19 =	vld.idx.msk [tilespmem:v17+s15+$0x0], $0xffff  }
0xde: {  	v15 =	vld.idx.msk [tilespmem:v22+s15+$0x0], $0xffff  }
.Ltmp3:
0xdf: {  	v14 =	vld.idx.msk [tilespmem:v21+s15+$0x0], $0xffff;
	(pc) =	sbr.rel @p1 .LBB2_5-.Ltmp3, $4  }
0xe0: {  	s14 =	sadd.s32 $0x1, s1  }
0xe1: {  	v13 =	vor.u32 s14, v10;
	v16 =	vor.u32 s14, v12  }
0xe2: {  	v17 =	vor.u32 s14, v9;
	[tilespmem:s30+$0xFFFFFF10] =	vst v18  }
0xe3: {  	v18 =	vor.u32 s14, v11;
	[tilespmem:s30+$0xFFFFFF00] =	vst v19  }
0xe4: {  	_ =	sdelay $0x1  }
0xe5: {  	[tilespmem:s0+$0xFFFFFF30] =	vst v15  }
0xe6: {  	[tilespmem:s0+$0xFFFFFF20] =	vst v14  }
0xe7: {  	v14 =	vld.idx.msk [tilespmem:v16+s15+$0x0], $0xffff  }
0xe8: {  	v15 =	vld.idx.msk [tilespmem:v17+s15+$0x0], $0xffff  }
0xe9: {  	v16 =	vld.idx.msk [tilespmem:v18+s15+$0x0], $0xffff  }
0xea: {  	s2 =	sadd.s32 $0x2, s1;
	v13 =	vld.idx.msk [tilespmem:v13+s15+$0x0], $0xffff  }
0xeb: {  	v17 =	vor.u32 s2, v9  }
0xec: {  	v18 =	vor.u32 s2, v11;
	[tilespmem:s0+$0xFFFFFFA0] =	vst v14  }
0xed: {  	[tilespmem:s0+$0xFFFFFF90] =	vst v15;
	v14 =	vor.u32 s2, v12  }
0xee: {  	[tilespmem:s0+$0xFFFFFFB0] =	vst v16;
	v15 =	vor.u32 s2, v10  }
0xef: {  	[tilespmem:s0+$0xFFFFFF80] =	vst v13  }
0xf0: {  	v13 =	vld.idx.msk [tilespmem:v17+s15+$0x0], $0xffff  }
0xf1: {  	v16 =	vld.idx.msk [tilespmem:v18+s15+$0x0], $0xffff  }
0xf2: {  	v14 =	vld.idx.msk [tilespmem:v14+s15+$0x0], $0xffff  }
0xf3: {  	s18 =	sadd.s32 $0x3, s1;
	v15 =	vld.idx.msk [tilespmem:v15+s15+$0x0], $0xffff  }
0xf4: {  	v10 =	vor.u32 s18, v10  }
0xf5: {  	v9 =	vor.u32 s18, v9;
	[tilespmem:s0+$0x10] =	vst v13  }
0xf6: {  	v12 =	vor.u32 s18, v12;
	[tilespmem:s0+$0x30] =	vst v16  }
0xf7: {  	s31 =	simm.s32 $0x0;
	v11 =	vor.u32 s18, v11;
	[tilespmem:s0+$0x20] =	vst v14  }
0xf8: {  	v13 =	vmov s31;
	[tilespmem:s0+$0x0] =	vst v15  }
0xf9: {  	v13 =	vshrl.u32 v13, $0x3;
	v14 =	vmov s29;
	v10 =	vld.idx.msk [tilespmem:v10+s15+$0x0], $0xffff  }
0xfa: {  	v13 =	vshll.u32 v13, v8;
	v15 =	vld.idx.msk [tilespmem:v9+s15+$0x0], $0xffff;
	v9 =	vshll.u32 v14, $0x3  }
0xfb: {  	v13 =	vbroadcast v13, $0x0;
	v12 =	vld.idx.msk [tilespmem:v12+s15+$0x0], $0xffff;
	v14 =	vand.u32 $0x7F, v14;
	v9 =	vand.u32 $0xC00, v9  }
0xfc: {  	v11 =	vld.idx.msk [tilespmem:v11+s15+$0x0], $0xffff;
	v9 =	vor.u32 v14, v9  }
0xfd: {  	v13 =	vadd.s32 v9, v13  }
0xfe: {  	[tilespmem:s0+$0x80] =	vst v10  }
0xff: {  	[tilespmem:s0+$0x90] =	vst v15  }
0x100: {  	[tilespmem:s0+$0xA0] =	vst v12  }
0x101: {  	[tilespmem:s0+$0xB0] =	vst v11  }
0x102: {  	v11 =	vld.idx.msk [tilespmem:v13+s12+$0x0], $0xffff;
	_ =	sdelay $0x1  }
0x103: {  	s2 =	simm.s32 $0x1  }
0x104: {  	v10 =	vmov s2  }
0x105: {  	s30 =	simm.s32 $0x16970;
	v10 =	vshrl.u32 v10, $0x3  }
0x106: {  	v10 =	vshll.u32 v10, v8;
	[tilespmem:s30+$0xFFFFFC80] =	vst.add.f32.msk $0xffff, v11  }
0x107: {  	v12 =	vbroadcast v10, $0x0;
	[tilespmem:s30+$0xFFFFFC70] =	vst.add.f32.msk $0xffff, v11  }
0x108: {  	v10 =	vor.u32 $0x80, v9;
	[tilespmem:s30+$0xFFFFFC60] =	vst.add.f32.msk $0xffff, v11  }
0x109: {  	v12 =	vadd.s32 v10, v12;
	[tilespmem:s30+$0xFFFFFC40] =	vst.add.f32.msk $0xffff, v11  }
0x10a: {  	[tilespmem:s30+$0xFFFFFC50] =	vst.add.f32.msk $0xffff, v11  }
0x10b: {  	[tilespmem:s30+$0xFFFFFC30] =	vst.add.f32.msk $0xffff, v11  }
0x10c: {  	[tilespmem:s30+$0xFFFFFC10] =	vst.add.f32.msk $0xffff, v11  }
0x10d: {  	[tilespmem:s30+$0xFFFFFC20] =	vst.add.f32.msk $0xffff, v11  }
0x10e: {  	v11 =	vld.idx.msk [tilespmem:v12+s12+$0x0], $0xffff;
	_ =	sdelay $0x1  }
0x10f: {  	s4 =	simm.s32 $0x2  }
0x110: {  	v12 =	vmov s4  }
0x111: {  	v12 =	vshrl.u32 v12, $0x3  }
0x112: {  	v12 =	vshll.u32 v12, v8;
	[tilespmem:s30+$0xFFFFFD00] =	vst.add.f32.msk $0xffff, v11  }
0x113: {  	v13 =	vbroadcast v12, $0x0;
	[tilespmem:s30+$0xFFFFFCF0] =	vst.add.f32.msk $0xffff, v11  }
0x114: {  	v12 =	vor.u32 $0x100, v9;
	[tilespmem:s30+$0xFFFFFCE0] =	vst.add.f32.msk $0xffff, v11  }
0x115: {  	[tilespmem:s30+$0xFFFFFCB0] =	vst.add.f32.msk $0xffff, v11;
	v13 =	vadd.s32 v12, v13  }
0x116: {  	[tilespmem:s30+$0xFFFFFCD0] =	vst.add.f32.msk $0xffff, v11  }
0x117: {  	[tilespmem:s30+$0xFFFFFCA0] =	vst.add.f32.msk $0xffff, v11  }
0x118: {  	[tilespmem:s30+$0xFFFFFCC0] =	vst.add.f32.msk $0xffff, v11  }
0x119: {  	[tilespmem:s30+$0xFFFFFC90] =	vst.add.f32.msk $0xffff, v11  }
0x11a: {  	v11 =	vld.idx.msk [tilespmem:v13+s12+$0x0], $0xffff;
	_ =	sdelay $0x1  }
0x11b: {  	s14 =	simm.s32 $0x3  }
0x11c: {  	v13 =	vmov s14  }
0x11d: {  	v13 =	vshrl.u32 v13, $0x3  }
0x11e: {  	v13 =	vshll.u32 v13, v8;
	[tilespmem:s30+$0xFFFFFD80] =	vst.add.f32.msk $0xffff, v11  }
0x11f: {  	v13 =	vbroadcast v13, $0x0;
	[tilespmem:s30+$0xFFFFFD20] =	vst.add.f32.msk $0xffff, v11  }
0x120: {  	v14 =	vor.u32 $0x180, v9;
	[tilespmem:s30+$0xFFFFFD70] =	vst.add.f32.msk $0xffff, v11  }
0x121: {  	[tilespmem:s30+$0xFFFFFD50] =	vst.add.f32.msk $0xffff, v11;
	v13 =	vadd.s32 v14, v13  }
0x122: {  	[tilespmem:s30+$0xFFFFFD40] =	vst.add.f32.msk $0xffff, v11  }
0x123: {  	[tilespmem:s30+$0xFFFFFD60] =	vst.add.f32.msk $0xffff, v11  }
0x124: {  	[tilespmem:s30+$0xFFFFFD10] =	vst.add.f32.msk $0xffff, v11  }
0x125: {  	[tilespmem:s30+$0xFFFFFD30] =	vst.add.f32.msk $0xffff, v11  }
0x126: {  	v17 =	vld.idx.msk [tilespmem:v13+s12+$0x0], $0xffff;
	_ =	sdelay $0x4  }
0x127: {  	[tilespmem:s30+$0xFFFFFDF0] =	vst.add.f32.msk $0xffff, v17  }
0x128: {  	[tilespmem:s30+$0xFFFFFDE0] =	vst.add.f32.msk $0xffff, v17  }
0x129: {  	[tilespmem:s30+$0xFFFFFDC0] =	vst.add.f32.msk $0xffff, v17  }
0x12a: {  	s18 =	simm.s32 $0x4;
	[tilespmem:s30+$0xFFFFFDD0] =	vst.add.f32.msk $0xffff, v17  }
0x12b: {  	v18 =	vmov s18;
	[tilespmem:s30+$0xFFFFFDA0] =	vst.add.f32.msk $0xffff, v17  }
0x12c: {  	v18 =	vshrl.u32 v18, $0x3;
	v16 =	vor.u32 $0x200, v9;
	[tilespmem:s30+$0xFFFFFDB0] =	vst.add.f32.msk $0xffff, v17  }
0x12d: {  	s1 =	simm.s32 $0x16970;
	v15 =	vor.u32 $0x280, v9;
	s0 =	simm.s32 $0x8;
	v11 =	vor.u32 $0x380, v9;
	v13 =	vor.u32 $0x300, v9;
	[tilespmem:s30+$0xFFFFFD90] =	vst.add.f32.msk $0xffff, v17  }
.LBB2_7:
0x12e: {  	p1 =	slt.u32 s0, $0x38  }
0x12f: {  	[tilespmem:s30+$0xFFFFFE00] =	vst.add.f32.msk $0xffff, v17;
	v17 =	vshll.u32 v18, v8;
	s1 =	sadd.s32 $0x400, s1;
	s2 =	smov.u32 s0;
	s0 =	sadd.s32 $0x8, s0  }
0x130: {  	v17 =	vbroadcast v17, $0x0;
	_ =	sdelay $0x1  }
0x131: {  	v17 =	vadd.s32 v16, v17;
	_ =	sdelay $0x4  }
0x132: {  	v17 =	vld.idx.msk [tilespmem:v17+s12+$0x0], $0xffff;
	_ =	sdelay $0x2  }
0x133: {  	s14 =	sadd.s32 $0x5, s31  }
0x134: {  	v18 =	vmov s14  }
0x135: {  	v18 =	vshrl.u32 v18, $0x3  }
0x136: {  	v18 =	vshll.u32 v18, v8;
	[tilespmem:s30+$0xFFFFFE80] =	vst.add.f32.msk $0xffff, v17  }
0x137: {  	v18 =	vbroadcast v18, $0x0;
	[tilespmem:s30+$0xFFFFFE70] =	vst.add.f32.msk $0xffff, v17  }
0x138: {  	[tilespmem:s30+$0xFFFFFE60] =	vst.add.f32.msk $0xffff, v17  }
0x139: {  	v18 =	vadd.s32 v15, v18;
	[tilespmem:s30+$0xFFFFFE50] =	vst.add.f32.msk $0xffff, v17  }
0x13a: {  	[tilespmem:s30+$0xFFFFFE40] =	vst.add.f32.msk $0xffff, v17  }
0x13b: {  	[tilespmem:s30+$0xFFFFFE30] =	vst.add.f32.msk $0xffff, v17  }
0x13c: {  	[tilespmem:s30+$0xFFFFFE10] =	vst.add.f32.msk $0xffff, v17  }
0x13d: {  	[tilespmem:s30+$0xFFFFFE20] =	vst.add.f32.msk $0xffff, v17  }
0x13e: {  	v17 =	vld.idx.msk [tilespmem:v18+s12+$0x0], $0xffff;
	_ =	sdelay $0x2  }
0x13f: {  	s14 =	sadd.s32 $0x6, s31  }
0x140: {  	v18 =	vmov s14  }
0x141: {  	v18 =	vshrl.u32 v18, $0x3  }
0x142: {  	v18 =	vshll.u32 v18, v8;
	[tilespmem:s30+$0xFFFFFF00] =	vst.add.f32.msk $0xffff, v17  }
0x143: {  	v18 =	vbroadcast v18, $0x0;
	[tilespmem:s30+$0xFFFFFEA0] =	vst.add.f32.msk $0xffff, v17  }
0x144: {  	[tilespmem:s30+$0xFFFFFEE0] =	vst.add.f32.msk $0xffff, v17  }
0x145: {  	v18 =	vadd.s32 v13, v18;
	[tilespmem:s30+$0xFFFFFED0] =	vst.add.f32.msk $0xffff, v17  }
0x146: {  	[tilespmem:s30+$0xFFFFFEF0] =	vst.add.f32.msk $0xffff, v17  }
0x147: {  	[tilespmem:s30+$0xFFFFFE90] =	vst.add.f32.msk $0xffff, v17  }
0x148: {  	[tilespmem:s30+$0xFFFFFEC0] =	vst.add.f32.msk $0xffff, v17  }
0x149: {  	[tilespmem:s30+$0xFFFFFEB0] =	vst.add.f32.msk $0xffff, v17  }
0x14a: {  	v17 =	vld.idx.msk [tilespmem:v18+s12+$0x0], $0xffff;
	_ =	sdelay $0x2  }
0x14b: {  	s14 =	sadd.s32 $0x7, s31;
	s31 =	smov.u32 s2  }
0x14c: {  	v18 =	vmov s14  }
0x14d: {  	v18 =	vshrl.u32 v18, $0x3  }
0x14e: {  	v18 =	vshll.u32 v18, v8;
	[tilespmem:s30+$0xFFFFFF80] =	vst.add.f32.msk $0xffff, v17  }
0x14f: {  	v18 =	vbroadcast v18, $0x0;
	[tilespmem:s30+$0xFFFFFF70] =	vst.add.f32.msk $0xffff, v17  }
0x150: {  	[tilespmem:s30+$0xFFFFFF20] =	vst.add.f32.msk $0xffff, v17  }
0x151: {  	v18 =	vadd.s32 v11, v18;
	[tilespmem:s30+$0xFFFFFF60] =	vst.add.f32.msk $0xffff, v17  }
0x152: {  	[tilespmem:s30+$0xFFFFFF50] =	vst.add.f32.msk $0xffff, v17  }
0x153: {  	[tilespmem:s30+$0xFFFFFF10] =	vst.add.f32.msk $0xffff, v17  }
0x154: {  	[tilespmem:s30+$0xFFFFFF30] =	vst.add.f32.msk $0xffff, v17  }
0x155: {  	[tilespmem:s30+$0xFFFFFF40] =	vst.add.f32.msk $0xffff, v17  }
0x156: {  	v17 =	vld.idx.msk [tilespmem:v18+s12+$0x0], $0xffff;
	_ =	sdelay $0x3  }
0x157: {  	v18 =	vmov s31  }
0x158: {  	v18 =	vshrl.u32 v18, $0x3  }
0x159: {  	v18 =	vshll.u32 v18, v8;
	[tilespmem:s30+$0xFFFFFF90] =	vst.add.f32.msk $0xffff, v17  }
0x15a: {  	v18 =	vbroadcast v18, $0x0;
	[tilespmem:s30+$0xFFFFFFA0] =	vst.add.f32.msk $0xffff, v17  }
0x15b: {  	[tilespmem:s30+$0xFFFFFFB0] =	vst.add.f32.msk $0xffff, v17  }
0x15c: {  	v18 =	vadd.s32 v9, v18;
	[tilespmem:s30+$0x0] =	vst.add.f32.msk $0xffff, v17  }
0x15d: {  	[tilespmem:s30+$0xFFFFFFD0] =	vst.add.f32.msk $0xffff, v17  }
0x15e: {  	[tilespmem:s30+$0xFFFFFFE0] =	vst.add.f32.msk $0xffff, v17  }
0x15f: {  	[tilespmem:s30+$0xFFFFFFF0] =	vst.add.f32.msk $0xffff, v17  }
0x160: {  	[tilespmem:s30+$0xFFFFFFC0] =	vst.add.f32.msk $0xffff, v17;
	s30 =	smov.u32 s1  }
0x161: {  	v17 =	vld.idx.msk [tilespmem:v18+s12+$0x0], $0xffff;
	_ =	sdelay $0x2  }
0x162: {  	s2 =	sadd.s32 $0x1, s31  }
0x163: {  	v18 =	vmov s2  }
0x164: {  	v18 =	vshrl.u32 v18, $0x3  }
0x165: {  	v18 =	vshll.u32 v18, v8;
	[tilespmem:s1+$0xFFFFFC80] =	vst.add.f32.msk $0xffff, v17  }
0x166: {  	v18 =	vbroadcast v18, $0x0;
	[tilespmem:s1+$0xFFFFFC70] =	vst.add.f32.msk $0xffff, v17  }
0x167: {  	[tilespmem:s1+$0xFFFFFC60] =	vst.add.f32.msk $0xffff, v17  }
0x168: {  	v18 =	vadd.s32 v10, v18;
	[tilespmem:s1+$0xFFFFFC40] =	vst.add.f32.msk $0xffff, v17  }
0x169: {  	[tilespmem:s1+$0xFFFFFC50] =	vst.add.f32.msk $0xffff, v17  }
0x16a: {  	[tilespmem:s1+$0xFFFFFC30] =	vst.add.f32.msk $0xffff, v17  }
0x16b: {  	[tilespmem:s1+$0xFFFFFC10] =	vst.add.f32.msk $0xffff, v17  }
0x16c: {  	[tilespmem:s1+$0xFFFFFC20] =	vst.add.f32.msk $0xffff, v17  }
0x16d: {  	v17 =	vld.idx.msk [tilespmem:v18+s12+$0x0], $0xffff;
	_ =	sdelay $0x2  }
0x16e: {  	s2 =	sadd.s32 $0x2, s31  }
0x16f: {  	v18 =	vmov s2  }
0x170: {  	v18 =	vshrl.u32 v18, $0x3  }
0x171: {  	v18 =	vshll.u32 v18, v8;
	[tilespmem:s1+$0xFFFFFD00] =	vst.add.f32.msk $0xffff, v17  }
0x172: {  	v18 =	vbroadcast v18, $0x0;
	[tilespmem:s1+$0xFFFFFCF0] =	vst.add.f32.msk $0xffff, v17  }
0x173: {  	[tilespmem:s1+$0xFFFFFCE0] =	vst.add.f32.msk $0xffff, v17  }
0x174: {  	v18 =	vadd.s32 v12, v18;
	[tilespmem:s1+$0xFFFFFCB0] =	vst.add.f32.msk $0xffff, v17  }
0x175: {  	[tilespmem:s1+$0xFFFFFCD0] =	vst.add.f32.msk $0xffff, v17  }
0x176: {  	[tilespmem:s1+$0xFFFFFCA0] =	vst.add.f32.msk $0xffff, v17  }
0x177: {  	[tilespmem:s1+$0xFFFFFCC0] =	vst.add.f32.msk $0xffff, v17  }
0x178: {  	[tilespmem:s1+$0xFFFFFC90] =	vst.add.f32.msk $0xffff, v17  }
0x179: {  	v17 =	vld.idx.msk [tilespmem:v18+s12+$0x0], $0xffff;
	_ =	sdelay $0x2  }
0x17a: {  	s2 =	sadd.s32 $0x3, s31  }
0x17b: {  	v18 =	vmov s2  }
0x17c: {  	v18 =	vshrl.u32 v18, $0x3  }
0x17d: {  	v18 =	vshll.u32 v18, v8;
	[tilespmem:s1+$0xFFFFFD80] =	vst.add.f32.msk $0xffff, v17  }
0x17e: {  	v18 =	vbroadcast v18, $0x0;
	[tilespmem:s1+$0xFFFFFD20] =	vst.add.f32.msk $0xffff, v17  }
0x17f: {  	[tilespmem:s1+$0xFFFFFD70] =	vst.add.f32.msk $0xffff, v17  }
0x180: {  	v18 =	vadd.s32 v14, v18;
	[tilespmem:s1+$0xFFFFFD50] =	vst.add.f32.msk $0xffff, v17  }
0x181: {  	[tilespmem:s1+$0xFFFFFD40] =	vst.add.f32.msk $0xffff, v17  }
0x182: {  	[tilespmem:s1+$0xFFFFFD60] =	vst.add.f32.msk $0xffff, v17  }
0x183: {  	[tilespmem:s1+$0xFFFFFD10] =	vst.add.f32.msk $0xffff, v17  }
0x184: {  	[tilespmem:s1+$0xFFFFFD30] =	vst.add.f32.msk $0xffff, v17  }
0x185: {  	v17 =	vld.idx.msk [tilespmem:v18+s12+$0x0], $0xffff;
	_ =	sdelay $0x5  }
0x186: {  	[tilespmem:s1+$0xFFFFFDF0] =	vst.add.f32.msk $0xffff, v17  }
0x187: {  	[tilespmem:s1+$0xFFFFFDE0] =	vst.add.f32.msk $0xffff, v17  }
.Ltmp4:
0x188: {  	[tilespmem:s1+$0xFFFFFDC0] =	vst.add.f32.msk $0xffff, v17;
	(pc) =	sbr.rel @p1 .LBB2_7-.Ltmp4, $4  }
0x189: {  	[tilespmem:s1+$0xFFFFFDD0] =	vst.add.f32.msk $0xffff, v17  }
0x18a: {  	s2 =	sadd.s32 $0x4, s31;
	[tilespmem:s1+$0xFFFFFDA0] =	vst.add.f32.msk $0xffff, v17  }
0x18b: {  	v18 =	vmov s2;
	[tilespmem:s1+$0xFFFFFDB0] =	vst.add.f32.msk $0xffff, v17  }
0x18c: {  	v18 =	vshrl.u32 v18, $0x3;
	[tilespmem:s1+$0xFFFFFD90] =	vst.add.f32.msk $0xffff, v17  }
0x18d: {  	v9 =	vshll.u32 v18, v8  }
0x18e: {  	v9 =	vbroadcast v9, $0x0;
	_ =	sdelay $0x1  }
0x18f: {  	v9 =	vadd.s32 v16, v9;
	_ =	sdelay $0x3  }
0x190: {  	[tilespmem:s30+$0xFFFFFE00] =	vst.add.f32.msk $0xffff, v17  }
0x191: {  	v9 =	vld.idx.msk [tilespmem:v9+s12+$0x0], $0xffff;
	_ =	sdelay $0x1  }
0x192: {  	s0 =	sadd.s32 $0x5, s31  }
0x193: {  	v10 =	vmov s0  }
0x194: {  	v10 =	vshrl.u32 v10, $0x3  }
0x195: {  	v10 =	vshll.u32 v10, v8;
	[tilespmem:s30+$0xFFFFFE80] =	vst.add.f32.msk $0xffff, v9  }
0x196: {  	v10 =	vbroadcast v10, $0x0;
	[tilespmem:s30+$0xFFFFFE70] =	vst.add.f32.msk $0xffff, v9  }
0x197: {  	[tilespmem:s30+$0xFFFFFE60] =	vst.add.f32.msk $0xffff, v9  }
0x198: {  	v10 =	vadd.s32 v15, v10;
	[tilespmem:s30+$0xFFFFFE50] =	vst.add.f32.msk $0xffff, v9  }
0x199: {  	[tilespmem:s30+$0xFFFFFE40] =	vst.add.f32.msk $0xffff, v9  }
0x19a: {  	[tilespmem:s30+$0xFFFFFE30] =	vst.add.f32.msk $0xffff, v9  }
0x19b: {  	[tilespmem:s30+$0xFFFFFE10] =	vst.add.f32.msk $0xffff, v9  }
0x19c: {  	[tilespmem:s30+$0xFFFFFE20] =	vst.add.f32.msk $0xffff, v9  }
0x19d: {  	v9 =	vld.idx.msk [tilespmem:v10+s12+$0x0], $0xffff;
	_ =	sdelay $0x1  }
0x19e: {  	s2 =	sadd.s32 $0x6, s31  }
0x19f: {  	v10 =	vmov s2  }
0x1a0: {  	v10 =	vshrl.u32 v10, $0x3  }
0x1a1: {  	v10 =	vshll.u32 v10, v8;
	[tilespmem:s30+$0xFFFFFF00] =	vst.add.f32.msk $0xffff, v9  }
0x1a2: {  	v10 =	vbroadcast v10, $0x0;
	[tilespmem:s30+$0xFFFFFEA0] =	vst.add.f32.msk $0xffff, v9  }
0x1a3: {  	[tilespmem:s30+$0xFFFFFEE0] =	vst.add.f32.msk $0xffff, v9  }
0x1a4: {  	[tilespmem:s30+$0xFFFFFED0] =	vst.add.f32.msk $0xffff, v9;
	v10 =	vadd.s32 v13, v10  }
0x1a5: {  	[tilespmem:s30+$0xFFFFFEF0] =	vst.add.f32.msk $0xffff, v9  }
0x1a6: {  	[tilespmem:s30+$0xFFFFFE90] =	vst.add.f32.msk $0xffff, v9  }
0x1a7: {  	[tilespmem:s30+$0xFFFFFEC0] =	vst.add.f32.msk $0xffff, v9  }
0x1a8: {  	[tilespmem:s30+$0xFFFFFEB0] =	vst.add.f32.msk $0xffff, v9  }
0x1a9: {  	v9 =	vld.idx.msk [tilespmem:v10+s12+$0x0], $0xffff;
	_ =	sdelay $0x1  }
0x1aa: {  	s4 =	sadd.s32 $0x7, s31  }
0x1ab: {  	v10 =	vmov s4  }
0x1ac: {  	v10 =	vshrl.u32 v10, $0x3  }
0x1ad: {  	v10 =	vshll.u32 v10, v8;
	[tilespmem:s30+$0xFFFFFF80] =	vst.add.f32.msk $0xffff, v9  }
0x1ae: {  	v10 =	vbroadcast v10, $0x0;
	[tilespmem:s30+$0xFFFFFF70] =	vst.add.f32.msk $0xffff, v9  }
0x1af: {  	[tilespmem:s30+$0xFFFFFF20] =	vst.add.f32.msk $0xffff, v9  }
0x1b0: {  	[tilespmem:s30+$0xFFFFFF60] =	vst.add.f32.msk $0xffff, v9;
	v10 =	vadd.s32 v11, v10  }
0x1b1: {  	[tilespmem:s30+$0xFFFFFF50] =	vst.add.f32.msk $0xffff, v9  }
0x1b2: {  	[tilespmem:s30+$0xFFFFFF10] =	vst.add.f32.msk $0xffff, v9  }
0x1b3: {  	[tilespmem:s30+$0xFFFFFF30] =	vst.add.f32.msk $0xffff, v9  }
0x1b4: {  	[tilespmem:s30+$0xFFFFFF40] =	vst.add.f32.msk $0xffff, v9  }
0x1b5: {  	v9 =	vld.idx.msk [tilespmem:v10+s12+$0x0], $0xffff;
	_ =	sdelay $0x4  }
0x1b6: {  	[tilespmem:s30+$0xFFFFFF90] =	vst.add.f32.msk $0xffff, v9  }
0x1b7: {  	[tilespmem:s30+$0xFFFFFFA0] =	vst.add.f32.msk $0xffff, v9  }
0x1b8: {  	[tilespmem:s30+$0xFFFFFFB0] =	vst.add.f32.msk $0xffff, v9  }
0x1b9: {  	s14 =	smul.u32 $0xC0000, s26;
	[tilespmem:s30+$0x0] =	vst.add.f32.msk $0xffff, v9  }
0x1ba: {  	[tilespmem:s30+$0xFFFFFFD0] =	vst.add.f32.msk $0xffff, v9  }
0x1bb: {  	s0 =	sor.u32 s5, s14;
	[tilespmem:s30+$0xFFFFFFE0] =	vst.add.f32.msk $0xffff, v9  }
0x1bc: {  	s0 =	sshrl.u32 s0, $0x3;
	[tilespmem:s30+$0xFFFFFFF0] =	vst.add.f32.msk $0xffff, v9  }
0x1bd: {  	p1 =	seq.s32 s26, $0x42;
	s0 =	sadd.s32 s3, s0;
	[tilespmem:s30+$0xFFFFFFC0] =	vst.add.f32.msk $0xffff, v9  }
0x1be: {  	[hbm4b:s0+s9] =	stream.strided.scatter [tilespmem:s21], [sflag:$0x2], $0x2000, s10, s9, $0x38;
	[tilespmem:$0x1C580] =	vst v63  }
0x1bf: {  	v9 =	vld @!p1 [tilespmem:s28+$0x180];
	_ =	sdelay $0x4  }
0x1c0: {  	v9 =	vshrl.u32 @!p1 v9, $0x1  }
0x1c1: {  	[tilespmem:$0xA400] =	vst @!p1 v9  }
0x1c2: {  	v9 =	vld @!p1 [tilespmem:s28+$0x190];
	_ =	sdelay $0x4  }
0x1c3: {  	v9 =	vshrl.u32 @!p1 v9, $0x1  }
0x1c4: {  	[tilespmem:$0xA410] =	vst @!p1 v9  }
0x1c5: {  	v9 =	vld @!p1 [tilespmem:s28+$0x1A0];
	_ =	sdelay $0x4  }
0x1c6: {  	v9 =	vshrl.u32 @!p1 v9, $0x1  }
0x1c7: {  	[tilespmem:$0xA420] =	vst @!p1 v9  }
0x1c8: {  	v9 =	vld @!p1 [tilespmem:s28+$0x1B0];
	_ =	sdelay $0x4  }
0x1c9: {  	v9 =	vshrl.u32 @!p1 v9, $0x1  }
0x1ca: {  	[tilespmem:$0xA430] =	vst @!p1 v9  }
0x1cb: {  	v9 =	vld @!p1 [tilespmem:s28+$0x1C0];
	_ =	sdelay $0x4  }
0x1cc: {  	v9 =	vshrl.u32 @!p1 v9, $0x1  }
0x1cd: {  	[tilespmem:$0xA440] =	vst @!p1 v9  }
0x1ce: {  	v9 =	vld @!p1 [tilespmem:s28+$0x1D0];
	_ =	sdelay $0x4  }
0x1cf: {  	v9 =	vshrl.u32 @!p1 v9, $0x1  }
0x1d0: {  	[tilespmem:$0xA450] =	vst @!p1 v9  }
0x1d1: {  	v9 =	vld @!p1 [tilespmem:s28+$0x1E0];
	_ =	sdelay $0x4  }
0x1d2: {  	v9 =	vshrl.u32 @!p1 v9, $0x1  }
0x1d3: {  	[tilespmem:$0xA460] =	vst @!p1 v9  }
0x1d4: {  	v9 =	vld @!p1 [tilespmem:s28+$0x1F0];
	_ =	sdelay $0x4  }
0x1d5: {  	v9 =	vshrl.u32 @!p1 v9, $0x1  }
0x1d6: {  	s1 =	simm.s32 @!p1 $0xA400;
	s2 =	simm.s32 @!p1 $0xA580;
	s0 =	simm.s32 @!p1 $0x80;
	[tilespmem:$0xA470] =	vst @!p1 v9  }
0x1d7: {  	[tilespmem:s2], [sflag:$0x1] =	stream.indirect.gather @!p1 [hbm4b:s6+s0], $0x80, s1, s0, $0xb8;
	[tilespmem:$0x1C580] =	vst v63  }
0x1d8: {  	_ =	swait.ge [sflag:s20], $0x4000  }
0x1d9: {  	[sflag:s20] =	ssyncset.done $0x0  }
0x1da: {  	s0 =	simm.s32 @!p0 $0x2;
	[sflag:s20] =	ssyncadd.s32 $0xFFFFC000  }
0x1db: {  	s30 =	sadd.s32 $0x1, s29;
	_ =	swait.ge @!p0 [sflag:s0], $0x2000  }
0x1dc: {  	s18 =	sshll.u32 s30, $0x7;
	[sflag:s0] =	ssyncset.done @!p0 $0x0  }
0x1dd: {  	[sflag:s0] =	ssyncadd.s32 @!p0 $0xFFFFE000;
	s0 =	sand.u32 $0x3FFFFF80, s18  }
0x1de: {  	v9 =	vld [tilespmem:s0+$0x10]  }
0x1df: {  	v10 =	vld [tilespmem:s0+$0x0];
	_ =	sdelay $0x1  }
0x1e0: {  	v11 =	vld [tilespmem:s0+$0x30]  }
0x1e1: {  	v12 =	vld [tilespmem:s0+$0x20]  }
0x1e2: {  	v9 =	vshll.u32 v9, $0x6  }
0x1e3: {  	v10 =	vshll.u32 v10, $0x6;
	v9 =	vand.u32 $0x40, v9  }
0x1e4: {  	s2 =	simm.s32 $0x0;
	v10 =	vand.u32 $0x40, v10;
	v9 =	vor.u32 v1, v9  }
0x1e5: {  	v11 =	vshll.u32 v11, $0x6;
	v10 =	vor.u32 v0, v10;
	v13 =	vor.u32 s2, v9  }
0x1e6: {  	v12 =	vshll.u32 v12, $0x6;
	v11 =	vand.u32 $0x40, v11;
	v14 =	vor.u32 s2, v10  }
0x1e7: {  	v12 =	vand.u32 $0x40, v12;
	v11 =	vor.u32 v3, v11  }
0x1e8: {  	v12 =	vor.u32 v2, v12;
	v15 =	vor.u32 s2, v11  }
0x1e9: {  	v16 =	vor.u32 s2, v12  }
0x1ea: {  	v17 =	vld.idx.msk [tilespmem:v13+s17+$0x0], $0xffff  }
0x1eb: {  	v18 =	vld.idx.msk [tilespmem:v14+s17+$0x0], $0xffff;
	_ =	sdelay $0x1  }
0x1ec: {  	v15 =	vld.idx.msk [tilespmem:v15+s17+$0x0], $0xffff  }
0x1ed: {  	s14 =	simm.s32 $0x1;
	s1 =	simm.s32 $0x18680;
	v14 =	vld.idx.msk [tilespmem:v16+s17+$0x0], $0xffff  }
0x1ee: {  	v16 =	vor.u32 s14, v12;
	[tilespmem:s1+$0xFFFFFF10] =	vst v17  }
0x1ef: {  	s31 =	simm.s32 $0x4;
	v13 =	vor.u32 s14, v10;
	v17 =	vor.u32 s14, v9;
	[tilespmem:s1+$0xFFFFFF00] =	vst v18;
	v18 =	vor.u32 s14, v11;
	s14 =	simm.s32 $0x18680  }
.LBB2_9:
0x1f0: {  	p2 =	slt.u32 s31, $0x3C  }
0x1f1: {  	[tilespmem:s1+$0xFFFFFF30] =	vst v15;
	s14 =	sadd.s32 $0x200, s14;
	s18 =	smov.u32 s31;
	s31 =	sadd.s32 $0x4, s31  }
0x1f2: {  	[tilespmem:s1+$0xFFFFFF20] =	vst v14  }
0x1f3: {  	v14 =	vld.idx.msk [tilespmem:v16+s17+$0x0], $0xffff  }
0x1f4: {  	v15 =	vld.idx.msk [tilespmem:v17+s17+$0x0], $0xffff  }
0x1f5: {  	v16 =	vld.idx.msk [tilespmem:v18+s17+$0x0], $0xffff  }
0x1f6: {  	v13 =	vld.idx.msk [tilespmem:v13+s17+$0x0], $0xffff  }
0x1f7: {  	s4 =	sadd.s32 $0x2, s2  }
0x1f8: {  	v19 =	vor.u32 s4, v11;
	v17 =	vor.u32 s18, v10;
	v18 =	vor.u32 s4, v9  }
0x1f9: {  	v20 =	vor.u32 s18, v9;
	v21 =	vor.u32 s18, v12;
	v22 =	vor.u32 s18, v11;
	[tilespmem:s1+$0xFFFFFFA0] =	vst v14  }
0x1fa: {  	v14 =	vor.u32 s4, v12;
	[tilespmem:s1+$0xFFFFFF90] =	vst v15  }
0x1fb: {  	v15 =	vor.u32 s4, v10;
	[tilespmem:s1+$0xFFFFFFB0] =	vst v16  }
0x1fc: {  	[tilespmem:s1+$0xFFFFFF80] =	vst v13  }
0x1fd: {  	v13 =	vld.idx.msk [tilespmem:v18+s17+$0x0], $0xffff  }
0x1fe: {  	v16 =	vld.idx.msk [tilespmem:v19+s17+$0x0], $0xffff  }
0x1ff: {  	v14 =	vld.idx.msk [tilespmem:v14+s17+$0x0], $0xffff  }
0x200: {  	v15 =	vld.idx.msk [tilespmem:v15+s17+$0x0], $0xffff  }
0x201: {  	s4 =	sadd.s32 $0x3, s2;
	s2 =	smov.u32 s18  }
0x202: {  	v18 =	vor.u32 s4, v10  }
0x203: {  	[tilespmem:s1+$0x10] =	vst v13;
	v13 =	vor.u32 s4, v9  }
0x204: {  	[tilespmem:s1+$0x30] =	vst v16;
	v16 =	vor.u32 s4, v12  }
0x205: {  	[tilespmem:s1+$0x20] =	vst v14;
	v14 =	vor.u32 s4, v11  }
0x206: {  	[tilespmem:s1+$0x0] =	vst v15  }
0x207: {  	v15 =	vld.idx.msk [tilespmem:v18+s17+$0x0], $0xffff  }
0x208: {  	v13 =	vld.idx.msk [tilespmem:v13+s17+$0x0], $0xffff  }
0x209: {  	v16 =	vld.idx.msk [tilespmem:v16+s17+$0x0], $0xffff  }
0x20a: {  	v14 =	vld.idx.msk [tilespmem:v14+s17+$0x0], $0xffff;
	_ =	sdelay $0x2  }
0x20b: {  	[tilespmem:s1+$0x80] =	vst v15  }
0x20c: {  	[tilespmem:s1+$0x90] =	vst v13  }
0x20d: {  	[tilespmem:s1+$0xA0] =	vst v16  }
0x20e: {  	[tilespmem:s1+$0xB0] =	vst v14;
	s1 =	smov.u32 s14  }
0x20f: {  	v18 =	vld.idx.msk [tilespmem:v20+s17+$0x0], $0xffff  }
0x210: {  	v19 =	vld.idx.msk [tilespmem:v17+s17+$0x0], $0xffff  }
0x211: {  	v15 =	vld.idx.msk [tilespmem:v22+s17+$0x0], $0xffff  }
.Ltmp5:
0x212: {  	v14 =	vld.idx.msk [tilespmem:v21+s17+$0x0], $0xffff;
	(pc) =	sbr.rel @p2 .LBB2_9-.Ltmp5, $4  }
0x213: {  	s4 =	sadd.s32 $0x1, s2  }
0x214: {  	v13 =	vor.u32 s4, v10;
	v16 =	vor.u32 s4, v12  }
0x215: {  	v17 =	vor.u32 s4, v9;
	[tilespmem:s14+$0xFFFFFF10] =	vst v18  }
0x216: {  	v18 =	vor.u32 s4, v11;
	[tilespmem:s14+$0xFFFFFF00] =	vst v19  }
0x217: {  	_ =	sdelay $0x1  }
0x218: {  	[tilespmem:s1+$0xFFFFFF30] =	vst v15  }
0x219: {  	[tilespmem:s1+$0xFFFFFF20] =	vst v14  }
0x21a: {  	v14 =	vld.idx.msk [tilespmem:v16+s17+$0x0], $0xffff  }
0x21b: {  	v15 =	vld.idx.msk [tilespmem:v17+s17+$0x0], $0xffff  }
0x21c: {  	v16 =	vld.idx.msk [tilespmem:v18+s17+$0x0], $0xffff  }
0x21d: {  	s4 =	sadd.s32 $0x2, s2;
	v13 =	vld.idx.msk [tilespmem:v13+s17+$0x0], $0xffff  }
0x21e: {  	v17 =	vor.u32 s4, v9  }
0x21f: {  	v18 =	vor.u32 s4, v11;
	[tilespmem:s1+$0xFFFFFFA0] =	vst v14  }
0x220: {  	[tilespmem:s1+$0xFFFFFF90] =	vst v15;
	v14 =	vor.u32 s4, v12  }
0x221: {  	[tilespmem:s1+$0xFFFFFFB0] =	vst v16;
	v15 =	vor.u32 s4, v10  }
0x222: {  	[tilespmem:s1+$0xFFFFFF80] =	vst v13  }
0x223: {  	v13 =	vld.idx.msk [tilespmem:v17+s17+$0x0], $0xffff  }
0x224: {  	v16 =	vld.idx.msk [tilespmem:v18+s17+$0x0], $0xffff  }
0x225: {  	v14 =	vld.idx.msk [tilespmem:v14+s17+$0x0], $0xffff  }
0x226: {  	s18 =	sadd.s32 $0x3, s2;
	v15 =	vld.idx.msk [tilespmem:v15+s17+$0x0], $0xffff  }
0x227: {  	v10 =	vor.u32 s18, v10  }
0x228: {  	v9 =	vor.u32 s18, v9;
	[tilespmem:s1+$0x10] =	vst v13  }
0x229: {  	v12 =	vor.u32 s18, v12;
	[tilespmem:s1+$0x30] =	vst v16  }
0x22a: {  	v11 =	vor.u32 s18, v11;
	[tilespmem:s1+$0x20] =	vst v14  }
0x22b: {  	[tilespmem:s1+$0x0] =	vst v15  }
0x22c: {  	v10 =	vld.idx.msk [tilespmem:v10+s17+$0x0], $0xffff  }
0x22d: {  	v9 =	vld.idx.msk [tilespmem:v9+s17+$0x0], $0xffff  }
0x22e: {  	v12 =	vld.idx.msk [tilespmem:v12+s17+$0x0], $0xffff  }
0x22f: {  	v11 =	vld.idx.msk [tilespmem:v11+s17+$0x0], $0xffff;
	_ =	sdelay $0x1  }
0x230: {  	[tilespmem:s1+$0x80] =	vst v10  }
0x231: {  	[tilespmem:s1+$0x90] =	vst v9  }
0x232: {  	[tilespmem:s1+$0xA0] =	vst v12  }
0x233: {  	[tilespmem:s1+$0xB0] =	vst v11  }
0x234: {  	v9 =	vld [tilespmem:s0+$0x50]  }
0x235: {  	v10 =	vld [tilespmem:s0+$0x40];
	_ =	sdelay $0x1  }
0x236: {  	v11 =	vld [tilespmem:s0+$0x70]  }
0x237: {  	v12 =	vld [tilespmem:s0+$0x60]  }
0x238: {  	v9 =	vshll.u32 v9, $0x6  }
0x239: {  	v10 =	vshll.u32 v10, $0x6;
	v9 =	vand.u32 $0x40, v9  }
0x23a: {  	s0 =	simm.s32 $0x0;
	v10 =	vand.u32 $0x40, v10;
	v9 =	vor.u32 v5, v9  }
0x23b: {  	v11 =	vshll.u32 v11, $0x6;
	v10 =	vor.u32 v4, v10;
	v13 =	vor.u32 s0, v9  }
0x23c: {  	v12 =	vshll.u32 v12, $0x6;
	v11 =	vand.u32 $0x40, v11;
	v14 =	vor.u32 s0, v10  }
0x23d: {  	v12 =	vand.u32 $0x40, v12;
	v11 =	vor.u32 v7, v11  }
0x23e: {  	v12 =	vor.u32 v6, v12;
	v15 =	vor.u32 s0, v11  }
0x23f: {  	v16 =	vor.u32 s0, v12  }
0x240: {  	v17 =	vld.idx.msk [tilespmem:v13+s17+$0x0], $0xffff  }
0x241: {  	v18 =	vld.idx.msk [tilespmem:v14+s17+$0x0], $0xffff;
	_ =	sdelay $0x1  }
0x242: {  	v15 =	vld.idx.msk [tilespmem:v15+s17+$0x0], $0xffff  }
0x243: {  	s31 =	simm.s32 $0x1;
	s1 =	simm.s32 $0x186C0;
	v14 =	vld.idx.msk [tilespmem:v16+s17+$0x0], $0xffff  }
0x244: {  	v16 =	vor.u32 s31, v12;
	[tilespmem:s1+$0xFFFFFF10] =	vst v17  }
0x245: {  	s2 =	simm.s32 $0x4;
	s14 =	simm.s32 $0x186C0;
	v13 =	vor.u32 s31, v10;
	v17 =	vor.u32 s31, v9;
	[tilespmem:s1+$0xFFFFFF00] =	vst v18;
	v18 =	vor.u32 s31, v11  }
.LBB2_11:
0x246: {  	p2 =	slt.u32 s2, $0x3C  }
0x247: {  	[tilespmem:s1+$0xFFFFFF30] =	vst v15;
	s14 =	sadd.s32 $0x200, s14;
	s4 =	smov.u32 s2;
	s2 =	sadd.s32 $0x4, s2  }
0x248: {  	[tilespmem:s1+$0xFFFFFF20] =	vst v14  }
0x249: {  	v14 =	vld.idx.msk [tilespmem:v16+s17+$0x0], $0xffff  }
0x24a: {  	v15 =	vld.idx.msk [tilespmem:v17+s17+$0x0], $0xffff  }
0x24b: {  	v16 =	vld.idx.msk [tilespmem:v18+s17+$0x0], $0xffff  }
0x24c: {  	v13 =	vld.idx.msk [tilespmem:v13+s17+$0x0], $0xffff  }
0x24d: {  	s18 =	sadd.s32 $0x2, s0  }
0x24e: {  	v19 =	vor.u32 s18, v11;
	v17 =	vor.u32 s4, v10;
	v18 =	vor.u32 s18, v9  }
0x24f: {  	v20 =	vor.u32 s4, v9;
	v21 =	vor.u32 s4, v12;
	v22 =	vor.u32 s4, v11;
	[tilespmem:s1+$0xFFFFFFA0] =	vst v14  }
0x250: {  	v14 =	vor.u32 s18, v12;
	[tilespmem:s1+$0xFFFFFF90] =	vst v15  }
0x251: {  	v15 =	vor.u32 s18, v10;
	[tilespmem:s1+$0xFFFFFFB0] =	vst v16  }
0x252: {  	[tilespmem:s1+$0xFFFFFF80] =	vst v13  }
0x253: {  	v13 =	vld.idx.msk [tilespmem:v18+s17+$0x0], $0xffff  }
0x254: {  	v16 =	vld.idx.msk [tilespmem:v19+s17+$0x0], $0xffff  }
0x255: {  	v14 =	vld.idx.msk [tilespmem:v14+s17+$0x0], $0xffff  }
0x256: {  	v15 =	vld.idx.msk [tilespmem:v15+s17+$0x0], $0xffff  }
0x257: {  	s18 =	sadd.s32 $0x3, s0;
	s0 =	smov.u32 s4  }
0x258: {  	v18 =	vor.u32 s18, v10  }
0x259: {  	[tilespmem:s1+$0x10] =	vst v13;
	v13 =	vor.u32 s18, v9  }
0x25a: {  	[tilespmem:s1+$0x30] =	vst v16;
	v16 =	vor.u32 s18, v12  }
0x25b: {  	[tilespmem:s1+$0x20] =	vst v14;
	v14 =	vor.u32 s18, v11  }
0x25c: {  	[tilespmem:s1+$0x0] =	vst v15  }
0x25d: {  	v15 =	vld.idx.msk [tilespmem:v18+s17+$0x0], $0xffff  }
0x25e: {  	v13 =	vld.idx.msk [tilespmem:v13+s17+$0x0], $0xffff  }
0x25f: {  	v16 =	vld.idx.msk [tilespmem:v16+s17+$0x0], $0xffff  }
0x260: {  	v14 =	vld.idx.msk [tilespmem:v14+s17+$0x0], $0xffff;
	_ =	sdelay $0x2  }
0x261: {  	[tilespmem:s1+$0x80] =	vst v15  }
0x262: {  	[tilespmem:s1+$0x90] =	vst v13  }
0x263: {  	[tilespmem:s1+$0xA0] =	vst v16  }
0x264: {  	[tilespmem:s1+$0xB0] =	vst v14;
	s1 =	smov.u32 s14  }
0x265: {  	v18 =	vld.idx.msk [tilespmem:v20+s17+$0x0], $0xffff  }
0x266: {  	v19 =	vld.idx.msk [tilespmem:v17+s17+$0x0], $0xffff  }
0x267: {  	v15 =	vld.idx.msk [tilespmem:v22+s17+$0x0], $0xffff  }
.Ltmp6:
0x268: {  	v14 =	vld.idx.msk [tilespmem:v21+s17+$0x0], $0xffff;
	(pc) =	sbr.rel @p2 .LBB2_11-.Ltmp6, $4  }
0x269: {  	s4 =	sadd.s32 $0x1, s0  }
0x26a: {  	v13 =	vor.u32 s4, v10;
	v16 =	vor.u32 s4, v12  }
0x26b: {  	v17 =	vor.u32 s4, v9;
	[tilespmem:s14+$0xFFFFFF10] =	vst v18  }
0x26c: {  	v18 =	vor.u32 s4, v11;
	[tilespmem:s14+$0xFFFFFF00] =	vst v19  }
0x26d: {  	_ =	sdelay $0x1  }
0x26e: {  	[tilespmem:s1+$0xFFFFFF30] =	vst v15  }
0x26f: {  	[tilespmem:s1+$0xFFFFFF20] =	vst v14  }
0x270: {  	v14 =	vld.idx.msk [tilespmem:v16+s17+$0x0], $0xffff  }
0x271: {  	v15 =	vld.idx.msk [tilespmem:v17+s17+$0x0], $0xffff  }
0x272: {  	v16 =	vld.idx.msk [tilespmem:v18+s17+$0x0], $0xffff  }
0x273: {  	s2 =	sadd.s32 $0x2, s0;
	v13 =	vld.idx.msk [tilespmem:v13+s17+$0x0], $0xffff  }
0x274: {  	v17 =	vor.u32 s2, v9  }
0x275: {  	v18 =	vor.u32 s2, v11;
	[tilespmem:s1+$0xFFFFFFA0] =	vst v14  }
0x276: {  	[tilespmem:s1+$0xFFFFFF90] =	vst v15;
	v14 =	vor.u32 s2, v12  }
0x277: {  	[tilespmem:s1+$0xFFFFFFB0] =	vst v16;
	v15 =	vor.u32 s2, v10  }
0x278: {  	[tilespmem:s1+$0xFFFFFF80] =	vst v13  }
0x279: {  	v13 =	vld.idx.msk [tilespmem:v17+s17+$0x0], $0xffff  }
0x27a: {  	v16 =	vld.idx.msk [tilespmem:v18+s17+$0x0], $0xffff  }
0x27b: {  	v14 =	vld.idx.msk [tilespmem:v14+s17+$0x0], $0xffff  }
0x27c: {  	s18 =	sadd.s32 $0x3, s0;
	v15 =	vld.idx.msk [tilespmem:v15+s17+$0x0], $0xffff  }
0x27d: {  	v10 =	vor.u32 s18, v10  }
0x27e: {  	v9 =	vor.u32 s18, v9;
	[tilespmem:s1+$0x10] =	vst v13  }
0x27f: {  	v12 =	vor.u32 s18, v12;
	[tilespmem:s1+$0x30] =	vst v16  }
0x280: {  	s0 =	simm.s32 $0x0;
	v11 =	vor.u32 s18, v11;
	[tilespmem:s1+$0x20] =	vst v14  }
0x281: {  	v13 =	vmov s0;
	[tilespmem:s1+$0x0] =	vst v15  }
0x282: {  	v13 =	vshrl.u32 v13, $0x3;
	v14 =	vmov s30;
	v10 =	vld.idx.msk [tilespmem:v10+s17+$0x0], $0xffff  }
0x283: {  	v13 =	vshll.u32 v13, v8;
	v15 =	vld.idx.msk [tilespmem:v9+s17+$0x0], $0xffff;
	v9 =	vshll.u32 v14, $0x3  }
0x284: {  	v13 =	vbroadcast v13, $0x0;
	v12 =	vld.idx.msk [tilespmem:v12+s17+$0x0], $0xffff;
	v14 =	vand.u32 $0x7F, v14;
	v9 =	vand.u32 $0x1C00, v9  }
0x285: {  	v11 =	vld.idx.msk [tilespmem:v11+s17+$0x0], $0xffff;
	v9 =	vor.u32 v14, v9  }
0x286: {  	v13 =	vadd.s32 v9, v13  }
0x287: {  	[tilespmem:s1+$0x80] =	vst v10  }
0x288: {  	[tilespmem:s1+$0x90] =	vst v15  }
0x289: {  	[tilespmem:s1+$0xA0] =	vst v12  }
0x28a: {  	[tilespmem:s1+$0xB0] =	vst v11  }
0x28b: {  	v11 =	vld.idx.msk [tilespmem:v13+s12+$0x0], $0xffff;
	_ =	sdelay $0x1  }
0x28c: {  	s2 =	simm.s32 $0x1  }
0x28d: {  	v10 =	vmov s2  }
0x28e: {  	s31 =	simm.s32 $0x18970;
	v10 =	vshrl.u32 v10, $0x3  }
0x28f: {  	v10 =	vshll.u32 v10, v8;
	[tilespmem:s31+$0xFFFFFC80] =	vst.add.f32.msk $0xffff, v11  }
0x290: {  	v12 =	vbroadcast v10, $0x0;
	[tilespmem:s31+$0xFFFFFC70] =	vst.add.f32.msk $0xffff, v11  }
0x291: {  	v10 =	vor.u32 $0x80, v9;
	[tilespmem:s31+$0xFFFFFC60] =	vst.add.f32.msk $0xffff, v11  }
0x292: {  	v12 =	vadd.s32 v10, v12;
	[tilespmem:s31+$0xFFFFFC40] =	vst.add.f32.msk $0xffff, v11  }
0x293: {  	[tilespmem:s31+$0xFFFFFC50] =	vst.add.f32.msk $0xffff, v11  }
0x294: {  	[tilespmem:s31+$0xFFFFFC30] =	vst.add.f32.msk $0xffff, v11  }
0x295: {  	[tilespmem:s31+$0xFFFFFC10] =	vst.add.f32.msk $0xffff, v11  }
0x296: {  	[tilespmem:s31+$0xFFFFFC20] =	vst.add.f32.msk $0xffff, v11  }
0x297: {  	v11 =	vld.idx.msk [tilespmem:v12+s12+$0x0], $0xffff;
	_ =	sdelay $0x1  }
0x298: {  	s4 =	simm.s32 $0x2  }
0x299: {  	v12 =	vmov s4  }
0x29a: {  	v12 =	vshrl.u32 v12, $0x3  }
0x29b: {  	v12 =	vshll.u32 v12, v8;
	[tilespmem:s31+$0xFFFFFD00] =	vst.add.f32.msk $0xffff, v11  }
0x29c: {  	v13 =	vbroadcast v12, $0x0;
	[tilespmem:s31+$0xFFFFFCF0] =	vst.add.f32.msk $0xffff, v11  }
0x29d: {  	v12 =	vor.u32 $0x100, v9;
	[tilespmem:s31+$0xFFFFFCE0] =	vst.add.f32.msk $0xffff, v11  }
0x29e: {  	[tilespmem:s31+$0xFFFFFCB0] =	vst.add.f32.msk $0xffff, v11;
	v13 =	vadd.s32 v12, v13  }
0x29f: {  	[tilespmem:s31+$0xFFFFFCD0] =	vst.add.f32.msk $0xffff, v11  }
0x2a0: {  	[tilespmem:s31+$0xFFFFFCA0] =	vst.add.f32.msk $0xffff, v11  }
0x2a1: {  	[tilespmem:s31+$0xFFFFFCC0] =	vst.add.f32.msk $0xffff, v11  }
0x2a2: {  	[tilespmem:s31+$0xFFFFFC90] =	vst.add.f32.msk $0xffff, v11  }
0x2a3: {  	v11 =	vld.idx.msk [tilespmem:v13+s12+$0x0], $0xffff;
	_ =	sdelay $0x1  }
0x2a4: {  	s14 =	simm.s32 $0x3  }
0x2a5: {  	v13 =	vmov s14  }
0x2a6: {  	v13 =	vshrl.u32 v13, $0x3  }
0x2a7: {  	v13 =	vshll.u32 v13, v8;
	[tilespmem:s31+$0xFFFFFD80] =	vst.add.f32.msk $0xffff, v11  }
0x2a8: {  	v13 =	vbroadcast v13, $0x0;
	[tilespmem:s31+$0xFFFFFD20] =	vst.add.f32.msk $0xffff, v11  }
0x2a9: {  	v14 =	vor.u32 $0x180, v9;
	[tilespmem:s31+$0xFFFFFD70] =	vst.add.f32.msk $0xffff, v11  }
0x2aa: {  	[tilespmem:s31+$0xFFFFFD50] =	vst.add.f32.msk $0xffff, v11;
	v13 =	vadd.s32 v14, v13  }
0x2ab: {  	[tilespmem:s31+$0xFFFFFD40] =	vst.add.f32.msk $0xffff, v11  }
0x2ac: {  	[tilespmem:s31+$0xFFFFFD60] =	vst.add.f32.msk $0xffff, v11  }
0x2ad: {  	[tilespmem:s31+$0xFFFFFD10] =	vst.add.f32.msk $0xffff, v11  }
0x2ae: {  	[tilespmem:s31+$0xFFFFFD30] =	vst.add.f32.msk $0xffff, v11  }
0x2af: {  	v17 =	vld.idx.msk [tilespmem:v13+s12+$0x0], $0xffff;
	_ =	sdelay $0x4  }
0x2b0: {  	[tilespmem:s31+$0xFFFFFDF0] =	vst.add.f32.msk $0xffff, v17  }
0x2b1: {  	[tilespmem:s31+$0xFFFFFDE0] =	vst.add.f32.msk $0xffff, v17  }
0x2b2: {  	[tilespmem:s31+$0xFFFFFDC0] =	vst.add.f32.msk $0xffff, v17  }
0x2b3: {  	s18 =	simm.s32 $0x4;
	[tilespmem:s31+$0xFFFFFDD0] =	vst.add.f32.msk $0xffff, v17  }
0x2b4: {  	v18 =	vmov s18;
	[tilespmem:s31+$0xFFFFFDA0] =	vst.add.f32.msk $0xffff, v17  }
0x2b5: {  	v18 =	vshrl.u32 v18, $0x3;
	v16 =	vor.u32 $0x200, v9;
	[tilespmem:s31+$0xFFFFFDB0] =	vst.add.f32.msk $0xffff, v17  }
0x2b6: {  	v15 =	vor.u32 $0x280, v9;
	s1 =	simm.s32 $0x8;
	s2 =	simm.s32 $0x18970;
	v11 =	vor.u32 $0x380, v9;
	v13 =	vor.u32 $0x300, v9;
	[tilespmem:s31+$0xFFFFFD90] =	vst.add.f32.msk $0xffff, v17  }
.LBB2_13:
0x2b7: {  	p2 =	slt.u32 s1, $0x38  }
0x2b8: {  	[tilespmem:s31+$0xFFFFFE00] =	vst.add.f32.msk $0xffff, v17;
	v17 =	vshll.u32 v18, v8;
	s2 =	sadd.s32 $0x400, s2;
	s14 =	smov.u32 s1;
	s1 =	sadd.s32 $0x8, s1  }
0x2b9: {  	v17 =	vbroadcast v17, $0x0;
	_ =	sdelay $0x1  }
0x2ba: {  	v17 =	vadd.s32 v16, v17;
	_ =	sdelay $0x4  }
0x2bb: {  	v17 =	vld.idx.msk [tilespmem:v17+s12+$0x0], $0xffff;
	_ =	sdelay $0x2  }
0x2bc: {  	s4 =	sadd.s32 $0x5, s0  }
0x2bd: {  	v18 =	vmov s4  }
0x2be: {  	v18 =	vshrl.u32 v18, $0x3  }
0x2bf: {  	v18 =	vshll.u32 v18, v8;
	[tilespmem:s31+$0xFFFFFE80] =	vst.add.f32.msk $0xffff, v17  }
0x2c0: {  	v18 =	vbroadcast v18, $0x0;
	[tilespmem:s31+$0xFFFFFE70] =	vst.add.f32.msk $0xffff, v17  }
0x2c1: {  	[tilespmem:s31+$0xFFFFFE60] =	vst.add.f32.msk $0xffff, v17  }
0x2c2: {  	v18 =	vadd.s32 v15, v18;
	[tilespmem:s31+$0xFFFFFE50] =	vst.add.f32.msk $0xffff, v17  }
0x2c3: {  	[tilespmem:s31+$0xFFFFFE40] =	vst.add.f32.msk $0xffff, v17  }
0x2c4: {  	[tilespmem:s31+$0xFFFFFE30] =	vst.add.f32.msk $0xffff, v17  }
0x2c5: {  	[tilespmem:s31+$0xFFFFFE10] =	vst.add.f32.msk $0xffff, v17  }
0x2c6: {  	[tilespmem:s31+$0xFFFFFE20] =	vst.add.f32.msk $0xffff, v17  }
0x2c7: {  	v17 =	vld.idx.msk [tilespmem:v18+s12+$0x0], $0xffff;
	_ =	sdelay $0x2  }
0x2c8: {  	s4 =	sadd.s32 $0x6, s0  }
0x2c9: {  	v18 =	vmov s4  }
0x2ca: {  	v18 =	vshrl.u32 v18, $0x3  }
0x2cb: {  	v18 =	vshll.u32 v18, v8;
	[tilespmem:s31+$0xFFFFFF00] =	vst.add.f32.msk $0xffff, v17  }
0x2cc: {  	v18 =	vbroadcast v18, $0x0;
	[tilespmem:s31+$0xFFFFFEA0] =	vst.add.f32.msk $0xffff, v17  }
0x2cd: {  	[tilespmem:s31+$0xFFFFFEE0] =	vst.add.f32.msk $0xffff, v17  }
0x2ce: {  	v18 =	vadd.s32 v13, v18;
	[tilespmem:s31+$0xFFFFFED0] =	vst.add.f32.msk $0xffff, v17  }
0x2cf: {  	[tilespmem:s31+$0xFFFFFEF0] =	vst.add.f32.msk $0xffff, v17  }
0x2d0: {  	[tilespmem:s31+$0xFFFFFE90] =	vst.add.f32.msk $0xffff, v17  }
0x2d1: {  	[tilespmem:s31+$0xFFFFFEC0] =	vst.add.f32.msk $0xffff, v17  }
0x2d2: {  	[tilespmem:s31+$0xFFFFFEB0] =	vst.add.f32.msk $0xffff, v17  }
0x2d3: {  	v17 =	vld.idx.msk [tilespmem:v18+s12+$0x0], $0xffff;
	_ =	sdelay $0x2  }
0x2d4: {  	s4 =	sadd.s32 $0x7, s0;
	s0 =	smov.u32 s14  }
0x2d5: {  	v18 =	vmov s4  }
0x2d6: {  	v18 =	vshrl.u32 v18, $0x3  }
0x2d7: {  	v18 =	vshll.u32 v18, v8;
	[tilespmem:s31+$0xFFFFFF80] =	vst.add.f32.msk $0xffff, v17  }
0x2d8: {  	v18 =	vbroadcast v18, $0x0;
	[tilespmem:s31+$0xFFFFFF70] =	vst.add.f32.msk $0xffff, v17  }
0x2d9: {  	[tilespmem:s31+$0xFFFFFF20] =	vst.add.f32.msk $0xffff, v17  }
0x2da: {  	v18 =	vadd.s32 v11, v18;
	[tilespmem:s31+$0xFFFFFF60] =	vst.add.f32.msk $0xffff, v17  }
0x2db: {  	[tilespmem:s31+$0xFFFFFF50] =	vst.add.f32.msk $0xffff, v17  }
0x2dc: {  	[tilespmem:s31+$0xFFFFFF10] =	vst.add.f32.msk $0xffff, v17  }
0x2dd: {  	[tilespmem:s31+$0xFFFFFF30] =	vst.add.f32.msk $0xffff, v17  }
0x2de: {  	[tilespmem:s31+$0xFFFFFF40] =	vst.add.f32.msk $0xffff, v17  }
0x2df: {  	v17 =	vld.idx.msk [tilespmem:v18+s12+$0x0], $0xffff;
	_ =	sdelay $0x3  }
0x2e0: {  	v18 =	vmov s0  }
0x2e1: {  	v18 =	vshrl.u32 v18, $0x3  }
0x2e2: {  	v18 =	vshll.u32 v18, v8;
	[tilespmem:s31+$0xFFFFFF90] =	vst.add.f32.msk $0xffff, v17  }
0x2e3: {  	v18 =	vbroadcast v18, $0x0;
	[tilespmem:s31+$0xFFFFFFA0] =	vst.add.f32.msk $0xffff, v17  }
0x2e4: {  	[tilespmem:s31+$0xFFFFFFB0] =	vst.add.f32.msk $0xffff, v17  }
0x2e5: {  	v18 =	vadd.s32 v9, v18;
	[tilespmem:s31+$0x0] =	vst.add.f32.msk $0xffff, v17  }
0x2e6: {  	[tilespmem:s31+$0xFFFFFFD0] =	vst.add.f32.msk $0xffff, v17  }
0x2e7: {  	[tilespmem:s31+$0xFFFFFFE0] =	vst.add.f32.msk $0xffff, v17  }
0x2e8: {  	[tilespmem:s31+$0xFFFFFFF0] =	vst.add.f32.msk $0xffff, v17  }
0x2e9: {  	[tilespmem:s31+$0xFFFFFFC0] =	vst.add.f32.msk $0xffff, v17;
	s31 =	smov.u32 s2  }
0x2ea: {  	v17 =	vld.idx.msk [tilespmem:v18+s12+$0x0], $0xffff;
	_ =	sdelay $0x2  }
0x2eb: {  	s4 =	sadd.s32 $0x1, s0  }
0x2ec: {  	v18 =	vmov s4  }
0x2ed: {  	v18 =	vshrl.u32 v18, $0x3  }
0x2ee: {  	v18 =	vshll.u32 v18, v8;
	[tilespmem:s2+$0xFFFFFC80] =	vst.add.f32.msk $0xffff, v17  }
0x2ef: {  	v18 =	vbroadcast v18, $0x0;
	[tilespmem:s2+$0xFFFFFC70] =	vst.add.f32.msk $0xffff, v17  }
0x2f0: {  	[tilespmem:s2+$0xFFFFFC60] =	vst.add.f32.msk $0xffff, v17  }
0x2f1: {  	v18 =	vadd.s32 v10, v18;
	[tilespmem:s2+$0xFFFFFC40] =	vst.add.f32.msk $0xffff, v17  }
0x2f2: {  	[tilespmem:s2+$0xFFFFFC50] =	vst.add.f32.msk $0xffff, v17  }
0x2f3: {  	[tilespmem:s2+$0xFFFFFC30] =	vst.add.f32.msk $0xffff, v17  }
0x2f4: {  	[tilespmem:s2+$0xFFFFFC10] =	vst.add.f32.msk $0xffff, v17  }
0x2f5: {  	[tilespmem:s2+$0xFFFFFC20] =	vst.add.f32.msk $0xffff, v17  }
0x2f6: {  	v17 =	vld.idx.msk [tilespmem:v18+s12+$0x0], $0xffff;
	_ =	sdelay $0x2  }
0x2f7: {  	s4 =	sadd.s32 $0x2, s0  }
0x2f8: {  	v18 =	vmov s4  }
0x2f9: {  	v18 =	vshrl.u32 v18, $0x3  }
0x2fa: {  	v18 =	vshll.u32 v18, v8;
	[tilespmem:s2+$0xFFFFFD00] =	vst.add.f32.msk $0xffff, v17  }
0x2fb: {  	v18 =	vbroadcast v18, $0x0;
	[tilespmem:s2+$0xFFFFFCF0] =	vst.add.f32.msk $0xffff, v17  }
0x2fc: {  	[tilespmem:s2+$0xFFFFFCE0] =	vst.add.f32.msk $0xffff, v17  }
0x2fd: {  	v18 =	vadd.s32 v12, v18;
	[tilespmem:s2+$0xFFFFFCB0] =	vst.add.f32.msk $0xffff, v17  }
0x2fe: {  	[tilespmem:s2+$0xFFFFFCD0] =	vst.add.f32.msk $0xffff, v17  }
0x2ff: {  	[tilespmem:s2+$0xFFFFFCA0] =	vst.add.f32.msk $0xffff, v17  }
0x300: {  	[tilespmem:s2+$0xFFFFFCC0] =	vst.add.f32.msk $0xffff, v17  }
0x301: {  	[tilespmem:s2+$0xFFFFFC90] =	vst.add.f32.msk $0xffff, v17  }
0x302: {  	v17 =	vld.idx.msk [tilespmem:v18+s12+$0x0], $0xffff;
	_ =	sdelay $0x2  }
0x303: {  	s4 =	sadd.s32 $0x3, s0  }
0x304: {  	v18 =	vmov s4  }
0x305: {  	v18 =	vshrl.u32 v18, $0x3  }
0x306: {  	v18 =	vshll.u32 v18, v8;
	[tilespmem:s2+$0xFFFFFD80] =	vst.add.f32.msk $0xffff, v17  }
0x307: {  	v18 =	vbroadcast v18, $0x0;
	[tilespmem:s2+$0xFFFFFD20] =	vst.add.f32.msk $0xffff, v17  }
0x308: {  	[tilespmem:s2+$0xFFFFFD70] =	vst.add.f32.msk $0xffff, v17  }
0x309: {  	v18 =	vadd.s32 v14, v18;
	[tilespmem:s2+$0xFFFFFD50] =	vst.add.f32.msk $0xffff, v17  }
0x30a: {  	[tilespmem:s2+$0xFFFFFD40] =	vst.add.f32.msk $0xffff, v17  }
0x30b: {  	[tilespmem:s2+$0xFFFFFD60] =	vst.add.f32.msk $0xffff, v17  }
0x30c: {  	[tilespmem:s2+$0xFFFFFD10] =	vst.add.f32.msk $0xffff, v17  }
0x30d: {  	[tilespmem:s2+$0xFFFFFD30] =	vst.add.f32.msk $0xffff, v17  }
0x30e: {  	v17 =	vld.idx.msk [tilespmem:v18+s12+$0x0], $0xffff;
	_ =	sdelay $0x5  }
0x30f: {  	[tilespmem:s2+$0xFFFFFDF0] =	vst.add.f32.msk $0xffff, v17  }
0x310: {  	[tilespmem:s2+$0xFFFFFDE0] =	vst.add.f32.msk $0xffff, v17  }
.Ltmp7:
0x311: {  	[tilespmem:s2+$0xFFFFFDC0] =	vst.add.f32.msk $0xffff, v17;
	(pc) =	sbr.rel @p2 .LBB2_13-.Ltmp7, $4  }
0x312: {  	[tilespmem:s2+$0xFFFFFDD0] =	vst.add.f32.msk $0xffff, v17  }
0x313: {  	s4 =	sadd.s32 $0x4, s0;
	[tilespmem:s2+$0xFFFFFDA0] =	vst.add.f32.msk $0xffff, v17  }
0x314: {  	v18 =	vmov s4;
	[tilespmem:s2+$0xFFFFFDB0] =	vst.add.f32.msk $0xffff, v17  }
0x315: {  	v18 =	vshrl.u32 v18, $0x3;
	[tilespmem:s2+$0xFFFFFD90] =	vst.add.f32.msk $0xffff, v17  }
0x316: {  	v9 =	vshll.u32 v18, v8  }
0x317: {  	v9 =	vbroadcast v9, $0x0;
	_ =	sdelay $0x1  }
0x318: {  	v9 =	vadd.s32 v16, v9;
	_ =	sdelay $0x3  }
0x319: {  	[tilespmem:s31+$0xFFFFFE00] =	vst.add.f32.msk $0xffff, v17  }
0x31a: {  	v9 =	vld.idx.msk [tilespmem:v9+s12+$0x0], $0xffff;
	_ =	sdelay $0x1  }
0x31b: {  	s1 =	sadd.s32 $0x5, s0  }
0x31c: {  	v10 =	vmov s1  }
0x31d: {  	v10 =	vshrl.u32 v10, $0x3  }
0x31e: {  	v10 =	vshll.u32 v10, v8;
	[tilespmem:s31+$0xFFFFFE80] =	vst.add.f32.msk $0xffff, v9  }
0x31f: {  	v10 =	vbroadcast v10, $0x0;
	[tilespmem:s31+$0xFFFFFE70] =	vst.add.f32.msk $0xffff, v9  }
0x320: {  	[tilespmem:s31+$0xFFFFFE60] =	vst.add.f32.msk $0xffff, v9  }
0x321: {  	v10 =	vadd.s32 v15, v10;
	[tilespmem:s31+$0xFFFFFE50] =	vst.add.f32.msk $0xffff, v9  }
0x322: {  	[tilespmem:s31+$0xFFFFFE40] =	vst.add.f32.msk $0xffff, v9  }
0x323: {  	[tilespmem:s31+$0xFFFFFE30] =	vst.add.f32.msk $0xffff, v9  }
0x324: {  	[tilespmem:s31+$0xFFFFFE10] =	vst.add.f32.msk $0xffff, v9  }
0x325: {  	[tilespmem:s31+$0xFFFFFE20] =	vst.add.f32.msk $0xffff, v9  }
0x326: {  	v9 =	vld.idx.msk [tilespmem:v10+s12+$0x0], $0xffff;
	_ =	sdelay $0x1  }
0x327: {  	s14 =	sadd.s32 $0x6, s0  }
0x328: {  	v10 =	vmov s14  }
0x329: {  	v10 =	vshrl.u32 v10, $0x3  }
0x32a: {  	v10 =	vshll.u32 v10, v8;
	[tilespmem:s31+$0xFFFFFF00] =	vst.add.f32.msk $0xffff, v9  }
0x32b: {  	v10 =	vbroadcast v10, $0x0;
	[tilespmem:s31+$0xFFFFFEA0] =	vst.add.f32.msk $0xffff, v9  }
0x32c: {  	[tilespmem:s31+$0xFFFFFEE0] =	vst.add.f32.msk $0xffff, v9  }
0x32d: {  	[tilespmem:s31+$0xFFFFFED0] =	vst.add.f32.msk $0xffff, v9;
	v10 =	vadd.s32 v13, v10  }
0x32e: {  	[tilespmem:s31+$0xFFFFFEF0] =	vst.add.f32.msk $0xffff, v9  }
0x32f: {  	[tilespmem:s31+$0xFFFFFE90] =	vst.add.f32.msk $0xffff, v9  }
0x330: {  	[tilespmem:s31+$0xFFFFFEC0] =	vst.add.f32.msk $0xffff, v9  }
0x331: {  	[tilespmem:s31+$0xFFFFFEB0] =	vst.add.f32.msk $0xffff, v9  }
0x332: {  	v9 =	vld.idx.msk [tilespmem:v10+s12+$0x0], $0xffff;
	_ =	sdelay $0x1  }
0x333: {  	s18 =	sadd.s32 $0x7, s0  }
0x334: {  	v10 =	vmov s18  }
0x335: {  	v10 =	vshrl.u32 v10, $0x3  }
0x336: {  	v10 =	vshll.u32 v10, v8;
	[tilespmem:s31+$0xFFFFFF80] =	vst.add.f32.msk $0xffff, v9  }
0x337: {  	v10 =	vbroadcast v10, $0x0;
	[tilespmem:s31+$0xFFFFFF70] =	vst.add.f32.msk $0xffff, v9  }
0x338: {  	[tilespmem:s31+$0xFFFFFF20] =	vst.add.f32.msk $0xffff, v9  }
0x339: {  	[tilespmem:s31+$0xFFFFFF60] =	vst.add.f32.msk $0xffff, v9;
	v10 =	vadd.s32 v11, v10  }
0x33a: {  	[tilespmem:s31+$0xFFFFFF50] =	vst.add.f32.msk $0xffff, v9  }
0x33b: {  	[tilespmem:s31+$0xFFFFFF10] =	vst.add.f32.msk $0xffff, v9  }
0x33c: {  	[tilespmem:s31+$0xFFFFFF30] =	vst.add.f32.msk $0xffff, v9  }
0x33d: {  	[tilespmem:s31+$0xFFFFFF40] =	vst.add.f32.msk $0xffff, v9  }
0x33e: {  	v9 =	vld.idx.msk [tilespmem:v10+s12+$0x0], $0xffff;
	_ =	sdelay $0x4  }
0x33f: {  	[tilespmem:s31+$0xFFFFFF90] =	vst.add.f32.msk $0xffff, v9  }
0x340: {  	[tilespmem:s31+$0xFFFFFFA0] =	vst.add.f32.msk $0xffff, v9  }
0x341: {  	[tilespmem:s31+$0xFFFFFFB0] =	vst.add.f32.msk $0xffff, v9  }
0x342: {  	[tilespmem:s31+$0x0] =	vst.add.f32.msk $0xffff, v9  }
.Ltmp8:
0x343: {  	s30 =	sshll.u32 s30, $0x12;
	[tilespmem:s31+$0xFFFFFFD0] =	vst.add.f32.msk $0xffff, v9;
	(pc) =	sbr.rel @p1 .LBB2_22-.Ltmp8, $4  }
0x344: {  	s0 =	sor.u32 s5, s30;
	[tilespmem:s31+$0xFFFFFFE0] =	vst.add.f32.msk $0xffff, v9  }
0x345: {  	s0 =	sshrl.u32 s0, $0x3;
	[tilespmem:s31+$0xFFFFFFF0] =	vst.add.f32.msk $0xffff, v9  }
0x346: {  	s0 =	sadd.s32 s3, s0;
	[tilespmem:s31+$0xFFFFFFC0] =	vst.add.f32.msk $0xffff, v9  }
0x347: {  	[hbm4b:s0+s9] =	stream.strided.scatter [tilespmem:s22], [sflag:$0x2], $0x2000, s10, s9, $0x38;
	[tilespmem:$0x1C580] =	vst v63  }
0x348: {  	v9 =	vld [tilespmem:s28+$0x200];
	_ =	sdelay $0x4  }
0x349: {  	v9 =	vshrl.u32 v9, $0x1  }
0x34a: {  	[tilespmem:$0xA480] =	vst v9  }
0x34b: {  	v9 =	vld [tilespmem:s28+$0x210];
	_ =	sdelay $0x4  }
0x34c: {  	v9 =	vshrl.u32 v9, $0x1  }
0x34d: {  	[tilespmem:$0xA490] =	vst v9  }
0x34e: {  	v9 =	vld [tilespmem:s28+$0x220];
	_ =	sdelay $0x4  }
0x34f: {  	v9 =	vshrl.u32 v9, $0x1  }
0x350: {  	[tilespmem:$0xA4A0] =	vst v9  }
0x351: {  	v9 =	vld [tilespmem:s28+$0x230];
	_ =	sdelay $0x4  }
0x352: {  	v9 =	vshrl.u32 v9, $0x1  }
0x353: {  	[tilespmem:$0xA4B0] =	vst v9  }
0x354: {  	v9 =	vld [tilespmem:s28+$0x240];
	_ =	sdelay $0x4  }
0x355: {  	v9 =	vshrl.u32 v9, $0x1  }
0x356: {  	[tilespmem:$0xA4C0] =	vst v9  }
0x357: {  	v9 =	vld [tilespmem:s28+$0x250];
	_ =	sdelay $0x4  }
0x358: {  	v9 =	vshrl.u32 v9, $0x1  }
0x359: {  	[tilespmem:$0xA4D0] =	vst v9  }
0x35a: {  	v9 =	vld [tilespmem:s28+$0x260];
	_ =	sdelay $0x4  }
0x35b: {  	v9 =	vshrl.u32 v9, $0x1  }
0x35c: {  	[tilespmem:$0xA4E0] =	vst v9  }
0x35d: {  	v9 =	vld [tilespmem:s28+$0x270];
	_ =	sdelay $0x4  }
0x35e: {  	v9 =	vshrl.u32 v9, $0x1  }
0x35f: {  	[tilespmem:$0xA4F0] =	vst v9  }
0x360: {  	[tilespmem:s17], [sflag:$0x1] =	stream.indirect.gather [hbm4b:s6+s13], $0x80, s16, s13, $0xb8;
	[tilespmem:$0x1C580] =	vst v63  }
0x361: {  	_ =	swait.ge [sflag:s20], $0x4000  }
0x362: {  	[sflag:s20] =	ssyncset.done $0x0  }
0x363: {  	s0 =	simm.s32 @!p0 $0x2;
	[sflag:s20] =	ssyncadd.s32 $0xFFFFC000  }
0x364: {  	s29 =	sadd.s32 $0x2, s29;
	_ =	swait.ge @!p0 [sflag:s0], $0x2000  }
0x365: {  	s1 =	sshll.u32 s29, $0x7;
	[sflag:s0] =	ssyncset.done @!p0 $0x0  }
0x366: {  	[sflag:s0] =	ssyncadd.s32 @!p0 $0xFFFFE000;
	s0 =	sand.u32 $0x3FFFFF80, s1  }
0x367: {  	v9 =	vld [tilespmem:s0+$0x10]  }
0x368: {  	v10 =	vld [tilespmem:s0+$0x0];
	_ =	sdelay $0x1  }
0x369: {  	v11 =	vld [tilespmem:s0+$0x30]  }
0x36a: {  	v12 =	vld [tilespmem:s0+$0x20]  }
0x36b: {  	v9 =	vshll.u32 v9, $0x6  }
0x36c: {  	v10 =	vshll.u32 v10, $0x6;
	v9 =	vand.u32 $0x40, v9  }
0x36d: {  	s2 =	simm.s32 $0x0;
	v10 =	vand.u32 $0x40, v10;
	v9 =	vor.u32 v1, v9  }
0x36e: {  	v11 =	vshll.u32 v11, $0x6;
	v10 =	vor.u32 v0, v10;
	v13 =	vor.u32 s2, v9  }
0x36f: {  	v12 =	vshll.u32 v12, $0x6;
	v11 =	vand.u32 $0x40, v11;
	v14 =	vor.u32 s2, v10  }
0x370: {  	v12 =	vand.u32 $0x40, v12;
	v11 =	vor.u32 v3, v11  }
0x371: {  	v12 =	vor.u32 v2, v12;
	v15 =	vor.u32 s2, v11  }
0x372: {  	v16 =	vor.u32 s2, v12  }
0x373: {  	v17 =	vld.idx.msk [tilespmem:v13+s19+$0x0], $0xffff  }
0x374: {  	v18 =	vld.idx.msk [tilespmem:v14+s19+$0x0], $0xffff;
	_ =	sdelay $0x1  }
0x375: {  	v15 =	vld.idx.msk [tilespmem:v15+s19+$0x0], $0xffff  }
0x376: {  	s4 =	simm.s32 $0x1;
	s1 =	simm.s32 $0x1A680;
	v14 =	vld.idx.msk [tilespmem:v16+s19+$0x0], $0xffff  }
0x377: {  	v16 =	vor.u32 s4, v12;
	[tilespmem:s1+$0xFFFFFF10] =	vst v17  }
0x378: {  	s30 =	simm.s32 $0x4;
	s14 =	simm.s32 $0x1A680;
	v13 =	vor.u32 s4, v10;
	v17 =	vor.u32 s4, v9;
	[tilespmem:s1+$0xFFFFFF00] =	vst v18;
	v18 =	vor.u32 s4, v11  }
.LBB2_16:
0x379: {  	p0 =	slt.u32 s30, $0x3C  }
0x37a: {  	[tilespmem:s1+$0xFFFFFF30] =	vst v15;
	s14 =	sadd.s32 $0x200, s14;
	s4 =	smov.u32 s30;
	s30 =	sadd.s32 $0x4, s30  }
0x37b: {  	[tilespmem:s1+$0xFFFFFF20] =	vst v14  }
0x37c: {  	v14 =	vld.idx.msk [tilespmem:v16+s19+$0x0], $0xffff  }
0x37d: {  	v15 =	vld.idx.msk [tilespmem:v17+s19+$0x0], $0xffff  }
0x37e: {  	v16 =	vld.idx.msk [tilespmem:v18+s19+$0x0], $0xffff  }
0x37f: {  	v13 =	vld.idx.msk [tilespmem:v13+s19+$0x0], $0xffff  }
0x380: {  	s18 =	sadd.s32 $0x2, s2  }
0x381: {  	v19 =	vor.u32 s18, v11;
	v17 =	vor.u32 s4, v10;
	v18 =	vor.u32 s18, v9  }
0x382: {  	v20 =	vor.u32 s4, v9;
	v21 =	vor.u32 s4, v12;
	v22 =	vor.u32 s4, v11;
	[tilespmem:s1+$0xFFFFFFA0] =	vst v14  }
0x383: {  	v14 =	vor.u32 s18, v12;
	[tilespmem:s1+$0xFFFFFF90] =	vst v15  }
0x384: {  	v15 =	vor.u32 s18, v10;
	[tilespmem:s1+$0xFFFFFFB0] =	vst v16  }
0x385: {  	[tilespmem:s1+$0xFFFFFF80] =	vst v13  }
0x386: {  	v13 =	vld.idx.msk [tilespmem:v18+s19+$0x0], $0xffff  }
0x387: {  	v16 =	vld.idx.msk [tilespmem:v19+s19+$0x0], $0xffff  }
0x388: {  	v14 =	vld.idx.msk [tilespmem:v14+s19+$0x0], $0xffff  }
0x389: {  	v15 =	vld.idx.msk [tilespmem:v15+s19+$0x0], $0xffff  }
0x38a: {  	s18 =	sadd.s32 $0x3, s2;
	s2 =	smov.u32 s4  }
0x38b: {  	v18 =	vor.u32 s18, v10  }
0x38c: {  	[tilespmem:s1+$0x10] =	vst v13;
	v13 =	vor.u32 s18, v9  }
0x38d: {  	[tilespmem:s1+$0x30] =	vst v16;
	v16 =	vor.u32 s18, v12  }
0x38e: {  	[tilespmem:s1+$0x20] =	vst v14;
	v14 =	vor.u32 s18, v11  }
0x38f: {  	[tilespmem:s1+$0x0] =	vst v15  }
0x390: {  	v15 =	vld.idx.msk [tilespmem:v18+s19+$0x0], $0xffff  }
0x391: {  	v13 =	vld.idx.msk [tilespmem:v13+s19+$0x0], $0xffff  }
0x392: {  	v16 =	vld.idx.msk [tilespmem:v16+s19+$0x0], $0xffff  }
0x393: {  	v14 =	vld.idx.msk [tilespmem:v14+s19+$0x0], $0xffff;
	_ =	sdelay $0x2  }
0x394: {  	[tilespmem:s1+$0x80] =	vst v15  }
0x395: {  	[tilespmem:s1+$0x90] =	vst v13  }
0x396: {  	[tilespmem:s1+$0xA0] =	vst v16  }
0x397: {  	[tilespmem:s1+$0xB0] =	vst v14;
	s1 =	smov.u32 s14  }
0x398: {  	v18 =	vld.idx.msk [tilespmem:v20+s19+$0x0], $0xffff  }
0x399: {  	v19 =	vld.idx.msk [tilespmem:v17+s19+$0x0], $0xffff  }
0x39a: {  	v15 =	vld.idx.msk [tilespmem:v22+s19+$0x0], $0xffff  }
.Ltmp9:
0x39b: {  	v14 =	vld.idx.msk [tilespmem:v21+s19+$0x0], $0xffff;
	(pc) =	sbr.rel @p0 .LBB2_16-.Ltmp9, $4  }
0x39c: {  	s4 =	sadd.s32 $0x1, s2  }
0x39d: {  	v13 =	vor.u32 s4, v10;
	v16 =	vor.u32 s4, v12  }
0x39e: {  	v17 =	vor.u32 s4, v9;
	[tilespmem:s14+$0xFFFFFF10] =	vst v18  }
0x39f: {  	v18 =	vor.u32 s4, v11;
	[tilespmem:s14+$0xFFFFFF00] =	vst v19  }
0x3a0: {  	_ =	sdelay $0x1  }
0x3a1: {  	[tilespmem:s1+$0xFFFFFF30] =	vst v15  }
0x3a2: {  	[tilespmem:s1+$0xFFFFFF20] =	vst v14  }
0x3a3: {  	v14 =	vld.idx.msk [tilespmem:v16+s19+$0x0], $0xffff  }
0x3a4: {  	v15 =	vld.idx.msk [tilespmem:v17+s19+$0x0], $0xffff  }
0x3a5: {  	v16 =	vld.idx.msk [tilespmem:v18+s19+$0x0], $0xffff  }
0x3a6: {  	s4 =	sadd.s32 $0x2, s2;
	v13 =	vld.idx.msk [tilespmem:v13+s19+$0x0], $0xffff  }
0x3a7: {  	v17 =	vor.u32 s4, v9  }
0x3a8: {  	v18 =	vor.u32 s4, v11;
	[tilespmem:s1+$0xFFFFFFA0] =	vst v14  }
0x3a9: {  	[tilespmem:s1+$0xFFFFFF90] =	vst v15;
	v14 =	vor.u32 s4, v12  }
0x3aa: {  	[tilespmem:s1+$0xFFFFFFB0] =	vst v16;
	v15 =	vor.u32 s4, v10  }
0x3ab: {  	[tilespmem:s1+$0xFFFFFF80] =	vst v13  }
0x3ac: {  	v13 =	vld.idx.msk [tilespmem:v17+s19+$0x0], $0xffff  }
0x3ad: {  	v16 =	vld.idx.msk [tilespmem:v18+s19+$0x0], $0xffff  }
0x3ae: {  	v14 =	vld.idx.msk [tilespmem:v14+s19+$0x0], $0xffff  }
0x3af: {  	s30 =	sadd.s32 $0x3, s2;
	v15 =	vld.idx.msk [tilespmem:v15+s19+$0x0], $0xffff  }
0x3b0: {  	v10 =	vor.u32 s30, v10  }
0x3b1: {  	v9 =	vor.u32 s30, v9;
	[tilespmem:s1+$0x10] =	vst v13  }
0x3b2: {  	v12 =	vor.u32 s30, v12;
	[tilespmem:s1+$0x30] =	vst v16  }
0x3b3: {  	v11 =	vor.u32 s30, v11;
	[tilespmem:s1+$0x20] =	vst v14  }
0x3b4: {  	[tilespmem:s1+$0x0] =	vst v15  }
0x3b5: {  	v10 =	vld.idx.msk [tilespmem:v10+s19+$0x0], $0xffff  }
0x3b6: {  	v9 =	vld.idx.msk [tilespmem:v9+s19+$0x0], $0xffff  }
0x3b7: {  	v12 =	vld.idx.msk [tilespmem:v12+s19+$0x0], $0xffff  }
0x3b8: {  	v11 =	vld.idx.msk [tilespmem:v11+s19+$0x0], $0xffff;
	_ =	sdelay $0x1  }
0x3b9: {  	[tilespmem:s1+$0x80] =	vst v10  }
0x3ba: {  	[tilespmem:s1+$0x90] =	vst v9  }
0x3bb: {  	[tilespmem:s1+$0xA0] =	vst v12  }
0x3bc: {  	[tilespmem:s1+$0xB0] =	vst v11  }
0x3bd: {  	v9 =	vld [tilespmem:s0+$0x50]  }
0x3be: {  	v10 =	vld [tilespmem:s0+$0x40];
	_ =	sdelay $0x1  }
0x3bf: {  	v11 =	vld [tilespmem:s0+$0x70]  }
0x3c0: {  	v12 =	vld [tilespmem:s0+$0x60]  }
0x3c1: {  	v9 =	vshll.u32 v9, $0x6  }
0x3c2: {  	v10 =	vshll.u32 v10, $0x6;
	v9 =	vand.u32 $0x40, v9  }
0x3c3: {  	s0 =	simm.s32 $0x0;
	v10 =	vand.u32 $0x40, v10;
	v9 =	vor.u32 v5, v9  }
0x3c4: {  	v11 =	vshll.u32 v11, $0x6;
	v10 =	vor.u32 v4, v10;
	v13 =	vor.u32 s0, v9  }
0x3c5: {  	v12 =	vshll.u32 v12, $0x6;
	v11 =	vand.u32 $0x40, v11;
	v14 =	vor.u32 s0, v10  }
0x3c6: {  	v12 =	vand.u32 $0x40, v12;
	v11 =	vor.u32 v7, v11  }
0x3c7: {  	v12 =	vor.u32 v6, v12;
	v15 =	vor.u32 s0, v11  }
0x3c8: {  	v16 =	vor.u32 s0, v12  }
0x3c9: {  	v17 =	vld.idx.msk [tilespmem:v13+s19+$0x0], $0xffff  }
0x3ca: {  	v18 =	vld.idx.msk [tilespmem:v14+s19+$0x0], $0xffff;
	_ =	sdelay $0x1  }
0x3cb: {  	v15 =	vld.idx.msk [tilespmem:v15+s19+$0x0], $0xffff  }
0x3cc: {  	s31 =	simm.s32 $0x1;
	s1 =	simm.s32 $0x1A6C0;
	v14 =	vld.idx.msk [tilespmem:v16+s19+$0x0], $0xffff  }
0x3cd: {  	v16 =	vor.u32 s31, v12;
	[tilespmem:s1+$0xFFFFFF10] =	vst v17  }
0x3ce: {  	s2 =	simm.s32 $0x4;
	s14 =	simm.s32 $0x1A6C0;
	v13 =	vor.u32 s31, v10;
	v17 =	vor.u32 s31, v9;
	[tilespmem:s1+$0xFFFFFF00] =	vst v18;
	v18 =	vor.u32 s31, v11  }
.LBB2_18:
0x3cf: {  	p0 =	slt.u32 s2, $0x3C  }
0x3d0: {  	[tilespmem:s1+$0xFFFFFF30] =	vst v15;
	s14 =	sadd.s32 $0x200, s14;
	s4 =	smov.u32 s2;
	s2 =	sadd.s32 $0x4, s2  }
0x3d1: {  	[tilespmem:s1+$0xFFFFFF20] =	vst v14  }
0x3d2: {  	v14 =	vld.idx.msk [tilespmem:v16+s19+$0x0], $0xffff  }
0x3d3: {  	v15 =	vld.idx.msk [tilespmem:v17+s19+$0x0], $0xffff  }
0x3d4: {  	v16 =	vld.idx.msk [tilespmem:v18+s19+$0x0], $0xffff  }
0x3d5: {  	v13 =	vld.idx.msk [tilespmem:v13+s19+$0x0], $0xffff  }
0x3d6: {  	s18 =	sadd.s32 $0x2, s0  }
0x3d7: {  	v19 =	vor.u32 s18, v11;
	v17 =	vor.u32 s4, v10;
	v18 =	vor.u32 s18, v9  }
0x3d8: {  	v20 =	vor.u32 s4, v9;
	v21 =	vor.u32 s4, v12;
	v22 =	vor.u32 s4, v11;
	[tilespmem:s1+$0xFFFFFFA0] =	vst v14  }
0x3d9: {  	v14 =	vor.u32 s18, v12;
	[tilespmem:s1+$0xFFFFFF90] =	vst v15  }
0x3da: {  	v15 =	vor.u32 s18, v10;
	[tilespmem:s1+$0xFFFFFFB0] =	vst v16  }
0x3db: {  	[tilespmem:s1+$0xFFFFFF80] =	vst v13  }
0x3dc: {  	v13 =	vld.idx.msk [tilespmem:v18+s19+$0x0], $0xffff  }
0x3dd: {  	v16 =	vld.idx.msk [tilespmem:v19+s19+$0x0], $0xffff  }
0x3de: {  	v14 =	vld.idx.msk [tilespmem:v14+s19+$0x0], $0xffff  }
0x3df: {  	v15 =	vld.idx.msk [tilespmem:v15+s19+$0x0], $0xffff  }
0x3e0: {  	s18 =	sadd.s32 $0x3, s0;
	s0 =	smov.u32 s4  }
0x3e1: {  	v18 =	vor.u32 s18, v10  }
0x3e2: {  	[tilespmem:s1+$0x10] =	vst v13;
	v13 =	vor.u32 s18, v9  }
0x3e3: {  	[tilespmem:s1+$0x30] =	vst v16;
	v16 =	vor.u32 s18, v12  }
0x3e4: {  	[tilespmem:s1+$0x20] =	vst v14;
	v14 =	vor.u32 s18, v11  }
0x3e5: {  	[tilespmem:s1+$0x0] =	vst v15  }
0x3e6: {  	v15 =	vld.idx.msk [tilespmem:v18+s19+$0x0], $0xffff  }
0x3e7: {  	v13 =	vld.idx.msk [tilespmem:v13+s19+$0x0], $0xffff  }
0x3e8: {  	v16 =	vld.idx.msk [tilespmem:v16+s19+$0x0], $0xffff  }
0x3e9: {  	v14 =	vld.idx.msk [tilespmem:v14+s19+$0x0], $0xffff;
	_ =	sdelay $0x2  }
0x3ea: {  	[tilespmem:s1+$0x80] =	vst v15  }
0x3eb: {  	[tilespmem:s1+$0x90] =	vst v13  }
0x3ec: {  	[tilespmem:s1+$0xA0] =	vst v16  }
0x3ed: {  	[tilespmem:s1+$0xB0] =	vst v14;
	s1 =	smov.u32 s14  }
0x3ee: {  	v18 =	vld.idx.msk [tilespmem:v20+s19+$0x0], $0xffff  }
0x3ef: {  	v19 =	vld.idx.msk [tilespmem:v17+s19+$0x0], $0xffff  }
0x3f0: {  	v15 =	vld.idx.msk [tilespmem:v22+s19+$0x0], $0xffff  }
.Ltmp10:
0x3f1: {  	v14 =	vld.idx.msk [tilespmem:v21+s19+$0x0], $0xffff;
	(pc) =	sbr.rel @p0 .LBB2_18-.Ltmp10, $4  }
0x3f2: {  	s4 =	sadd.s32 $0x1, s0  }
0x3f3: {  	v13 =	vor.u32 s4, v10;
	v16 =	vor.u32 s4, v12  }
0x3f4: {  	v17 =	vor.u32 s4, v9;
	[tilespmem:s14+$0xFFFFFF10] =	vst v18  }
0x3f5: {  	v18 =	vor.u32 s4, v11;
	[tilespmem:s14+$0xFFFFFF00] =	vst v19  }
0x3f6: {  	_ =	sdelay $0x1  }
0x3f7: {  	[tilespmem:s1+$0xFFFFFF30] =	vst v15  }
0x3f8: {  	[tilespmem:s1+$0xFFFFFF20] =	vst v14  }
0x3f9: {  	v14 =	vld.idx.msk [tilespmem:v16+s19+$0x0], $0xffff  }
0x3fa: {  	v15 =	vld.idx.msk [tilespmem:v17+s19+$0x0], $0xffff  }
0x3fb: {  	v16 =	vld.idx.msk [tilespmem:v18+s19+$0x0], $0xffff  }
0x3fc: {  	s2 =	sadd.s32 $0x2, s0;
	v13 =	vld.idx.msk [tilespmem:v13+s19+$0x0], $0xffff  }
0x3fd: {  	v17 =	vor.u32 s2, v9  }
0x3fe: {  	v18 =	vor.u32 s2, v11;
	[tilespmem:s1+$0xFFFFFFA0] =	vst v14  }
0x3ff: {  	[tilespmem:s1+$0xFFFFFF90] =	vst v15;
	v14 =	vor.u32 s2, v12  }
0x400: {  	[tilespmem:s1+$0xFFFFFFB0] =	vst v16;
	v15 =	vor.u32 s2, v10  }
0x401: {  	[tilespmem:s1+$0xFFFFFF80] =	vst v13  }
0x402: {  	v13 =	vld.idx.msk [tilespmem:v17+s19+$0x0], $0xffff  }
0x403: {  	v16 =	vld.idx.msk [tilespmem:v18+s19+$0x0], $0xffff  }
0x404: {  	v14 =	vld.idx.msk [tilespmem:v14+s19+$0x0], $0xffff  }
0x405: {  	s2 =	sadd.s32 $0x3, s0;
	v15 =	vld.idx.msk [tilespmem:v15+s19+$0x0], $0xffff  }
0x406: {  	v10 =	vor.u32 s2, v10  }
0x407: {  	v9 =	vor.u32 s2, v9;
	[tilespmem:s1+$0x10] =	vst v13  }
0x408: {  	v12 =	vor.u32 s2, v12;
	[tilespmem:s1+$0x30] =	vst v16  }
0x409: {  	s0 =	simm.s32 $0x0;
	v11 =	vor.u32 s2, v11;
	[tilespmem:s1+$0x20] =	vst v14  }
0x40a: {  	v13 =	vmov s0;
	[tilespmem:s1+$0x0] =	vst v15  }
0x40b: {  	v13 =	vshrl.u32 v13, $0x3;
	v14 =	vmov s29;
	v10 =	vld.idx.msk [tilespmem:v10+s19+$0x0], $0xffff  }
0x40c: {  	v13 =	vshll.u32 v13, v8;
	v15 =	vld.idx.msk [tilespmem:v9+s19+$0x0], $0xffff;
	v9 =	vshll.u32 v14, $0x3  }
0x40d: {  	v13 =	vbroadcast v13, $0x0;
	v12 =	vld.idx.msk [tilespmem:v12+s19+$0x0], $0xffff;
	v14 =	vand.u32 $0x7F, v14;
	v9 =	vand.u32 $0x1C00, v9  }
0x40e: {  	v11 =	vld.idx.msk [tilespmem:v11+s19+$0x0], $0xffff;
	v9 =	vor.u32 v14, v9  }
0x40f: {  	v13 =	vadd.s32 v9, v13  }
0x410: {  	[tilespmem:s1+$0x80] =	vst v10  }
0x411: {  	[tilespmem:s1+$0x90] =	vst v15  }
0x412: {  	[tilespmem:s1+$0xA0] =	vst v12  }
0x413: {  	[tilespmem:s1+$0xB0] =	vst v11  }
0x414: {  	v11 =	vld.idx.msk [tilespmem:v13+s12+$0x0], $0xffff;
	_ =	sdelay $0x1  }
0x415: {  	s4 =	simm.s32 $0x1  }
0x416: {  	v10 =	vmov s4  }
0x417: {  	s30 =	simm.s32 $0x1A970;
	v10 =	vshrl.u32 v10, $0x3  }
0x418: {  	v10 =	vshll.u32 v10, v8;
	[tilespmem:s30+$0xFFFFFC80] =	vst.add.f32.msk $0xffff, v11  }
0x419: {  	v12 =	vbroadcast v10, $0x0;
	[tilespmem:s30+$0xFFFFFC70] =	vst.add.f32.msk $0xffff, v11  }
0x41a: {  	v10 =	vor.u32 $0x80, v9;
	[tilespmem:s30+$0xFFFFFC60] =	vst.add.f32.msk $0xffff, v11  }
0x41b: {  	v12 =	vadd.s32 v10, v12;
	[tilespmem:s30+$0xFFFFFC40] =	vst.add.f32.msk $0xffff, v11  }
0x41c: {  	[tilespmem:s30+$0xFFFFFC50] =	vst.add.f32.msk $0xffff, v11  }
0x41d: {  	[tilespmem:s30+$0xFFFFFC30] =	vst.add.f32.msk $0xffff, v11  }
0x41e: {  	[tilespmem:s30+$0xFFFFFC10] =	vst.add.f32.msk $0xffff, v11  }
0x41f: {  	[tilespmem:s30+$0xFFFFFC20] =	vst.add.f32.msk $0xffff, v11  }
0x420: {  	v11 =	vld.idx.msk [tilespmem:v12+s12+$0x0], $0xffff;
	_ =	sdelay $0x1  }
0x421: {  	s14 =	simm.s32 $0x2  }
0x422: {  	v12 =	vmov s14  }
0x423: {  	v12 =	vshrl.u32 v12, $0x3  }
0x424: {  	v12 =	vshll.u32 v12, v8;
	[tilespmem:s30+$0xFFFFFD00] =	vst.add.f32.msk $0xffff, v11  }
0x425: {  	v13 =	vbroadcast v12, $0x0;
	[tilespmem:s30+$0xFFFFFCF0] =	vst.add.f32.msk $0xffff, v11  }
0x426: {  	v12 =	vor.u32 $0x100, v9;
	[tilespmem:s30+$0xFFFFFCE0] =	vst.add.f32.msk $0xffff, v11  }
0x427: {  	[tilespmem:s30+$0xFFFFFCB0] =	vst.add.f32.msk $0xffff, v11;
	v13 =	vadd.s32 v12, v13  }
0x428: {  	[tilespmem:s30+$0xFFFFFCD0] =	vst.add.f32.msk $0xffff, v11  }
0x429: {  	[tilespmem:s30+$0xFFFFFCA0] =	vst.add.f32.msk $0xffff, v11  }
0x42a: {  	[tilespmem:s30+$0xFFFFFCC0] =	vst.add.f32.msk $0xffff, v11  }
0x42b: {  	[tilespmem:s30+$0xFFFFFC90] =	vst.add.f32.msk $0xffff, v11  }
0x42c: {  	v11 =	vld.idx.msk [tilespmem:v13+s12+$0x0], $0xffff;
	_ =	sdelay $0x1  }
0x42d: {  	s18 =	simm.s32 $0x3  }
0x42e: {  	v13 =	vmov s18  }
0x42f: {  	v13 =	vshrl.u32 v13, $0x3  }
0x430: {  	v13 =	vshll.u32 v13, v8;
	[tilespmem:s30+$0xFFFFFD80] =	vst.add.f32.msk $0xffff, v11  }
0x431: {  	v13 =	vbroadcast v13, $0x0;
	[tilespmem:s30+$0xFFFFFD20] =	vst.add.f32.msk $0xffff, v11  }
0x432: {  	v14 =	vor.u32 $0x180, v9;
	[tilespmem:s30+$0xFFFFFD70] =	vst.add.f32.msk $0xffff, v11  }
0x433: {  	[tilespmem:s30+$0xFFFFFD50] =	vst.add.f32.msk $0xffff, v11;
	v13 =	vadd.s32 v14, v13  }
0x434: {  	[tilespmem:s30+$0xFFFFFD40] =	vst.add.f32.msk $0xffff, v11  }
0x435: {  	[tilespmem:s30+$0xFFFFFD60] =	vst.add.f32.msk $0xffff, v11  }
0x436: {  	[tilespmem:s30+$0xFFFFFD10] =	vst.add.f32.msk $0xffff, v11  }
0x437: {  	[tilespmem:s30+$0xFFFFFD30] =	vst.add.f32.msk $0xffff, v11  }
0x438: {  	v17 =	vld.idx.msk [tilespmem:v13+s12+$0x0], $0xffff;
	_ =	sdelay $0x4  }
0x439: {  	[tilespmem:s30+$0xFFFFFDF0] =	vst.add.f32.msk $0xffff, v17  }
0x43a: {  	[tilespmem:s30+$0xFFFFFDE0] =	vst.add.f32.msk $0xffff, v17  }
0x43b: {  	[tilespmem:s30+$0xFFFFFDC0] =	vst.add.f32.msk $0xffff, v17  }
0x43c: {  	s31 =	simm.s32 $0x4;
	[tilespmem:s30+$0xFFFFFDD0] =	vst.add.f32.msk $0xffff, v17  }
0x43d: {  	v18 =	vmov s31;
	[tilespmem:s30+$0xFFFFFDA0] =	vst.add.f32.msk $0xffff, v17  }
0x43e: {  	v18 =	vshrl.u32 v18, $0x3;
	v16 =	vor.u32 $0x200, v9;
	[tilespmem:s30+$0xFFFFFDB0] =	vst.add.f32.msk $0xffff, v17  }
0x43f: {  	s2 =	simm.s32 $0x1A970;
	v15 =	vor.u32 $0x280, v9;
	s1 =	simm.s32 $0x8;
	v11 =	vor.u32 $0x380, v9;
	v13 =	vor.u32 $0x300, v9;
	[tilespmem:s30+$0xFFFFFD90] =	vst.add.f32.msk $0xffff, v17  }
.LBB2_20:
0x440: {  	p0 =	slt.u32 s1, $0x38  }
0x441: {  	[tilespmem:s30+$0xFFFFFE00] =	vst.add.f32.msk $0xffff, v17;
	v17 =	vshll.u32 v18, v8;
	s2 =	sadd.s32 $0x400, s2;
	s14 =	smov.u32 s1;
	s1 =	sadd.s32 $0x8, s1  }
0x442: {  	v17 =	vbroadcast v17, $0x0;
	_ =	sdelay $0x1  }
0x443: {  	v17 =	vadd.s32 v16, v17;
	_ =	sdelay $0x4  }
0x444: {  	v17 =	vld.idx.msk [tilespmem:v17+s12+$0x0], $0xffff;
	_ =	sdelay $0x2  }
0x445: {  	s4 =	sadd.s32 $0x5, s0  }
0x446: {  	v18 =	vmov s4  }
0x447: {  	v18 =	vshrl.u32 v18, $0x3  }
0x448: {  	v18 =	vshll.u32 v18, v8;
	[tilespmem:s30+$0xFFFFFE80] =	vst.add.f32.msk $0xffff, v17  }
0x449: {  	v18 =	vbroadcast v18, $0x0;
	[tilespmem:s30+$0xFFFFFE70] =	vst.add.f32.msk $0xffff, v17  }
0x44a: {  	[tilespmem:s30+$0xFFFFFE60] =	vst.add.f32.msk $0xffff, v17  }
0x44b: {  	v18 =	vadd.s32 v15, v18;
	[tilespmem:s30+$0xFFFFFE50] =	vst.add.f32.msk $0xffff, v17  }
0x44c: {  	[tilespmem:s30+$0xFFFFFE40] =	vst.add.f32.msk $0xffff, v17  }
0x44d: {  	[tilespmem:s30+$0xFFFFFE30] =	vst.add.f32.msk $0xffff, v17  }
0x44e: {  	[tilespmem:s30+$0xFFFFFE10] =	vst.add.f32.msk $0xffff, v17  }
0x44f: {  	[tilespmem:s30+$0xFFFFFE20] =	vst.add.f32.msk $0xffff, v17  }
0x450: {  	v17 =	vld.idx.msk [tilespmem:v18+s12+$0x0], $0xffff;
	_ =	sdelay $0x2  }
0x451: {  	s4 =	sadd.s32 $0x6, s0  }
0x452: {  	v18 =	vmov s4  }
0x453: {  	v18 =	vshrl.u32 v18, $0x3  }
0x454: {  	v18 =	vshll.u32 v18, v8;
	[tilespmem:s30+$0xFFFFFF00] =	vst.add.f32.msk $0xffff, v17  }
0x455: {  	v18 =	vbroadcast v18, $0x0;
	[tilespmem:s30+$0xFFFFFEA0] =	vst.add.f32.msk $0xffff, v17  }
0x456: {  	[tilespmem:s30+$0xFFFFFEE0] =	vst.add.f32.msk $0xffff, v17  }
0x457: {  	v18 =	vadd.s32 v13, v18;
	[tilespmem:s30+$0xFFFFFED0] =	vst.add.f32.msk $0xffff, v17  }
0x458: {  	[tilespmem:s30+$0xFFFFFEF0] =	vst.add.f32.msk $0xffff, v17  }
0x459: {  	[tilespmem:s30+$0xFFFFFE90] =	vst.add.f32.msk $0xffff, v17  }
0x45a: {  	[tilespmem:s30+$0xFFFFFEC0] =	vst.add.f32.msk $0xffff, v17  }
0x45b: {  	[tilespmem:s30+$0xFFFFFEB0] =	vst.add.f32.msk $0xffff, v17  }
0x45c: {  	v17 =	vld.idx.msk [tilespmem:v18+s12+$0x0], $0xffff;
	_ =	sdelay $0x2  }
0x45d: {  	s4 =	sadd.s32 $0x7, s0;
	s0 =	smov.u32 s14  }
0x45e: {  	v18 =	vmov s4  }
0x45f: {  	v18 =	vshrl.u32 v18, $0x3  }
0x460: {  	v18 =	vshll.u32 v18, v8;
	[tilespmem:s30+$0xFFFFFF80] =	vst.add.f32.msk $0xffff, v17  }
0x461: {  	v18 =	vbroadcast v18, $0x0;
	[tilespmem:s30+$0xFFFFFF70] =	vst.add.f32.msk $0xffff, v17  }
0x462: {  	[tilespmem:s30+$0xFFFFFF20] =	vst.add.f32.msk $0xffff, v17  }
0x463: {  	v18 =	vadd.s32 v11, v18;
	[tilespmem:s30+$0xFFFFFF60] =	vst.add.f32.msk $0xffff, v17  }
0x464: {  	[tilespmem:s30+$0xFFFFFF50] =	vst.add.f32.msk $0xffff, v17  }
0x465: {  	[tilespmem:s30+$0xFFFFFF10] =	vst.add.f32.msk $0xffff, v17  }
0x466: {  	[tilespmem:s30+$0xFFFFFF30] =	vst.add.f32.msk $0xffff, v17  }
0x467: {  	[tilespmem:s30+$0xFFFFFF40] =	vst.add.f32.msk $0xffff, v17  }
0x468: {  	v17 =	vld.idx.msk [tilespmem:v18+s12+$0x0], $0xffff;
	_ =	sdelay $0x3  }
0x469: {  	v18 =	vmov s0  }
0x46a: {  	v18 =	vshrl.u32 v18, $0x3  }
0x46b: {  	v18 =	vshll.u32 v18, v8;
	[tilespmem:s30+$0xFFFFFF90] =	vst.add.f32.msk $0xffff, v17  }
0x46c: {  	v18 =	vbroadcast v18, $0x0;
	[tilespmem:s30+$0xFFFFFFA0] =	vst.add.f32.msk $0xffff, v17  }
0x46d: {  	[tilespmem:s30+$0xFFFFFFB0] =	vst.add.f32.msk $0xffff, v17  }
0x46e: {  	v18 =	vadd.s32 v9, v18;
	[tilespmem:s30+$0x0] =	vst.add.f32.msk $0xffff, v17  }
0x46f: {  	[tilespmem:s30+$0xFFFFFFD0] =	vst.add.f32.msk $0xffff, v17  }
0x470: {  	[tilespmem:s30+$0xFFFFFFE0] =	vst.add.f32.msk $0xffff, v17  }
0x471: {  	[tilespmem:s30+$0xFFFFFFF0] =	vst.add.f32.msk $0xffff, v17  }
0x472: {  	[tilespmem:s30+$0xFFFFFFC0] =	vst.add.f32.msk $0xffff, v17;
	s30 =	smov.u32 s2  }
0x473: {  	v17 =	vld.idx.msk [tilespmem:v18+s12+$0x0], $0xffff;
	_ =	sdelay $0x2  }
0x474: {  	s4 =	sadd.s32 $0x1, s0  }
0x475: {  	v18 =	vmov s4  }
0x476: {  	v18 =	vshrl.u32 v18, $0x3  }
0x477: {  	v18 =	vshll.u32 v18, v8;
	[tilespmem:s2+$0xFFFFFC80] =	vst.add.f32.msk $0xffff, v17  }
0x478: {  	v18 =	vbroadcast v18, $0x0;
	[tilespmem:s2+$0xFFFFFC70] =	vst.add.f32.msk $0xffff, v17  }
0x479: {  	[tilespmem:s2+$0xFFFFFC60] =	vst.add.f32.msk $0xffff, v17  }
0x47a: {  	v18 =	vadd.s32 v10, v18;
	[tilespmem:s2+$0xFFFFFC40] =	vst.add.f32.msk $0xffff, v17  }
0x47b: {  	[tilespmem:s2+$0xFFFFFC50] =	vst.add.f32.msk $0xffff, v17  }
0x47c: {  	[tilespmem:s2+$0xFFFFFC30] =	vst.add.f32.msk $0xffff, v17  }
0x47d: {  	[tilespmem:s2+$0xFFFFFC10] =	vst.add.f32.msk $0xffff, v17  }
0x47e: {  	[tilespmem:s2+$0xFFFFFC20] =	vst.add.f32.msk $0xffff, v17  }
0x47f: {  	v17 =	vld.idx.msk [tilespmem:v18+s12+$0x0], $0xffff;
	_ =	sdelay $0x2  }
0x480: {  	s4 =	sadd.s32 $0x2, s0  }
0x481: {  	v18 =	vmov s4  }
0x482: {  	v18 =	vshrl.u32 v18, $0x3  }
0x483: {  	v18 =	vshll.u32 v18, v8;
	[tilespmem:s2+$0xFFFFFD00] =	vst.add.f32.msk $0xffff, v17  }
0x484: {  	v18 =	vbroadcast v18, $0x0;
	[tilespmem:s2+$0xFFFFFCF0] =	vst.add.f32.msk $0xffff, v17  }
0x485: {  	[tilespmem:s2+$0xFFFFFCE0] =	vst.add.f32.msk $0xffff, v17  }
0x486: {  	v18 =	vadd.s32 v12, v18;
	[tilespmem:s2+$0xFFFFFCB0] =	vst.add.f32.msk $0xffff, v17  }
0x487: {  	[tilespmem:s2+$0xFFFFFCD0] =	vst.add.f32.msk $0xffff, v17  }
0x488: {  	[tilespmem:s2+$0xFFFFFCA0] =	vst.add.f32.msk $0xffff, v17  }
0x489: {  	[tilespmem:s2+$0xFFFFFCC0] =	vst.add.f32.msk $0xffff, v17  }
0x48a: {  	[tilespmem:s2+$0xFFFFFC90] =	vst.add.f32.msk $0xffff, v17  }
0x48b: {  	v17 =	vld.idx.msk [tilespmem:v18+s12+$0x0], $0xffff;
	_ =	sdelay $0x2  }
0x48c: {  	s4 =	sadd.s32 $0x3, s0  }
0x48d: {  	v18 =	vmov s4  }
0x48e: {  	v18 =	vshrl.u32 v18, $0x3  }
0x48f: {  	v18 =	vshll.u32 v18, v8;
	[tilespmem:s2+$0xFFFFFD80] =	vst.add.f32.msk $0xffff, v17  }
0x490: {  	v18 =	vbroadcast v18, $0x0;
	[tilespmem:s2+$0xFFFFFD20] =	vst.add.f32.msk $0xffff, v17  }
0x491: {  	[tilespmem:s2+$0xFFFFFD70] =	vst.add.f32.msk $0xffff, v17  }
0x492: {  	v18 =	vadd.s32 v14, v18;
	[tilespmem:s2+$0xFFFFFD50] =	vst.add.f32.msk $0xffff, v17  }
0x493: {  	[tilespmem:s2+$0xFFFFFD40] =	vst.add.f32.msk $0xffff, v17  }
0x494: {  	[tilespmem:s2+$0xFFFFFD60] =	vst.add.f32.msk $0xffff, v17  }
0x495: {  	[tilespmem:s2+$0xFFFFFD10] =	vst.add.f32.msk $0xffff, v17  }
0x496: {  	[tilespmem:s2+$0xFFFFFD30] =	vst.add.f32.msk $0xffff, v17  }
0x497: {  	v17 =	vld.idx.msk [tilespmem:v18+s12+$0x0], $0xffff;
	_ =	sdelay $0x5  }
0x498: {  	[tilespmem:s2+$0xFFFFFDF0] =	vst.add.f32.msk $0xffff, v17  }
0x499: {  	[tilespmem:s2+$0xFFFFFDE0] =	vst.add.f32.msk $0xffff, v17  }
.Ltmp11:
0x49a: {  	[tilespmem:s2+$0xFFFFFDC0] =	vst.add.f32.msk $0xffff, v17;
	(pc) =	sbr.rel @p0 .LBB2_20-.Ltmp11, $4  }
0x49b: {  	[tilespmem:s2+$0xFFFFFDD0] =	vst.add.f32.msk $0xffff, v17  }
0x49c: {  	s4 =	sadd.s32 $0x4, s0;
	[tilespmem:s2+$0xFFFFFDA0] =	vst.add.f32.msk $0xffff, v17  }
0x49d: {  	v18 =	vmov s4;
	[tilespmem:s2+$0xFFFFFDB0] =	vst.add.f32.msk $0xffff, v17  }
0x49e: {  	v18 =	vshrl.u32 v18, $0x3;
	[tilespmem:s2+$0xFFFFFD90] =	vst.add.f32.msk $0xffff, v17  }
0x49f: {  	v9 =	vshll.u32 v18, v8  }
0x4a0: {  	v9 =	vbroadcast v9, $0x0;
	_ =	sdelay $0x1  }
0x4a1: {  	v9 =	vadd.s32 v16, v9;
	_ =	sdelay $0x3  }
0x4a2: {  	[tilespmem:s30+$0xFFFFFE00] =	vst.add.f32.msk $0xffff, v17  }
0x4a3: {  	v9 =	vld.idx.msk [tilespmem:v9+s12+$0x0], $0xffff;
	_ =	sdelay $0x1  }
0x4a4: {  	s1 =	sadd.s32 $0x5, s0  }
0x4a5: {  	v10 =	vmov s1  }
0x4a6: {  	v10 =	vshrl.u32 v10, $0x3  }
0x4a7: {  	v10 =	vshll.u32 v10, v8;
	[tilespmem:s30+$0xFFFFFE80] =	vst.add.f32.msk $0xffff, v9  }
0x4a8: {  	v10 =	vbroadcast v10, $0x0;
	[tilespmem:s30+$0xFFFFFE70] =	vst.add.f32.msk $0xffff, v9  }
0x4a9: {  	[tilespmem:s30+$0xFFFFFE60] =	vst.add.f32.msk $0xffff, v9  }
0x4aa: {  	v10 =	vadd.s32 v15, v10;
	[tilespmem:s30+$0xFFFFFE50] =	vst.add.f32.msk $0xffff, v9  }
0x4ab: {  	[tilespmem:s30+$0xFFFFFE40] =	vst.add.f32.msk $0xffff, v9  }
0x4ac: {  	[tilespmem:s30+$0xFFFFFE30] =	vst.add.f32.msk $0xffff, v9  }
0x4ad: {  	[tilespmem:s30+$0xFFFFFE10] =	vst.add.f32.msk $0xffff, v9  }
0x4ae: {  	[tilespmem:s30+$0xFFFFFE20] =	vst.add.f32.msk $0xffff, v9  }
0x4af: {  	v9 =	vld.idx.msk [tilespmem:v10+s12+$0x0], $0xffff;
	_ =	sdelay $0x1  }
0x4b0: {  	s14 =	sadd.s32 $0x6, s0  }
0x4b1: {  	v10 =	vmov s14  }
0x4b2: {  	v10 =	vshrl.u32 v10, $0x3  }
0x4b3: {  	v10 =	vshll.u32 v10, v8;
	[tilespmem:s30+$0xFFFFFF00] =	vst.add.f32.msk $0xffff, v9  }
0x4b4: {  	v10 =	vbroadcast v10, $0x0;
	[tilespmem:s30+$0xFFFFFEA0] =	vst.add.f32.msk $0xffff, v9  }
0x4b5: {  	[tilespmem:s30+$0xFFFFFEE0] =	vst.add.f32.msk $0xffff, v9  }
0x4b6: {  	[tilespmem:s30+$0xFFFFFED0] =	vst.add.f32.msk $0xffff, v9;
	v10 =	vadd.s32 v13, v10  }
0x4b7: {  	[tilespmem:s30+$0xFFFFFEF0] =	vst.add.f32.msk $0xffff, v9  }
0x4b8: {  	[tilespmem:s30+$0xFFFFFE90] =	vst.add.f32.msk $0xffff, v9  }
0x4b9: {  	[tilespmem:s30+$0xFFFFFEC0] =	vst.add.f32.msk $0xffff, v9  }
0x4ba: {  	[tilespmem:s30+$0xFFFFFEB0] =	vst.add.f32.msk $0xffff, v9  }
0x4bb: {  	v9 =	vld.idx.msk [tilespmem:v10+s12+$0x0], $0xffff;
	_ =	sdelay $0x1  }
0x4bc: {  	s18 =	sadd.s32 $0x7, s0  }
0x4bd: {  	v10 =	vmov s18  }
0x4be: {  	v10 =	vshrl.u32 v10, $0x3  }
0x4bf: {  	v10 =	vshll.u32 v10, v8;
	[tilespmem:s30+$0xFFFFFF80] =	vst.add.f32.msk $0xffff, v9  }
0x4c0: {  	v10 =	vbroadcast v10, $0x0;
	[tilespmem:s30+$0xFFFFFF70] =	vst.add.f32.msk $0xffff, v9  }
0x4c1: {  	[tilespmem:s30+$0xFFFFFF20] =	vst.add.f32.msk $0xffff, v9  }
0x4c2: {  	[tilespmem:s30+$0xFFFFFF60] =	vst.add.f32.msk $0xffff, v9;
	v10 =	vadd.s32 v11, v10  }
0x4c3: {  	[tilespmem:s30+$0xFFFFFF50] =	vst.add.f32.msk $0xffff, v9  }
0x4c4: {  	[tilespmem:s30+$0xFFFFFF10] =	vst.add.f32.msk $0xffff, v9  }
0x4c5: {  	[tilespmem:s30+$0xFFFFFF30] =	vst.add.f32.msk $0xffff, v9  }
0x4c6: {  	[tilespmem:s30+$0xFFFFFF40] =	vst.add.f32.msk $0xffff, v9  }
0x4c7: {  	v9 =	vld.idx.msk [tilespmem:v10+s12+$0x0], $0xffff;
	_ =	sdelay $0x4  }
0x4c8: {  	[tilespmem:s30+$0xFFFFFF90] =	vst.add.f32.msk $0xffff, v9  }
0x4c9: {  	[tilespmem:s30+$0xFFFFFFA0] =	vst.add.f32.msk $0xffff, v9  }
0x4ca: {  	[tilespmem:s30+$0xFFFFFFB0] =	vst.add.f32.msk $0xffff, v9  }
0x4cb: {  	[tilespmem:s30+$0x0] =	vst.add.f32.msk $0xffff, v9  }
0x4cc: {  	s31 =	sshll.u32 s29, $0x12;
	[tilespmem:s30+$0xFFFFFFD0] =	vst.add.f32.msk $0xffff, v9  }
0x4cd: {  	s0 =	sor.u32 s5, s31;
	[tilespmem:s30+$0xFFFFFFE0] =	vst.add.f32.msk $0xffff, v9  }
0x4ce: {  	s0 =	sshrl.u32 s0, $0x3;
	[tilespmem:s30+$0xFFFFFFF0] =	vst.add.f32.msk $0xffff, v9  }
0x4cf: {  	p0 =	sgt.u32 s26, $0x40;
	s0 =	sadd.s32 s3, s0;
	[tilespmem:s30+$0xFFFFFFC0] =	vst.add.f32.msk $0xffff, v9  }
0x4d0: {  	[hbm4b:s0+s9] =	stream.strided.scatter [tilespmem:s24], [sflag:$0x2], $0x2000, s10, s9, $0x38;
	[tilespmem:$0x1C580] =	vst v63  }
0x4d1: {  	v9 =	vld @!p0 [tilespmem:s28+$0x280];
	_ =	sdelay $0x4  }
0x4d2: {  	v9 =	vshrl.u32 @!p0 v9, $0x1  }
0x4d3: {  	[tilespmem:$0xA500] =	vst @!p0 v9  }
0x4d4: {  	v9 =	vld @!p0 [tilespmem:s28+$0x290];
	_ =	sdelay $0x4  }
0x4d5: {  	v9 =	vshrl.u32 @!p0 v9, $0x1  }
0x4d6: {  	[tilespmem:$0xA510] =	vst @!p0 v9  }
0x4d7: {  	v9 =	vld @!p0 [tilespmem:s28+$0x2A0];
	_ =	sdelay $0x4  }
0x4d8: {  	v9 =	vshrl.u32 @!p0 v9, $0x1  }
0x4d9: {  	[tilespmem:$0xA520] =	vst @!p0 v9  }
0x4da: {  	v9 =	vld @!p0 [tilespmem:s28+$0x2B0];
	_ =	sdelay $0x4  }
0x4db: {  	v9 =	vshrl.u32 @!p0 v9, $0x1  }
0x4dc: {  	[tilespmem:$0xA530] =	vst @!p0 v9  }
0x4dd: {  	v9 =	vld @!p0 [tilespmem:s28+$0x2C0];
	_ =	sdelay $0x4  }
0x4de: {  	v9 =	vshrl.u32 @!p0 v9, $0x1  }
0x4df: {  	[tilespmem:$0xA540] =	vst @!p0 v9  }
0x4e0: {  	v9 =	vld @!p0 [tilespmem:s28+$0x2D0];
	_ =	sdelay $0x4  }
0x4e1: {  	v9 =	vshrl.u32 @!p0 v9, $0x1  }
0x4e2: {  	[tilespmem:$0xA550] =	vst @!p0 v9  }
0x4e3: {  	v9 =	vld @!p0 [tilespmem:s28+$0x2E0];
	_ =	sdelay $0x4  }
0x4e4: {  	v9 =	vshrl.u32 @!p0 v9, $0x1  }
0x4e5: {  	[tilespmem:$0xA560] =	vst @!p0 v9  }
0x4e6: {  	v9 =	vld @!p0 [tilespmem:s28+$0x2F0];
	_ =	sdelay $0x4  }
0x4e7: {  	s26 =	sadd.s32 $0x1, s26;
	v9 =	vshrl.u32 @!p0 v9, $0x1  }
0x4e8: {  	s1 =	simm.s32 @!p0 $0xA500;
	s2 =	simm.s32 @!p0 $0x12580;
	s0 =	simm.s32 @!p0 $0x80;
	[tilespmem:$0xA570] =	vst @!p0 v9  }
0x4e9: {  	[tilespmem:s2], [sflag:$0x1] =	stream.indirect.gather @!p0 [hbm4b:s6+s0], $0x80, s1, s0, $0xb8;
	[tilespmem:$0x1C580] =	vst v63  }
0x4ea: {  	p0 =	sne.s32 s26, $0x43  }
.Ltmp12:
0x4eb: {  	_ = 	snop;
	(pc) =	sbr.rel @p0 .LBB2_2-.Ltmp12, $4  }
.Ltmp13:
0x4ec: {  	_ = 	snop;
	(pc) =	sbr.rel @!p0 .LBB2_22-.Ltmp13, $4  }
0x4ed: {  	_ = 	snop  }
0x4ee: {  	_ = 	snop  }
0x4ef: {  	_ = 	snop  }
0x4f0: {  	_ = 	snop  }
.LBB2_23:
0x4f1: {  	_ =	sfence.sel $0x180000  }
0x4f2: {  	[bflag:$0x0] =	sbarrier.arrive $0xFFFF  }
0x4f3: {  	_ =	strace $0x9000004A  }
0x4f4: {  	s0 =	stileid.u32;
	[bflag:$0x2] =	sbarrier.arrive $0xFFFF  }
0x4f5: {  	p0 =	sne.s32 s0, $0x0;
	s0 =	rddreg [dreg:$0x4]  }
0x4f6: {  	s0 =	sadd.s32 @!p0 $0x100000, s0  }
0x4f7: {  	[sflag:s0] =	ssyncadd.tile.s32 @!p0 $0x1;
	_ =	shalt  }
.Lfunc_end2:
_tile_overlayer_lowered:
.L_overlay_start_2:
0x4f8: {  	(tag) =	ssettag $0x2  }
0x4f9: {  	s0 =	rddreg [dreg:$0x0];
	s2 =	stileid.u32  }
0x4fa: {  	s1 =	rddreg [dreg:$0x1];
	p0 =	sne.s32 s2, $0x0  }
0x4fb: {  	s3 =	rddreg [dreg:$0x2];
	[bflag:$0x3] =	sbarrier.arrive $0xFFFF;
	s2 =	simm.s32 @!p0 $0x1C03  }
0x4fc: {  	[timem:s3], [sflag:s2] =	dma.local @!p0 [hbm:s0], s1  }
0x4fd: {  	s0 =	simm.s32 @!p0 $0x3  }
0x4fe: {  	_ =	swait.ge @!p0 [sflag:s0], s1  }
0x4ff: {  	s1 =	ssub.s32 @!p0 $0x0, s1;
	[sflag:s0] =	ssyncset.done @!p0 $0x0  }
0x500: {  	[sflag:s0] =	ssyncadd.s32 @!p0 s1  }
0x501: {  	[bflag:$0x3] =	sbarrier.arrive $0xFFFF  }
0x502: {  	_ =	shalt  }

</sc_bundles>
